<compile_context>
chip_gen: v7x
topology: tpu7x:2x2x1
jax: 0.10.2.dev20260603
libtpu: 0.0.44.dev20260713+nightly
codegen_flags: <defaults>
</compile_context>

<pallas_src>
import functools

import jax
import jax.numpy as jnp
import numpy as np
from jax import lax
from jax.experimental import pallas as pl
from jax.experimental.pallas import tpu as pltpu
from jax.experimental.pallas import tpu_sc as plsc

B = 16384
D = 64
NC = 2
NS = 16
NW = NC * NS
BPW = B // NW
CHUNK = 128
NGRP = CHUNK // 16
NCHUNK = BPW // CHUNK

_EPS = np.float32(1e-12)


def _inv_norm(s):
    sc = jnp.maximum(s, np.float32(1e-30))
    i = lax.bitcast_convert_type(sc, jnp.int32)
    i = np.int32(0x5F3759DF) - lax.shift_right_logical(i, 1)
    y = lax.bitcast_convert_type(i, jnp.float32)
    half = np.float32(0.5) * sc
    for _ in range(3):
        y = y * (np.float32(1.5) - half * y * y)
    norm = sc * y
    return np.float32(1.0) / jnp.maximum(norm, _EPS)


@functools.partial(
    pl.kernel,
    out_type=jax.ShapeDtypeStruct((B,), jnp.float32),
    mesh=plsc.VectorSubcoreMesh(core_axis_name="c", subcore_axis_name="s"),
    compiler_params=pltpu.CompilerParams(
        use_tc_tiling_on_sc=False, needs_layout_passes=False
    ),
    scratch_types=[
        pltpu.VMEM((BPW,), jnp.int32),
        pltpu.VMEM((BPW,), jnp.int32),
        pltpu.VMEM((BPW,), jnp.int32),
        pltpu.SMEM((BPW,), jnp.int32),
        pltpu.VMEM_SHARED((NS, BPW), jnp.int32),
        pltpu.VMEM_SHARED((NS, 2 * CHUNK, D), jnp.float32),
        pltpu.VMEM((CHUNK, D), jnp.float32),
        pltpu.VMEM((CHUNK, D), jnp.float32),
        pltpu.VMEM((CHUNK, D), jnp.float32),
        pltpu.VMEM((CHUNK, D), jnp.float32),
        pltpu.VMEM((CHUNK, D), jnp.float32),
        pltpu.VMEM((CHUNK, D), jnp.float32),
        pltpu.VMEM((CHUNK, D), jnp.float32),
        pltpu.VMEM((CHUNK, D), jnp.float32),
        pltpu.VMEM((16 * D,), jnp.float32),
        pltpu.VMEM((BPW,), jnp.float32),
        pltpu.SemaphoreType.DMA,
        pltpu.SemaphoreType.DMA,
    ],
)
def _transh_sc(h_idx_hbm, r_idx_hbm, t_idx_hbm, ent_hbm, rel_hbm, nv_hbm,
               out_hbm, idx_h, idx_r, idx_t, idx_rs, idx_rel, rn_sh, hb0,
               tb0, rb0, nb0, hb1, tb1, rb1, nb1, nscr, outb, sem_a, sem_b):
    wid = lax.axis_index("s") * NC + lax.axis_index("c")
    sid = lax.axis_index("s")
    base = wid * BPW
    pltpu.sync_copy(h_idx_hbm.at[pl.ds(base, BPW)], idx_h)
    pltpu.sync_copy(r_idx_hbm.at[pl.ds(base, BPW)], idx_r)
    pltpu.sync_copy(t_idx_hbm.at[pl.ds(base, BPW)], idx_t)
    pltpu.sync_copy(idx_r, idx_rel.at[sid])
    pltpu.sync_copy(idx_rel.at[sid], idx_rs)

    zeros = jnp.zeros((16,), jnp.float32)
    lane = lax.iota(jnp.int32, 16)

    def issue_ht(cb, bufs, sem):
        hb, tb, _rb, _nb = bufs
        for gi in range(NGRP):
            off = cb + gi * 16
            dst = pl.ds(gi * 16, 16)
            iv_h = idx_h[pl.ds(off, 16)]
            iv_t = idx_t[pl.ds(off, 16)]
            pltpu.async_copy(ent_hbm.at[iv_h], hb.at[dst], sem)
            pltpu.async_copy(ent_hbm.at[iv_t], tb.at[dst], sem)

    def drain_ht(bufs, sem):
        hb, tb, _rb, _nb = bufs
        src = ent_hbm.at[pl.ds(0, 16)]
        for gi in range(NGRP):
            dst = pl.ds(gi * 16, 16)
            pltpu.make_async_copy(src, hb.at[dst], sem).wait()
            pltpu.make_async_copy(src, tb.at[dst], sem).wait()

    def make_compute(bufs):
        hb, tb, rb, nb = bufs

        def group_body(g, cb):
            rows = g * 16 + lane

            s_n = zeros
            for d in range(D):
                col = jnp.full((16,), d, jnp.int32)
                v = plsc.load_gather(nb, [rows, col])
                s_n = s_n + v * v
            inv_n = _inv_norm(s_n)

            hn = zeros
            tn = zeros
            sh = zeros
            st = zeros
            sr = zeros
            for d in range(D):
                col = jnp.full((16,), d, jnp.int32)
                nd = plsc.load_gather(nb, [rows, col]) * inv_n
                nscr[pl.ds(d * 16, 16)] = nd
                hd = plsc.load_gather(hb, [rows, col])
                td = plsc.load_gather(tb, [rows, col])
                rd = plsc.load_gather(rb, [rows, col])
                hn = hn + hd * nd
                tn = tn + td * nd
                sh = sh + hd * hd
                st = st + td * td
                sr = sr + rd * rd
            shp = jnp.maximum(sh - hn * hn, np.float32(0.0))
            stp = jnp.maximum(st - tn * tn, np.float32(0.0))
            ih = _inv_norm(shp)
            it = _inv_norm(stp)
            ir = _inv_norm(sr)

            sc = zeros
            for d in range(D):
                col = jnp.full((16,), d, jnp.int32)
                nd = nscr[pl.ds(d * 16, 16)]
                hd = plsc.load_gather(hb, [rows, col])
                td = plsc.load_gather(tb, [rows, col])
                rd = plsc.load_gather(rb, [rows, col])
                hh = (hd - hn * nd) * ih
                tt = (td - tn * nd) * it
                rr = rd * ir
                sc = sc + jnp.abs(hh + rr - tt)
            outb[pl.ds(cb + g * 16, 16)] = sc
            return cb

        def compute(cb):
            lax.fori_loop(0, NGRP, group_body, cb)

        return compute

    bufs0 = (hb0, tb0, rb0, nb0)
    compute0 = make_compute(bufs0)

    def chunk_body(c, _):
        cb = pl.multiple_of(c * CHUNK, CHUNK)

        def dma_issue(r, _):
            for u in range(4):
                rr = r * 4 + u
                pltpu.async_copy(rel_hbm.at[idx_rs[cb + rr]],
                                 rn_sh.at[sid, rr], sem_b)
                pltpu.async_copy(nv_hbm.at[idx_rs[cb + rr]],
                                 rn_sh.at[sid, CHUNK + rr], sem_b)
            return 0

        lax.fori_loop(0, CHUNK // 4, dma_issue, 0)

        issue_ht(cb, bufs0, sem_a)
        drain_ht(bufs0, sem_a)

        def dma_drain(r, _):
            for _u in range(8):
                pltpu.make_async_copy(ent_hbm.at[0], rn_sh.at[0, 0],
                                      sem_b).wait()
            return 0

        lax.fori_loop(0, CHUNK // 4, dma_drain, 0)
        pltpu.sync_copy(rn_sh.at[sid, pl.ds(0, CHUNK)], rb0)
        pltpu.sync_copy(rn_sh.at[sid, pl.ds(CHUNK, CHUNK)], nb0)
        compute0(cb)
        return 0

    lax.fori_loop(0, NCHUNK, chunk_body, 0)
    pltpu.sync_copy(outb, out_hbm.at[pl.ds(base, BPW)])


def kernel(triplet_idx, entity_emb, relation_emb, norm_vec):
    h_idx = triplet_idx[:, 0]
    r_idx = triplet_idx[:, 1]
    t_idx = triplet_idx[:, 2]
    return _transh_sc(h_idx, r_idx, t_idx, entity_emb, relation_emb,
                      norm_vec)

# --- scband reference (transcript-rebuilt; emitter-appended) ---
"""Pipeline reference for scband-trans-h-13322988552244 (READ-ONLY COPY).

The authoritative reference and input builder live on the scoring server;
editing this copy changes nothing except your own understanding.
"""

import jax, jax.numpy as jnp
import numpy as np

ENT = 1000000
REL = 1000000
B = 16384
D = 64
EPS = 1e-12


def _l2_normalize(x):
    n = jnp.sqrt(jnp.sum(x * x, axis=-1, keepdims=True))
    return x / jnp.maximum(n, EPS)


def setup_inputs(seed: int = 0) -> dict:
    key = jax.random.key(seed)
    k1, k2, k3, k4 = jax.random.split(key, 4)
    triplet_idx = jax.random.randint(k1, (B, 3), 0, ENT, dtype=jnp.int32)
    b_e = float(np.sqrt(6.0 / (ENT + D)))
    b_r = float(np.sqrt(6.0 / (REL + D)))
    entity_emb = jax.random.uniform(k2, (ENT, D), jnp.float32, -b_e, b_e)
    relation_emb = jax.random.uniform(k3, (REL, D), jnp.float32, -b_r, b_r)
    norm_vec = jax.random.uniform(k4, (REL, D), jnp.float32, -b_r, b_r)
    return {
        "triplet_idx": triplet_idx,
        "entity_emb": entity_emb,
        "relation_emb": relation_emb,
        "norm_vec": norm_vec,
    }


def reference(triplet_idx, entity_emb, relation_emb, norm_vec):
    # _forward: embedding gathers
    h = jnp.take(entity_emb, triplet_idx[:, 0], axis=0)
    r = jnp.take(relation_emb, triplet_idx[:, 1], axis=0)
    t = jnp.take(entity_emb, triplet_idx[:, 2], axis=0)
    r_norm = jnp.take(norm_vec, triplet_idx[:, 1], axis=0)
    # _transfer: project onto hyperplane
    n = _l2_normalize(r_norm)
    h = h - jnp.sum(h * n, axis=-1, keepdims=True) * n
    t = t - jnp.sum(t * n, axis=-1, keepdims=True) * n
    # get_score
    h = _l2_normalize(h)
    r = _l2_normalize(r)
    t = _l2_normalize(t)
    # mode != 'normal' -> reshape to [-1, B, D]
    h = h.reshape(-1, r.shape[0], h.shape[-1])
    t = t.reshape(-1, r.shape[0], t.shape[-1])
    r3 = r.reshape(-1, r.shape[0], r.shape[-1])
    # mode == 'head_batch'
    score = h + (r3 - t)
    # p_norm = 1
    score = jnp.sum(jnp.abs(score), axis=-1).reshape(-1)
    return score

if __name__ == "__main__":
    import jax
    _d = setup_inputs()
    print(jax.jit(kernel)(*tuple(_d.values())))

</pallas_src>

<mosaic_0001>
#map = affine_map<(d0, d1) -> (0)>
#map1 = affine_map<(d0, d1) -> (0, 0)>
module attributes {stable_mosaic.version = 14 : i64} {
  func.func @_transh_sc(%arg0: i32, %arg1: i32, %arg2: memref<16384xi32, #tpu.memory_space<hbm>>, %arg3: memref<16384xi32, #tpu.memory_space<hbm>>, %arg4: memref<16384xi32, #tpu.memory_space<hbm>>, %arg5: memref<1000000x64xf32, #tpu.memory_space<hbm>>, %arg6: memref<1000000x64xf32, #tpu.memory_space<hbm>>, %arg7: memref<1000000x64xf32, #tpu.memory_space<hbm>>, %arg8: memref<16384xf32, #tpu.memory_space<hbm>>, %arg9: memref<512xi32, #tpu.memory_space<vmem>>, %arg10: memref<512xi32, #tpu.memory_space<vmem>>, %arg11: memref<512xi32, #tpu.memory_space<vmem>>, %arg12: memref<512xi32, #tpu.memory_space<smem>>, %arg13: memref<16x512xi32, #tpu.memory_space<vmem_shared>>, %arg14: memref<16x256x64xf32, #tpu.memory_space<vmem_shared>>, %arg15: memref<128x64xf32, #tpu.memory_space<vmem>>, %arg16: memref<128x64xf32, #tpu.memory_space<vmem>>, %arg17: memref<128x64xf32, #tpu.memory_space<vmem>>, %arg18: memref<128x64xf32, #tpu.memory_space<vmem>>, %arg19: memref<128x64xf32, #tpu.memory_space<vmem>>, %arg20: memref<128x64xf32, #tpu.memory_space<vmem>>, %arg21: memref<128x64xf32, #tpu.memory_space<vmem>>, %arg22: memref<128x64xf32, #tpu.memory_space<vmem>>, %arg23: memref<1024xf32, #tpu.memory_space<vmem>>, %arg24: memref<512xf32, #tpu.memory_space<vmem>>, %arg25: memref<!tpu.dma_semaphore, #tpu.memory_space<semaphore_mem>>, %arg26: memref<!tpu.dma_semaphore, #tpu.memory_space<semaphore_mem>>) attributes {dimension_semantics = [#tpu.dimension_semantics<core_parallel>, #tpu.dimension_semantics<subcore_parallel>], iteration_bounds = array<i64: 2, 16>, scalar_prefetch = 0 : i64, scratch_operands = 18 : i64, tpu.core_type = #tpu.core_type<sc_vector_subcore>, window_params = [{transform_indices = #map}, {transform_indices = #map}, {transform_indices = #map}, {transform_indices = #map1}, {transform_indices = #map1}, {transform_indices = #map1}, {transform_indices = #map}]} {
    %mul3A = arith.constant 2 : i32
    %mul3A_0 = arith.muli %arg1, %mul3A : i32
    %add3A = arith.addi %mul3A_0, %arg0 : i32
    %mul3A_1 = arith.constant 512 : i32
    %mul3A_2 = arith.muli %add3A, %mul3A_1 : i32
    "tpu.region"() ({
      %run_scoped3A = tpu.sem_alloc : memref<!tpu.dma_semaphore, #tpu.memory_space<semaphore_mem>>
      %dma_start3A = tpu.memref_slice %arg2[%mul3A_2] : memref<16384xi32, #tpu.memory_space<hbm>> -> memref<512xi32, #tpu.memory_space<hbm>>
      %dma_start3A_10 = tpu.memref_slice %arg2[%mul3A_2] : memref<16384xi32, #tpu.memory_space<hbm>> -> memref<512xi32, #tpu.memory_space<hbm>>
      tpu.enqueue_dma source(%dma_start3A_10 : memref<512xi32, #tpu.memory_space<hbm>>) target(%arg9 : memref<512xi32, #tpu.memory_space<vmem>>) target_semaphore(%run_scoped3A : memref<!tpu.dma_semaphore, #tpu.memory_space<semaphore_mem>>)
      %dma_wait3A = tpu.memref_slice %arg2[%mul3A_2] : memref<16384xi32, #tpu.memory_space<hbm>> -> memref<512xi32, #tpu.memory_space<hbm>>
      %dma_wait3A_11 = tpu.memref_slice %arg2[%mul3A_2] : memref<16384xi32, #tpu.memory_space<hbm>> -> memref<512xi32, #tpu.memory_space<hbm>>
      tpu.wait_dma2 semaphore(%run_scoped3A : memref<!tpu.dma_semaphore, #tpu.memory_space<semaphore_mem>>) src(%dma_wait3A_11 : memref<512xi32, #tpu.memory_space<hbm>>) dst(%arg9 : memref<512xi32, #tpu.memory_space<vmem>>)
      tpu.yield
    }) : () -> ()
    "tpu.region"() ({
      %run_scoped3A = tpu.sem_alloc : memref<!tpu.dma_semaphore, #tpu.memory_space<semaphore_mem>>
      %dma_start3A = tpu.memref_slice %arg3[%mul3A_2] : memref<16384xi32, #tpu.memory_space<hbm>> -> memref<512xi32, #tpu.memory_space<hbm>>
      %dma_start3A_10 = tpu.memref_slice %arg3[%mul3A_2] : memref<16384xi32, #tpu.memory_space<hbm>> -> memref<512xi32, #tpu.memory_space<hbm>>
      tpu.enqueue_dma source(%dma_start3A_10 : memref<512xi32, #tpu.memory_space<hbm>>) target(%arg10 : memref<512xi32, #tpu.memory_space<vmem>>) target_semaphore(%run_scoped3A : memref<!tpu.dma_semaphore, #tpu.memory_space<semaphore_mem>>)
      %dma_wait3A = tpu.memref_slice %arg3[%mul3A_2] : memref<16384xi32, #tpu.memory_space<hbm>> -> memref<512xi32, #tpu.memory_space<hbm>>
      %dma_wait3A_11 = tpu.memref_slice %arg3[%mul3A_2] : memref<16384xi32, #tpu.memory_space<hbm>> -> memref<512xi32, #tpu.memory_space<hbm>>
      tpu.wait_dma2 semaphore(%run_scoped3A : memref<!tpu.dma_semaphore, #tpu.memory_space<semaphore_mem>>) src(%dma_wait3A_11 : memref<512xi32, #tpu.memory_space<hbm>>) dst(%arg10 : memref<512xi32, #tpu.memory_space<vmem>>)
      tpu.yield
    }) : () -> ()
    "tpu.region"() ({
      %run_scoped3A = tpu.sem_alloc : memref<!tpu.dma_semaphore, #tpu.memory_space<semaphore_mem>>
      %dma_start3A = tpu.memref_slice %arg4[%mul3A_2] : memref<16384xi32, #tpu.memory_space<hbm>> -> memref<512xi32, #tpu.memory_space<hbm>>
      %dma_start3A_10 = tpu.memref_slice %arg4[%mul3A_2] : memref<16384xi32, #tpu.memory_space<hbm>> -> memref<512xi32, #tpu.memory_space<hbm>>
      tpu.enqueue_dma source(%dma_start3A_10 : memref<512xi32, #tpu.memory_space<hbm>>) target(%arg11 : memref<512xi32, #tpu.memory_space<vmem>>) target_semaphore(%run_scoped3A : memref<!tpu.dma_semaphore, #tpu.memory_space<semaphore_mem>>)
      %dma_wait3A = tpu.memref_slice %arg4[%mul3A_2] : memref<16384xi32, #tpu.memory_space<hbm>> -> memref<512xi32, #tpu.memory_space<hbm>>
      %dma_wait3A_11 = tpu.memref_slice %arg4[%mul3A_2] : memref<16384xi32, #tpu.memory_space<hbm>> -> memref<512xi32, #tpu.memory_space<hbm>>
      tpu.wait_dma2 semaphore(%run_scoped3A : memref<!tpu.dma_semaphore, #tpu.memory_space<semaphore_mem>>) src(%dma_wait3A_11 : memref<512xi32, #tpu.memory_space<hbm>>) dst(%arg11 : memref<512xi32, #tpu.memory_space<vmem>>)
      tpu.yield
    }) : () -> ()
    "tpu.region"() ({
      %run_scoped3A = tpu.sem_alloc : memref<!tpu.dma_semaphore, #tpu.memory_space<semaphore_mem>>
      %dma_start3A = arith.constant 0 : i32
      %dma_start3A_10 = tpu.memref_slice %arg13[%arg1, %dma_start3A] : memref<16x512xi32, #tpu.memory_space<vmem_shared>> -> memref<1x512xi32, #tpu.memory_space<vmem_shared>>
      %dma_start3A_11 = tpu.memref_squeeze %dma_start3A_10 : memref<1x512xi32, #tpu.memory_space<vmem_shared>> -> memref<512xi32, #tpu.memory_space<vmem_shared>>
      %dma_start3A_12 = arith.constant 0 : i32
      %dma_start3A_13 = tpu.memref_slice %arg13[%arg1, %dma_start3A_12] : memref<16x512xi32, #tpu.memory_space<vmem_shared>> -> memref<1x512xi32, #tpu.memory_space<vmem_shared>>
      %dma_start3A_14 = tpu.memref_squeeze %dma_start3A_13 : memref<1x512xi32, #tpu.memory_space<vmem_shared>> -> memref<512xi32, #tpu.memory_space<vmem_shared>>
      tpu.enqueue_dma source(%arg10 : memref<512xi32, #tpu.memory_space<vmem>>) target(%dma_start3A_14 : memref<512xi32, #tpu.memory_space<vmem_shared>>) target_semaphore(%run_scoped3A : memref<!tpu.dma_semaphore, #tpu.memory_space<semaphore_mem>>)
      %dma_wait3A = arith.constant 0 : i32
      %dma_wait3A_15 = tpu.memref_slice %arg13[%arg1, %dma_wait3A] : memref<16x512xi32, #tpu.memory_space<vmem_shared>> -> memref<1x512xi32, #tpu.memory_space<vmem_shared>>
      %dma_wait3A_16 = tpu.memref_squeeze %dma_wait3A_15 : memref<1x512xi32, #tpu.memory_space<vmem_shared>> -> memref<512xi32, #tpu.memory_space<vmem_shared>>
      %dma_wait3A_17 = arith.constant 0 : i32
      %dma_wait3A_18 = tpu.memref_slice %arg13[%arg1, %dma_wait3A_17] : memref<16x512xi32, #tpu.memory_space<vmem_shared>> -> memref<1x512xi32, #tpu.memory_space<vmem_shared>>
      %dma_wait3A_19 = tpu.memref_squeeze %dma_wait3A_18 : memref<1x512xi32, #tpu.memory_space<vmem_shared>> -> memref<512xi32, #tpu.memory_space<vmem_shared>>
      tpu.wait_dma2 semaphore(%run_scoped3A : memref<!tpu.dma_semaphore, #tpu.memory_space<semaphore_mem>>) src(%arg10 : memref<512xi32, #tpu.memory_space<vmem>>) dst(%dma_wait3A_19 : memref<512xi32, #tpu.memory_space<vmem_shared>>)
      tpu.yield
    }) : () -> ()
    "tpu.region"() ({
      %run_scoped3A = tpu.sem_alloc : memref<!tpu.dma_semaphore, #tpu.memory_space<semaphore_mem>>
      %dma_start3A = arith.constant 0 : i32
      %dma_start3A_10 = tpu.memref_slice %arg13[%arg1, %dma_start3A] : memref<16x512xi32, #tpu.memory_space<vmem_shared>> -> memref<1x512xi32, #tpu.memory_space<vmem_shared>>
      %dma_start3A_11 = tpu.memref_squeeze %dma_start3A_10 : memref<1x512xi32, #tpu.memory_space<vmem_shared>> -> memref<512xi32, #tpu.memory_space<vmem_shared>>
      tpu.enqueue_dma source(%dma_start3A_11 : memref<512xi32, #tpu.memory_space<vmem_shared>>) target(%arg12 : memref<512xi32, #tpu.memory_space<smem>>) target_semaphore(%run_scoped3A : memref<!tpu.dma_semaphore, #tpu.memory_space<semaphore_mem>>)
      %dma_wait3A = arith.constant 0 : i32
      %dma_wait3A_12 = tpu.memref_slice %arg13[%arg1, %dma_wait3A] : memref<16x512xi32, #tpu.memory_space<vmem_shared>> -> memref<1x512xi32, #tpu.memory_space<vmem_shared>>
      %dma_wait3A_13 = tpu.memref_squeeze %dma_wait3A_12 : memref<1x512xi32, #tpu.memory_space<vmem_shared>> -> memref<512xi32, #tpu.memory_space<vmem_shared>>
      tpu.wait_dma2 semaphore(%run_scoped3A : memref<!tpu.dma_semaphore, #tpu.memory_space<semaphore_mem>>) src(%dma_wait3A_13 : memref<512xi32, #tpu.memory_space<vmem_shared>>) dst(%arg12 : memref<512xi32, #tpu.memory_space<smem>>)
      tpu.yield
    }) : () -> ()
    %broadcast_in_dim3A = arith.constant 0.000000e+00 : f32
    %broadcast_in_dim3A_3 = vector.broadcast %broadcast_in_dim3A : f32 to vector<16xf32>
    %iota3A = tpu.iota {dimensions = array<i32: 0>} : vector<16xi32>
    %scan3A = arith.constant 0 : i32
    %scan3A_4 = arith.constant 0 : i32
    %scan3A_5 = arith.constant 4 : i32
    %scan3A_6 = arith.addi %scan3A_4, %scan3A_5 : i32
    %scan3A_7 = arith.constant 1 : i32
    %scan3A_8 = scf.for %scan3A_10 = %scan3A_4 to %scan3A_6 step %scan3A_7 iter_args(%scan3A_11 = %scan3A) -> (i32)  : i32 {
      %mul3A_12 = arith.constant 128 : i32
      %mul3A_13 = arith.muli %scan3A_10, %mul3A_12 : i32
      %multiple_of3A = tpu.assume_multiple %mul3A_13, 128 : i32
      %scan3A_14 = arith.constant 0 : i32
      %scan3A_15 = arith.constant 0 : i32
      %scan3A_16 = arith.constant 32 : i32
      %scan3A_17 = arith.addi %scan3A_15, %scan3A_16 : i32
      %scan3A_18 = arith.constant 1 : i32
      %scan3A_19 = scf.for %scan3A_367 = %scan3A_15 to %scan3A_17 step %scan3A_18 iter_args(%scan3A_368 = %scan3A_14) -> (i32)  : i32 {
        %mul3A_369 = arith.constant 4 : i32
        %mul3A_370 = arith.muli %scan3A_367, %mul3A_369 : i32
        %add3A_371 = arith.constant 0 : i32
        %add3A_372 = arith.addi %mul3A_370, %add3A_371 : i32
        %add3A_373 = arith.addi %multiple_of3A, %add3A_372 : i32
        %get3A_374 = arith.index_cast %add3A_373 : i32 to index
        %get3A_375 = memref.load %arg12[%get3A_374] : memref<512xi32, #tpu.memory_space<smem>>
        %dma_start3A_376 = arith.constant 0 : i32
        %dma_start3A_377 = tpu.memref_slice %arg14[%arg1, %add3A_372, %dma_start3A_376] : memref<16x256x64xf32, #tpu.memory_space<vmem_shared>> -> memref<1x1x64xf32, #tpu.memory_space<vmem_shared>>
        %dma_start3A_378 = tpu.memref_squeeze %dma_start3A_377 : memref<1x1x64xf32, #tpu.memory_space<vmem_shared>> -> memref<64xf32, #tpu.memory_space<vmem_shared>>
        %dma_start3A_379 = arith.constant 0 : i32
        %dma_start3A_380 = tpu.memref_slice %arg6[%get3A_375, %dma_start3A_379] : memref<1000000x64xf32, #tpu.memory_space<hbm>> -> memref<1x64xf32, #tpu.memory_space<hbm>>
        %dma_start3A_381 = tpu.memref_squeeze %dma_start3A_380 : memref<1x64xf32, #tpu.memory_space<hbm>> -> memref<64xf32, #tpu.memory_space<hbm>>
        tpu.enqueue_dma source(%dma_start3A_381 : memref<64xf32, #tpu.memory_space<hbm>>) target(%dma_start3A_378 : memref<64xf32, #tpu.memory_space<vmem_shared>>) target_semaphore(%arg26 : memref<!tpu.dma_semaphore, #tpu.memory_space<semaphore_mem>>)
        %add3A_382 = arith.addi %multiple_of3A, %add3A_372 : i32
        %get3A_383 = arith.index_cast %add3A_382 : i32 to index
        %get3A_384 = memref.load %arg12[%get3A_383] : memref<512xi32, #tpu.memory_space<smem>>
        %add3A_385 = arith.constant 128 : i32
        %add3A_386 = arith.addi %add3A_385, %add3A_372 : i32
        %dma_start3A_387 = arith.constant 0 : i32
        %dma_start3A_388 = tpu.memref_slice %arg14[%arg1, %add3A_386, %dma_start3A_387] : memref<16x256x64xf32, #tpu.memory_space<vmem_shared>> -> memref<1x1x64xf32, #tpu.memory_space<vmem_shared>>
        %dma_start3A_389 = tpu.memref_squeeze %dma_start3A_388 : memref<1x1x64xf32, #tpu.memory_space<vmem_shared>> -> memref<64xf32, #tpu.memory_space<vmem_shared>>
        %dma_start3A_390 = arith.constant 0 : i32
        %dma_start3A_391 = tpu.memref_slice %arg7[%get3A_384, %dma_start3A_390] : memref<1000000x64xf32, #tpu.memory_space<hbm>> -> memref<1x64xf32, #tpu.memory_space<hbm>>
        %dma_start3A_392 = tpu.memref_squeeze %dma_start3A_391 : memref<1x64xf32, #tpu.memory_space<hbm>> -> memref<64xf32, #tpu.memory_space<hbm>>
        tpu.enqueue_dma source(%dma_start3A_392 : memref<64xf32, #tpu.memory_space<hbm>>) target(%dma_start3A_389 : memref<64xf32, #tpu.memory_space<vmem_shared>>) target_semaphore(%arg26 : memref<!tpu.dma_semaphore, #tpu.memory_space<semaphore_mem>>)
        %mul3A_393 = arith.constant 4 : i32
        %mul3A_394 = arith.muli %scan3A_367, %mul3A_393 : i32
        %add3A_395 = arith.constant 1 : i32
        %add3A_396 = arith.addi %mul3A_394, %add3A_395 : i32
        %add3A_397 = arith.addi %multiple_of3A, %add3A_396 : i32
        %get3A_398 = arith.index_cast %add3A_397 : i32 to index
        %get3A_399 = memref.load %arg12[%get3A_398] : memref<512xi32, #tpu.memory_space<smem>>
        %dma_start3A_400 = arith.constant 0 : i32
        %dma_start3A_401 = tpu.memref_slice %arg14[%arg1, %add3A_396, %dma_start3A_400] : memref<16x256x64xf32, #tpu.memory_space<vmem_shared>> -> memref<1x1x64xf32, #tpu.memory_space<vmem_shared>>
        %dma_start3A_402 = tpu.memref_squeeze %dma_start3A_401 : memref<1x1x64xf32, #tpu.memory_space<vmem_shared>> -> memref<64xf32, #tpu.memory_space<vmem_shared>>
        %dma_start3A_403 = arith.constant 0 : i32
        %dma_start3A_404 = tpu.memref_slice %arg6[%get3A_399, %dma_start3A_403] : memref<1000000x64xf32, #tpu.memory_space<hbm>> -> memref<1x64xf32, #tpu.memory_space<hbm>>
        %dma_start3A_405 = tpu.memref_squeeze %dma_start3A_404 : memref<1x64xf32, #tpu.memory_space<hbm>> -> memref<64xf32, #tpu.memory_space<hbm>>
        tpu.enqueue_dma source(%dma_start3A_405 : memref<64xf32, #tpu.memory_space<hbm>>) target(%dma_start3A_402 : memref<64xf32, #tpu.memory_space<vmem_shared>>) target_semaphore(%arg26 : memref<!tpu.dma_semaphore, #tpu.memory_space<semaphore_mem>>)
        %add3A_406 = arith.addi %multiple_of3A, %add3A_396 : i32
        %get3A_407 = arith.index_cast %add3A_406 : i32 to index
        %get3A_408 = memref.load %arg12[%get3A_407] : memref<512xi32, #tpu.memory_space<smem>>
        %add3A_409 = arith.constant 128 : i32
        %add3A_410 = arith.addi %add3A_409, %add3A_396 : i32
        %dma_start3A_411 = arith.constant 0 : i32
        %dma_start3A_412 = tpu.memref_slice %arg14[%arg1, %add3A_410, %dma_start3A_411] : memref<16x256x64xf32, #tpu.memory_space<vmem_shared>> -> memref<1x1x64xf32, #tpu.memory_space<vmem_shared>>
        %dma_start3A_413 = tpu.memref_squeeze %dma_start3A_412 : memref<1x1x64xf32, #tpu.memory_space<vmem_shared>> -> memref<64xf32, #tpu.memory_space<vmem_shared>>
        %dma_start3A_414 = arith.constant 0 : i32
        %dma_start3A_415 = tpu.memref_slice %arg7[%get3A_408, %dma_start3A_414] : memref<1000000x64xf32, #tpu.memory_space<hbm>> -> memref<1x64xf32, #tpu.memory_space<hbm>>
        %dma_start3A_416 = tpu.memref_squeeze %dma_start3A_415 : memref<1x64xf32, #tpu.memory_space<hbm>> -> memref<64xf32, #tpu.memory_space<hbm>>
        tpu.enqueue_dma source(%dma_start3A_416 : memref<64xf32, #tpu.memory_space<hbm>>) target(%dma_start3A_413 : memref<64xf32, #tpu.memory_space<vmem_shared>>) target_semaphore(%arg26 : memref<!tpu.dma_semaphore, #tpu.memory_space<semaphore_mem>>)
        %mul3A_417 = arith.constant 4 : i32
        %mul3A_418 = arith.muli %scan3A_367, %mul3A_417 : i32
        %add3A_419 = arith.constant 2 : i32
        %add3A_420 = arith.addi %mul3A_418, %add3A_419 : i32
        %add3A_421 = arith.addi %multiple_of3A, %add3A_420 : i32
        %get3A_422 = arith.index_cast %add3A_421 : i32 to index
        %get3A_423 = memref.load %arg12[%get3A_422] : memref<512xi32, #tpu.memory_space<smem>>
        %dma_start3A_424 = arith.constant 0 : i32
        %dma_start3A_425 = tpu.memref_slice %arg14[%arg1, %add3A_420, %dma_start3A_424] : memref<16x256x64xf32, #tpu.memory_space<vmem_shared>> -> memref<1x1x64xf32, #tpu.memory_space<vmem_shared>>
        %dma_start3A_426 = tpu.memref_squeeze %dma_start3A_425 : memref<1x1x64xf32, #tpu.memory_space<vmem_shared>> -> memref<64xf32, #tpu.memory_space<vmem_shared>>
        %dma_start3A_427 = arith.constant 0 : i32
        %dma_start3A_428 = tpu.memref_slice %arg6[%get3A_423, %dma_start3A_427] : memref<1000000x64xf32, #tpu.memory_space<hbm>> -> memref<1x64xf32, #tpu.memory_space<hbm>>
        %dma_start3A_429 = tpu.memref_squeeze %dma_start3A_428 : memref<1x64xf32, #tpu.memory_space<hbm>> -> memref<64xf32, #tpu.memory_space<hbm>>
        tpu.enqueue_dma source(%dma_start3A_429 : memref<64xf32, #tpu.memory_space<hbm>>) target(%dma_start3A_426 : memref<64xf32, #tpu.memory_space<vmem_shared>>) target_semaphore(%arg26 : memref<!tpu.dma_semaphore, #tpu.memory_space<semaphore_mem>>)
        %add3A_430 = arith.addi %multiple_of3A, %add3A_420 : i32
        %get3A_431 = arith.index_cast %add3A_430 : i32 to index
        %get3A_432 = memref.load %arg12[%get3A_431] : memref<512xi32, #tpu.memory_space<smem>>
        %add3A_433 = arith.constant 128 : i32
        %add3A_434 = arith.addi %add3A_433, %add3A_420 : i32
        %dma_start3A_435 = arith.constant 0 : i32
        %dma_start3A_436 = tpu.memref_slice %arg14[%arg1, %add3A_434, %dma_start3A_435] : memref<16x256x64xf32, #tpu.memory_space<vmem_shared>> -> memref<1x1x64xf32, #tpu.memory_space<vmem_shared>>
        %dma_start3A_437 = tpu.memref_squeeze %dma_start3A_436 : memref<1x1x64xf32, #tpu.memory_space<vmem_shared>> -> memref<64xf32, #tpu.memory_space<vmem_shared>>
        %dma_start3A_438 = arith.constant 0 : i32
        %dma_start3A_439 = tpu.memref_slice %arg7[%get3A_432, %dma_start3A_438] : memref<1000000x64xf32, #tpu.memory_space<hbm>> -> memref<1x64xf32, #tpu.memory_space<hbm>>
        %dma_start3A_440 = tpu.memref_squeeze %dma_start3A_439 : memref<1x64xf32, #tpu.memory_space<hbm>> -> memref<64xf32, #tpu.memory_space<hbm>>
        tpu.enqueue_dma source(%dma_start3A_440 : memref<64xf32, #tpu.memory_space<hbm>>) target(%dma_start3A_437 : memref<64xf32, #tpu.memory_space<vmem_shared>>) target_semaphore(%arg26 : memref<!tpu.dma_semaphore, #tpu.memory_space<semaphore_mem>>)
        %mul3A_441 = arith.constant 4 : i32
        %mul3A_442 = arith.muli %scan3A_367, %mul3A_441 : i32
        %add3A_443 = arith.constant 3 : i32
        %add3A_444 = arith.addi %mul3A_442, %add3A_443 : i32
        %add3A_445 = arith.addi %multiple_of3A, %add3A_444 : i32
        %get3A_446 = arith.index_cast %add3A_445 : i32 to index
        %get3A_447 = memref.load %arg12[%get3A_446] : memref<512xi32, #tpu.memory_space<smem>>
        %dma_start3A_448 = arith.constant 0 : i32
        %dma_start3A_449 = tpu.memref_slice %arg14[%arg1, %add3A_444, %dma_start3A_448] : memref<16x256x64xf32, #tpu.memory_space<vmem_shared>> -> memref<1x1x64xf32, #tpu.memory_space<vmem_shared>>
        %dma_start3A_450 = tpu.memref_squeeze %dma_start3A_449 : memref<1x1x64xf32, #tpu.memory_space<vmem_shared>> -> memref<64xf32, #tpu.memory_space<vmem_shared>>
        %dma_start3A_451 = arith.constant 0 : i32
        %dma_start3A_452 = tpu.memref_slice %arg6[%get3A_447, %dma_start3A_451] : memref<1000000x64xf32, #tpu.memory_space<hbm>> -> memref<1x64xf32, #tpu.memory_space<hbm>>
        %dma_start3A_453 = tpu.memref_squeeze %dma_start3A_452 : memref<1x64xf32, #tpu.memory_space<hbm>> -> memref<64xf32, #tpu.memory_space<hbm>>
        tpu.enqueue_dma source(%dma_start3A_453 : memref<64xf32, #tpu.memory_space<hbm>>) target(%dma_start3A_450 : memref<64xf32, #tpu.memory_space<vmem_shared>>) target_semaphore(%arg26 : memref<!tpu.dma_semaphore, #tpu.memory_space<semaphore_mem>>)
        %add3A_454 = arith.addi %multiple_of3A, %add3A_444 : i32
        %get3A_455 = arith.index_cast %add3A_454 : i32 to index
        %get3A_456 = memref.load %arg12[%get3A_455] : memref<512xi32, #tpu.memory_space<smem>>
        %add3A_457 = arith.constant 128 : i32
        %add3A_458 = arith.addi %add3A_457, %add3A_444 : i32
        %dma_start3A_459 = arith.constant 0 : i32
        %dma_start3A_460 = tpu.memref_slice %arg14[%arg1, %add3A_458, %dma_start3A_459] : memref<16x256x64xf32, #tpu.memory_space<vmem_shared>> -> memref<1x1x64xf32, #tpu.memory_space<vmem_shared>>
        %dma_start3A_461 = tpu.memref_squeeze %dma_start3A_460 : memref<1x1x64xf32, #tpu.memory_space<vmem_shared>> -> memref<64xf32, #tpu.memory_space<vmem_shared>>
        %dma_start3A_462 = arith.constant 0 : i32
        %dma_start3A_463 = tpu.memref_slice %arg7[%get3A_456, %dma_start3A_462] : memref<1000000x64xf32, #tpu.memory_space<hbm>> -> memref<1x64xf32, #tpu.memory_space<hbm>>
        %dma_start3A_464 = tpu.memref_squeeze %dma_start3A_463 : memref<1x64xf32, #tpu.memory_space<hbm>> -> memref<64xf32, #tpu.memory_space<hbm>>
        tpu.enqueue_dma source(%dma_start3A_464 : memref<64xf32, #tpu.memory_space<hbm>>) target(%dma_start3A_461 : memref<64xf32, #tpu.memory_space<vmem_shared>>) target_semaphore(%arg26 : memref<!tpu.dma_semaphore, #tpu.memory_space<semaphore_mem>>)
        %scan3A_465 = arith.constant 0 : i32
        scf.yield %scan3A_465 : i32
      }
      %scan3A_20 = arith.constant 32 : i32
      %add3A_21 = arith.constant 0 : i32
      %add3A_22 = arith.addi %multiple_of3A, %add3A_21 : i32
      %get3A = arith.index_cast %add3A_22 : i32 to index
      %get3A_23 = tpu.vector_load %arg9[%get3A] {strides = array<i32>} : memref<512xi32, #tpu.memory_space<vmem>>, vector<16xi32>,
      %get3A_24 = arith.index_cast %add3A_22 : i32 to index
      %get3A_25 = tpu.vector_load %arg11[%get3A_24] {strides = array<i32>} : memref<512xi32, #tpu.memory_space<vmem>>, vector<16xi32>,
      %dma_start3A = arith.constant 0 : i32
      %dma_start3A_26 = arith.constant 0 : i32
      %dma_start3A_27 = tpu.memref_slice %arg15[%dma_start3A, %dma_start3A_26] : memref<128x64xf32, #tpu.memory_space<vmem>> -> memref<16x64xf32, #tpu.memory_space<vmem>>
      %dma_start3A_28 = arith.constant 0 : i32
      %dma_start3A_29 = arith.constant 0 : i32
      %dma_start3A_30 = tpu.memref_slice %arg5[%dma_start3A_28, %dma_start3A_29] : memref<1000000x64xf32, #tpu.memory_space<hbm>> -> memref<1000000x64xf32, #tpu.memory_space<hbm>>
      tpu.enqueue_indirect_dma source(%dma_start3A_30 : memref<1000000x64xf32, #tpu.memory_space<hbm>>) target(%dma_start3A_27 : memref<16x64xf32, #tpu.memory_space<vmem>>) offsets(%get3A_23 : vector<16xi32>) semaphore(%arg25 : memref<!tpu.dma_semaphore, #tpu.memory_space<semaphore_mem>>)
      %dma_start3A_31 = arith.constant 0 : i32
      %dma_start3A_32 = arith.constant 0 : i32
      %dma_start3A_33 = tpu.memref_slice %arg16[%dma_start3A_31, %dma_start3A_32] : memref<128x64xf32, #tpu.memory_space<vmem>> -> memref<16x64xf32, #tpu.memory_space<vmem>>
      %dma_start3A_34 = arith.constant 0 : i32
      %dma_start3A_35 = arith.constant 0 : i32
      %dma_start3A_36 = tpu.memref_slice %arg5[%dma_start3A_34, %dma_start3A_35] : memref<1000000x64xf32, #tpu.memory_space<hbm>> -> memref<1000000x64xf32, #tpu.memory_space<hbm>>
      tpu.enqueue_indirect_dma source(%dma_start3A_36 : memref<1000000x64xf32, #tpu.memory_space<hbm>>) target(%dma_start3A_33 : memref<16x64xf32, #tpu.memory_space<vmem>>) offsets(%get3A_25 : vector<16xi32>) semaphore(%arg25 : memref<!tpu.dma_semaphore, #tpu.memory_space<semaphore_mem>>)
      %add3A_37 = arith.constant 16 : i32
      %add3A_38 = arith.addi %multiple_of3A, %add3A_37 : i32
      %get3A_39 = arith.index_cast %add3A_38 : i32 to index
      %get3A_40 = tpu.vector_load %arg9[%get3A_39] {strides = array<i32>} : memref<512xi32, #tpu.memory_space<vmem>>, vector<16xi32>,
      %get3A_41 = arith.index_cast %add3A_38 : i32 to index
      %get3A_42 = tpu.vector_load %arg11[%get3A_41] {strides = array<i32>} : memref<512xi32, #tpu.memory_space<vmem>>, vector<16xi32>,
      %dma_start3A_43 = arith.constant 16 : i32
      %dma_start3A_44 = arith.constant 0 : i32
      %dma_start3A_45 = tpu.memref_slice %arg15[%dma_start3A_43, %dma_start3A_44] : memref<128x64xf32, #tpu.memory_space<vmem>> -> memref<16x64xf32, #tpu.memory_space<vmem>>
      %dma_start3A_46 = arith.constant 0 : i32
      %dma_start3A_47 = arith.constant 0 : i32
      %dma_start3A_48 = tpu.memref_slice %arg5[%dma_start3A_46, %dma_start3A_47] : memref<1000000x64xf32, #tpu.memory_space<hbm>> -> memref<1000000x64xf32, #tpu.memory_space<hbm>>
      tpu.enqueue_indirect_dma source(%dma_start3A_48 : memref<1000000x64xf32, #tpu.memory_space<hbm>>) target(%dma_start3A_45 : memref<16x64xf32, #tpu.memory_space<vmem>>) offsets(%get3A_40 : vector<16xi32>) semaphore(%arg25 : memref<!tpu.dma_semaphore, #tpu.memory_space<semaphore_mem>>)
      %dma_start3A_49 = arith.constant 16 : i32
      %dma_start3A_50 = arith.constant 0 : i32
      %dma_start3A_51 = tpu.memref_slice %arg16[%dma_start3A_49, %dma_start3A_50] : memref<128x64xf32, #tpu.memory_space<vmem>> -> memref<16x64xf32, #tpu.memory_space<vmem>>
      %dma_start3A_52 = arith.constant 0 : i32
      %dma_start3A_53 = arith.constant 0 : i32
      %dma_start3A_54 = tpu.memref_slice %arg5[%dma_start3A_52, %dma_start3A_53] : memref<1000000x64xf32, #tpu.memory_space<hbm>> -> memref<1000000x64xf32, #tpu.memory_space<hbm>>
      tpu.enqueue_indirect_dma source(%dma_start3A_54 : memref<1000000x64xf32, #tpu.memory_space<hbm>>) target(%dma_start3A_51 : memref<16x64xf32, #tpu.memory_space<vmem>>) offsets(%get3A_42 : vector<16xi32>) semaphore(%arg25 : memref<!tpu.dma_semaphore, #tpu.memory_space<semaphore_mem>>)
      %add3A_55 = arith.constant 32 : i32
      %add3A_56 = arith.addi %multiple_of3A, %add3A_55 : i32
      %get3A_57 = arith.index_cast %add3A_56 : i32 to index
      %get3A_58 = tpu.vector_load %arg9[%get3A_57] {strides = array<i32>} : memref<512xi32, #tpu.memory_space<vmem>>, vector<16xi32>,
      %get3A_59 = arith.index_cast %add3A_56 : i32 to index
      %get3A_60 = tpu.vector_load %arg11[%get3A_59] {strides = array<i32>} : memref<512xi32, #tpu.memory_space<vmem>>, vector<16xi32>,
      %dma_start3A_61 = arith.constant 32 : i32
      %dma_start3A_62 = arith.constant 0 : i32
      %dma_start3A_63 = tpu.memref_slice %arg15[%dma_start3A_61, %dma_start3A_62] : memref<128x64xf32, #tpu.memory_space<vmem>> -> memref<16x64xf32, #tpu.memory_space<vmem>>
      %dma_start3A_64 = arith.constant 0 : i32
      %dma_start3A_65 = arith.constant 0 : i32
      %dma_start3A_66 = tpu.memref_slice %arg5[%dma_start3A_64, %dma_start3A_65] : memref<1000000x64xf32, #tpu.memory_space<hbm>> -> memref<1000000x64xf32, #tpu.memory_space<hbm>>
      tpu.enqueue_indirect_dma source(%dma_start3A_66 : memref<1000000x64xf32, #tpu.memory_space<hbm>>) target(%dma_start3A_63 : memref<16x64xf32, #tpu.memory_space<vmem>>) offsets(%get3A_58 : vector<16xi32>) semaphore(%arg25 : memref<!tpu.dma_semaphore, #tpu.memory_space<semaphore_mem>>)
      %dma_start3A_67 = arith.constant 32 : i32
      %dma_start3A_68 = arith.constant 0 : i32
      %dma_start3A_69 = tpu.memref_slice %arg16[%dma_start3A_67, %dma_start3A_68] : memref<128x64xf32, #tpu.memory_space<vmem>> -> memref<16x64xf32, #tpu.memory_space<vmem>>
      %dma_start3A_70 = arith.constant 0 : i32
      %dma_start3A_71 = arith.constant 0 : i32
      %dma_start3A_72 = tpu.memref_slice %arg5[%dma_start3A_70, %dma_start3A_71] : memref<1000000x64xf32, #tpu.memory_space<hbm>> -> memref<1000000x64xf32, #tpu.memory_space<hbm>>
      tpu.enqueue_indirect_dma source(%dma_start3A_72 : memref<1000000x64xf32, #tpu.memory_space<hbm>>) target(%dma_start3A_69 : memref<16x64xf32, #tpu.memory_space<vmem>>) offsets(%get3A_60 : vector<16xi32>) semaphore(%arg25 : memref<!tpu.dma_semaphore, #tpu.memory_space<semaphore_mem>>)
      %add3A_73 = arith.constant 48 : i32
      %add3A_74 = arith.addi %multiple_of3A, %add3A_73 : i32
      %get3A_75 = arith.index_cast %add3A_74 : i32 to index
      %get3A_76 = tpu.vector_load %arg9[%get3A_75] {strides = array<i32>} : memref<512xi32, #tpu.memory_space<vmem>>, vector<16xi32>,
      %get3A_77 = arith.index_cast %add3A_74 : i32 to index
      %get3A_78 = tpu.vector_load %arg11[%get3A_77] {strides = array<i32>} : memref<512xi32, #tpu.memory_space<vmem>>, vector<16xi32>,
      %dma_start3A_79 = arith.constant 48 : i32
      %dma_start3A_80 = arith.constant 0 : i32
      %dma_start3A_81 = tpu.memref_slice %arg15[%dma_start3A_79, %dma_start3A_80] : memref<128x64xf32, #tpu.memory_space<vmem>> -> memref<16x64xf32, #tpu.memory_space<vmem>>
      %dma_start3A_82 = arith.constant 0 : i32
      %dma_start3A_83 = arith.constant 0 : i32
      %dma_start3A_84 = tpu.memref_slice %arg5[%dma_start3A_82, %dma_start3A_83] : memref<1000000x64xf32, #tpu.memory_space<hbm>> -> memref<1000000x64xf32, #tpu.memory_space<hbm>>
      tpu.enqueue_indirect_dma source(%dma_start3A_84 : memref<1000000x64xf32, #tpu.memory_space<hbm>>) target(%dma_start3A_81 : memref<16x64xf32, #tpu.memory_space<vmem>>) offsets(%get3A_76 : vector<16xi32>) semaphore(%arg25 : memref<!tpu.dma_semaphore, #tpu.memory_space<semaphore_mem>>)
      %dma_start3A_85 = arith.constant 48 : i32
      %dma_start3A_86 = arith.constant 0 : i32
      %dma_start3A_87 = tpu.memref_slice %arg16[%dma_start3A_85, %dma_start3A_86] : memref<128x64xf32, #tpu.memory_space<vmem>> -> memref<16x64xf32, #tpu.memory_space<vmem>>
      %dma_start3A_88 = arith.constant 0 : i32
      %dma_start3A_89 = arith.constant 0 : i32
      %dma_start3A_90 = tpu.memref_slice %arg5[%dma_start3A_88, %dma_start3A_89] : memref<1000000x64xf32, #tpu.memory_space<hbm>> -> memref<1000000x64xf32, #tpu.memory_space<hbm>>
      tpu.enqueue_indirect_dma source(%dma_start3A_90 : memref<1000000x64xf32, #tpu.memory_space<hbm>>) target(%dma_start3A_87 : memref<16x64xf32, #tpu.memory_space<vmem>>) offsets(%get3A_78 : vector<16xi32>) semaphore(%arg25 : memref<!tpu.dma_semaphore, #tpu.memory_space<semaphore_mem>>)
      %add3A_91 = arith.constant 64 : i32
      %add3A_92 = arith.addi %multiple_of3A, %add3A_91 : i32
      %get3A_93 = arith.index_cast %add3A_92 : i32 to index
      %get3A_94 = tpu.vector_load %arg9[%get3A_93] {strides = array<i32>} : memref<512xi32, #tpu.memory_space<vmem>>, vector<16xi32>,
      %get3A_95 = arith.index_cast %add3A_92 : i32 to index
      %get3A_96 = tpu.vector_load %arg11[%get3A_95] {strides = array<i32>} : memref<512xi32, #tpu.memory_space<vmem>>, vector<16xi32>,
      %dma_start3A_97 = arith.constant 64 : i32
      %dma_start3A_98 = arith.constant 0 : i32
      %dma_start3A_99 = tpu.memref_slice %arg15[%dma_start3A_97, %dma_start3A_98] : memref<128x64xf32, #tpu.memory_space<vmem>> -> memref<16x64xf32, #tpu.memory_space<vmem>>
      %dma_start3A_100 = arith.constant 0 : i32
      %dma_start3A_101 = arith.constant 0 : i32
      %dma_start3A_102 = tpu.memref_slice %arg5[%dma_start3A_100, %dma_start3A_101] : memref<1000000x64xf32, #tpu.memory_space<hbm>> -> memref<1000000x64xf32, #tpu.memory_space<hbm>>
      tpu.enqueue_indirect_dma source(%dma_start3A_102 : memref<1000000x64xf32, #tpu.memory_space<hbm>>) target(%dma_start3A_99 : memref<16x64xf32, #tpu.memory_space<vmem>>) offsets(%get3A_94 : vector<16xi32>) semaphore(%arg25 : memref<!tpu.dma_semaphore, #tpu.memory_space<semaphore_mem>>)
      %dma_start3A_103 = arith.constant 64 : i32
      %dma_start3A_104 = arith.constant 0 : i32
      %dma_start3A_105 = tpu.memref_slice %arg16[%dma_start3A_103, %dma_start3A_104] : memref<128x64xf32, #tpu.memory_space<vmem>> -> memref<16x64xf32, #tpu.memory_space<vmem>>
      %dma_start3A_106 = arith.constant 0 : i32
      %dma_start3A_107 = arith.constant 0 : i32
      %dma_start3A_108 = tpu.memref_slice %arg5[%dma_start3A_106, %dma_start3A_107] : memref<1000000x64xf32, #tpu.memory_space<hbm>> -> memref<1000000x64xf32, #tpu.memory_space<hbm>>
      tpu.enqueue_indirect_dma source(%dma_start3A_108 : memref<1000000x64xf32, #tpu.memory_space<hbm>>) target(%dma_start3A_105 : memref<16x64xf32, #tpu.memory_space<vmem>>) offsets(%get3A_96 : vector<16xi32>) semaphore(%arg25 : memref<!tpu.dma_semaphore, #tpu.memory_space<semaphore_mem>>)
      %add3A_109 = arith.constant 80 : i32
      %add3A_110 = arith.addi %multiple_of3A, %add3A_109 : i32
      %get3A_111 = arith.index_cast %add3A_110 : i32 to index
      %get3A_112 = tpu.vector_load %arg9[%get3A_111] {strides = array<i32>} : memref<512xi32, #tpu.memory_space<vmem>>, vector<16xi32>,
      %get3A_113 = arith.index_cast %add3A_110 : i32 to index
      %get3A_114 = tpu.vector_load %arg11[%get3A_113] {strides = array<i32>} : memref<512xi32, #tpu.memory_space<vmem>>, vector<16xi32>,
      %dma_start3A_115 = arith.constant 80 : i32
      %dma_start3A_116 = arith.constant 0 : i32
      %dma_start3A_117 = tpu.memref_slice %arg15[%dma_start3A_115, %dma_start3A_116] : memref<128x64xf32, #tpu.memory_space<vmem>> -> memref<16x64xf32, #tpu.memory_space<vmem>>
      %dma_start3A_118 = arith.constant 0 : i32
      %dma_start3A_119 = arith.constant 0 : i32
      %dma_start3A_120 = tpu.memref_slice %arg5[%dma_start3A_118, %dma_start3A_119] : memref<1000000x64xf32, #tpu.memory_space<hbm>> -> memref<1000000x64xf32, #tpu.memory_space<hbm>>
      tpu.enqueue_indirect_dma source(%dma_start3A_120 : memref<1000000x64xf32, #tpu.memory_space<hbm>>) target(%dma_start3A_117 : memref<16x64xf32, #tpu.memory_space<vmem>>) offsets(%get3A_112 : vector<16xi32>) semaphore(%arg25 : memref<!tpu.dma_semaphore, #tpu.memory_space<semaphore_mem>>)
      %dma_start3A_121 = arith.constant 80 : i32
      %dma_start3A_122 = arith.constant 0 : i32
      %dma_start3A_123 = tpu.memref_slice %arg16[%dma_start3A_121, %dma_start3A_122] : memref<128x64xf32, #tpu.memory_space<vmem>> -> memref<16x64xf32, #tpu.memory_space<vmem>>
      %dma_start3A_124 = arith.constant 0 : i32
      %dma_start3A_125 = arith.constant 0 : i32
      %dma_start3A_126 = tpu.memref_slice %arg5[%dma_start3A_124, %dma_start3A_125] : memref<1000000x64xf32, #tpu.memory_space<hbm>> -> memref<1000000x64xf32, #tpu.memory_space<hbm>>
      tpu.enqueue_indirect_dma source(%dma_start3A_126 : memref<1000000x64xf32, #tpu.memory_space<hbm>>) target(%dma_start3A_123 : memref<16x64xf32, #tpu.memory_space<vmem>>) offsets(%get3A_114 : vector<16xi32>) semaphore(%arg25 : memref<!tpu.dma_semaphore, #tpu.memory_space<semaphore_mem>>)
      %add3A_127 = arith.constant 96 : i32
      %add3A_128 = arith.addi %multiple_of3A, %add3A_127 : i32
      %get3A_129 = arith.index_cast %add3A_128 : i32 to index
      %get3A_130 = tpu.vector_load %arg9[%get3A_129] {strides = array<i32>} : memref<512xi32, #tpu.memory_space<vmem>>, vector<16xi32>,
      %get3A_131 = arith.index_cast %add3A_128 : i32 to index
      %get3A_132 = tpu.vector_load %arg11[%get3A_131] {strides = array<i32>} : memref<512xi32, #tpu.memory_space<vmem>>, vector<16xi32>,
      %dma_start3A_133 = arith.constant 96 : i32
      %dma_start3A_134 = arith.constant 0 : i32
      %dma_start3A_135 = tpu.memref_slice %arg15[%dma_start3A_133, %dma_start3A_134] : memref<128x64xf32, #tpu.memory_space<vmem>> -> memref<16x64xf32, #tpu.memory_space<vmem>>
      %dma_start3A_136 = arith.constant 0 : i32
      %dma_start3A_137 = arith.constant 0 : i32
      %dma_start3A_138 = tpu.memref_slice %arg5[%dma_start3A_136, %dma_start3A_137] : memref<1000000x64xf32, #tpu.memory_space<hbm>> -> memref<1000000x64xf32, #tpu.memory_space<hbm>>
      tpu.enqueue_indirect_dma source(%dma_start3A_138 : memref<1000000x64xf32, #tpu.memory_space<hbm>>) target(%dma_start3A_135 : memref<16x64xf32, #tpu.memory_space<vmem>>) offsets(%get3A_130 : vector<16xi32>) semaphore(%arg25 : memref<!tpu.dma_semaphore, #tpu.memory_space<semaphore_mem>>)
      %dma_start3A_139 = arith.constant 96 : i32
      %dma_start3A_140 = arith.constant 0 : i32
      %dma_start3A_141 = tpu.memref_slice %arg16[%dma_start3A_139, %dma_start3A_140] : memref<128x64xf32, #tpu.memory_space<vmem>> -> memref<16x64xf32, #tpu.memory_space<vmem>>
      %dma_start3A_142 = arith.constant 0 : i32
      %dma_start3A_143 = arith.constant 0 : i32
      %dma_start3A_144 = tpu.memref_slice %arg5[%dma_start3A_142, %dma_start3A_143] : memref<1000000x64xf32, #tpu.memory_space<hbm>> -> memref<1000000x64xf32, #tpu.memory_space<hbm>>
      tpu.enqueue_indirect_dma source(%dma_start3A_144 : memref<1000000x64xf32, #tpu.memory_space<hbm>>) target(%dma_start3A_141 : memref<16x64xf32, #tpu.memory_space<vmem>>) offsets(%get3A_132 : vector<16xi32>) semaphore(%arg25 : memref<!tpu.dma_semaphore, #tpu.memory_space<semaphore_mem>>)
      %add3A_145 = arith.constant 112 : i32
      %add3A_146 = arith.addi %multiple_of3A, %add3A_145 : i32
      %get3A_147 = arith.index_cast %add3A_146 : i32 to index
      %get3A_148 = tpu.vector_load %arg9[%get3A_147] {strides = array<i32>} : memref<512xi32, #tpu.memory_space<vmem>>, vector<16xi32>,
      %get3A_149 = arith.index_cast %add3A_146 : i32 to index
      %get3A_150 = tpu.vector_load %arg11[%get3A_149] {strides = array<i32>} : memref<512xi32, #tpu.memory_space<vmem>>, vector<16xi32>,
      %dma_start3A_151 = arith.constant 112 : i32
      %dma_start3A_152 = arith.constant 0 : i32
      %dma_start3A_153 = tpu.memref_slice %arg15[%dma_start3A_151, %dma_start3A_152] : memref<128x64xf32, #tpu.memory_space<vmem>> -> memref<16x64xf32, #tpu.memory_space<vmem>>
      %dma_start3A_154 = arith.constant 0 : i32
      %dma_start3A_155 = arith.constant 0 : i32
      %dma_start3A_156 = tpu.memref_slice %arg5[%dma_start3A_154, %dma_start3A_155] : memref<1000000x64xf32, #tpu.memory_space<hbm>> -> memref<1000000x64xf32, #tpu.memory_space<hbm>>
      tpu.enqueue_indirect_dma source(%dma_start3A_156 : memref<1000000x64xf32, #tpu.memory_space<hbm>>) target(%dma_start3A_153 : memref<16x64xf32, #tpu.memory_space<vmem>>) offsets(%get3A_148 : vector<16xi32>) semaphore(%arg25 : memref<!tpu.dma_semaphore, #tpu.memory_space<semaphore_mem>>)
      %dma_start3A_157 = arith.constant 112 : i32
      %dma_start3A_158 = arith.constant 0 : i32
      %dma_start3A_159 = tpu.memref_slice %arg16[%dma_start3A_157, %dma_start3A_158] : memref<128x64xf32, #tpu.memory_space<vmem>> -> memref<16x64xf32, #tpu.memory_space<vmem>>
      %dma_start3A_160 = arith.constant 0 : i32
      %dma_start3A_161 = arith.constant 0 : i32
      %dma_start3A_162 = tpu.memref_slice %arg5[%dma_start3A_160, %dma_start3A_161] : memref<1000000x64xf32, #tpu.memory_space<hbm>> -> memref<1000000x64xf32, #tpu.memory_space<hbm>>
      tpu.enqueue_indirect_dma source(%dma_start3A_162 : memref<1000000x64xf32, #tpu.memory_space<hbm>>) target(%dma_start3A_159 : memref<16x64xf32, #tpu.memory_space<vmem>>) offsets(%get3A_150 : vector<16xi32>) semaphore(%arg25 : memref<!tpu.dma_semaphore, #tpu.memory_space<semaphore_mem>>)
      %dma_wait3A = arith.constant 0 : i32
      %dma_wait3A_163 = arith.constant 0 : i32
      %dma_wait3A_164 = tpu.memref_slice %arg15[%dma_wait3A, %dma_wait3A_163] : memref<128x64xf32, #tpu.memory_space<vmem>> -> memref<16x64xf32, #tpu.memory_space<vmem>>
      %dma_wait3A_165 = arith.constant 0 : i32
      %dma_wait3A_166 = arith.constant 0 : i32
      %dma_wait3A_167 = tpu.memref_slice %arg5[%dma_wait3A_165, %dma_wait3A_166] : memref<1000000x64xf32, #tpu.memory_space<hbm>> -> memref<16x64xf32, #tpu.memory_space<hbm>>
      %dma_wait3A_168 = arith.constant 0 : i32
      %dma_wait3A_169 = arith.constant 0 : i32
      %dma_wait3A_170 = tpu.memref_slice %arg15[%dma_wait3A_168, %dma_wait3A_169] : memref<128x64xf32, #tpu.memory_space<vmem>> -> memref<16x64xf32, #tpu.memory_space<vmem>>
      %dma_wait3A_171 = arith.constant 0 : i32
      %dma_wait3A_172 = arith.constant 0 : i32
      %dma_wait3A_173 = tpu.memref_slice %arg5[%dma_wait3A_171, %dma_wait3A_172] : memref<1000000x64xf32, #tpu.memory_space<hbm>> -> memref<16x64xf32, #tpu.memory_space<hbm>>
      tpu.wait_dma2 semaphore(%arg25 : memref<!tpu.dma_semaphore, #tpu.memory_space<semaphore_mem>>) src(%dma_wait3A_173 : memref<16x64xf32, #tpu.memory_space<hbm>>) dst(%dma_wait3A_170 : memref<16x64xf32, #tpu.memory_space<vmem>>)
      %dma_wait3A_174 = arith.constant 0 : i32
      %dma_wait3A_175 = arith.constant 0 : i32
      %dma_wait3A_176 = tpu.memref_slice %arg16[%dma_wait3A_174, %dma_wait3A_175] : memref<128x64xf32, #tpu.memory_space<vmem>> -> memref<16x64xf32, #tpu.memory_space<vmem>>
      %dma_wait3A_177 = arith.constant 0 : i32
      %dma_wait3A_178 = arith.constant 0 : i32
      %dma_wait3A_179 = tpu.memref_slice %arg5[%dma_wait3A_177, %dma_wait3A_178] : memref<1000000x64xf32, #tpu.memory_space<hbm>> -> memref<16x64xf32, #tpu.memory_space<hbm>>
      %dma_wait3A_180 = arith.constant 0 : i32
      %dma_wait3A_181 = arith.constant 0 : i32
      %dma_wait3A_182 = tpu.memref_slice %arg16[%dma_wait3A_180, %dma_wait3A_181] : memref<128x64xf32, #tpu.memory_space<vmem>> -> memref<16x64xf32, #tpu.memory_space<vmem>>
      %dma_wait3A_183 = arith.constant 0 : i32
      %dma_wait3A_184 = arith.constant 0 : i32
      %dma_wait3A_185 = tpu.memref_slice %arg5[%dma_wait3A_183, %dma_wait3A_184] : memref<1000000x64xf32, #tpu.memory_space<hbm>> -> memref<16x64xf32, #tpu.memory_space<hbm>>
      tpu.wait_dma2 semaphore(%arg25 : memref<!tpu.dma_semaphore, #tpu.memory_space<semaphore_mem>>) src(%dma_wait3A_185 : memref<16x64xf32, #tpu.memory_space<hbm>>) dst(%dma_wait3A_182 : memref<16x64xf32, #tpu.memory_space<vmem>>)
      %dma_wait3A_186 = arith.constant 16 : i32
      %dma_wait3A_187 = arith.constant 0 : i32
      %dma_wait3A_188 = tpu.memref_slice %arg15[%dma_wait3A_186, %dma_wait3A_187] : memref<128x64xf32, #tpu.memory_space<vmem>> -> memref<16x64xf32, #tpu.memory_space<vmem>>
      %dma_wait3A_189 = arith.constant 0 : i32
      %dma_wait3A_190 = arith.constant 0 : i32
      %dma_wait3A_191 = tpu.memref_slice %arg5[%dma_wait3A_189, %dma_wait3A_190] : memref<1000000x64xf32, #tpu.memory_space<hbm>> -> memref<16x64xf32, #tpu.memory_space<hbm>>
      %dma_wait3A_192 = arith.constant 16 : i32
      %dma_wait3A_193 = arith.constant 0 : i32
      %dma_wait3A_194 = tpu.memref_slice %arg15[%dma_wait3A_192, %dma_wait3A_193] : memref<128x64xf32, #tpu.memory_space<vmem>> -> memref<16x64xf32, #tpu.memory_space<vmem>>
      %dma_wait3A_195 = arith.constant 0 : i32
      %dma_wait3A_196 = arith.constant 0 : i32
      %dma_wait3A_197 = tpu.memref_slice %arg5[%dma_wait3A_195, %dma_wait3A_196] : memref<1000000x64xf32, #tpu.memory_space<hbm>> -> memref<16x64xf32, #tpu.memory_space<hbm>>
      tpu.wait_dma2 semaphore(%arg25 : memref<!tpu.dma_semaphore, #tpu.memory_space<semaphore_mem>>) src(%dma_wait3A_197 : memref<16x64xf32, #tpu.memory_space<hbm>>) dst(%dma_wait3A_194 : memref<16x64xf32, #tpu.memory_space<vmem>>)
      %dma_wait3A_198 = arith.constant 16 : i32
      %dma_wait3A_199 = arith.constant 0 : i32
      %dma_wait3A_200 = tpu.memref_slice %arg16[%dma_wait3A_198, %dma_wait3A_199] : memref<128x64xf32, #tpu.memory_space<vmem>> -> memref<16x64xf32, #tpu.memory_space<vmem>>
      %dma_wait3A_201 = arith.constant 0 : i32
      %dma_wait3A_202 = arith.constant 0 : i32
      %dma_wait3A_203 = tpu.memref_slice %arg5[%dma_wait3A_201, %dma_wait3A_202] : memref<1000000x64xf32, #tpu.memory_space<hbm>> -> memref<16x64xf32, #tpu.memory_space<hbm>>
      %dma_wait3A_204 = arith.constant 16 : i32
      %dma_wait3A_205 = arith.constant 0 : i32
      %dma_wait3A_206 = tpu.memref_slice %arg16[%dma_wait3A_204, %dma_wait3A_205] : memref<128x64xf32, #tpu.memory_space<vmem>> -> memref<16x64xf32, #tpu.memory_space<vmem>>
      %dma_wait3A_207 = arith.constant 0 : i32
      %dma_wait3A_208 = arith.constant 0 : i32
      %dma_wait3A_209 = tpu.memref_slice %arg5[%dma_wait3A_207, %dma_wait3A_208] : memref<1000000x64xf32, #tpu.memory_space<hbm>> -> memref<16x64xf32, #tpu.memory_space<hbm>>
      tpu.wait_dma2 semaphore(%arg25 : memref<!tpu.dma_semaphore, #tpu.memory_space<semaphore_mem>>) src(%dma_wait3A_209 : memref<16x64xf32, #tpu.memory_space<hbm>>) dst(%dma_wait3A_206 : memref<16x64xf32, #tpu.memory_space<vmem>>)
      %dma_wait3A_210 = arith.constant 32 : i32
      %dma_wait3A_211 = arith.constant 0 : i32
      %dma_wait3A_212 = tpu.memref_slice %arg15[%dma_wait3A_210, %dma_wait3A_211] : memref<128x64xf32, #tpu.memory_space<vmem>> -> memref<16x64xf32, #tpu.memory_space<vmem>>
      %dma_wait3A_213 = arith.constant 0 : i32
      %dma_wait3A_214 = arith.constant 0 : i32
      %dma_wait3A_215 = tpu.memref_slice %arg5[%dma_wait3A_213, %dma_wait3A_214] : memref<1000000x64xf32, #tpu.memory_space<hbm>> -> memref<16x64xf32, #tpu.memory_space<hbm>>
      %dma_wait3A_216 = arith.constant 32 : i32
      %dma_wait3A_217 = arith.constant 0 : i32
      %dma_wait3A_218 = tpu.memref_slice %arg15[%dma_wait3A_216, %dma_wait3A_217] : memref<128x64xf32, #tpu.memory_space<vmem>> -> memref<16x64xf32, #tpu.memory_space<vmem>>
      %dma_wait3A_219 = arith.constant 0 : i32
      %dma_wait3A_220 = arith.constant 0 : i32
      %dma_wait3A_221 = tpu.memref_slice %arg5[%dma_wait3A_219, %dma_wait3A_220] : memref<1000000x64xf32, #tpu.memory_space<hbm>> -> memref<16x64xf32, #tpu.memory_space<hbm>>
      tpu.wait_dma2 semaphore(%arg25 : memref<!tpu.dma_semaphore, #tpu.memory_space<semaphore_mem>>) src(%dma_wait3A_221 : memref<16x64xf32, #tpu.memory_space<hbm>>) dst(%dma_wait3A_218 : memref<16x64xf32, #tpu.memory_space<vmem>>)
      %dma_wait3A_222 = arith.constant 32 : i32
      %dma_wait3A_223 = arith.constant 0 : i32
      %dma_wait3A_224 = tpu.memref_slice %arg16[%dma_wait3A_222, %dma_wait3A_223] : memref<128x64xf32, #tpu.memory_space<vmem>> -> memref<16x64xf32, #tpu.memory_space<vmem>>
      %dma_wait3A_225 = arith.constant 0 : i32
      %dma_wait3A_226 = arith.constant 0 : i32
      %dma_wait3A_227 = tpu.memref_slice %arg5[%dma_wait3A_225, %dma_wait3A_226] : memref<1000000x64xf32, #tpu.memory_space<hbm>> -> memref<16x64xf32, #tpu.memory_space<hbm>>
      %dma_wait3A_228 = arith.constant 32 : i32
      %dma_wait3A_229 = arith.constant 0 : i32
      %dma_wait3A_230 = tpu.memref_slice %arg16[%dma_wait3A_228, %dma_wait3A_229] : memref<128x64xf32, #tpu.memory_space<vmem>> -> memref<16x64xf32, #tpu.memory_space<vmem>>
      %dma_wait3A_231 = arith.constant 0 : i32
      %dma_wait3A_232 = arith.constant 0 : i32
      %dma_wait3A_233 = tpu.memref_slice %arg5[%dma_wait3A_231, %dma_wait3A_232] : memref<1000000x64xf32, #tpu.memory_space<hbm>> -> memref<16x64xf32, #tpu.memory_space<hbm>>
      tpu.wait_dma2 semaphore(%arg25 : memref<!tpu.dma_semaphore, #tpu.memory_space<semaphore_mem>>) src(%dma_wait3A_233 : memref<16x64xf32, #tpu.memory_space<hbm>>) dst(%dma_wait3A_230 : memref<16x64xf32, #tpu.memory_space<vmem>>)
      %dma_wait3A_234 = arith.constant 48 : i32
      %dma_wait3A_235 = arith.constant 0 : i32
      %dma_wait3A_236 = tpu.memref_slice %arg15[%dma_wait3A_234, %dma_wait3A_235] : memref<128x64xf32, #tpu.memory_space<vmem>> -> memref<16x64xf32, #tpu.memory_space<vmem>>
      %dma_wait3A_237 = arith.constant 0 : i32
      %dma_wait3A_238 = arith.constant 0 : i32
      %dma_wait3A_239 = tpu.memref_slice %arg5[%dma_wait3A_237, %dma_wait3A_238] : memref<1000000x64xf32, #tpu.memory_space<hbm>> -> memref<16x64xf32, #tpu.memory_space<hbm>>
      %dma_wait3A_240 = arith.constant 48 : i32
      %dma_wait3A_241 = arith.constant 0 : i32
      %dma_wait3A_242 = tpu.memref_slice %arg15[%dma_wait3A_240, %dma_wait3A_241] : memref<128x64xf32, #tpu.memory_space<vmem>> -> memref<16x64xf32, #tpu.memory_space<vmem>>
      %dma_wait3A_243 = arith.constant 0 : i32
      %dma_wait3A_244 = arith.constant 0 : i32
      %dma_wait3A_245 = tpu.memref_slice %arg5[%dma_wait3A_243, %dma_wait3A_244] : memref<1000000x64xf32, #tpu.memory_space<hbm>> -> memref<16x64xf32, #tpu.memory_space<hbm>>
      tpu.wait_dma2 semaphore(%arg25 : memref<!tpu.dma_semaphore, #tpu.memory_space<semaphore_mem>>) src(%dma_wait3A_245 : memref<16x64xf32, #tpu.memory_space<hbm>>) dst(%dma_wait3A_242 : memref<16x64xf32, #tpu.memory_space<vmem>>)
      %dma_wait3A_246 = arith.constant 48 : i32
      %dma_wait3A_247 = arith.constant 0 : i32
      %dma_wait3A_248 = tpu.memref_slice %arg16[%dma_wait3A_246, %dma_wait3A_247] : memref<128x64xf32, #tpu.memory_space<vmem>> -> memref<16x64xf32, #tpu.memory_space<vmem>>
      %dma_wait3A_249 = arith.constant 0 : i32
      %dma_wait3A_250 = arith.constant 0 : i32
      %dma_wait3A_251 = tpu.memref_slice %arg5[%dma_wait3A_249, %dma_wait3A_250] : memref<1000000x64xf32, #tpu.memory_space<hbm>> -> memref<16x64xf32, #tpu.memory_space<hbm>>
      %dma_wait3A_252 = arith.constant 48 : i32
      %dma_wait3A_253 = arith.constant 0 : i32
      %dma_wait3A_254 = tpu.memref_slice %arg16[%dma_wait3A_252, %dma_wait3A_253] : memref<128x64xf32, #tpu.memory_space<vmem>> -> memref<16x64xf32, #tpu.memory_space<vmem>>
      %dma_wait3A_255 = arith.constant 0 : i32
      %dma_wait3A_256 = arith.constant 0 : i32
      %dma_wait3A_257 = tpu.memref_slice %arg5[%dma_wait3A_255, %dma_wait3A_256] : memref<1000000x64xf32, #tpu.memory_space<hbm>> -> memref<16x64xf32, #tpu.memory_space<hbm>>
      tpu.wait_dma2 semaphore(%arg25 : memref<!tpu.dma_semaphore, #tpu.memory_space<semaphore_mem>>) src(%dma_wait3A_257 : memref<16x64xf32, #tpu.memory_space<hbm>>) dst(%dma_wait3A_254 : memref<16x64xf32, #tpu.memory_space<vmem>>)
      %dma_wait3A_258 = arith.constant 64 : i32
      %dma_wait3A_259 = arith.constant 0 : i32
      %dma_wait3A_260 = tpu.memref_slice %arg15[%dma_wait3A_258, %dma_wait3A_259] : memref<128x64xf32, #tpu.memory_space<vmem>> -> memref<16x64xf32, #tpu.memory_space<vmem>>
      %dma_wait3A_261 = arith.constant 0 : i32
      %dma_wait3A_262 = arith.constant 0 : i32
      %dma_wait3A_263 = tpu.memref_slice %arg5[%dma_wait3A_261, %dma_wait3A_262] : memref<1000000x64xf32, #tpu.memory_space<hbm>> -> memref<16x64xf32, #tpu.memory_space<hbm>>
      %dma_wait3A_264 = arith.constant 64 : i32
      %dma_wait3A_265 = arith.constant 0 : i32
      %dma_wait3A_266 = tpu.memref_slice %arg15[%dma_wait3A_264, %dma_wait3A_265] : memref<128x64xf32, #tpu.memory_space<vmem>> -> memref<16x64xf32, #tpu.memory_space<vmem>>
      %dma_wait3A_267 = arith.constant 0 : i32
      %dma_wait3A_268 = arith.constant 0 : i32
      %dma_wait3A_269 = tpu.memref_slice %arg5[%dma_wait3A_267, %dma_wait3A_268] : memref<1000000x64xf32, #tpu.memory_space<hbm>> -> memref<16x64xf32, #tpu.memory_space<hbm>>
      tpu.wait_dma2 semaphore(%arg25 : memref<!tpu.dma_semaphore, #tpu.memory_space<semaphore_mem>>) src(%dma_wait3A_269 : memref<16x64xf32, #tpu.memory_space<hbm>>) dst(%dma_wait3A_266 : memref<16x64xf32, #tpu.memory_space<vmem>>)
      %dma_wait3A_270 = arith.constant 64 : i32
      %dma_wait3A_271 = arith.constant 0 : i32
      %dma_wait3A_272 = tpu.memref_slice %arg16[%dma_wait3A_270, %dma_wait3A_271] : memref<128x64xf32, #tpu.memory_space<vmem>> -> memref<16x64xf32, #tpu.memory_space<vmem>>
      %dma_wait3A_273 = arith.constant 0 : i32
      %dma_wait3A_274 = arith.constant 0 : i32
      %dma_wait3A_275 = tpu.memref_slice %arg5[%dma_wait3A_273, %dma_wait3A_274] : memref<1000000x64xf32, #tpu.memory_space<hbm>> -> memref<16x64xf32, #tpu.memory_space<hbm>>
      %dma_wait3A_276 = arith.constant 64 : i32
      %dma_wait3A_277 = arith.constant 0 : i32
      %dma_wait3A_278 = tpu.memref_slice %arg16[%dma_wait3A_276, %dma_wait3A_277] : memref<128x64xf32, #tpu.memory_space<vmem>> -> memref<16x64xf32, #tpu.memory_space<vmem>>
      %dma_wait3A_279 = arith.constant 0 : i32
      %dma_wait3A_280 = arith.constant 0 : i32
      %dma_wait3A_281 = tpu.memref_slice %arg5[%dma_wait3A_279, %dma_wait3A_280] : memref<1000000x64xf32, #tpu.memory_space<hbm>> -> memref<16x64xf32, #tpu.memory_space<hbm>>
      tpu.wait_dma2 semaphore(%arg25 : memref<!tpu.dma_semaphore, #tpu.memory_space<semaphore_mem>>) src(%dma_wait3A_281 : memref<16x64xf32, #tpu.memory_space<hbm>>) dst(%dma_wait3A_278 : memref<16x64xf32, #tpu.memory_space<vmem>>)
      %dma_wait3A_282 = arith.constant 80 : i32
      %dma_wait3A_283 = arith.constant 0 : i32
      %dma_wait3A_284 = tpu.memref_slice %arg15[%dma_wait3A_282, %dma_wait3A_283] : memref<128x64xf32, #tpu.memory_space<vmem>> -> memref<16x64xf32, #tpu.memory_space<vmem>>
      %dma_wait3A_285 = arith.constant 0 : i32
      %dma_wait3A_286 = arith.constant 0 : i32
      %dma_wait3A_287 = tpu.memref_slice %arg5[%dma_wait3A_285, %dma_wait3A_286] : memref<1000000x64xf32, #tpu.memory_space<hbm>> -> memref<16x64xf32, #tpu.memory_space<hbm>>
      %dma_wait3A_288 = arith.constant 80 : i32
      %dma_wait3A_289 = arith.constant 0 : i32
      %dma_wait3A_290 = tpu.memref_slice %arg15[%dma_wait3A_288, %dma_wait3A_289] : memref<128x64xf32, #tpu.memory_space<vmem>> -> memref<16x64xf32, #tpu.memory_space<vmem>>
      %dma_wait3A_291 = arith.constant 0 : i32
      %dma_wait3A_292 = arith.constant 0 : i32
      %dma_wait3A_293 = tpu.memref_slice %arg5[%dma_wait3A_291, %dma_wait3A_292] : memref<1000000x64xf32, #tpu.memory_space<hbm>> -> memref<16x64xf32, #tpu.memory_space<hbm>>
      tpu.wait_dma2 semaphore(%arg25 : memref<!tpu.dma_semaphore, #tpu.memory_space<semaphore_mem>>) src(%dma_wait3A_293 : memref<16x64xf32, #tpu.memory_space<hbm>>) dst(%dma_wait3A_290 : memref<16x64xf32, #tpu.memory_space<vmem>>)
      %dma_wait3A_294 = arith.constant 80 : i32
      %dma_wait3A_295 = arith.constant 0 : i32
      %dma_wait3A_296 = tpu.memref_slice %arg16[%dma_wait3A_294, %dma_wait3A_295] : memref<128x64xf32, #tpu.memory_space<vmem>> -> memref<16x64xf32, #tpu.memory_space<vmem>>
      %dma_wait3A_297 = arith.constant 0 : i32
      %dma_wait3A_298 = arith.constant 0 : i32
      %dma_wait3A_299 = tpu.memref_slice %arg5[%dma_wait3A_297, %dma_wait3A_298] : memref<1000000x64xf32, #tpu.memory_space<hbm>> -> memref<16x64xf32, #tpu.memory_space<hbm>>
      %dma_wait3A_300 = arith.constant 80 : i32
      %dma_wait3A_301 = arith.constant 0 : i32
      %dma_wait3A_302 = tpu.memref_slice %arg16[%dma_wait3A_300, %dma_wait3A_301] : memref<128x64xf32, #tpu.memory_space<vmem>> -> memref<16x64xf32, #tpu.memory_space<vmem>>
      %dma_wait3A_303 = arith.constant 0 : i32
      %dma_wait3A_304 = arith.constant 0 : i32
      %dma_wait3A_305 = tpu.memref_slice %arg5[%dma_wait3A_303, %dma_wait3A_304] : memref<1000000x64xf32, #tpu.memory_space<hbm>> -> memref<16x64xf32, #tpu.memory_space<hbm>>
      tpu.wait_dma2 semaphore(%arg25 : memref<!tpu.dma_semaphore, #tpu.memory_space<semaphore_mem>>) src(%dma_wait3A_305 : memref<16x64xf32, #tpu.memory_space<hbm>>) dst(%dma_wait3A_302 : memref<16x64xf32, #tpu.memory_space<vmem>>)
      %dma_wait3A_306 = arith.constant 96 : i32
      %dma_wait3A_307 = arith.constant 0 : i32
      %dma_wait3A_308 = tpu.memref_slice %arg15[%dma_wait3A_306, %dma_wait3A_307] : memref<128x64xf32, #tpu.memory_space<vmem>> -> memref<16x64xf32, #tpu.memory_space<vmem>>
      %dma_wait3A_309 = arith.constant 0 : i32
      %dma_wait3A_310 = arith.constant 0 : i32
      %dma_wait3A_311 = tpu.memref_slice %arg5[%dma_wait3A_309, %dma_wait3A_310] : memref<1000000x64xf32, #tpu.memory_space<hbm>> -> memref<16x64xf32, #tpu.memory_space<hbm>>
      %dma_wait3A_312 = arith.constant 96 : i32
      %dma_wait3A_313 = arith.constant 0 : i32
      %dma_wait3A_314 = tpu.memref_slice %arg15[%dma_wait3A_312, %dma_wait3A_313] : memref<128x64xf32, #tpu.memory_space<vmem>> -> memref<16x64xf32, #tpu.memory_space<vmem>>
      %dma_wait3A_315 = arith.constant 0 : i32
      %dma_wait3A_316 = arith.constant 0 : i32
      %dma_wait3A_317 = tpu.memref_slice %arg5[%dma_wait3A_315, %dma_wait3A_316] : memref<1000000x64xf32, #tpu.memory_space<hbm>> -> memref<16x64xf32, #tpu.memory_space<hbm>>
      tpu.wait_dma2 semaphore(%arg25 : memref<!tpu.dma_semaphore, #tpu.memory_space<semaphore_mem>>) src(%dma_wait3A_317 : memref<16x64xf32, #tpu.memory_space<hbm>>) dst(%dma_wait3A_314 : memref<16x64xf32, #tpu.memory_space<vmem>>)
      %dma_wait3A_318 = arith.constant 96 : i32
      %dma_wait3A_319 = arith.constant 0 : i32
      %dma_wait3A_320 = tpu.memref_slice %arg16[%dma_wait3A_318, %dma_wait3A_319] : memref<128x64xf32, #tpu.memory_space<vmem>> -> memref<16x64xf32, #tpu.memory_space<vmem>>
      %dma_wait3A_321 = arith.constant 0 : i32
      %dma_wait3A_322 = arith.constant 0 : i32
      %dma_wait3A_323 = tpu.memref_slice %arg5[%dma_wait3A_321, %dma_wait3A_322] : memref<1000000x64xf32, #tpu.memory_space<hbm>> -> memref<16x64xf32, #tpu.memory_space<hbm>>
      %dma_wait3A_324 = arith.constant 96 : i32
      %dma_wait3A_325 = arith.constant 0 : i32
      %dma_wait3A_326 = tpu.memref_slice %arg16[%dma_wait3A_324, %dma_wait3A_325] : memref<128x64xf32, #tpu.memory_space<vmem>> -> memref<16x64xf32, #tpu.memory_space<vmem>>
      %dma_wait3A_327 = arith.constant 0 : i32
      %dma_wait3A_328 = arith.constant 0 : i32
      %dma_wait3A_329 = tpu.memref_slice %arg5[%dma_wait3A_327, %dma_wait3A_328] : memref<1000000x64xf32, #tpu.memory_space<hbm>> -> memref<16x64xf32, #tpu.memory_space<hbm>>
      tpu.wait_dma2 semaphore(%arg25 : memref<!tpu.dma_semaphore, #tpu.memory_space<semaphore_mem>>) src(%dma_wait3A_329 : memref<16x64xf32, #tpu.memory_space<hbm>>) dst(%dma_wait3A_326 : memref<16x64xf32, #tpu.memory_space<vmem>>)
      %dma_wait3A_330 = arith.constant 112 : i32
      %dma_wait3A_331 = arith.constant 0 : i32
      %dma_wait3A_332 = tpu.memref_slice %arg15[%dma_wait3A_330, %dma_wait3A_331] : memref<128x64xf32, #tpu.memory_space<vmem>> -> memref<16x64xf32, #tpu.memory_space<vmem>>
      %dma_wait3A_333 = arith.constant 0 : i32
      %dma_wait3A_334 = arith.constant 0 : i32
      %dma_wait3A_335 = tpu.memref_slice %arg5[%dma_wait3A_333, %dma_wait3A_334] : memref<1000000x64xf32, #tpu.memory_space<hbm>> -> memref<16x64xf32, #tpu.memory_space<hbm>>
      %dma_wait3A_336 = arith.constant 112 : i32
      %dma_wait3A_337 = arith.constant 0 : i32
      %dma_wait3A_338 = tpu.memref_slice %arg15[%dma_wait3A_336, %dma_wait3A_337] : memref<128x64xf32, #tpu.memory_space<vmem>> -> memref<16x64xf32, #tpu.memory_space<vmem>>
      %dma_wait3A_339 = arith.constant 0 : i32
      %dma_wait3A_340 = arith.constant 0 : i32
      %dma_wait3A_341 = tpu.memref_slice %arg5[%dma_wait3A_339, %dma_wait3A_340] : memref<1000000x64xf32, #tpu.memory_space<hbm>> -> memref<16x64xf32, #tpu.memory_space<hbm>>
      tpu.wait_dma2 semaphore(%arg25 : memref<!tpu.dma_semaphore, #tpu.memory_space<semaphore_mem>>) src(%dma_wait3A_341 : memref<16x64xf32, #tpu.memory_space<hbm>>) dst(%dma_wait3A_338 : memref<16x64xf32, #tpu.memory_space<vmem>>)
      %dma_wait3A_342 = arith.constant 112 : i32
      %dma_wait3A_343 = arith.constant 0 : i32
      %dma_wait3A_344 = tpu.memref_slice %arg16[%dma_wait3A_342, %dma_wait3A_343] : memref<128x64xf32, #tpu.memory_space<vmem>> -> memref<16x64xf32, #tpu.memory_space<vmem>>
      %dma_wait3A_345 = arith.constant 0 : i32
      %dma_wait3A_346 = arith.constant 0 : i32
      %dma_wait3A_347 = tpu.memref_slice %arg5[%dma_wait3A_345, %dma_wait3A_346] : memref<1000000x64xf32, #tpu.memory_space<hbm>> -> memref<16x64xf32, #tpu.memory_space<hbm>>
      %dma_wait3A_348 = arith.constant 112 : i32
      %dma_wait3A_349 = arith.constant 0 : i32
      %dma_wait3A_350 = tpu.memref_slice %arg16[%dma_wait3A_348, %dma_wait3A_349] : memref<128x64xf32, #tpu.memory_space<vmem>> -> memref<16x64xf32, #tpu.memory_space<vmem>>
      %dma_wait3A_351 = arith.constant 0 : i32
      %dma_wait3A_352 = arith.constant 0 : i32
      %dma_wait3A_353 = tpu.memref_slice %arg5[%dma_wait3A_351, %dma_wait3A_352] : memref<1000000x64xf32, #tpu.memory_space<hbm>> -> memref<16x64xf32, #tpu.memory_space<hbm>>
      tpu.wait_dma2 semaphore(%arg25 : memref<!tpu.dma_semaphore, #tpu.memory_space<semaphore_mem>>) src(%dma_wait3A_353 : memref<16x64xf32, #tpu.memory_space<hbm>>) dst(%dma_wait3A_350 : memref<16x64xf32, #tpu.memory_space<vmem>>)
      %scan3A_354 = arith.constant 0 : i32
      %scan3A_355 = arith.constant 0 : i32
      %scan3A_356 = arith.constant 32 : i32
      %scan3A_357 = arith.addi %scan3A_355, %scan3A_356 : i32
      %scan3A_358 = arith.constant 1 : i32
      %scan3A_359 = scf.for %scan3A_367 = %scan3A_355 to %scan3A_357 step %scan3A_358 iter_args(%scan3A_368 = %scan3A_354) -> (i32)  : i32 {
        %dma_wait3A_369 = arith.constant 0 : i32
        %dma_wait3A_370 = arith.constant 0 : i32
        %dma_wait3A_371 = arith.constant 0 : i32
        %dma_wait3A_372 = arith.constant 0 : i32
        %dma_wait3A_373 = tpu.memref_slice %arg14[%dma_wait3A_370, %dma_wait3A_371, %dma_wait3A_372] : memref<16x256x64xf32, #tpu.memory_space<vmem_shared>> -> memref<1x1x64xf32, #tpu.memory_space<vmem_shared>>
        %dma_wait3A_374 = tpu.memref_squeeze %dma_wait3A_373 : memref<1x1x64xf32, #tpu.memory_space<vmem_shared>> -> memref<64xf32, #tpu.memory_space<vmem_shared>>
        %dma_wait3A_375 = arith.constant 0 : i32
        %dma_wait3A_376 = tpu.memref_slice %arg5[%dma_wait3A_369, %dma_wait3A_375] : memref<1000000x64xf32, #tpu.memory_space<hbm>> -> memref<1x64xf32, #tpu.memory_space<hbm>>
        %dma_wait3A_377 = tpu.memref_squeeze %dma_wait3A_376 : memref<1x64xf32, #tpu.memory_space<hbm>> -> memref<64xf32, #tpu.memory_space<hbm>>
        tpu.wait_dma2 semaphore(%arg26 : memref<!tpu.dma_semaphore, #tpu.memory_space<semaphore_mem>>) src(%dma_wait3A_377 : memref<64xf32, #tpu.memory_space<hbm>>) dst(%dma_wait3A_374 : memref<64xf32, #tpu.memory_space<vmem_shared>>)
        %dma_wait3A_378 = arith.constant 0 : i32
        %dma_wait3A_379 = arith.constant 0 : i32
        %dma_wait3A_380 = arith.constant 0 : i32
        %dma_wait3A_381 = arith.constant 0 : i32
        %dma_wait3A_382 = tpu.memref_slice %arg14[%dma_wait3A_379, %dma_wait3A_380, %dma_wait3A_381] : memref<16x256x64xf32, #tpu.memory_space<vmem_shared>> -> memref<1x1x64xf32, #tpu.memory_space<vmem_shared>>
        %dma_wait3A_383 = tpu.memref_squeeze %dma_wait3A_382 : memref<1x1x64xf32, #tpu.memory_space<vmem_shared>> -> memref<64xf32, #tpu.memory_space<vmem_shared>>
        %dma_wait3A_384 = arith.constant 0 : i32
        %dma_wait3A_385 = tpu.memref_slice %arg5[%dma_wait3A_378, %dma_wait3A_384] : memref<1000000x64xf32, #tpu.memory_space<hbm>> -> memref<1x64xf32, #tpu.memory_space<hbm>>
        %dma_wait3A_386 = tpu.memref_squeeze %dma_wait3A_385 : memref<1x64xf32, #tpu.memory_space<hbm>> -> memref<64xf32, #tpu.memory_space<hbm>>
        tpu.wait_dma2 semaphore(%arg26 : memref<!tpu.dma_semaphore, #tpu.memory_space<semaphore_mem>>) src(%dma_wait3A_386 : memref<64xf32, #tpu.memory_space<hbm>>) dst(%dma_wait3A_383 : memref<64xf32, #tpu.memory_space<vmem_shared>>)
        %dma_wait3A_387 = arith.constant 0 : i32
        %dma_wait3A_388 = arith.constant 0 : i32
        %dma_wait3A_389 = arith.constant 0 : i32
        %dma_wait3A_390 = arith.constant 0 : i32
        %dma_wait3A_391 = tpu.memref_slice %arg14[%dma_wait3A_388, %dma_wait3A_389, %dma_wait3A_390] : memref<16x256x64xf32, #tpu.memory_space<vmem_shared>> -> memref<1x1x64xf32, #tpu.memory_space<vmem_shared>>
        %dma_wait3A_392 = tpu.memref_squeeze %dma_wait3A_391 : memref<1x1x64xf32, #tpu.memory_space<vmem_shared>> -> memref<64xf32, #tpu.memory_space<vmem_shared>>
        %dma_wait3A_393 = arith.constant 0 : i32
        %dma_wait3A_394 = tpu.memref_slice %arg5[%dma_wait3A_387, %dma_wait3A_393] : memref<1000000x64xf32, #tpu.memory_space<hbm>> -> memref<1x64xf32, #tpu.memory_space<hbm>>
        %dma_wait3A_395 = tpu.memref_squeeze %dma_wait3A_394 : memref<1x64xf32, #tpu.memory_space<hbm>> -> memref<64xf32, #tpu.memory_space<hbm>>
        tpu.wait_dma2 semaphore(%arg26 : memref<!tpu.dma_semaphore, #tpu.memory_space<semaphore_mem>>) src(%dma_wait3A_395 : memref<64xf32, #tpu.memory_space<hbm>>) dst(%dma_wait3A_392 : memref<64xf32, #tpu.memory_space<vmem_shared>>)
        %dma_wait3A_396 = arith.constant 0 : i32
        %dma_wait3A_397 = arith.constant 0 : i32
        %dma_wait3A_398 = arith.constant 0 : i32
        %dma_wait3A_399 = arith.constant 0 : i32
        %dma_wait3A_400 = tpu.memref_slice %arg14[%dma_wait3A_397, %dma_wait3A_398, %dma_wait3A_399] : memref<16x256x64xf32, #tpu.memory_space<vmem_shared>> -> memref<1x1x64xf32, #tpu.memory_space<vmem_shared>>
        %dma_wait3A_401 = tpu.memref_squeeze %dma_wait3A_400 : memref<1x1x64xf32, #tpu.memory_space<vmem_shared>> -> memref<64xf32, #tpu.memory_space<vmem_shared>>
        %dma_wait3A_402 = arith.constant 0 : i32
        %dma_wait3A_403 = tpu.memref_slice %arg5[%dma_wait3A_396, %dma_wait3A_402] : memref<1000000x64xf32, #tpu.memory_space<hbm>> -> memref<1x64xf32, #tpu.memory_space<hbm>>
        %dma_wait3A_404 = tpu.memref_squeeze %dma_wait3A_403 : memref<1x64xf32, #tpu.memory_space<hbm>> -> memref<64xf32, #tpu.memory_space<hbm>>
        tpu.wait_dma2 semaphore(%arg26 : memref<!tpu.dma_semaphore, #tpu.memory_space<semaphore_mem>>) src(%dma_wait3A_404 : memref<64xf32, #tpu.memory_space<hbm>>) dst(%dma_wait3A_401 : memref<64xf32, #tpu.memory_space<vmem_shared>>)
        %dma_wait3A_405 = arith.constant 0 : i32
        %dma_wait3A_406 = arith.constant 0 : i32
        %dma_wait3A_407 = arith.constant 0 : i32
        %dma_wait3A_408 = arith.constant 0 : i32
        %dma_wait3A_409 = tpu.memref_slice %arg14[%dma_wait3A_406, %dma_wait3A_407, %dma_wait3A_408] : memref<16x256x64xf32, #tpu.memory_space<vmem_shared>> -> memref<1x1x64xf32, #tpu.memory_space<vmem_shared>>
        %dma_wait3A_410 = tpu.memref_squeeze %dma_wait3A_409 : memref<1x1x64xf32, #tpu.memory_space<vmem_shared>> -> memref<64xf32, #tpu.memory_space<vmem_shared>>
        %dma_wait3A_411 = arith.constant 0 : i32
        %dma_wait3A_412 = tpu.memref_slice %arg5[%dma_wait3A_405, %dma_wait3A_411] : memref<1000000x64xf32, #tpu.memory_space<hbm>> -> memref<1x64xf32, #tpu.memory_space<hbm>>
        %dma_wait3A_413 = tpu.memref_squeeze %dma_wait3A_412 : memref<1x64xf32, #tpu.memory_space<hbm>> -> memref<64xf32, #tpu.memory_space<hbm>>
        tpu.wait_dma2 semaphore(%arg26 : memref<!tpu.dma_semaphore, #tpu.memory_space<semaphore_mem>>) src(%dma_wait3A_413 : memref<64xf32, #tpu.memory_space<hbm>>) dst(%dma_wait3A_410 : memref<64xf32, #tpu.memory_space<vmem_shared>>)
        %dma_wait3A_414 = arith.constant 0 : i32
        %dma_wait3A_415 = arith.constant 0 : i32
        %dma_wait3A_416 = arith.constant 0 : i32
        %dma_wait3A_417 = arith.constant 0 : i32
        %dma_wait3A_418 = tpu.memref_slice %arg14[%dma_wait3A_415, %dma_wait3A_416, %dma_wait3A_417] : memref<16x256x64xf32, #tpu.memory_space<vmem_shared>> -> memref<1x1x64xf32, #tpu.memory_space<vmem_shared>>
        %dma_wait3A_419 = tpu.memref_squeeze %dma_wait3A_418 : memref<1x1x64xf32, #tpu.memory_space<vmem_shared>> -> memref<64xf32, #tpu.memory_space<vmem_shared>>
        %dma_wait3A_420 = arith.constant 0 : i32
        %dma_wait3A_421 = tpu.memref_slice %arg5[%dma_wait3A_414, %dma_wait3A_420] : memref<1000000x64xf32, #tpu.memory_space<hbm>> -> memref<1x64xf32, #tpu.memory_space<hbm>>
        %dma_wait3A_422 = tpu.memref_squeeze %dma_wait3A_421 : memref<1x64xf32, #tpu.memory_space<hbm>> -> memref<64xf32, #tpu.memory_space<hbm>>
        tpu.wait_dma2 semaphore(%arg26 : memref<!tpu.dma_semaphore, #tpu.memory_space<semaphore_mem>>) src(%dma_wait3A_422 : memref<64xf32, #tpu.memory_space<hbm>>) dst(%dma_wait3A_419 : memref<64xf32, #tpu.memory_space<vmem_shared>>)
        %dma_wait3A_423 = arith.constant 0 : i32
        %dma_wait3A_424 = arith.constant 0 : i32
        %dma_wait3A_425 = arith.constant 0 : i32
        %dma_wait3A_426 = arith.constant 0 : i32
        %dma_wait3A_427 = tpu.memref_slice %arg14[%dma_wait3A_424, %dma_wait3A_425, %dma_wait3A_426] : memref<16x256x64xf32, #tpu.memory_space<vmem_shared>> -> memref<1x1x64xf32, #tpu.memory_space<vmem_shared>>
        %dma_wait3A_428 = tpu.memref_squeeze %dma_wait3A_427 : memref<1x1x64xf32, #tpu.memory_space<vmem_shared>> -> memref<64xf32, #tpu.memory_space<vmem_shared>>
        %dma_wait3A_429 = arith.constant 0 : i32
        %dma_wait3A_430 = tpu.memref_slice %arg5[%dma_wait3A_423, %dma_wait3A_429] : memref<1000000x64xf32, #tpu.memory_space<hbm>> -> memref<1x64xf32, #tpu.memory_space<hbm>>
        %dma_wait3A_431 = tpu.memref_squeeze %dma_wait3A_430 : memref<1x64xf32, #tpu.memory_space<hbm>> -> memref<64xf32, #tpu.memory_space<hbm>>
        tpu.wait_dma2 semaphore(%arg26 : memref<!tpu.dma_semaphore, #tpu.memory_space<semaphore_mem>>) src(%dma_wait3A_431 : memref<64xf32, #tpu.memory_space<hbm>>) dst(%dma_wait3A_428 : memref<64xf32, #tpu.memory_space<vmem_shared>>)
        %dma_wait3A_432 = arith.constant 0 : i32
        %dma_wait3A_433 = arith.constant 0 : i32
        %dma_wait3A_434 = arith.constant 0 : i32
        %dma_wait3A_435 = arith.constant 0 : i32
        %dma_wait3A_436 = tpu.memref_slice %arg14[%dma_wait3A_433, %dma_wait3A_434, %dma_wait3A_435] : memref<16x256x64xf32, #tpu.memory_space<vmem_shared>> -> memref<1x1x64xf32, #tpu.memory_space<vmem_shared>>
        %dma_wait3A_437 = tpu.memref_squeeze %dma_wait3A_436 : memref<1x1x64xf32, #tpu.memory_space<vmem_shared>> -> memref<64xf32, #tpu.memory_space<vmem_shared>>
        %dma_wait3A_438 = arith.constant 0 : i32
        %dma_wait3A_439 = tpu.memref_slice %arg5[%dma_wait3A_432, %dma_wait3A_438] : memref<1000000x64xf32, #tpu.memory_space<hbm>> -> memref<1x64xf32, #tpu.memory_space<hbm>>
        %dma_wait3A_440 = tpu.memref_squeeze %dma_wait3A_439 : memref<1x64xf32, #tpu.memory_space<hbm>> -> memref<64xf32, #tpu.memory_space<hbm>>
        tpu.wait_dma2 semaphore(%arg26 : memref<!tpu.dma_semaphore, #tpu.memory_space<semaphore_mem>>) src(%dma_wait3A_440 : memref<64xf32, #tpu.memory_space<hbm>>) dst(%dma_wait3A_437 : memref<64xf32, #tpu.memory_space<vmem_shared>>)
        %scan3A_441 = arith.constant 0 : i32
        scf.yield %scan3A_441 : i32
      }
      %scan3A_360 = arith.constant 32 : i32
      "tpu.region"() ({
        %run_scoped3A = tpu.sem_alloc : memref<!tpu.dma_semaphore, #tpu.memory_space<semaphore_mem>>
        %dma_start3A_367 = arith.constant 0 : i32
        %dma_start3A_368 = arith.constant 0 : i32
        %dma_start3A_369 = tpu.memref_slice %arg14[%arg1, %dma_start3A_367, %dma_start3A_368] : memref<16x256x64xf32, #tpu.memory_space<vmem_shared>> -> memref<1x128x64xf32, #tpu.memory_space<vmem_shared>>
        %dma_start3A_370 = tpu.memref_squeeze %dma_start3A_369 : memref<1x128x64xf32, #tpu.memory_space<vmem_shared>> -> memref<128x64xf32, #tpu.memory_space<vmem_shared>>
        %dma_start3A_371 = arith.constant 0 : i32
        %dma_start3A_372 = arith.constant 0 : i32
        %dma_start3A_373 = tpu.memref_slice %arg14[%arg1, %dma_start3A_371, %dma_start3A_372] : memref<16x256x64xf32, #tpu.memory_space<vmem_shared>> -> memref<1x128x64xf32, #tpu.memory_space<vmem_shared>>
        %dma_start3A_374 = tpu.memref_squeeze %dma_start3A_373 : memref<1x128x64xf32, #tpu.memory_space<vmem_shared>> -> memref<128x64xf32, #tpu.memory_space<vmem_shared>>
        tpu.enqueue_dma source(%dma_start3A_374 : memref<128x64xf32, #tpu.memory_space<vmem_shared>>) target(%arg17 : memref<128x64xf32, #tpu.memory_space<vmem>>) target_semaphore(%run_scoped3A : memref<!tpu.dma_semaphore, #tpu.memory_space<semaphore_mem>>)
        %dma_wait3A_375 = arith.constant 0 : i32
        %dma_wait3A_376 = arith.constant 0 : i32
        %dma_wait3A_377 = tpu.memref_slice %arg14[%arg1, %dma_wait3A_375, %dma_wait3A_376] : memref<16x256x64xf32, #tpu.memory_space<vmem_shared>> -> memref<1x128x64xf32, #tpu.memory_space<vmem_shared>>
        %dma_wait3A_378 = tpu.memref_squeeze %dma_wait3A_377 : memref<1x128x64xf32, #tpu.memory_space<vmem_shared>> -> memref<128x64xf32, #tpu.memory_space<vmem_shared>>
        %dma_wait3A_379 = arith.constant 0 : i32
        %dma_wait3A_380 = arith.constant 0 : i32
        %dma_wait3A_381 = tpu.memref_slice %arg14[%arg1, %dma_wait3A_379, %dma_wait3A_380] : memref<16x256x64xf32, #tpu.memory_space<vmem_shared>> -> memref<1x128x64xf32, #tpu.memory_space<vmem_shared>>
        %dma_wait3A_382 = tpu.memref_squeeze %dma_wait3A_381 : memref<1x128x64xf32, #tpu.memory_space<vmem_shared>> -> memref<128x64xf32, #tpu.memory_space<vmem_shared>>
        tpu.wait_dma2 semaphore(%run_scoped3A : memref<!tpu.dma_semaphore, #tpu.memory_space<semaphore_mem>>) src(%dma_wait3A_382 : memref<128x64xf32, #tpu.memory_space<vmem_shared>>) dst(%arg17 : memref<128x64xf32, #tpu.memory_space<vmem>>)
        tpu.yield
      }) : () -> ()
      "tpu.region"() ({
        %run_scoped3A = tpu.sem_alloc : memref<!tpu.dma_semaphore, #tpu.memory_space<semaphore_mem>>
        %dma_start3A_367 = arith.constant 128 : i32
        %dma_start3A_368 = arith.constant 0 : i32
        %dma_start3A_369 = tpu.memref_slice %arg14[%arg1, %dma_start3A_367, %dma_start3A_368] : memref<16x256x64xf32, #tpu.memory_space<vmem_shared>> -> memref<1x128x64xf32, #tpu.memory_space<vmem_shared>>
        %dma_start3A_370 = tpu.memref_squeeze %dma_start3A_369 : memref<1x128x64xf32, #tpu.memory_space<vmem_shared>> -> memref<128x64xf32, #tpu.memory_space<vmem_shared>>
        %dma_start3A_371 = arith.constant 128 : i32
        %dma_start3A_372 = arith.constant 0 : i32
        %dma_start3A_373 = tpu.memref_slice %arg14[%arg1, %dma_start3A_371, %dma_start3A_372] : memref<16x256x64xf32, #tpu.memory_space<vmem_shared>> -> memref<1x128x64xf32, #tpu.memory_space<vmem_shared>>
        %dma_start3A_374 = tpu.memref_squeeze %dma_start3A_373 : memref<1x128x64xf32, #tpu.memory_space<vmem_shared>> -> memref<128x64xf32, #tpu.memory_space<vmem_shared>>
        tpu.enqueue_dma source(%dma_start3A_374 : memref<128x64xf32, #tpu.memory_space<vmem_shared>>) target(%arg18 : memref<128x64xf32, #tpu.memory_space<vmem>>) target_semaphore(%run_scoped3A : memref<!tpu.dma_semaphore, #tpu.memory_space<semaphore_mem>>)
        %dma_wait3A_375 = arith.constant 128 : i32
        %dma_wait3A_376 = arith.constant 0 : i32
        %dma_wait3A_377 = tpu.memref_slice %arg14[%arg1, %dma_wait3A_375, %dma_wait3A_376] : memref<16x256x64xf32, #tpu.memory_space<vmem_shared>> -> memref<1x128x64xf32, #tpu.memory_space<vmem_shared>>
        %dma_wait3A_378 = tpu.memref_squeeze %dma_wait3A_377 : memref<1x128x64xf32, #tpu.memory_space<vmem_shared>> -> memref<128x64xf32, #tpu.memory_space<vmem_shared>>
        %dma_wait3A_379 = arith.constant 128 : i32
        %dma_wait3A_380 = arith.constant 0 : i32
        %dma_wait3A_381 = tpu.memref_slice %arg14[%arg1, %dma_wait3A_379, %dma_wait3A_380] : memref<16x256x64xf32, #tpu.memory_space<vmem_shared>> -> memref<1x128x64xf32, #tpu.memory_space<vmem_shared>>
        %dma_wait3A_382 = tpu.memref_squeeze %dma_wait3A_381 : memref<1x128x64xf32, #tpu.memory_space<vmem_shared>> -> memref<128x64xf32, #tpu.memory_space<vmem_shared>>
        tpu.wait_dma2 semaphore(%run_scoped3A : memref<!tpu.dma_semaphore, #tpu.memory_space<semaphore_mem>>) src(%dma_wait3A_382 : memref<128x64xf32, #tpu.memory_space<vmem_shared>>) dst(%arg18 : memref<128x64xf32, #tpu.memory_space<vmem>>)
        tpu.yield
      }) : () -> ()
      %scan3A_361 = arith.constant 0 : i32
      %scan3A_362 = arith.constant 8 : i32
      %scan3A_363 = arith.addi %scan3A_361, %scan3A_362 : i32
      %scan3A_364 = arith.constant 1 : i32
      scf.for %scan3A_367 = %scan3A_361 to %scan3A_363 step %scan3A_364  : i32 {
        %mul3A_368 = arith.constant 16 : i32
        %mul3A_369 = arith.muli %scan3A_367, %mul3A_368 : i32
        %add3A_370 = vector.broadcast %mul3A_369 : i32 to vector<16xi32>
        %add3A_371 = arith.addi %add3A_370, %iota3A : vector<16xi32>
        %broadcast_in_dim3A_372 = arith.constant 0 : i32
        %broadcast_in_dim3A_373 = vector.broadcast %broadcast_in_dim3A_372 : i32 to vector<16xi32>
        %gather3A = tpu.vector_load_idx %arg18[%add3A_371, %broadcast_in_dim3A_373] : memref<128x64xf32, #tpu.memory_space<vmem>>[vector<16xi32>, vector<16xi32>], vector<16xf32>,
        %mul3A_374 = arith.mulf %gather3A, %gather3A : vector<16xf32>
        %add3A_375 = arith.addf %broadcast_in_dim3A_3, %mul3A_374 : vector<16xf32>
        %broadcast_in_dim3A_376 = arith.constant 1 : i32
        %broadcast_in_dim3A_377 = vector.broadcast %broadcast_in_dim3A_376 : i32 to vector<16xi32>
        %gather3A_378 = tpu.vector_load_idx %arg18[%add3A_371, %broadcast_in_dim3A_377] : memref<128x64xf32, #tpu.memory_space<vmem>>[vector<16xi32>, vector<16xi32>], vector<16xf32>,
        %mul3A_379 = arith.mulf %gather3A_378, %gather3A_378 : vector<16xf32>
        %add3A_380 = arith.addf %add3A_375, %mul3A_379 : vector<16xf32>
        %broadcast_in_dim3A_381 = arith.constant 2 : i32
        %broadcast_in_dim3A_382 = vector.broadcast %broadcast_in_dim3A_381 : i32 to vector<16xi32>
        %gather3A_383 = tpu.vector_load_idx %arg18[%add3A_371, %broadcast_in_dim3A_382] : memref<128x64xf32, #tpu.memory_space<vmem>>[vector<16xi32>, vector<16xi32>], vector<16xf32>,
        %mul3A_384 = arith.mulf %gather3A_383, %gather3A_383 : vector<16xf32>
        %add3A_385 = arith.addf %add3A_380, %mul3A_384 : vector<16xf32>
        %broadcast_in_dim3A_386 = arith.constant 3 : i32
        %broadcast_in_dim3A_387 = vector.broadcast %broadcast_in_dim3A_386 : i32 to vector<16xi32>
        %gather3A_388 = tpu.vector_load_idx %arg18[%add3A_371, %broadcast_in_dim3A_387] : memref<128x64xf32, #tpu.memory_space<vmem>>[vector<16xi32>, vector<16xi32>], vector<16xf32>,
        %mul3A_389 = arith.mulf %gather3A_388, %gather3A_388 : vector<16xf32>
        %add3A_390 = arith.addf %add3A_385, %mul3A_389 : vector<16xf32>
        %broadcast_in_dim3A_391 = arith.constant 4 : i32
        %broadcast_in_dim3A_392 = vector.broadcast %broadcast_in_dim3A_391 : i32 to vector<16xi32>
        %gather3A_393 = tpu.vector_load_idx %arg18[%add3A_371, %broadcast_in_dim3A_392] : memref<128x64xf32, #tpu.memory_space<vmem>>[vector<16xi32>, vector<16xi32>], vector<16xf32>,
        %mul3A_394 = arith.mulf %gather3A_393, %gather3A_393 : vector<16xf32>
        %add3A_395 = arith.addf %add3A_390, %mul3A_394 : vector<16xf32>
        %broadcast_in_dim3A_396 = arith.constant 5 : i32
        %broadcast_in_dim3A_397 = vector.broadcast %broadcast_in_dim3A_396 : i32 to vector<16xi32>
        %gather3A_398 = tpu.vector_load_idx %arg18[%add3A_371, %broadcast_in_dim3A_397] : memref<128x64xf32, #tpu.memory_space<vmem>>[vector<16xi32>, vector<16xi32>], vector<16xf32>,
        %mul3A_399 = arith.mulf %gather3A_398, %gather3A_398 : vector<16xf32>
        %add3A_400 = arith.addf %add3A_395, %mul3A_399 : vector<16xf32>
        %broadcast_in_dim3A_401 = arith.constant 6 : i32
        %broadcast_in_dim3A_402 = vector.broadcast %broadcast_in_dim3A_401 : i32 to vector<16xi32>
        %gather3A_403 = tpu.vector_load_idx %arg18[%add3A_371, %broadcast_in_dim3A_402] : memref<128x64xf32, #tpu.memory_space<vmem>>[vector<16xi32>, vector<16xi32>], vector<16xf32>,
        %mul3A_404 = arith.mulf %gather3A_403, %gather3A_403 : vector<16xf32>
        %add3A_405 = arith.addf %add3A_400, %mul3A_404 : vector<16xf32>
        %broadcast_in_dim3A_406 = arith.constant 7 : i32
        %broadcast_in_dim3A_407 = vector.broadcast %broadcast_in_dim3A_406 : i32 to vector<16xi32>
        %gather3A_408 = tpu.vector_load_idx %arg18[%add3A_371, %broadcast_in_dim3A_407] : memref<128x64xf32, #tpu.memory_space<vmem>>[vector<16xi32>, vector<16xi32>], vector<16xf32>,
        %mul3A_409 = arith.mulf %gather3A_408, %gather3A_408 : vector<16xf32>
        %add3A_410 = arith.addf %add3A_405, %mul3A_409 : vector<16xf32>
        %broadcast_in_dim3A_411 = arith.constant 8 : i32
        %broadcast_in_dim3A_412 = vector.broadcast %broadcast_in_dim3A_411 : i32 to vector<16xi32>
        %gather3A_413 = tpu.vector_load_idx %arg18[%add3A_371, %broadcast_in_dim3A_412] : memref<128x64xf32, #tpu.memory_space<vmem>>[vector<16xi32>, vector<16xi32>], vector<16xf32>,
        %mul3A_414 = arith.mulf %gather3A_413, %gather3A_413 : vector<16xf32>
        %add3A_415 = arith.addf %add3A_410, %mul3A_414 : vector<16xf32>
        %broadcast_in_dim3A_416 = arith.constant 9 : i32
        %broadcast_in_dim3A_417 = vector.broadcast %broadcast_in_dim3A_416 : i32 to vector<16xi32>
        %gather3A_418 = tpu.vector_load_idx %arg18[%add3A_371, %broadcast_in_dim3A_417] : memref<128x64xf32, #tpu.memory_space<vmem>>[vector<16xi32>, vector<16xi32>], vector<16xf32>,
        %mul3A_419 = arith.mulf %gather3A_418, %gather3A_418 : vector<16xf32>
        %add3A_420 = arith.addf %add3A_415, %mul3A_419 : vector<16xf32>
        %broadcast_in_dim3A_421 = arith.constant 10 : i32
        %broadcast_in_dim3A_422 = vector.broadcast %broadcast_in_dim3A_421 : i32 to vector<16xi32>
        %gather3A_423 = tpu.vector_load_idx %arg18[%add3A_371, %broadcast_in_dim3A_422] : memref<128x64xf32, #tpu.memory_space<vmem>>[vector<16xi32>, vector<16xi32>], vector<16xf32>,
        %mul3A_424 = arith.mulf %gather3A_423, %gather3A_423 : vector<16xf32>
        %add3A_425 = arith.addf %add3A_420, %mul3A_424 : vector<16xf32>
        %broadcast_in_dim3A_426 = arith.constant 11 : i32
        %broadcast_in_dim3A_427 = vector.broadcast %broadcast_in_dim3A_426 : i32 to vector<16xi32>
        %gather3A_428 = tpu.vector_load_idx %arg18[%add3A_371, %broadcast_in_dim3A_427] : memref<128x64xf32, #tpu.memory_space<vmem>>[vector<16xi32>, vector<16xi32>], vector<16xf32>,
        %mul3A_429 = arith.mulf %gather3A_428, %gather3A_428 : vector<16xf32>
        %add3A_430 = arith.addf %add3A_425, %mul3A_429 : vector<16xf32>
        %broadcast_in_dim3A_431 = arith.constant 12 : i32
        %broadcast_in_dim3A_432 = vector.broadcast %broadcast_in_dim3A_431 : i32 to vector<16xi32>
        %gather3A_433 = tpu.vector_load_idx %arg18[%add3A_371, %broadcast_in_dim3A_432] : memref<128x64xf32, #tpu.memory_space<vmem>>[vector<16xi32>, vector<16xi32>], vector<16xf32>,
        %mul3A_434 = arith.mulf %gather3A_433, %gather3A_433 : vector<16xf32>
        %add3A_435 = arith.addf %add3A_430, %mul3A_434 : vector<16xf32>
        %broadcast_in_dim3A_436 = arith.constant 13 : i32
        %broadcast_in_dim3A_437 = vector.broadcast %broadcast_in_dim3A_436 : i32 to vector<16xi32>
        %gather3A_438 = tpu.vector_load_idx %arg18[%add3A_371, %broadcast_in_dim3A_437] : memref<128x64xf32, #tpu.memory_space<vmem>>[vector<16xi32>, vector<16xi32>], vector<16xf32>,
        %mul3A_439 = arith.mulf %gather3A_438, %gather3A_438 : vector<16xf32>
        %add3A_440 = arith.addf %add3A_435, %mul3A_439 : vector<16xf32>
        %broadcast_in_dim3A_441 = arith.constant 14 : i32
        %broadcast_in_dim3A_442 = vector.broadcast %broadcast_in_dim3A_441 : i32 to vector<16xi32>
        %gather3A_443 = tpu.vector_load_idx %arg18[%add3A_371, %broadcast_in_dim3A_442] : memref<128x64xf32, #tpu.memory_space<vmem>>[vector<16xi32>, vector<16xi32>], vector<16xf32>,
        %mul3A_444 = arith.mulf %gather3A_443, %gather3A_443 : vector<16xf32>
        %add3A_445 = arith.addf %add3A_440, %mul3A_444 : vector<16xf32>
        %broadcast_in_dim3A_446 = arith.constant 15 : i32
        %broadcast_in_dim3A_447 = vector.broadcast %broadcast_in_dim3A_446 : i32 to vector<16xi32>
        %gather3A_448 = tpu.vector_load_idx %arg18[%add3A_371, %broadcast_in_dim3A_447] : memref<128x64xf32, #tpu.memory_space<vmem>>[vector<16xi32>, vector<16xi32>], vector<16xf32>,
        %mul3A_449 = arith.mulf %gather3A_448, %gather3A_448 : vector<16xf32>
        %add3A_450 = arith.addf %add3A_445, %mul3A_449 : vector<16xf32>
        %broadcast_in_dim3A_451 = arith.constant 16 : i32
        %broadcast_in_dim3A_452 = vector.broadcast %broadcast_in_dim3A_451 : i32 to vector<16xi32>
        %gather3A_453 = tpu.vector_load_idx %arg18[%add3A_371, %broadcast_in_dim3A_452] : memref<128x64xf32, #tpu.memory_space<vmem>>[vector<16xi32>, vector<16xi32>], vector<16xf32>,
        %mul3A_454 = arith.mulf %gather3A_453, %gather3A_453 : vector<16xf32>
        %add3A_455 = arith.addf %add3A_450, %mul3A_454 : vector<16xf32>
        %broadcast_in_dim3A_456 = arith.constant 17 : i32
        %broadcast_in_dim3A_457 = vector.broadcast %broadcast_in_dim3A_456 : i32 to vector<16xi32>
        %gather3A_458 = tpu.vector_load_idx %arg18[%add3A_371, %broadcast_in_dim3A_457] : memref<128x64xf32, #tpu.memory_space<vmem>>[vector<16xi32>, vector<16xi32>], vector<16xf32>,
        %mul3A_459 = arith.mulf %gather3A_458, %gather3A_458 : vector<16xf32>
        %add3A_460 = arith.addf %add3A_455, %mul3A_459 : vector<16xf32>
        %broadcast_in_dim3A_461 = arith.constant 18 : i32
        %broadcast_in_dim3A_462 = vector.broadcast %broadcast_in_dim3A_461 : i32 to vector<16xi32>
        %gather3A_463 = tpu.vector_load_idx %arg18[%add3A_371, %broadcast_in_dim3A_462] : memref<128x64xf32, #tpu.memory_space<vmem>>[vector<16xi32>, vector<16xi32>], vector<16xf32>,
        %mul3A_464 = arith.mulf %gather3A_463, %gather3A_463 : vector<16xf32>
        %add3A_465 = arith.addf %add3A_460, %mul3A_464 : vector<16xf32>
        %broadcast_in_dim3A_466 = arith.constant 19 : i32
        %broadcast_in_dim3A_467 = vector.broadcast %broadcast_in_dim3A_466 : i32 to vector<16xi32>
        %gather3A_468 = tpu.vector_load_idx %arg18[%add3A_371, %broadcast_in_dim3A_467] : memref<128x64xf32, #tpu.memory_space<vmem>>[vector<16xi32>, vector<16xi32>], vector<16xf32>,
        %mul3A_469 = arith.mulf %gather3A_468, %gather3A_468 : vector<16xf32>
        %add3A_470 = arith.addf %add3A_465, %mul3A_469 : vector<16xf32>
        %broadcast_in_dim3A_471 = arith.constant 20 : i32
        %broadcast_in_dim3A_472 = vector.broadcast %broadcast_in_dim3A_471 : i32 to vector<16xi32>
        %gather3A_473 = tpu.vector_load_idx %arg18[%add3A_371, %broadcast_in_dim3A_472] : memref<128x64xf32, #tpu.memory_space<vmem>>[vector<16xi32>, vector<16xi32>], vector<16xf32>,
        %mul3A_474 = arith.mulf %gather3A_473, %gather3A_473 : vector<16xf32>
        %add3A_475 = arith.addf %add3A_470, %mul3A_474 : vector<16xf32>
        %broadcast_in_dim3A_476 = arith.constant 21 : i32
        %broadcast_in_dim3A_477 = vector.broadcast %broadcast_in_dim3A_476 : i32 to vector<16xi32>
        %gather3A_478 = tpu.vector_load_idx %arg18[%add3A_371, %broadcast_in_dim3A_477] : memref<128x64xf32, #tpu.memory_space<vmem>>[vector<16xi32>, vector<16xi32>], vector<16xf32>,
        %mul3A_479 = arith.mulf %gather3A_478, %gather3A_478 : vector<16xf32>
        %add3A_480 = arith.addf %add3A_475, %mul3A_479 : vector<16xf32>
        %broadcast_in_dim3A_481 = arith.constant 22 : i32
        %broadcast_in_dim3A_482 = vector.broadcast %broadcast_in_dim3A_481 : i32 to vector<16xi32>
        %gather3A_483 = tpu.vector_load_idx %arg18[%add3A_371, %broadcast_in_dim3A_482] : memref<128x64xf32, #tpu.memory_space<vmem>>[vector<16xi32>, vector<16xi32>], vector<16xf32>,
        %mul3A_484 = arith.mulf %gather3A_483, %gather3A_483 : vector<16xf32>
        %add3A_485 = arith.addf %add3A_480, %mul3A_484 : vector<16xf32>
        %broadcast_in_dim3A_486 = arith.constant 23 : i32
        %broadcast_in_dim3A_487 = vector.broadcast %broadcast_in_dim3A_486 : i32 to vector<16xi32>
        %gather3A_488 = tpu.vector_load_idx %arg18[%add3A_371, %broadcast_in_dim3A_487] : memref<128x64xf32, #tpu.memory_space<vmem>>[vector<16xi32>, vector<16xi32>], vector<16xf32>,
        %mul3A_489 = arith.mulf %gather3A_488, %gather3A_488 : vector<16xf32>
        %add3A_490 = arith.addf %add3A_485, %mul3A_489 : vector<16xf32>
        %broadcast_in_dim3A_491 = arith.constant 24 : i32
        %broadcast_in_dim3A_492 = vector.broadcast %broadcast_in_dim3A_491 : i32 to vector<16xi32>
        %gather3A_493 = tpu.vector_load_idx %arg18[%add3A_371, %broadcast_in_dim3A_492] : memref<128x64xf32, #tpu.memory_space<vmem>>[vector<16xi32>, vector<16xi32>], vector<16xf32>,
        %mul3A_494 = arith.mulf %gather3A_493, %gather3A_493 : vector<16xf32>
        %add3A_495 = arith.addf %add3A_490, %mul3A_494 : vector<16xf32>
        %broadcast_in_dim3A_496 = arith.constant 25 : i32
        %broadcast_in_dim3A_497 = vector.broadcast %broadcast_in_dim3A_496 : i32 to vector<16xi32>
        %gather3A_498 = tpu.vector_load_idx %arg18[%add3A_371, %broadcast_in_dim3A_497] : memref<128x64xf32, #tpu.memory_space<vmem>>[vector<16xi32>, vector<16xi32>], vector<16xf32>,
        %mul3A_499 = arith.mulf %gather3A_498, %gather3A_498 : vector<16xf32>
        %add3A_500 = arith.addf %add3A_495, %mul3A_499 : vector<16xf32>
        %broadcast_in_dim3A_501 = arith.constant 26 : i32
        %broadcast_in_dim3A_502 = vector.broadcast %broadcast_in_dim3A_501 : i32 to vector<16xi32>
        %gather3A_503 = tpu.vector_load_idx %arg18[%add3A_371, %broadcast_in_dim3A_502] : memref<128x64xf32, #tpu.memory_space<vmem>>[vector<16xi32>, vector<16xi32>], vector<16xf32>,
        %mul3A_504 = arith.mulf %gather3A_503, %gather3A_503 : vector<16xf32>
        %add3A_505 = arith.addf %add3A_500, %mul3A_504 : vector<16xf32>
        %broadcast_in_dim3A_506 = arith.constant 27 : i32
        %broadcast_in_dim3A_507 = vector.broadcast %broadcast_in_dim3A_506 : i32 to vector<16xi32>
        %gather3A_508 = tpu.vector_load_idx %arg18[%add3A_371, %broadcast_in_dim3A_507] : memref<128x64xf32, #tpu.memory_space<vmem>>[vector<16xi32>, vector<16xi32>], vector<16xf32>,
        %mul3A_509 = arith.mulf %gather3A_508, %gather3A_508 : vector<16xf32>
        %add3A_510 = arith.addf %add3A_505, %mul3A_509 : vector<16xf32>
        %broadcast_in_dim3A_511 = arith.constant 28 : i32
        %broadcast_in_dim3A_512 = vector.broadcast %broadcast_in_dim3A_511 : i32 to vector<16xi32>
        %gather3A_513 = tpu.vector_load_idx %arg18[%add3A_371, %broadcast_in_dim3A_512] : memref<128x64xf32, #tpu.memory_space<vmem>>[vector<16xi32>, vector<16xi32>], vector<16xf32>,
        %mul3A_514 = arith.mulf %gather3A_513, %gather3A_513 : vector<16xf32>
        %add3A_515 = arith.addf %add3A_510, %mul3A_514 : vector<16xf32>
        %broadcast_in_dim3A_516 = arith.constant 29 : i32
        %broadcast_in_dim3A_517 = vector.broadcast %broadcast_in_dim3A_516 : i32 to vector<16xi32>
        %gather3A_518 = tpu.vector_load_idx %arg18[%add3A_371, %broadcast_in_dim3A_517] : memref<128x64xf32, #tpu.memory_space<vmem>>[vector<16xi32>, vector<16xi32>], vector<16xf32>,
        %mul3A_519 = arith.mulf %gather3A_518, %gather3A_518 : vector<16xf32>
        %add3A_520 = arith.addf %add3A_515, %mul3A_519 : vector<16xf32>
        %broadcast_in_dim3A_521 = arith.constant 30 : i32
        %broadcast_in_dim3A_522 = vector.broadcast %broadcast_in_dim3A_521 : i32 to vector<16xi32>
        %gather3A_523 = tpu.vector_load_idx %arg18[%add3A_371, %broadcast_in_dim3A_522] : memref<128x64xf32, #tpu.memory_space<vmem>>[vector<16xi32>, vector<16xi32>], vector<16xf32>,
        %mul3A_524 = arith.mulf %gather3A_523, %gather3A_523 : vector<16xf32>
        %add3A_525 = arith.addf %add3A_520, %mul3A_524 : vector<16xf32>
        %broadcast_in_dim3A_526 = arith.constant 31 : i32
        %broadcast_in_dim3A_527 = vector.broadcast %broadcast_in_dim3A_526 : i32 to vector<16xi32>
        %gather3A_528 = tpu.vector_load_idx %arg18[%add3A_371, %broadcast_in_dim3A_527] : memref<128x64xf32, #tpu.memory_space<vmem>>[vector<16xi32>, vector<16xi32>], vector<16xf32>,
        %mul3A_529 = arith.mulf %gather3A_528, %gather3A_528 : vector<16xf32>
        %add3A_530 = arith.addf %add3A_525, %mul3A_529 : vector<16xf32>
        %broadcast_in_dim3A_531 = arith.constant 32 : i32
        %broadcast_in_dim3A_532 = vector.broadcast %broadcast_in_dim3A_531 : i32 to vector<16xi32>
        %gather3A_533 = tpu.vector_load_idx %arg18[%add3A_371, %broadcast_in_dim3A_532] : memref<128x64xf32, #tpu.memory_space<vmem>>[vector<16xi32>, vector<16xi32>], vector<16xf32>,
        %mul3A_534 = arith.mulf %gather3A_533, %gather3A_533 : vector<16xf32>
        %add3A_535 = arith.addf %add3A_530, %mul3A_534 : vector<16xf32>
        %broadcast_in_dim3A_536 = arith.constant 33 : i32
        %broadcast_in_dim3A_537 = vector.broadcast %broadcast_in_dim3A_536 : i32 to vector<16xi32>
        %gather3A_538 = tpu.vector_load_idx %arg18[%add3A_371, %broadcast_in_dim3A_537] : memref<128x64xf32, #tpu.memory_space<vmem>>[vector<16xi32>, vector<16xi32>], vector<16xf32>,
        %mul3A_539 = arith.mulf %gather3A_538, %gather3A_538 : vector<16xf32>
        %add3A_540 = arith.addf %add3A_535, %mul3A_539 : vector<16xf32>
        %broadcast_in_dim3A_541 = arith.constant 34 : i32
        %broadcast_in_dim3A_542 = vector.broadcast %broadcast_in_dim3A_541 : i32 to vector<16xi32>
        %gather3A_543 = tpu.vector_load_idx %arg18[%add3A_371, %broadcast_in_dim3A_542] : memref<128x64xf32, #tpu.memory_space<vmem>>[vector<16xi32>, vector<16xi32>], vector<16xf32>,
        %mul3A_544 = arith.mulf %gather3A_543, %gather3A_543 : vector<16xf32>
        %add3A_545 = arith.addf %add3A_540, %mul3A_544 : vector<16xf32>
        %broadcast_in_dim3A_546 = arith.constant 35 : i32
        %broadcast_in_dim3A_547 = vector.broadcast %broadcast_in_dim3A_546 : i32 to vector<16xi32>
        %gather3A_548 = tpu.vector_load_idx %arg18[%add3A_371, %broadcast_in_dim3A_547] : memref<128x64xf32, #tpu.memory_space<vmem>>[vector<16xi32>, vector<16xi32>], vector<16xf32>,
        %mul3A_549 = arith.mulf %gather3A_548, %gather3A_548 : vector<16xf32>
        %add3A_550 = arith.addf %add3A_545, %mul3A_549 : vector<16xf32>
        %broadcast_in_dim3A_551 = arith.constant 36 : i32
        %broadcast_in_dim3A_552 = vector.broadcast %broadcast_in_dim3A_551 : i32 to vector<16xi32>
        %gather3A_553 = tpu.vector_load_idx %arg18[%add3A_371, %broadcast_in_dim3A_552] : memref<128x64xf32, #tpu.memory_space<vmem>>[vector<16xi32>, vector<16xi32>], vector<16xf32>,
        %mul3A_554 = arith.mulf %gather3A_553, %gather3A_553 : vector<16xf32>
        %add3A_555 = arith.addf %add3A_550, %mul3A_554 : vector<16xf32>
        %broadcast_in_dim3A_556 = arith.constant 37 : i32
        %broadcast_in_dim3A_557 = vector.broadcast %broadcast_in_dim3A_556 : i32 to vector<16xi32>
        %gather3A_558 = tpu.vector_load_idx %arg18[%add3A_371, %broadcast_in_dim3A_557] : memref<128x64xf32, #tpu.memory_space<vmem>>[vector<16xi32>, vector<16xi32>], vector<16xf32>,
        %mul3A_559 = arith.mulf %gather3A_558, %gather3A_558 : vector<16xf32>
        %add3A_560 = arith.addf %add3A_555, %mul3A_559 : vector<16xf32>
        %broadcast_in_dim3A_561 = arith.constant 38 : i32
        %broadcast_in_dim3A_562 = vector.broadcast %broadcast_in_dim3A_561 : i32 to vector<16xi32>
        %gather3A_563 = tpu.vector_load_idx %arg18[%add3A_371, %broadcast_in_dim3A_562] : memref<128x64xf32, #tpu.memory_space<vmem>>[vector<16xi32>, vector<16xi32>], vector<16xf32>,
        %mul3A_564 = arith.mulf %gather3A_563, %gather3A_563 : vector<16xf32>
        %add3A_565 = arith.addf %add3A_560, %mul3A_564 : vector<16xf32>
        %broadcast_in_dim3A_566 = arith.constant 39 : i32
        %broadcast_in_dim3A_567 = vector.broadcast %broadcast_in_dim3A_566 : i32 to vector<16xi32>
        %gather3A_568 = tpu.vector_load_idx %arg18[%add3A_371, %broadcast_in_dim3A_567] : memref<128x64xf32, #tpu.memory_space<vmem>>[vector<16xi32>, vector<16xi32>], vector<16xf32>,
        %mul3A_569 = arith.mulf %gather3A_568, %gather3A_568 : vector<16xf32>
        %add3A_570 = arith.addf %add3A_565, %mul3A_569 : vector<16xf32>
        %broadcast_in_dim3A_571 = arith.constant 40 : i32
        %broadcast_in_dim3A_572 = vector.broadcast %broadcast_in_dim3A_571 : i32 to vector<16xi32>
        %gather3A_573 = tpu.vector_load_idx %arg18[%add3A_371, %broadcast_in_dim3A_572] : memref<128x64xf32, #tpu.memory_space<vmem>>[vector<16xi32>, vector<16xi32>], vector<16xf32>,
        %mul3A_574 = arith.mulf %gather3A_573, %gather3A_573 : vector<16xf32>
        %add3A_575 = arith.addf %add3A_570, %mul3A_574 : vector<16xf32>
        %broadcast_in_dim3A_576 = arith.constant 41 : i32
        %broadcast_in_dim3A_577 = vector.broadcast %broadcast_in_dim3A_576 : i32 to vector<16xi32>
        %gather3A_578 = tpu.vector_load_idx %arg18[%add3A_371, %broadcast_in_dim3A_577] : memref<128x64xf32, #tpu.memory_space<vmem>>[vector<16xi32>, vector<16xi32>], vector<16xf32>,
        %mul3A_579 = arith.mulf %gather3A_578, %gather3A_578 : vector<16xf32>
        %add3A_580 = arith.addf %add3A_575, %mul3A_579 : vector<16xf32>
        %broadcast_in_dim3A_581 = arith.constant 42 : i32
        %broadcast_in_dim3A_582 = vector.broadcast %broadcast_in_dim3A_581 : i32 to vector<16xi32>
        %gather3A_583 = tpu.vector_load_idx %arg18[%add3A_371, %broadcast_in_dim3A_582] : memref<128x64xf32, #tpu.memory_space<vmem>>[vector<16xi32>, vector<16xi32>], vector<16xf32>,
        %mul3A_584 = arith.mulf %gather3A_583, %gather3A_583 : vector<16xf32>
        %add3A_585 = arith.addf %add3A_580, %mul3A_584 : vector<16xf32>
        %broadcast_in_dim3A_586 = arith.constant 43 : i32
        %broadcast_in_dim3A_587 = vector.broadcast %broadcast_in_dim3A_586 : i32 to vector<16xi32>
        %gather3A_588 = tpu.vector_load_idx %arg18[%add3A_371, %broadcast_in_dim3A_587] : memref<128x64xf32, #tpu.memory_space<vmem>>[vector<16xi32>, vector<16xi32>], vector<16xf32>,
        %mul3A_589 = arith.mulf %gather3A_588, %gather3A_588 : vector<16xf32>
        %add3A_590 = arith.addf %add3A_585, %mul3A_589 : vector<16xf32>
        %broadcast_in_dim3A_591 = arith.constant 44 : i32
        %broadcast_in_dim3A_592 = vector.broadcast %broadcast_in_dim3A_591 : i32 to vector<16xi32>
        %gather3A_593 = tpu.vector_load_idx %arg18[%add3A_371, %broadcast_in_dim3A_592] : memref<128x64xf32, #tpu.memory_space<vmem>>[vector<16xi32>, vector<16xi32>], vector<16xf32>,
        %mul3A_594 = arith.mulf %gather3A_593, %gather3A_593 : vector<16xf32>
        %add3A_595 = arith.addf %add3A_590, %mul3A_594 : vector<16xf32>
        %broadcast_in_dim3A_596 = arith.constant 45 : i32
        %broadcast_in_dim3A_597 = vector.broadcast %broadcast_in_dim3A_596 : i32 to vector<16xi32>
        %gather3A_598 = tpu.vector_load_idx %arg18[%add3A_371, %broadcast_in_dim3A_597] : memref<128x64xf32, #tpu.memory_space<vmem>>[vector<16xi32>, vector<16xi32>], vector<16xf32>,
        %mul3A_599 = arith.mulf %gather3A_598, %gather3A_598 : vector<16xf32>
        %add3A_600 = arith.addf %add3A_595, %mul3A_599 : vector<16xf32>
        %broadcast_in_dim3A_601 = arith.constant 46 : i32
        %broadcast_in_dim3A_602 = vector.broadcast %broadcast_in_dim3A_601 : i32 to vector<16xi32>
        %gather3A_603 = tpu.vector_load_idx %arg18[%add3A_371, %broadcast_in_dim3A_602] : memref<128x64xf32, #tpu.memory_space<vmem>>[vector<16xi32>, vector<16xi32>], vector<16xf32>,
        %mul3A_604 = arith.mulf %gather3A_603, %gather3A_603 : vector<16xf32>
        %add3A_605 = arith.addf %add3A_600, %mul3A_604 : vector<16xf32>
        %broadcast_in_dim3A_606 = arith.constant 47 : i32
        %broadcast_in_dim3A_607 = vector.broadcast %broadcast_in_dim3A_606 : i32 to vector<16xi32>
        %gather3A_608 = tpu.vector_load_idx %arg18[%add3A_371, %broadcast_in_dim3A_607] : memref<128x64xf32, #tpu.memory_space<vmem>>[vector<16xi32>, vector<16xi32>], vector<16xf32>,
        %mul3A_609 = arith.mulf %gather3A_608, %gather3A_608 : vector<16xf32>
        %add3A_610 = arith.addf %add3A_605, %mul3A_609 : vector<16xf32>
        %broadcast_in_dim3A_611 = arith.constant 48 : i32
        %broadcast_in_dim3A_612 = vector.broadcast %broadcast_in_dim3A_611 : i32 to vector<16xi32>
        %gather3A_613 = tpu.vector_load_idx %arg18[%add3A_371, %broadcast_in_dim3A_612] : memref<128x64xf32, #tpu.memory_space<vmem>>[vector<16xi32>, vector<16xi32>], vector<16xf32>,
        %mul3A_614 = arith.mulf %gather3A_613, %gather3A_613 : vector<16xf32>
        %add3A_615 = arith.addf %add3A_610, %mul3A_614 : vector<16xf32>
        %broadcast_in_dim3A_616 = arith.constant 49 : i32
        %broadcast_in_dim3A_617 = vector.broadcast %broadcast_in_dim3A_616 : i32 to vector<16xi32>
        %gather3A_618 = tpu.vector_load_idx %arg18[%add3A_371, %broadcast_in_dim3A_617] : memref<128x64xf32, #tpu.memory_space<vmem>>[vector<16xi32>, vector<16xi32>], vector<16xf32>,
        %mul3A_619 = arith.mulf %gather3A_618, %gather3A_618 : vector<16xf32>
        %add3A_620 = arith.addf %add3A_615, %mul3A_619 : vector<16xf32>
        %broadcast_in_dim3A_621 = arith.constant 50 : i32
        %broadcast_in_dim3A_622 = vector.broadcast %broadcast_in_dim3A_621 : i32 to vector<16xi32>
        %gather3A_623 = tpu.vector_load_idx %arg18[%add3A_371, %broadcast_in_dim3A_622] : memref<128x64xf32, #tpu.memory_space<vmem>>[vector<16xi32>, vector<16xi32>], vector<16xf32>,
        %mul3A_624 = arith.mulf %gather3A_623, %gather3A_623 : vector<16xf32>
        %add3A_625 = arith.addf %add3A_620, %mul3A_624 : vector<16xf32>
        %broadcast_in_dim3A_626 = arith.constant 51 : i32
        %broadcast_in_dim3A_627 = vector.broadcast %broadcast_in_dim3A_626 : i32 to vector<16xi32>
        %gather3A_628 = tpu.vector_load_idx %arg18[%add3A_371, %broadcast_in_dim3A_627] : memref<128x64xf32, #tpu.memory_space<vmem>>[vector<16xi32>, vector<16xi32>], vector<16xf32>,
        %mul3A_629 = arith.mulf %gather3A_628, %gather3A_628 : vector<16xf32>
        %add3A_630 = arith.addf %add3A_625, %mul3A_629 : vector<16xf32>
        %broadcast_in_dim3A_631 = arith.constant 52 : i32
        %broadcast_in_dim3A_632 = vector.broadcast %broadcast_in_dim3A_631 : i32 to vector<16xi32>
        %gather3A_633 = tpu.vector_load_idx %arg18[%add3A_371, %broadcast_in_dim3A_632] : memref<128x64xf32, #tpu.memory_space<vmem>>[vector<16xi32>, vector<16xi32>], vector<16xf32>,
        %mul3A_634 = arith.mulf %gather3A_633, %gather3A_633 : vector<16xf32>
        %add3A_635 = arith.addf %add3A_630, %mul3A_634 : vector<16xf32>
        %broadcast_in_dim3A_636 = arith.constant 53 : i32
        %broadcast_in_dim3A_637 = vector.broadcast %broadcast_in_dim3A_636 : i32 to vector<16xi32>
        %gather3A_638 = tpu.vector_load_idx %arg18[%add3A_371, %broadcast_in_dim3A_637] : memref<128x64xf32, #tpu.memory_space<vmem>>[vector<16xi32>, vector<16xi32>], vector<16xf32>,
        %mul3A_639 = arith.mulf %gather3A_638, %gather3A_638 : vector<16xf32>
        %add3A_640 = arith.addf %add3A_635, %mul3A_639 : vector<16xf32>
        %broadcast_in_dim3A_641 = arith.constant 54 : i32
        %broadcast_in_dim3A_642 = vector.broadcast %broadcast_in_dim3A_641 : i32 to vector<16xi32>
        %gather3A_643 = tpu.vector_load_idx %arg18[%add3A_371, %broadcast_in_dim3A_642] : memref<128x64xf32, #tpu.memory_space<vmem>>[vector<16xi32>, vector<16xi32>], vector<16xf32>,
        %mul3A_644 = arith.mulf %gather3A_643, %gather3A_643 : vector<16xf32>
        %add3A_645 = arith.addf %add3A_640, %mul3A_644 : vector<16xf32>
        %broadcast_in_dim3A_646 = arith.constant 55 : i32
        %broadcast_in_dim3A_647 = vector.broadcast %broadcast_in_dim3A_646 : i32 to vector<16xi32>
        %gather3A_648 = tpu.vector_load_idx %arg18[%add3A_371, %broadcast_in_dim3A_647] : memref<128x64xf32, #tpu.memory_space<vmem>>[vector<16xi32>, vector<16xi32>], vector<16xf32>,
        %mul3A_649 = arith.mulf %gather3A_648, %gather3A_648 : vector<16xf32>
        %add3A_650 = arith.addf %add3A_645, %mul3A_649 : vector<16xf32>
        %broadcast_in_dim3A_651 = arith.constant 56 : i32
        %broadcast_in_dim3A_652 = vector.broadcast %broadcast_in_dim3A_651 : i32 to vector<16xi32>
        %gather3A_653 = tpu.vector_load_idx %arg18[%add3A_371, %broadcast_in_dim3A_652] : memref<128x64xf32, #tpu.memory_space<vmem>>[vector<16xi32>, vector<16xi32>], vector<16xf32>,
        %mul3A_654 = arith.mulf %gather3A_653, %gather3A_653 : vector<16xf32>
        %add3A_655 = arith.addf %add3A_650, %mul3A_654 : vector<16xf32>
        %broadcast_in_dim3A_656 = arith.constant 57 : i32
        %broadcast_in_dim3A_657 = vector.broadcast %broadcast_in_dim3A_656 : i32 to vector<16xi32>
        %gather3A_658 = tpu.vector_load_idx %arg18[%add3A_371, %broadcast_in_dim3A_657] : memref<128x64xf32, #tpu.memory_space<vmem>>[vector<16xi32>, vector<16xi32>], vector<16xf32>,
        %mul3A_659 = arith.mulf %gather3A_658, %gather3A_658 : vector<16xf32>
        %add3A_660 = arith.addf %add3A_655, %mul3A_659 : vector<16xf32>
        %broadcast_in_dim3A_661 = arith.constant 58 : i32
        %broadcast_in_dim3A_662 = vector.broadcast %broadcast_in_dim3A_661 : i32 to vector<16xi32>
        %gather3A_663 = tpu.vector_load_idx %arg18[%add3A_371, %broadcast_in_dim3A_662] : memref<128x64xf32, #tpu.memory_space<vmem>>[vector<16xi32>, vector<16xi32>], vector<16xf32>,
        %mul3A_664 = arith.mulf %gather3A_663, %gather3A_663 : vector<16xf32>
        %add3A_665 = arith.addf %add3A_660, %mul3A_664 : vector<16xf32>
        %broadcast_in_dim3A_666 = arith.constant 59 : i32
        %broadcast_in_dim3A_667 = vector.broadcast %broadcast_in_dim3A_666 : i32 to vector<16xi32>
        %gather3A_668 = tpu.vector_load_idx %arg18[%add3A_371, %broadcast_in_dim3A_667] : memref<128x64xf32, #tpu.memory_space<vmem>>[vector<16xi32>, vector<16xi32>], vector<16xf32>,
        %mul3A_669 = arith.mulf %gather3A_668, %gather3A_668 : vector<16xf32>
        %add3A_670 = arith.addf %add3A_665, %mul3A_669 : vector<16xf32>
        %broadcast_in_dim3A_671 = arith.constant 60 : i32
        %broadcast_in_dim3A_672 = vector.broadcast %broadcast_in_dim3A_671 : i32 to vector<16xi32>
        %gather3A_673 = tpu.vector_load_idx %arg18[%add3A_371, %broadcast_in_dim3A_672] : memref<128x64xf32, #tpu.memory_space<vmem>>[vector<16xi32>, vector<16xi32>], vector<16xf32>,
        %mul3A_674 = arith.mulf %gather3A_673, %gather3A_673 : vector<16xf32>
        %add3A_675 = arith.addf %add3A_670, %mul3A_674 : vector<16xf32>
        %broadcast_in_dim3A_676 = arith.constant 61 : i32
        %broadcast_in_dim3A_677 = vector.broadcast %broadcast_in_dim3A_676 : i32 to vector<16xi32>
        %gather3A_678 = tpu.vector_load_idx %arg18[%add3A_371, %broadcast_in_dim3A_677] : memref<128x64xf32, #tpu.memory_space<vmem>>[vector<16xi32>, vector<16xi32>], vector<16xf32>,
        %mul3A_679 = arith.mulf %gather3A_678, %gather3A_678 : vector<16xf32>
        %add3A_680 = arith.addf %add3A_675, %mul3A_679 : vector<16xf32>
        %broadcast_in_dim3A_681 = arith.constant 62 : i32
        %broadcast_in_dim3A_682 = vector.broadcast %broadcast_in_dim3A_681 : i32 to vector<16xi32>
        %gather3A_683 = tpu.vector_load_idx %arg18[%add3A_371, %broadcast_in_dim3A_682] : memref<128x64xf32, #tpu.memory_space<vmem>>[vector<16xi32>, vector<16xi32>], vector<16xf32>,
        %mul3A_684 = arith.mulf %gather3A_683, %gather3A_683 : vector<16xf32>
        %add3A_685 = arith.addf %add3A_680, %mul3A_684 : vector<16xf32>
        %broadcast_in_dim3A_686 = arith.constant 63 : i32
        %broadcast_in_dim3A_687 = vector.broadcast %broadcast_in_dim3A_686 : i32 to vector<16xi32>
        %gather3A_688 = tpu.vector_load_idx %arg18[%add3A_371, %broadcast_in_dim3A_687] : memref<128x64xf32, #tpu.memory_space<vmem>>[vector<16xi32>, vector<16xi32>], vector<16xf32>,
        %mul3A_689 = arith.mulf %gather3A_688, %gather3A_688 : vector<16xf32>
        %add3A_690 = arith.addf %add3A_685, %mul3A_689 : vector<16xf32>
        %max3A = arith.constant 1.000000e-30 : f32
        %max3A_691 = vector.broadcast %max3A : f32 to vector<16xf32>
        %max3A_692 = arith.maximumf %add3A_690, %max3A_691 : vector<16xf32>
        %bitcast_convert_type3A = tpu.bitcast %max3A_692 : vector<16xf32> -> vector<16xi32>
        %shift_right_logical3A = arith.constant 1 : i32
        %shift_right_logical3A_693 = vector.broadcast %shift_right_logical3A : i32 to vector<16xi32>
        %shift_right_logical3A_694 = arith.shrui %bitcast_convert_type3A, %shift_right_logical3A_693 : vector<16xi32>
        %sub3A = arith.constant 1597463007 : i32
        %sub3A_695 = vector.broadcast %sub3A : i32 to vector<16xi32>
        %sub3A_696 = arith.subi %sub3A_695, %shift_right_logical3A_694 : vector<16xi32>
        %bitcast_convert_type3A_697 = tpu.bitcast %sub3A_696 : vector<16xi32> -> vector<16xf32>
        %mul3A_698 = arith.constant 5.000000e-01 : f32
        %mul3A_699 = vector.broadcast %mul3A_698 : f32 to vector<16xf32>
        %mul3A_700 = arith.mulf %mul3A_699, %max3A_692 : vector<16xf32>
        %mul3A_701 = arith.mulf %mul3A_700, %bitcast_convert_type3A_697 : vector<16xf32>
        %mul3A_702 = arith.mulf %mul3A_701, %bitcast_convert_type3A_697 : vector<16xf32>
        %sub3A_703 = arith.constant 1.500000e+00 : f32
        %sub3A_704 = vector.broadcast %sub3A_703 : f32 to vector<16xf32>
        %sub3A_705 = arith.subf %sub3A_704, %mul3A_702 : vector<16xf32>
        %mul3A_706 = arith.mulf %bitcast_convert_type3A_697, %sub3A_705 : vector<16xf32>
        %mul3A_707 = arith.mulf %mul3A_700, %mul3A_706 : vector<16xf32>
        %mul3A_708 = arith.mulf %mul3A_707, %mul3A_706 : vector<16xf32>
        %sub3A_709 = arith.constant 1.500000e+00 : f32
        %sub3A_710 = vector.broadcast %sub3A_709 : f32 to vector<16xf32>
        %sub3A_711 = arith.subf %sub3A_710, %mul3A_708 : vector<16xf32>
        %mul3A_712 = arith.mulf %mul3A_706, %sub3A_711 : vector<16xf32>
        %mul3A_713 = arith.mulf %mul3A_700, %mul3A_712 : vector<16xf32>
        %mul3A_714 = arith.mulf %mul3A_713, %mul3A_712 : vector<16xf32>
        %sub3A_715 = arith.constant 1.500000e+00 : f32
        %sub3A_716 = vector.broadcast %sub3A_715 : f32 to vector<16xf32>
        %sub3A_717 = arith.subf %sub3A_716, %mul3A_714 : vector<16xf32>
        %mul3A_718 = arith.mulf %mul3A_712, %sub3A_717 : vector<16xf32>
        %mul3A_719 = arith.mulf %max3A_692, %mul3A_718 : vector<16xf32>
        %max3A_720 = arith.constant 9.99999996E-13 : f32
        %max3A_721 = vector.broadcast %max3A_720 : f32 to vector<16xf32>
        %max3A_722 = arith.maximumf %mul3A_719, %max3A_721 : vector<16xf32>
        %div3A = arith.constant 1.000000e+00 : f32
        %div3A_723 = vector.broadcast %div3A : f32 to vector<16xf32>
        %div3A_724 = arith.divf %div3A_723, %max3A_722 : vector<16xf32>
        %broadcast_in_dim3A_725 = arith.constant 0 : i32
        %broadcast_in_dim3A_726 = vector.broadcast %broadcast_in_dim3A_725 : i32 to vector<16xi32>
        %gather3A_727 = tpu.vector_load_idx %arg18[%add3A_371, %broadcast_in_dim3A_726] : memref<128x64xf32, #tpu.memory_space<vmem>>[vector<16xi32>, vector<16xi32>], vector<16xf32>,
        %mul3A_728 = arith.mulf %gather3A_727, %div3A_724 : vector<16xf32>
        %swap3A = arith.constant 0 : index
        %swap3A_729 = tpu.vector_load %arg23[%swap3A] {strides = array<i32>} : memref<1024xf32, #tpu.memory_space<vmem>>, vector<16xf32>,
        tpu.vector_store %arg23[%swap3A], %mul3A_728 {strides = array<i32>} : memref<1024xf32, #tpu.memory_space<vmem>>, vector<16xf32>,
        %gather3A_730 = tpu.vector_load_idx %arg15[%add3A_371, %broadcast_in_dim3A_726] : memref<128x64xf32, #tpu.memory_space<vmem>>[vector<16xi32>, vector<16xi32>], vector<16xf32>,
        %gather3A_731 = tpu.vector_load_idx %arg16[%add3A_371, %broadcast_in_dim3A_726] : memref<128x64xf32, #tpu.memory_space<vmem>>[vector<16xi32>, vector<16xi32>], vector<16xf32>,
        %gather3A_732 = tpu.vector_load_idx %arg17[%add3A_371, %broadcast_in_dim3A_726] : memref<128x64xf32, #tpu.memory_space<vmem>>[vector<16xi32>, vector<16xi32>], vector<16xf32>,
        %mul3A_733 = arith.mulf %gather3A_730, %mul3A_728 : vector<16xf32>
        %add3A_734 = arith.addf %broadcast_in_dim3A_3, %mul3A_733 : vector<16xf32>
        %mul3A_735 = arith.mulf %gather3A_731, %mul3A_728 : vector<16xf32>
        %add3A_736 = arith.addf %broadcast_in_dim3A_3, %mul3A_735 : vector<16xf32>
        %mul3A_737 = arith.mulf %gather3A_730, %gather3A_730 : vector<16xf32>
        %add3A_738 = arith.addf %broadcast_in_dim3A_3, %mul3A_737 : vector<16xf32>
        %mul3A_739 = arith.mulf %gather3A_731, %gather3A_731 : vector<16xf32>
        %add3A_740 = arith.addf %broadcast_in_dim3A_3, %mul3A_739 : vector<16xf32>
        %mul3A_741 = arith.mulf %gather3A_732, %gather3A_732 : vector<16xf32>
        %add3A_742 = arith.addf %broadcast_in_dim3A_3, %mul3A_741 : vector<16xf32>
        %broadcast_in_dim3A_743 = arith.constant 1 : i32
        %broadcast_in_dim3A_744 = vector.broadcast %broadcast_in_dim3A_743 : i32 to vector<16xi32>
        %gather3A_745 = tpu.vector_load_idx %arg18[%add3A_371, %broadcast_in_dim3A_744] : memref<128x64xf32, #tpu.memory_space<vmem>>[vector<16xi32>, vector<16xi32>], vector<16xf32>,
        %mul3A_746 = arith.mulf %gather3A_745, %div3A_724 : vector<16xf32>
        %swap3A_747 = arith.constant 16 : index
        %swap3A_748 = tpu.vector_load %arg23[%swap3A_747] {strides = array<i32>} : memref<1024xf32, #tpu.memory_space<vmem>>, vector<16xf32>,
        tpu.vector_store %arg23[%swap3A_747], %mul3A_746 {strides = array<i32>} : memref<1024xf32, #tpu.memory_space<vmem>>, vector<16xf32>,
        %gather3A_749 = tpu.vector_load_idx %arg15[%add3A_371, %broadcast_in_dim3A_744] : memref<128x64xf32, #tpu.memory_space<vmem>>[vector<16xi32>, vector<16xi32>], vector<16xf32>,
        %gather3A_750 = tpu.vector_load_idx %arg16[%add3A_371, %broadcast_in_dim3A_744] : memref<128x64xf32, #tpu.memory_space<vmem>>[vector<16xi32>, vector<16xi32>], vector<16xf32>,
        %gather3A_751 = tpu.vector_load_idx %arg17[%add3A_371, %broadcast_in_dim3A_744] : memref<128x64xf32, #tpu.memory_space<vmem>>[vector<16xi32>, vector<16xi32>], vector<16xf32>,
        %mul3A_752 = arith.mulf %gather3A_749, %mul3A_746 : vector<16xf32>
        %add3A_753 = arith.addf %add3A_734, %mul3A_752 : vector<16xf32>
        %mul3A_754 = arith.mulf %gather3A_750, %mul3A_746 : vector<16xf32>
        %add3A_755 = arith.addf %add3A_736, %mul3A_754 : vector<16xf32>
        %mul3A_756 = arith.mulf %gather3A_749, %gather3A_749 : vector<16xf32>
        %add3A_757 = arith.addf %add3A_738, %mul3A_756 : vector<16xf32>
        %mul3A_758 = arith.mulf %gather3A_750, %gather3A_750 : vector<16xf32>
        %add3A_759 = arith.addf %add3A_740, %mul3A_758 : vector<16xf32>
        %mul3A_760 = arith.mulf %gather3A_751, %gather3A_751 : vector<16xf32>
        %add3A_761 = arith.addf %add3A_742, %mul3A_760 : vector<16xf32>
        %broadcast_in_dim3A_762 = arith.constant 2 : i32
        %broadcast_in_dim3A_763 = vector.broadcast %broadcast_in_dim3A_762 : i32 to vector<16xi32>
        %gather3A_764 = tpu.vector_load_idx %arg18[%add3A_371, %broadcast_in_dim3A_763] : memref<128x64xf32, #tpu.memory_space<vmem>>[vector<16xi32>, vector<16xi32>], vector<16xf32>,
        %mul3A_765 = arith.mulf %gather3A_764, %div3A_724 : vector<16xf32>
        %swap3A_766 = arith.constant 32 : index
        %swap3A_767 = tpu.vector_load %arg23[%swap3A_766] {strides = array<i32>} : memref<1024xf32, #tpu.memory_space<vmem>>, vector<16xf32>,
        tpu.vector_store %arg23[%swap3A_766], %mul3A_765 {strides = array<i32>} : memref<1024xf32, #tpu.memory_space<vmem>>, vector<16xf32>,
        %gather3A_768 = tpu.vector_load_idx %arg15[%add3A_371, %broadcast_in_dim3A_763] : memref<128x64xf32, #tpu.memory_space<vmem>>[vector<16xi32>, vector<16xi32>], vector<16xf32>,
        %gather3A_769 = tpu.vector_load_idx %arg16[%add3A_371, %broadcast_in_dim3A_763] : memref<128x64xf32, #tpu.memory_space<vmem>>[vector<16xi32>, vector<16xi32>], vector<16xf32>,
        %gather3A_770 = tpu.vector_load_idx %arg17[%add3A_371, %broadcast_in_dim3A_763] : memref<128x64xf32, #tpu.memory_space<vmem>>[vector<16xi32>, vector<16xi32>], vector<16xf32>,
        %mul3A_771 = arith.mulf %gather3A_768, %mul3A_765 : vector<16xf32>
        %add3A_772 = arith.addf %add3A_753, %mul3A_771 : vector<16xf32>
        %mul3A_773 = arith.mulf %gather3A_769, %mul3A_765 : vector<16xf32>
        %add3A_774 = arith.addf %add3A_755, %mul3A_773 : vector<16xf32>
        %mul3A_775 = arith.mulf %gather3A_768, %gather3A_768 : vector<16xf32>
        %add3A_776 = arith.addf %add3A_757, %mul3A_775 : vector<16xf32>
        %mul3A_777 = arith.mulf %gather3A_769, %gather3A_769 : vector<16xf32>
        %add3A_778 = arith.addf %add3A_759, %mul3A_777 : vector<16xf32>
        %mul3A_779 = arith.mulf %gather3A_770, %gather3A_770 : vector<16xf32>
        %add3A_780 = arith.addf %add3A_761, %mul3A_779 : vector<16xf32>
        %broadcast_in_dim3A_781 = arith.constant 3 : i32
        %broadcast_in_dim3A_782 = vector.broadcast %broadcast_in_dim3A_781 : i32 to vector<16xi32>
        %gather3A_783 = tpu.vector_load_idx %arg18[%add3A_371, %broadcast_in_dim3A_782] : memref<128x64xf32, #tpu.memory_space<vmem>>[vector<16xi32>, vector<16xi32>], vector<16xf32>,
        %mul3A_784 = arith.mulf %gather3A_783, %div3A_724 : vector<16xf32>
        %swap3A_785 = arith.constant 48 : index
        %swap3A_786 = tpu.vector_load %arg23[%swap3A_785] {strides = array<i32>} : memref<1024xf32, #tpu.memory_space<vmem>>, vector<16xf32>,
        tpu.vector_store %arg23[%swap3A_785], %mul3A_784 {strides = array<i32>} : memref<1024xf32, #tpu.memory_space<vmem>>, vector<16xf32>,
        %gather3A_787 = tpu.vector_load_idx %arg15[%add3A_371, %broadcast_in_dim3A_782] : memref<128x64xf32, #tpu.memory_space<vmem>>[vector<16xi32>, vector<16xi32>], vector<16xf32>,
        %gather3A_788 = tpu.vector_load_idx %arg16[%add3A_371, %broadcast_in_dim3A_782] : memref<128x64xf32, #tpu.memory_space<vmem>>[vector<16xi32>, vector<16xi32>], vector<16xf32>,
        %gather3A_789 = tpu.vector_load_idx %arg17[%add3A_371, %broadcast_in_dim3A_782] : memref<128x64xf32, #tpu.memory_space<vmem>>[vector<16xi32>, vector<16xi32>], vector<16xf32>,
        %mul3A_790 = arith.mulf %gather3A_787, %mul3A_784 : vector<16xf32>
        %add3A_791 = arith.addf %add3A_772, %mul3A_790 : vector<16xf32>
        %mul3A_792 = arith.mulf %gather3A_788, %mul3A_784 : vector<16xf32>
        %add3A_793 = arith.addf %add3A_774, %mul3A_792 : vector<16xf32>
        %mul3A_794 = arith.mulf %gather3A_787, %gather3A_787 : vector<16xf32>
        %add3A_795 = arith.addf %add3A_776, %mul3A_794 : vector<16xf32>
        %mul3A_796 = arith.mulf %gather3A_788, %gather3A_788 : vector<16xf32>
        %add3A_797 = arith.addf %add3A_778, %mul3A_796 : vector<16xf32>
        %mul3A_798 = arith.mulf %gather3A_789, %gather3A_789 : vector<16xf32>
        %add3A_799 = arith.addf %add3A_780, %mul3A_798 : vector<16xf32>
        %broadcast_in_dim3A_800 = arith.constant 4 : i32
        %broadcast_in_dim3A_801 = vector.broadcast %broadcast_in_dim3A_800 : i32 to vector<16xi32>
        %gather3A_802 = tpu.vector_load_idx %arg18[%add3A_371, %broadcast_in_dim3A_801] : memref<128x64xf32, #tpu.memory_space<vmem>>[vector<16xi32>, vector<16xi32>], vector<16xf32>,
        %mul3A_803 = arith.mulf %gather3A_802, %div3A_724 : vector<16xf32>
        %swap3A_804 = arith.constant 64 : index
        %swap3A_805 = tpu.vector_load %arg23[%swap3A_804] {strides = array<i32>} : memref<1024xf32, #tpu.memory_space<vmem>>, vector<16xf32>,
        tpu.vector_store %arg23[%swap3A_804], %mul3A_803 {strides = array<i32>} : memref<1024xf32, #tpu.memory_space<vmem>>, vector<16xf32>,
        %gather3A_806 = tpu.vector_load_idx %arg15[%add3A_371, %broadcast_in_dim3A_801] : memref<128x64xf32, #tpu.memory_space<vmem>>[vector<16xi32>, vector<16xi32>], vector<16xf32>,
        %gather3A_807 = tpu.vector_load_idx %arg16[%add3A_371, %broadcast_in_dim3A_801] : memref<128x64xf32, #tpu.memory_space<vmem>>[vector<16xi32>, vector<16xi32>], vector<16xf32>,
        %gather3A_808 = tpu.vector_load_idx %arg17[%add3A_371, %broadcast_in_dim3A_801] : memref<128x64xf32, #tpu.memory_space<vmem>>[vector<16xi32>, vector<16xi32>], vector<16xf32>,
        %mul3A_809 = arith.mulf %gather3A_806, %mul3A_803 : vector<16xf32>
        %add3A_810 = arith.addf %add3A_791, %mul3A_809 : vector<16xf32>
        %mul3A_811 = arith.mulf %gather3A_807, %mul3A_803 : vector<16xf32>
        %add3A_812 = arith.addf %add3A_793, %mul3A_811 : vector<16xf32>
        %mul3A_813 = arith.mulf %gather3A_806, %gather3A_806 : vector<16xf32>
        %add3A_814 = arith.addf %add3A_795, %mul3A_813 : vector<16xf32>
        %mul3A_815 = arith.mulf %gather3A_807, %gather3A_807 : vector<16xf32>
        %add3A_816 = arith.addf %add3A_797, %mul3A_815 : vector<16xf32>
        %mul3A_817 = arith.mulf %gather3A_808, %gather3A_808 : vector<16xf32>
        %add3A_818 = arith.addf %add3A_799, %mul3A_817 : vector<16xf32>
        %broadcast_in_dim3A_819 = arith.constant 5 : i32
        %broadcast_in_dim3A_820 = vector.broadcast %broadcast_in_dim3A_819 : i32 to vector<16xi32>
        %gather3A_821 = tpu.vector_load_idx %arg18[%add3A_371, %broadcast_in_dim3A_820] : memref<128x64xf32, #tpu.memory_space<vmem>>[vector<16xi32>, vector<16xi32>], vector<16xf32>,
        %mul3A_822 = arith.mulf %gather3A_821, %div3A_724 : vector<16xf32>
        %swap3A_823 = arith.constant 80 : index
        %swap3A_824 = tpu.vector_load %arg23[%swap3A_823] {strides = array<i32>} : memref<1024xf32, #tpu.memory_space<vmem>>, vector<16xf32>,
        tpu.vector_store %arg23[%swap3A_823], %mul3A_822 {strides = array<i32>} : memref<1024xf32, #tpu.memory_space<vmem>>, vector<16xf32>,
        %gather3A_825 = tpu.vector_load_idx %arg15[%add3A_371, %broadcast_in_dim3A_820] : memref<128x64xf32, #tpu.memory_space<vmem>>[vector<16xi32>, vector<16xi32>], vector<16xf32>,
        %gather3A_826 = tpu.vector_load_idx %arg16[%add3A_371, %broadcast_in_dim3A_820] : memref<128x64xf32, #tpu.memory_space<vmem>>[vector<16xi32>, vector<16xi32>], vector<16xf32>,
        %gather3A_827 = tpu.vector_load_idx %arg17[%add3A_371, %broadcast_in_dim3A_820] : memref<128x64xf32, #tpu.memory_space<vmem>>[vector<16xi32>, vector<16xi32>], vector<16xf32>,
        %mul3A_828 = arith.mulf %gather3A_825, %mul3A_822 : vector<16xf32>
        %add3A_829 = arith.addf %add3A_810, %mul3A_828 : vector<16xf32>
        %mul3A_830 = arith.mulf %gather3A_826, %mul3A_822 : vector<16xf32>
        %add3A_831 = arith.addf %add3A_812, %mul3A_830 : vector<16xf32>
        %mul3A_832 = arith.mulf %gather3A_825, %gather3A_825 : vector<16xf32>
        %add3A_833 = arith.addf %add3A_814, %mul3A_832 : vector<16xf32>
        %mul3A_834 = arith.mulf %gather3A_826, %gather3A_826 : vector<16xf32>
        %add3A_835 = arith.addf %add3A_816, %mul3A_834 : vector<16xf32>
        %mul3A_836 = arith.mulf %gather3A_827, %gather3A_827 : vector<16xf32>
        %add3A_837 = arith.addf %add3A_818, %mul3A_836 : vector<16xf32>
        %broadcast_in_dim3A_838 = arith.constant 6 : i32
        %broadcast_in_dim3A_839 = vector.broadcast %broadcast_in_dim3A_838 : i32 to vector<16xi32>
        %gather3A_840 = tpu.vector_load_idx %arg18[%add3A_371, %broadcast_in_dim3A_839] : memref<128x64xf32, #tpu.memory_space<vmem>>[vector<16xi32>, vector<16xi32>], vector<16xf32>,
        %mul3A_841 = arith.mulf %gather3A_840, %div3A_724 : vector<16xf32>
        %swap3A_842 = arith.constant 96 : index
        %swap3A_843 = tpu.vector_load %arg23[%swap3A_842] {strides = array<i32>} : memref<1024xf32, #tpu.memory_space<vmem>>, vector<16xf32>,
        tpu.vector_store %arg23[%swap3A_842], %mul3A_841 {strides = array<i32>} : memref<1024xf32, #tpu.memory_space<vmem>>, vector<16xf32>,
        %gather3A_844 = tpu.vector_load_idx %arg15[%add3A_371, %broadcast_in_dim3A_839] : memref<128x64xf32, #tpu.memory_space<vmem>>[vector<16xi32>, vector<16xi32>], vector<16xf32>,
        %gather3A_845 = tpu.vector_load_idx %arg16[%add3A_371, %broadcast_in_dim3A_839] : memref<128x64xf32, #tpu.memory_space<vmem>>[vector<16xi32>, vector<16xi32>], vector<16xf32>,
        %gather3A_846 = tpu.vector_load_idx %arg17[%add3A_371, %broadcast_in_dim3A_839] : memref<128x64xf32, #tpu.memory_space<vmem>>[vector<16xi32>, vector<16xi32>], vector<16xf32>,
        %mul3A_847 = arith.mulf %gather3A_844, %mul3A_841 : vector<16xf32>
        %add3A_848 = arith.addf %add3A_829, %mul3A_847 : vector<16xf32>
        %mul3A_849 = arith.mulf %gather3A_845, %mul3A_841 : vector<16xf32>
        %add3A_850 = arith.addf %add3A_831, %mul3A_849 : vector<16xf32>
        %mul3A_851 = arith.mulf %gather3A_844, %gather3A_844 : vector<16xf32>
        %add3A_852 = arith.addf %add3A_833, %mul3A_851 : vector<16xf32>
        %mul3A_853 = arith.mulf %gather3A_845, %gather3A_845 : vector<16xf32>
        %add3A_854 = arith.addf %add3A_835, %mul3A_853 : vector<16xf32>
        %mul3A_855 = arith.mulf %gather3A_846, %gather3A_846 : vector<16xf32>
        %add3A_856 = arith.addf %add3A_837, %mul3A_855 : vector<16xf32>
        %broadcast_in_dim3A_857 = arith.constant 7 : i32
        %broadcast_in_dim3A_858 = vector.broadcast %broadcast_in_dim3A_857 : i32 to vector<16xi32>
        %gather3A_859 = tpu.vector_load_idx %arg18[%add3A_371, %broadcast_in_dim3A_858] : memref<128x64xf32, #tpu.memory_space<vmem>>[vector<16xi32>, vector<16xi32>], vector<16xf32>,
        %mul3A_860 = arith.mulf %gather3A_859, %div3A_724 : vector<16xf32>
        %swap3A_861 = arith.constant 112 : index
        %swap3A_862 = tpu.vector_load %arg23[%swap3A_861] {strides = array<i32>} : memref<1024xf32, #tpu.memory_space<vmem>>, vector<16xf32>,
        tpu.vector_store %arg23[%swap3A_861], %mul3A_860 {strides = array<i32>} : memref<1024xf32, #tpu.memory_space<vmem>>, vector<16xf32>,
        %gather3A_863 = tpu.vector_load_idx %arg15[%add3A_371, %broadcast_in_dim3A_858] : memref<128x64xf32, #tpu.memory_space<vmem>>[vector<16xi32>, vector<16xi32>], vector<16xf32>,
        %gather3A_864 = tpu.vector_load_idx %arg16[%add3A_371, %broadcast_in_dim3A_858] : memref<128x64xf32, #tpu.memory_space<vmem>>[vector<16xi32>, vector<16xi32>], vector<16xf32>,
        %gather3A_865 = tpu.vector_load_idx %arg17[%add3A_371, %broadcast_in_dim3A_858] : memref<128x64xf32, #tpu.memory_space<vmem>>[vector<16xi32>, vector<16xi32>], vector<16xf32>,
        %mul3A_866 = arith.mulf %gather3A_863, %mul3A_860 : vector<16xf32>
        %add3A_867 = arith.addf %add3A_848, %mul3A_866 : vector<16xf32>
        %mul3A_868 = arith.mulf %gather3A_864, %mul3A_860 : vector<16xf32>
        %add3A_869 = arith.addf %add3A_850, %mul3A_868 : vector<16xf32>
        %mul3A_870 = arith.mulf %gather3A_863, %gather3A_863 : vector<16xf32>
        %add3A_871 = arith.addf %add3A_852, %mul3A_870 : vector<16xf32>
        %mul3A_872 = arith.mulf %gather3A_864, %gather3A_864 : vector<16xf32>
        %add3A_873 = arith.addf %add3A_854, %mul3A_872 : vector<16xf32>
        %mul3A_874 = arith.mulf %gather3A_865, %gather3A_865 : vector<16xf32>
        %add3A_875 = arith.addf %add3A_856, %mul3A_874 : vector<16xf32>
        %broadcast_in_dim3A_876 = arith.constant 8 : i32
        %broadcast_in_dim3A_877 = vector.broadcast %broadcast_in_dim3A_876 : i32 to vector<16xi32>
        %gather3A_878 = tpu.vector_load_idx %arg18[%add3A_371, %broadcast_in_dim3A_877] : memref<128x64xf32, #tpu.memory_space<vmem>>[vector<16xi32>, vector<16xi32>], vector<16xf32>,
        %mul3A_879 = arith.mulf %gather3A_878, %div3A_724 : vector<16xf32>
        %swap3A_880 = arith.constant 128 : index
        %swap3A_881 = tpu.vector_load %arg23[%swap3A_880] {strides = array<i32>} : memref<1024xf32, #tpu.memory_space<vmem>>, vector<16xf32>,
        tpu.vector_store %arg23[%swap3A_880], %mul3A_879 {strides = array<i32>} : memref<1024xf32, #tpu.memory_space<vmem>>, vector<16xf32>,
        %gather3A_882 = tpu.vector_load_idx %arg15[%add3A_371, %broadcast_in_dim3A_877] : memref<128x64xf32, #tpu.memory_space<vmem>>[vector<16xi32>, vector<16xi32>], vector<16xf32>,
        %gather3A_883 = tpu.vector_load_idx %arg16[%add3A_371, %broadcast_in_dim3A_877] : memref<128x64xf32, #tpu.memory_space<vmem>>[vector<16xi32>, vector<16xi32>], vector<16xf32>,
        %gather3A_884 = tpu.vector_load_idx %arg17[%add3A_371, %broadcast_in_dim3A_877] : memref<128x64xf32, #tpu.memory_space<vmem>>[vector<16xi32>, vector<16xi32>], vector<16xf32>,
        %mul3A_885 = arith.mulf %gather3A_882, %mul3A_879 : vector<16xf32>
        %add3A_886 = arith.addf %add3A_867, %mul3A_885 : vector<16xf32>
        %mul3A_887 = arith.mulf %gather3A_883, %mul3A_879 : vector<16xf32>
        %add3A_888 = arith.addf %add3A_869, %mul3A_887 : vector<16xf32>
        %mul3A_889 = arith.mulf %gather3A_882, %gather3A_882 : vector<16xf32>
        %add3A_890 = arith.addf %add3A_871, %mul3A_889 : vector<16xf32>
        %mul3A_891 = arith.mulf %gather3A_883, %gather3A_883 : vector<16xf32>
        %add3A_892 = arith.addf %add3A_873, %mul3A_891 : vector<16xf32>
        %mul3A_893 = arith.mulf %gather3A_884, %gather3A_884 : vector<16xf32>
        %add3A_894 = arith.addf %add3A_875, %mul3A_893 : vector<16xf32>
        %broadcast_in_dim3A_895 = arith.constant 9 : i32
        %broadcast_in_dim3A_896 = vector.broadcast %broadcast_in_dim3A_895 : i32 to vector<16xi32>
        %gather3A_897 = tpu.vector_load_idx %arg18[%add3A_371, %broadcast_in_dim3A_896] : memref<128x64xf32, #tpu.memory_space<vmem>>[vector<16xi32>, vector<16xi32>], vector<16xf32>,
        %mul3A_898 = arith.mulf %gather3A_897, %div3A_724 : vector<16xf32>
        %swap3A_899 = arith.constant 144 : index
        %swap3A_900 = tpu.vector_load %arg23[%swap3A_899] {strides = array<i32>} : memref<1024xf32, #tpu.memory_space<vmem>>, vector<16xf32>,
        tpu.vector_store %arg23[%swap3A_899], %mul3A_898 {strides = array<i32>} : memref<1024xf32, #tpu.memory_space<vmem>>, vector<16xf32>,
        %gather3A_901 = tpu.vector_load_idx %arg15[%add3A_371, %broadcast_in_dim3A_896] : memref<128x64xf32, #tpu.memory_space<vmem>>[vector<16xi32>, vector<16xi32>], vector<16xf32>,
        %gather3A_902 = tpu.vector_load_idx %arg16[%add3A_371, %broadcast_in_dim3A_896] : memref<128x64xf32, #tpu.memory_space<vmem>>[vector<16xi32>, vector<16xi32>], vector<16xf32>,
        %gather3A_903 = tpu.vector_load_idx %arg17[%add3A_371, %broadcast_in_dim3A_896] : memref<128x64xf32, #tpu.memory_space<vmem>>[vector<16xi32>, vector<16xi32>], vector<16xf32>,
        %mul3A_904 = arith.mulf %gather3A_901, %mul3A_898 : vector<16xf32>
        %add3A_905 = arith.addf %add3A_886, %mul3A_904 : vector<16xf32>
        %mul3A_906 = arith.mulf %gather3A_902, %mul3A_898 : vector<16xf32>
        %add3A_907 = arith.addf %add3A_888, %mul3A_906 : vector<16xf32>
        %mul3A_908 = arith.mulf %gather3A_901, %gather3A_901 : vector<16xf32>
        %add3A_909 = arith.addf %add3A_890, %mul3A_908 : vector<16xf32>
        %mul3A_910 = arith.mulf %gather3A_902, %gather3A_902 : vector<16xf32>
        %add3A_911 = arith.addf %add3A_892, %mul3A_910 : vector<16xf32>
        %mul3A_912 = arith.mulf %gather3A_903, %gather3A_903 : vector<16xf32>
        %add3A_913 = arith.addf %add3A_894, %mul3A_912 : vector<16xf32>
        %broadcast_in_dim3A_914 = arith.constant 10 : i32
        %broadcast_in_dim3A_915 = vector.broadcast %broadcast_in_dim3A_914 : i32 to vector<16xi32>
        %gather3A_916 = tpu.vector_load_idx %arg18[%add3A_371, %broadcast_in_dim3A_915] : memref<128x64xf32, #tpu.memory_space<vmem>>[vector<16xi32>, vector<16xi32>], vector<16xf32>,
        %mul3A_917 = arith.mulf %gather3A_916, %div3A_724 : vector<16xf32>
        %swap3A_918 = arith.constant 160 : index
        %swap3A_919 = tpu.vector_load %arg23[%swap3A_918] {strides = array<i32>} : memref<1024xf32, #tpu.memory_space<vmem>>, vector<16xf32>,
        tpu.vector_store %arg23[%swap3A_918], %mul3A_917 {strides = array<i32>} : memref<1024xf32, #tpu.memory_space<vmem>>, vector<16xf32>,
        %gather3A_920 = tpu.vector_load_idx %arg15[%add3A_371, %broadcast_in_dim3A_915] : memref<128x64xf32, #tpu.memory_space<vmem>>[vector<16xi32>, vector<16xi32>], vector<16xf32>,
        %gather3A_921 = tpu.vector_load_idx %arg16[%add3A_371, %broadcast_in_dim3A_915] : memref<128x64xf32, #tpu.memory_space<vmem>>[vector<16xi32>, vector<16xi32>], vector<16xf32>,
        %gather3A_922 = tpu.vector_load_idx %arg17[%add3A_371, %broadcast_in_dim3A_915] : memref<128x64xf32, #tpu.memory_space<vmem>>[vector<16xi32>, vector<16xi32>], vector<16xf32>,
        %mul3A_923 = arith.mulf %gather3A_920, %mul3A_917 : vector<16xf32>
        %add3A_924 = arith.addf %add3A_905, %mul3A_923 : vector<16xf32>
        %mul3A_925 = arith.mulf %gather3A_921, %mul3A_917 : vector<16xf32>
        %add3A_926 = arith.addf %add3A_907, %mul3A_925 : vector<16xf32>
        %mul3A_927 = arith.mulf %gather3A_920, %gather3A_920 : vector<16xf32>
        %add3A_928 = arith.addf %add3A_909, %mul3A_927 : vector<16xf32>
        %mul3A_929 = arith.mulf %gather3A_921, %gather3A_921 : vector<16xf32>
        %add3A_930 = arith.addf %add3A_911, %mul3A_929 : vector<16xf32>
        %mul3A_931 = arith.mulf %gather3A_922, %gather3A_922 : vector<16xf32>
        %add3A_932 = arith.addf %add3A_913, %mul3A_931 : vector<16xf32>
        %broadcast_in_dim3A_933 = arith.constant 11 : i32
        %broadcast_in_dim3A_934 = vector.broadcast %broadcast_in_dim3A_933 : i32 to vector<16xi32>
        %gather3A_935 = tpu.vector_load_idx %arg18[%add3A_371, %broadcast_in_dim3A_934] : memref<128x64xf32, #tpu.memory_space<vmem>>[vector<16xi32>, vector<16xi32>], vector<16xf32>,
        %mul3A_936 = arith.mulf %gather3A_935, %div3A_724 : vector<16xf32>
        %swap3A_937 = arith.constant 176 : index
        %swap3A_938 = tpu.vector_load %arg23[%swap3A_937] {strides = array<i32>} : memref<1024xf32, #tpu.memory_space<vmem>>, vector<16xf32>,
        tpu.vector_store %arg23[%swap3A_937], %mul3A_936 {strides = array<i32>} : memref<1024xf32, #tpu.memory_space<vmem>>, vector<16xf32>,
        %gather3A_939 = tpu.vector_load_idx %arg15[%add3A_371, %broadcast_in_dim3A_934] : memref<128x64xf32, #tpu.memory_space<vmem>>[vector<16xi32>, vector<16xi32>], vector<16xf32>,
        %gather3A_940 = tpu.vector_load_idx %arg16[%add3A_371, %broadcast_in_dim3A_934] : memref<128x64xf32, #tpu.memory_space<vmem>>[vector<16xi32>, vector<16xi32>], vector<16xf32>,
        %gather3A_941 = tpu.vector_load_idx %arg17[%add3A_371, %broadcast_in_dim3A_934] : memref<128x64xf32, #tpu.memory_space<vmem>>[vector<16xi32>, vector<16xi32>], vector<16xf32>,
        %mul3A_942 = arith.mulf %gather3A_939, %mul3A_936 : vector<16xf32>
        %add3A_943 = arith.addf %add3A_924, %mul3A_942 : vector<16xf32>
        %mul3A_944 = arith.mulf %gather3A_940, %mul3A_936 : vector<16xf32>
        %add3A_945 = arith.addf %add3A_926, %mul3A_944 : vector<16xf32>
        %mul3A_946 = arith.mulf %gather3A_939, %gather3A_939 : vector<16xf32>
        %add3A_947 = arith.addf %add3A_928, %mul3A_946 : vector<16xf32>
        %mul3A_948 = arith.mulf %gather3A_940, %gather3A_940 : vector<16xf32>
        %add3A_949 = arith.addf %add3A_930, %mul3A_948 : vector<16xf32>
        %mul3A_950 = arith.mulf %gather3A_941, %gather3A_941 : vector<16xf32>
        %add3A_951 = arith.addf %add3A_932, %mul3A_950 : vector<16xf32>
        %broadcast_in_dim3A_952 = arith.constant 12 : i32
        %broadcast_in_dim3A_953 = vector.broadcast %broadcast_in_dim3A_952 : i32 to vector<16xi32>
        %gather3A_954 = tpu.vector_load_idx %arg18[%add3A_371, %broadcast_in_dim3A_953] : memref<128x64xf32, #tpu.memory_space<vmem>>[vector<16xi32>, vector<16xi32>], vector<16xf32>,
        %mul3A_955 = arith.mulf %gather3A_954, %div3A_724 : vector<16xf32>
        %swap3A_956 = arith.constant 192 : index
        %swap3A_957 = tpu.vector_load %arg23[%swap3A_956] {strides = array<i32>} : memref<1024xf32, #tpu.memory_space<vmem>>, vector<16xf32>,
        tpu.vector_store %arg23[%swap3A_956], %mul3A_955 {strides = array<i32>} : memref<1024xf32, #tpu.memory_space<vmem>>, vector<16xf32>,
        %gather3A_958 = tpu.vector_load_idx %arg15[%add3A_371, %broadcast_in_dim3A_953] : memref<128x64xf32, #tpu.memory_space<vmem>>[vector<16xi32>, vector<16xi32>], vector<16xf32>,
        %gather3A_959 = tpu.vector_load_idx %arg16[%add3A_371, %broadcast_in_dim3A_953] : memref<128x64xf32, #tpu.memory_space<vmem>>[vector<16xi32>, vector<16xi32>], vector<16xf32>,
        %gather3A_960 = tpu.vector_load_idx %arg17[%add3A_371, %broadcast_in_dim3A_953] : memref<128x64xf32, #tpu.memory_space<vmem>>[vector<16xi32>, vector<16xi32>], vector<16xf32>,
        %mul3A_961 = arith.mulf %gather3A_958, %mul3A_955 : vector<16xf32>
        %add3A_962 = arith.addf %add3A_943, %mul3A_961 : vector<16xf32>
        %mul3A_963 = arith.mulf %gather3A_959, %mul3A_955 : vector<16xf32>
        %add3A_964 = arith.addf %add3A_945, %mul3A_963 : vector<16xf32>
        %mul3A_965 = arith.mulf %gather3A_958, %gather3A_958 : vector<16xf32>
        %add3A_966 = arith.addf %add3A_947, %mul3A_965 : vector<16xf32>
        %mul3A_967 = arith.mulf %gather3A_959, %gather3A_959 : vector<16xf32>
        %add3A_968 = arith.addf %add3A_949, %mul3A_967 : vector<16xf32>
        %mul3A_969 = arith.mulf %gather3A_960, %gather3A_960 : vector<16xf32>
        %add3A_970 = arith.addf %add3A_951, %mul3A_969 : vector<16xf32>
        %broadcast_in_dim3A_971 = arith.constant 13 : i32
        %broadcast_in_dim3A_972 = vector.broadcast %broadcast_in_dim3A_971 : i32 to vector<16xi32>
        %gather3A_973 = tpu.vector_load_idx %arg18[%add3A_371, %broadcast_in_dim3A_972] : memref<128x64xf32, #tpu.memory_space<vmem>>[vector<16xi32>, vector<16xi32>], vector<16xf32>,
        %mul3A_974 = arith.mulf %gather3A_973, %div3A_724 : vector<16xf32>
        %swap3A_975 = arith.constant 208 : index
        %swap3A_976 = tpu.vector_load %arg23[%swap3A_975] {strides = array<i32>} : memref<1024xf32, #tpu.memory_space<vmem>>, vector<16xf32>,
        tpu.vector_store %arg23[%swap3A_975], %mul3A_974 {strides = array<i32>} : memref<1024xf32, #tpu.memory_space<vmem>>, vector<16xf32>,
        %gather3A_977 = tpu.vector_load_idx %arg15[%add3A_371, %broadcast_in_dim3A_972] : memref<128x64xf32, #tpu.memory_space<vmem>>[vector<16xi32>, vector<16xi32>], vector<16xf32>,
        %gather3A_978 = tpu.vector_load_idx %arg16[%add3A_371, %broadcast_in_dim3A_972] : memref<128x64xf32, #tpu.memory_space<vmem>>[vector<16xi32>, vector<16xi32>], vector<16xf32>,
        %gather3A_979 = tpu.vector_load_idx %arg17[%add3A_371, %broadcast_in_dim3A_972] : memref<128x64xf32, #tpu.memory_space<vmem>>[vector<16xi32>, vector<16xi32>], vector<16xf32>,
        %mul3A_980 = arith.mulf %gather3A_977, %mul3A_974 : vector<16xf32>
        %add3A_981 = arith.addf %add3A_962, %mul3A_980 : vector<16xf32>
        %mul3A_982 = arith.mulf %gather3A_978, %mul3A_974 : vector<16xf32>
        %add3A_983 = arith.addf %add3A_964, %mul3A_982 : vector<16xf32>
        %mul3A_984 = arith.mulf %gather3A_977, %gather3A_977 : vector<16xf32>
        %add3A_985 = arith.addf %add3A_966, %mul3A_984 : vector<16xf32>
        %mul3A_986 = arith.mulf %gather3A_978, %gather3A_978 : vector<16xf32>
        %add3A_987 = arith.addf %add3A_968, %mul3A_986 : vector<16xf32>
        %mul3A_988 = arith.mulf %gather3A_979, %gather3A_979 : vector<16xf32>
        %add3A_989 = arith.addf %add3A_970, %mul3A_988 : vector<16xf32>
        %broadcast_in_dim3A_990 = arith.constant 14 : i32
        %broadcast_in_dim3A_991 = vector.broadcast %broadcast_in_dim3A_990 : i32 to vector<16xi32>
        %gather3A_992 = tpu.vector_load_idx %arg18[%add3A_371, %broadcast_in_dim3A_991] : memref<128x64xf32, #tpu.memory_space<vmem>>[vector<16xi32>, vector<16xi32>], vector<16xf32>,
        %mul3A_993 = arith.mulf %gather3A_992, %div3A_724 : vector<16xf32>
        %swap3A_994 = arith.constant 224 : index
        %swap3A_995 = tpu.vector_load %arg23[%swap3A_994] {strides = array<i32>} : memref<1024xf32, #tpu.memory_space<vmem>>, vector<16xf32>,
        tpu.vector_store %arg23[%swap3A_994], %mul3A_993 {strides = array<i32>} : memref<1024xf32, #tpu.memory_space<vmem>>, vector<16xf32>,
        %gather3A_996 = tpu.vector_load_idx %arg15[%add3A_371, %broadcast_in_dim3A_991] : memref<128x64xf32, #tpu.memory_space<vmem>>[vector<16xi32>, vector<16xi32>], vector<16xf32>,
        %gather3A_997 = tpu.vector_load_idx %arg16[%add3A_371, %broadcast_in_dim3A_991] : memref<128x64xf32, #tpu.memory_space<vmem>>[vector<16xi32>, vector<16xi32>], vector<16xf32>,
        %gather3A_998 = tpu.vector_load_idx %arg17[%add3A_371, %broadcast_in_dim3A_991] : memref<128x64xf32, #tpu.memory_space<vmem>>[vector<16xi32>, vector<16xi32>], vector<16xf32>,
        %mul3A_999 = arith.mulf %gather3A_996, %mul3A_993 : vector<16xf32>
        %add3A_1000 = arith.addf %add3A_981, %mul3A_999 : vector<16xf32>
        %mul3A_1001 = arith.mulf %gather3A_997, %mul3A_993 : vector<16xf32>
        %add3A_1002 = arith.addf %add3A_983, %mul3A_1001 : vector<16xf32>
        %mul3A_1003 = arith.mulf %gather3A_996, %gather3A_996 : vector<16xf32>
        %add3A_1004 = arith.addf %add3A_985, %mul3A_1003 : vector<16xf32>
        %mul3A_1005 = arith.mulf %gather3A_997, %gather3A_997 : vector<16xf32>
        %add3A_1006 = arith.addf %add3A_987, %mul3A_1005 : vector<16xf32>
        %mul3A_1007 = arith.mulf %gather3A_998, %gather3A_998 : vector<16xf32>
        %add3A_1008 = arith.addf %add3A_989, %mul3A_1007 : vector<16xf32>
        %broadcast_in_dim3A_1009 = arith.constant 15 : i32
        %broadcast_in_dim3A_1010 = vector.broadcast %broadcast_in_dim3A_1009 : i32 to vector<16xi32>
        %gather3A_1011 = tpu.vector_load_idx %arg18[%add3A_371, %broadcast_in_dim3A_1010] : memref<128x64xf32, #tpu.memory_space<vmem>>[vector<16xi32>, vector<16xi32>], vector<16xf32>,
        %mul3A_1012 = arith.mulf %gather3A_1011, %div3A_724 : vector<16xf32>
        %swap3A_1013 = arith.constant 240 : index
        %swap3A_1014 = tpu.vector_load %arg23[%swap3A_1013] {strides = array<i32>} : memref<1024xf32, #tpu.memory_space<vmem>>, vector<16xf32>,
        tpu.vector_store %arg23[%swap3A_1013], %mul3A_1012 {strides = array<i32>} : memref<1024xf32, #tpu.memory_space<vmem>>, vector<16xf32>,
        %gather3A_1015 = tpu.vector_load_idx %arg15[%add3A_371, %broadcast_in_dim3A_1010] : memref<128x64xf32, #tpu.memory_space<vmem>>[vector<16xi32>, vector<16xi32>], vector<16xf32>,
        %gather3A_1016 = tpu.vector_load_idx %arg16[%add3A_371, %broadcast_in_dim3A_1010] : memref<128x64xf32, #tpu.memory_space<vmem>>[vector<16xi32>, vector<16xi32>], vector<16xf32>,
        %gather3A_1017 = tpu.vector_load_idx %arg17[%add3A_371, %broadcast_in_dim3A_1010] : memref<128x64xf32, #tpu.memory_space<vmem>>[vector<16xi32>, vector<16xi32>], vector<16xf32>,
        %mul3A_1018 = arith.mulf %gather3A_1015, %mul3A_1012 : vector<16xf32>
        %add3A_1019 = arith.addf %add3A_1000, %mul3A_1018 : vector<16xf32>
        %mul3A_1020 = arith.mulf %gather3A_1016, %mul3A_1012 : vector<16xf32>
        %add3A_1021 = arith.addf %add3A_1002, %mul3A_1020 : vector<16xf32>
        %mul3A_1022 = arith.mulf %gather3A_1015, %gather3A_1015 : vector<16xf32>
        %add3A_1023 = arith.addf %add3A_1004, %mul3A_1022 : vector<16xf32>
        %mul3A_1024 = arith.mulf %gather3A_1016, %gather3A_1016 : vector<16xf32>
        %add3A_1025 = arith.addf %add3A_1006, %mul3A_1024 : vector<16xf32>
        %mul3A_1026 = arith.mulf %gather3A_1017, %gather3A_1017 : vector<16xf32>
        %add3A_1027 = arith.addf %add3A_1008, %mul3A_1026 : vector<16xf32>
        %broadcast_in_dim3A_1028 = arith.constant 16 : i32
        %broadcast_in_dim3A_1029 = vector.broadcast %broadcast_in_dim3A_1028 : i32 to vector<16xi32>
        %gather3A_1030 = tpu.vector_load_idx %arg18[%add3A_371, %broadcast_in_dim3A_1029] : memref<128x64xf32, #tpu.memory_space<vmem>>[vector<16xi32>, vector<16xi32>], vector<16xf32>,
        %mul3A_1031 = arith.mulf %gather3A_1030, %div3A_724 : vector<16xf32>
        %swap3A_1032 = arith.constant 256 : index
        %swap3A_1033 = tpu.vector_load %arg23[%swap3A_1032] {strides = array<i32>} : memref<1024xf32, #tpu.memory_space<vmem>>, vector<16xf32>,
        tpu.vector_store %arg23[%swap3A_1032], %mul3A_1031 {strides = array<i32>} : memref<1024xf32, #tpu.memory_space<vmem>>, vector<16xf32>,
        %gather3A_1034 = tpu.vector_load_idx %arg15[%add3A_371, %broadcast_in_dim3A_1029] : memref<128x64xf32, #tpu.memory_space<vmem>>[vector<16xi32>, vector<16xi32>], vector<16xf32>,
        %gather3A_1035 = tpu.vector_load_idx %arg16[%add3A_371, %broadcast_in_dim3A_1029] : memref<128x64xf32, #tpu.memory_space<vmem>>[vector<16xi32>, vector<16xi32>], vector<16xf32>,
        %gather3A_1036 = tpu.vector_load_idx %arg17[%add3A_371, %broadcast_in_dim3A_1029] : memref<128x64xf32, #tpu.memory_space<vmem>>[vector<16xi32>, vector<16xi32>], vector<16xf32>,
        %mul3A_1037 = arith.mulf %gather3A_1034, %mul3A_1031 : vector<16xf32>
        %add3A_1038 = arith.addf %add3A_1019, %mul3A_1037 : vector<16xf32>
        %mul3A_1039 = arith.mulf %gather3A_1035, %mul3A_1031 : vector<16xf32>
        %add3A_1040 = arith.addf %add3A_1021, %mul3A_1039 : vector<16xf32>
        %mul3A_1041 = arith.mulf %gather3A_1034, %gather3A_1034 : vector<16xf32>
        %add3A_1042 = arith.addf %add3A_1023, %mul3A_1041 : vector<16xf32>
        %mul3A_1043 = arith.mulf %gather3A_1035, %gather3A_1035 : vector<16xf32>
        %add3A_1044 = arith.addf %add3A_1025, %mul3A_1043 : vector<16xf32>
        %mul3A_1045 = arith.mulf %gather3A_1036, %gather3A_1036 : vector<16xf32>
        %add3A_1046 = arith.addf %add3A_1027, %mul3A_1045 : vector<16xf32>
        %broadcast_in_dim3A_1047 = arith.constant 17 : i32
        %broadcast_in_dim3A_1048 = vector.broadcast %broadcast_in_dim3A_1047 : i32 to vector<16xi32>
        %gather3A_1049 = tpu.vector_load_idx %arg18[%add3A_371, %broadcast_in_dim3A_1048] : memref<128x64xf32, #tpu.memory_space<vmem>>[vector<16xi32>, vector<16xi32>], vector<16xf32>,
        %mul3A_1050 = arith.mulf %gather3A_1049, %div3A_724 : vector<16xf32>
        %swap3A_1051 = arith.constant 272 : index
        %swap3A_1052 = tpu.vector_load %arg23[%swap3A_1051] {strides = array<i32>} : memref<1024xf32, #tpu.memory_space<vmem>>, vector<16xf32>,
        tpu.vector_store %arg23[%swap3A_1051], %mul3A_1050 {strides = array<i32>} : memref<1024xf32, #tpu.memory_space<vmem>>, vector<16xf32>,
        %gather3A_1053 = tpu.vector_load_idx %arg15[%add3A_371, %broadcast_in_dim3A_1048] : memref<128x64xf32, #tpu.memory_space<vmem>>[vector<16xi32>, vector<16xi32>], vector<16xf32>,
        %gather3A_1054 = tpu.vector_load_idx %arg16[%add3A_371, %broadcast_in_dim3A_1048] : memref<128x64xf32, #tpu.memory_space<vmem>>[vector<16xi32>, vector<16xi32>], vector<16xf32>,
        %gather3A_1055 = tpu.vector_load_idx %arg17[%add3A_371, %broadcast_in_dim3A_1048] : memref<128x64xf32, #tpu.memory_space<vmem>>[vector<16xi32>, vector<16xi32>], vector<16xf32>,
        %mul3A_1056 = arith.mulf %gather3A_1053, %mul3A_1050 : vector<16xf32>
        %add3A_1057 = arith.addf %add3A_1038, %mul3A_1056 : vector<16xf32>
        %mul3A_1058 = arith.mulf %gather3A_1054, %mul3A_1050 : vector<16xf32>
        %add3A_1059 = arith.addf %add3A_1040, %mul3A_1058 : vector<16xf32>
        %mul3A_1060 = arith.mulf %gather3A_1053, %gather3A_1053 : vector<16xf32>
        %add3A_1061 = arith.addf %add3A_1042, %mul3A_1060 : vector<16xf32>
        %mul3A_1062 = arith.mulf %gather3A_1054, %gather3A_1054 : vector<16xf32>
        %add3A_1063 = arith.addf %add3A_1044, %mul3A_1062 : vector<16xf32>
        %mul3A_1064 = arith.mulf %gather3A_1055, %gather3A_1055 : vector<16xf32>
        %add3A_1065 = arith.addf %add3A_1046, %mul3A_1064 : vector<16xf32>
        %broadcast_in_dim3A_1066 = arith.constant 18 : i32
        %broadcast_in_dim3A_1067 = vector.broadcast %broadcast_in_dim3A_1066 : i32 to vector<16xi32>
        %gather3A_1068 = tpu.vector_load_idx %arg18[%add3A_371, %broadcast_in_dim3A_1067] : memref<128x64xf32, #tpu.memory_space<vmem>>[vector<16xi32>, vector<16xi32>], vector<16xf32>,
        %mul3A_1069 = arith.mulf %gather3A_1068, %div3A_724 : vector<16xf32>
        %swap3A_1070 = arith.constant 288 : index
        %swap3A_1071 = tpu.vector_load %arg23[%swap3A_1070] {strides = array<i32>} : memref<1024xf32, #tpu.memory_space<vmem>>, vector<16xf32>,
        tpu.vector_store %arg23[%swap3A_1070], %mul3A_1069 {strides = array<i32>} : memref<1024xf32, #tpu.memory_space<vmem>>, vector<16xf32>,
        %gather3A_1072 = tpu.vector_load_idx %arg15[%add3A_371, %broadcast_in_dim3A_1067] : memref<128x64xf32, #tpu.memory_space<vmem>>[vector<16xi32>, vector<16xi32>], vector<16xf32>,
        %gather3A_1073 = tpu.vector_load_idx %arg16[%add3A_371, %broadcast_in_dim3A_1067] : memref<128x64xf32, #tpu.memory_space<vmem>>[vector<16xi32>, vector<16xi32>], vector<16xf32>,
        %gather3A_1074 = tpu.vector_load_idx %arg17[%add3A_371, %broadcast_in_dim3A_1067] : memref<128x64xf32, #tpu.memory_space<vmem>>[vector<16xi32>, vector<16xi32>], vector<16xf32>,
        %mul3A_1075 = arith.mulf %gather3A_1072, %mul3A_1069 : vector<16xf32>
        %add3A_1076 = arith.addf %add3A_1057, %mul3A_1075 : vector<16xf32>
        %mul3A_1077 = arith.mulf %gather3A_1073, %mul3A_1069 : vector<16xf32>
        %add3A_1078 = arith.addf %add3A_1059, %mul3A_1077 : vector<16xf32>
        %mul3A_1079 = arith.mulf %gather3A_1072, %gather3A_1072 : vector<16xf32>
        %add3A_1080 = arith.addf %add3A_1061, %mul3A_1079 : vector<16xf32>
        %mul3A_1081 = arith.mulf %gather3A_1073, %gather3A_1073 : vector<16xf32>
        %add3A_1082 = arith.addf %add3A_1063, %mul3A_1081 : vector<16xf32>
        %mul3A_1083 = arith.mulf %gather3A_1074, %gather3A_1074 : vector<16xf32>
        %add3A_1084 = arith.addf %add3A_1065, %mul3A_1083 : vector<16xf32>
        %broadcast_in_dim3A_1085 = arith.constant 19 : i32
        %broadcast_in_dim3A_1086 = vector.broadcast %broadcast_in_dim3A_1085 : i32 to vector<16xi32>
        %gather3A_1087 = tpu.vector_load_idx %arg18[%add3A_371, %broadcast_in_dim3A_1086] : memref<128x64xf32, #tpu.memory_space<vmem>>[vector<16xi32>, vector<16xi32>], vector<16xf32>,
        %mul3A_1088 = arith.mulf %gather3A_1087, %div3A_724 : vector<16xf32>
        %swap3A_1089 = arith.constant 304 : index
        %swap3A_1090 = tpu.vector_load %arg23[%swap3A_1089] {strides = array<i32>} : memref<1024xf32, #tpu.memory_space<vmem>>, vector<16xf32>,
        tpu.vector_store %arg23[%swap3A_1089], %mul3A_1088 {strides = array<i32>} : memref<1024xf32, #tpu.memory_space<vmem>>, vector<16xf32>,
        %gather3A_1091 = tpu.vector_load_idx %arg15[%add3A_371, %broadcast_in_dim3A_1086] : memref<128x64xf32, #tpu.memory_space<vmem>>[vector<16xi32>, vector<16xi32>], vector<16xf32>,
        %gather3A_1092 = tpu.vector_load_idx %arg16[%add3A_371, %broadcast_in_dim3A_1086] : memref<128x64xf32, #tpu.memory_space<vmem>>[vector<16xi32>, vector<16xi32>], vector<16xf32>,
        %gather3A_1093 = tpu.vector_load_idx %arg17[%add3A_371, %broadcast_in_dim3A_1086] : memref<128x64xf32, #tpu.memory_space<vmem>>[vector<16xi32>, vector<16xi32>], vector<16xf32>,
        %mul3A_1094 = arith.mulf %gather3A_1091, %mul3A_1088 : vector<16xf32>
        %add3A_1095 = arith.addf %add3A_1076, %mul3A_1094 : vector<16xf32>
        %mul3A_1096 = arith.mulf %gather3A_1092, %mul3A_1088 : vector<16xf32>
        %add3A_1097 = arith.addf %add3A_1078, %mul3A_1096 : vector<16xf32>
        %mul3A_1098 = arith.mulf %gather3A_1091, %gather3A_1091 : vector<16xf32>
        %add3A_1099 = arith.addf %add3A_1080, %mul3A_1098 : vector<16xf32>
        %mul3A_1100 = arith.mulf %gather3A_1092, %gather3A_1092 : vector<16xf32>
        %add3A_1101 = arith.addf %add3A_1082, %mul3A_1100 : vector<16xf32>
        %mul3A_1102 = arith.mulf %gather3A_1093, %gather3A_1093 : vector<16xf32>
        %add3A_1103 = arith.addf %add3A_1084, %mul3A_1102 : vector<16xf32>
        %broadcast_in_dim3A_1104 = arith.constant 20 : i32
        %broadcast_in_dim3A_1105 = vector.broadcast %broadcast_in_dim3A_1104 : i32 to vector<16xi32>
        %gather3A_1106 = tpu.vector_load_idx %arg18[%add3A_371, %broadcast_in_dim3A_1105] : memref<128x64xf32, #tpu.memory_space<vmem>>[vector<16xi32>, vector<16xi32>], vector<16xf32>,
        %mul3A_1107 = arith.mulf %gather3A_1106, %div3A_724 : vector<16xf32>
        %swap3A_1108 = arith.constant 320 : index
        %swap3A_1109 = tpu.vector_load %arg23[%swap3A_1108] {strides = array<i32>} : memref<1024xf32, #tpu.memory_space<vmem>>, vector<16xf32>,
        tpu.vector_store %arg23[%swap3A_1108], %mul3A_1107 {strides = array<i32>} : memref<1024xf32, #tpu.memory_space<vmem>>, vector<16xf32>,
        %gather3A_1110 = tpu.vector_load_idx %arg15[%add3A_371, %broadcast_in_dim3A_1105] : memref<128x64xf32, #tpu.memory_space<vmem>>[vector<16xi32>, vector<16xi32>], vector<16xf32>,
        %gather3A_1111 = tpu.vector_load_idx %arg16[%add3A_371, %broadcast_in_dim3A_1105] : memref<128x64xf32, #tpu.memory_space<vmem>>[vector<16xi32>, vector<16xi32>], vector<16xf32>,
        %gather3A_1112 = tpu.vector_load_idx %arg17[%add3A_371, %broadcast_in_dim3A_1105] : memref<128x64xf32, #tpu.memory_space<vmem>>[vector<16xi32>, vector<16xi32>], vector<16xf32>,
        %mul3A_1113 = arith.mulf %gather3A_1110, %mul3A_1107 : vector<16xf32>
        %add3A_1114 = arith.addf %add3A_1095, %mul3A_1113 : vector<16xf32>
        %mul3A_1115 = arith.mulf %gather3A_1111, %mul3A_1107 : vector<16xf32>
        %add3A_1116 = arith.addf %add3A_1097, %mul3A_1115 : vector<16xf32>
        %mul3A_1117 = arith.mulf %gather3A_1110, %gather3A_1110 : vector<16xf32>
        %add3A_1118 = arith.addf %add3A_1099, %mul3A_1117 : vector<16xf32>
        %mul3A_1119 = arith.mulf %gather3A_1111, %gather3A_1111 : vector<16xf32>
        %add3A_1120 = arith.addf %add3A_1101, %mul3A_1119 : vector<16xf32>
        %mul3A_1121 = arith.mulf %gather3A_1112, %gather3A_1112 : vector<16xf32>
        %add3A_1122 = arith.addf %add3A_1103, %mul3A_1121 : vector<16xf32>
        %broadcast_in_dim3A_1123 = arith.constant 21 : i32
        %broadcast_in_dim3A_1124 = vector.broadcast %broadcast_in_dim3A_1123 : i32 to vector<16xi32>
        %gather3A_1125 = tpu.vector_load_idx %arg18[%add3A_371, %broadcast_in_dim3A_1124] : memref<128x64xf32, #tpu.memory_space<vmem>>[vector<16xi32>, vector<16xi32>], vector<16xf32>,
        %mul3A_1126 = arith.mulf %gather3A_1125, %div3A_724 : vector<16xf32>
        %swap3A_1127 = arith.constant 336 : index
        %swap3A_1128 = tpu.vector_load %arg23[%swap3A_1127] {strides = array<i32>} : memref<1024xf32, #tpu.memory_space<vmem>>, vector<16xf32>,
        tpu.vector_store %arg23[%swap3A_1127], %mul3A_1126 {strides = array<i32>} : memref<1024xf32, #tpu.memory_space<vmem>>, vector<16xf32>,
        %gather3A_1129 = tpu.vector_load_idx %arg15[%add3A_371, %broadcast_in_dim3A_1124] : memref<128x64xf32, #tpu.memory_space<vmem>>[vector<16xi32>, vector<16xi32>], vector<16xf32>,
        %gather3A_1130 = tpu.vector_load_idx %arg16[%add3A_371, %broadcast_in_dim3A_1124] : memref<128x64xf32, #tpu.memory_space<vmem>>[vector<16xi32>, vector<16xi32>], vector<16xf32>,
        %gather3A_1131 = tpu.vector_load_idx %arg17[%add3A_371, %broadcast_in_dim3A_1124] : memref<128x64xf32, #tpu.memory_space<vmem>>[vector<16xi32>, vector<16xi32>], vector<16xf32>,
        %mul3A_1132 = arith.mulf %gather3A_1129, %mul3A_1126 : vector<16xf32>
        %add3A_1133 = arith.addf %add3A_1114, %mul3A_1132 : vector<16xf32>
        %mul3A_1134 = arith.mulf %gather3A_1130, %mul3A_1126 : vector<16xf32>
        %add3A_1135 = arith.addf %add3A_1116, %mul3A_1134 : vector<16xf32>
        %mul3A_1136 = arith.mulf %gather3A_1129, %gather3A_1129 : vector<16xf32>
        %add3A_1137 = arith.addf %add3A_1118, %mul3A_1136 : vector<16xf32>
        %mul3A_1138 = arith.mulf %gather3A_1130, %gather3A_1130 : vector<16xf32>
        %add3A_1139 = arith.addf %add3A_1120, %mul3A_1138 : vector<16xf32>
        %mul3A_1140 = arith.mulf %gather3A_1131, %gather3A_1131 : vector<16xf32>
        %add3A_1141 = arith.addf %add3A_1122, %mul3A_1140 : vector<16xf32>
        %broadcast_in_dim3A_1142 = arith.constant 22 : i32
        %broadcast_in_dim3A_1143 = vector.broadcast %broadcast_in_dim3A_1142 : i32 to vector<16xi32>
        %gather3A_1144 = tpu.vector_load_idx %arg18[%add3A_371, %broadcast_in_dim3A_1143] : memref<128x64xf32, #tpu.memory_space<vmem>>[vector<16xi32>, vector<16xi32>], vector<16xf32>,
        %mul3A_1145 = arith.mulf %gather3A_1144, %div3A_724 : vector<16xf32>
        %swap3A_1146 = arith.constant 352 : index
        %swap3A_1147 = tpu.vector_load %arg23[%swap3A_1146] {strides = array<i32>} : memref<1024xf32, #tpu.memory_space<vmem>>, vector<16xf32>,
        tpu.vector_store %arg23[%swap3A_1146], %mul3A_1145 {strides = array<i32>} : memref<1024xf32, #tpu.memory_space<vmem>>, vector<16xf32>,
        %gather3A_1148 = tpu.vector_load_idx %arg15[%add3A_371, %broadcast_in_dim3A_1143] : memref<128x64xf32, #tpu.memory_space<vmem>>[vector<16xi32>, vector<16xi32>], vector<16xf32>,
        %gather3A_1149 = tpu.vector_load_idx %arg16[%add3A_371, %broadcast_in_dim3A_1143] : memref<128x64xf32, #tpu.memory_space<vmem>>[vector<16xi32>, vector<16xi32>], vector<16xf32>,
        %gather3A_1150 = tpu.vector_load_idx %arg17[%add3A_371, %broadcast_in_dim3A_1143] : memref<128x64xf32, #tpu.memory_space<vmem>>[vector<16xi32>, vector<16xi32>], vector<16xf32>,
        %mul3A_1151 = arith.mulf %gather3A_1148, %mul3A_1145 : vector<16xf32>
        %add3A_1152 = arith.addf %add3A_1133, %mul3A_1151 : vector<16xf32>
        %mul3A_1153 = arith.mulf %gather3A_1149, %mul3A_1145 : vector<16xf32>
        %add3A_1154 = arith.addf %add3A_1135, %mul3A_1153 : vector<16xf32>
        %mul3A_1155 = arith.mulf %gather3A_1148, %gather3A_1148 : vector<16xf32>
        %add3A_1156 = arith.addf %add3A_1137, %mul3A_1155 : vector<16xf32>
        %mul3A_1157 = arith.mulf %gather3A_1149, %gather3A_1149 : vector<16xf32>
        %add3A_1158 = arith.addf %add3A_1139, %mul3A_1157 : vector<16xf32>
        %mul3A_1159 = arith.mulf %gather3A_1150, %gather3A_1150 : vector<16xf32>
        %add3A_1160 = arith.addf %add3A_1141, %mul3A_1159 : vector<16xf32>
        %broadcast_in_dim3A_1161 = arith.constant 23 : i32
        %broadcast_in_dim3A_1162 = vector.broadcast %broadcast_in_dim3A_1161 : i32 to vector<16xi32>
        %gather3A_1163 = tpu.vector_load_idx %arg18[%add3A_371, %broadcast_in_dim3A_1162] : memref<128x64xf32, #tpu.memory_space<vmem>>[vector<16xi32>, vector<16xi32>], vector<16xf32>,
        %mul3A_1164 = arith.mulf %gather3A_1163, %div3A_724 : vector<16xf32>
        %swap3A_1165 = arith.constant 368 : index
        %swap3A_1166 = tpu.vector_load %arg23[%swap3A_1165] {strides = array<i32>} : memref<1024xf32, #tpu.memory_space<vmem>>, vector<16xf32>,
        tpu.vector_store %arg23[%swap3A_1165], %mul3A_1164 {strides = array<i32>} : memref<1024xf32, #tpu.memory_space<vmem>>, vector<16xf32>,
        %gather3A_1167 = tpu.vector_load_idx %arg15[%add3A_371, %broadcast_in_dim3A_1162] : memref<128x64xf32, #tpu.memory_space<vmem>>[vector<16xi32>, vector<16xi32>], vector<16xf32>,
        %gather3A_1168 = tpu.vector_load_idx %arg16[%add3A_371, %broadcast_in_dim3A_1162] : memref<128x64xf32, #tpu.memory_space<vmem>>[vector<16xi32>, vector<16xi32>], vector<16xf32>,
        %gather3A_1169 = tpu.vector_load_idx %arg17[%add3A_371, %broadcast_in_dim3A_1162] : memref<128x64xf32, #tpu.memory_space<vmem>>[vector<16xi32>, vector<16xi32>], vector<16xf32>,
        %mul3A_1170 = arith.mulf %gather3A_1167, %mul3A_1164 : vector<16xf32>
        %add3A_1171 = arith.addf %add3A_1152, %mul3A_1170 : vector<16xf32>
        %mul3A_1172 = arith.mulf %gather3A_1168, %mul3A_1164 : vector<16xf32>
        %add3A_1173 = arith.addf %add3A_1154, %mul3A_1172 : vector<16xf32>
        %mul3A_1174 = arith.mulf %gather3A_1167, %gather3A_1167 : vector<16xf32>
        %add3A_1175 = arith.addf %add3A_1156, %mul3A_1174 : vector<16xf32>
        %mul3A_1176 = arith.mulf %gather3A_1168, %gather3A_1168 : vector<16xf32>
        %add3A_1177 = arith.addf %add3A_1158, %mul3A_1176 : vector<16xf32>
        %mul3A_1178 = arith.mulf %gather3A_1169, %gather3A_1169 : vector<16xf32>
        %add3A_1179 = arith.addf %add3A_1160, %mul3A_1178 : vector<16xf32>
        %broadcast_in_dim3A_1180 = arith.constant 24 : i32
        %broadcast_in_dim3A_1181 = vector.broadcast %broadcast_in_dim3A_1180 : i32 to vector<16xi32>
        %gather3A_1182 = tpu.vector_load_idx %arg18[%add3A_371, %broadcast_in_dim3A_1181] : memref<128x64xf32, #tpu.memory_space<vmem>>[vector<16xi32>, vector<16xi32>], vector<16xf32>,
        %mul3A_1183 = arith.mulf %gather3A_1182, %div3A_724 : vector<16xf32>
        %swap3A_1184 = arith.constant 384 : index
        %swap3A_1185 = tpu.vector_load %arg23[%swap3A_1184] {strides = array<i32>} : memref<1024xf32, #tpu.memory_space<vmem>>, vector<16xf32>,
        tpu.vector_store %arg23[%swap3A_1184], %mul3A_1183 {strides = array<i32>} : memref<1024xf32, #tpu.memory_space<vmem>>, vector<16xf32>,
        %gather3A_1186 = tpu.vector_load_idx %arg15[%add3A_371, %broadcast_in_dim3A_1181] : memref<128x64xf32, #tpu.memory_space<vmem>>[vector<16xi32>, vector<16xi32>], vector<16xf32>,
        %gather3A_1187 = tpu.vector_load_idx %arg16[%add3A_371, %broadcast_in_dim3A_1181] : memref<128x64xf32, #tpu.memory_space<vmem>>[vector<16xi32>, vector<16xi32>], vector<16xf32>,
        %gather3A_1188 = tpu.vector_load_idx %arg17[%add3A_371, %broadcast_in_dim3A_1181] : memref<128x64xf32, #tpu.memory_space<vmem>>[vector<16xi32>, vector<16xi32>], vector<16xf32>,
        %mul3A_1189 = arith.mulf %gather3A_1186, %mul3A_1183 : vector<16xf32>
        %add3A_1190 = arith.addf %add3A_1171, %mul3A_1189 : vector<16xf32>
        %mul3A_1191 = arith.mulf %gather3A_1187, %mul3A_1183 : vector<16xf32>
        %add3A_1192 = arith.addf %add3A_1173, %mul3A_1191 : vector<16xf32>
        %mul3A_1193 = arith.mulf %gather3A_1186, %gather3A_1186 : vector<16xf32>
        %add3A_1194 = arith.addf %add3A_1175, %mul3A_1193 : vector<16xf32>
        %mul3A_1195 = arith.mulf %gather3A_1187, %gather3A_1187 : vector<16xf32>
        %add3A_1196 = arith.addf %add3A_1177, %mul3A_1195 : vector<16xf32>
        %mul3A_1197 = arith.mulf %gather3A_1188, %gather3A_1188 : vector<16xf32>
        %add3A_1198 = arith.addf %add3A_1179, %mul3A_1197 : vector<16xf32>
        %broadcast_in_dim3A_1199 = arith.constant 25 : i32
        %broadcast_in_dim3A_1200 = vector.broadcast %broadcast_in_dim3A_1199 : i32 to vector<16xi32>
        %gather3A_1201 = tpu.vector_load_idx %arg18[%add3A_371, %broadcast_in_dim3A_1200] : memref<128x64xf32, #tpu.memory_space<vmem>>[vector<16xi32>, vector<16xi32>], vector<16xf32>,
        %mul3A_1202 = arith.mulf %gather3A_1201, %div3A_724 : vector<16xf32>
        %swap3A_1203 = arith.constant 400 : index
        %swap3A_1204 = tpu.vector_load %arg23[%swap3A_1203] {strides = array<i32>} : memref<1024xf32, #tpu.memory_space<vmem>>, vector<16xf32>,
        tpu.vector_store %arg23[%swap3A_1203], %mul3A_1202 {strides = array<i32>} : memref<1024xf32, #tpu.memory_space<vmem>>, vector<16xf32>,
        %gather3A_1205 = tpu.vector_load_idx %arg15[%add3A_371, %broadcast_in_dim3A_1200] : memref<128x64xf32, #tpu.memory_space<vmem>>[vector<16xi32>, vector<16xi32>], vector<16xf32>,
        %gather3A_1206 = tpu.vector_load_idx %arg16[%add3A_371, %broadcast_in_dim3A_1200] : memref<128x64xf32, #tpu.memory_space<vmem>>[vector<16xi32>, vector<16xi32>], vector<16xf32>,
        %gather3A_1207 = tpu.vector_load_idx %arg17[%add3A_371, %broadcast_in_dim3A_1200] : memref<128x64xf32, #tpu.memory_space<vmem>>[vector<16xi32>, vector<16xi32>], vector<16xf32>,
        %mul3A_1208 = arith.mulf %gather3A_1205, %mul3A_1202 : vector<16xf32>
        %add3A_1209 = arith.addf %add3A_1190, %mul3A_1208 : vector<16xf32>
        %mul3A_1210 = arith.mulf %gather3A_1206, %mul3A_1202 : vector<16xf32>
        %add3A_1211 = arith.addf %add3A_1192, %mul3A_1210 : vector<16xf32>
        %mul3A_1212 = arith.mulf %gather3A_1205, %gather3A_1205 : vector<16xf32>
        %add3A_1213 = arith.addf %add3A_1194, %mul3A_1212 : vector<16xf32>
        %mul3A_1214 = arith.mulf %gather3A_1206, %gather3A_1206 : vector<16xf32>
        %add3A_1215 = arith.addf %add3A_1196, %mul3A_1214 : vector<16xf32>
        %mul3A_1216 = arith.mulf %gather3A_1207, %gather3A_1207 : vector<16xf32>
        %add3A_1217 = arith.addf %add3A_1198, %mul3A_1216 : vector<16xf32>
        %broadcast_in_dim3A_1218 = arith.constant 26 : i32
        %broadcast_in_dim3A_1219 = vector.broadcast %broadcast_in_dim3A_1218 : i32 to vector<16xi32>
        %gather3A_1220 = tpu.vector_load_idx %arg18[%add3A_371, %broadcast_in_dim3A_1219] : memref<128x64xf32, #tpu.memory_space<vmem>>[vector<16xi32>, vector<16xi32>], vector<16xf32>,
        %mul3A_1221 = arith.mulf %gather3A_1220, %div3A_724 : vector<16xf32>
        %swap3A_1222 = arith.constant 416 : index
        %swap3A_1223 = tpu.vector_load %arg23[%swap3A_1222] {strides = array<i32>} : memref<1024xf32, #tpu.memory_space<vmem>>, vector<16xf32>,
        tpu.vector_store %arg23[%swap3A_1222], %mul3A_1221 {strides = array<i32>} : memref<1024xf32, #tpu.memory_space<vmem>>, vector<16xf32>,
        %gather3A_1224 = tpu.vector_load_idx %arg15[%add3A_371, %broadcast_in_dim3A_1219] : memref<128x64xf32, #tpu.memory_space<vmem>>[vector<16xi32>, vector<16xi32>], vector<16xf32>,
        %gather3A_1225 = tpu.vector_load_idx %arg16[%add3A_371, %broadcast_in_dim3A_1219] : memref<128x64xf32, #tpu.memory_space<vmem>>[vector<16xi32>, vector<16xi32>], vector<16xf32>,
        %gather3A_1226 = tpu.vector_load_idx %arg17[%add3A_371, %broadcast_in_dim3A_1219] : memref<128x64xf32, #tpu.memory_space<vmem>>[vector<16xi32>, vector<16xi32>], vector<16xf32>,
        %mul3A_1227 = arith.mulf %gather3A_1224, %mul3A_1221 : vector<16xf32>
        %add3A_1228 = arith.addf %add3A_1209, %mul3A_1227 : vector<16xf32>
        %mul3A_1229 = arith.mulf %gather3A_1225, %mul3A_1221 : vector<16xf32>
        %add3A_1230 = arith.addf %add3A_1211, %mul3A_1229 : vector<16xf32>
        %mul3A_1231 = arith.mulf %gather3A_1224, %gather3A_1224 : vector<16xf32>
        %add3A_1232 = arith.addf %add3A_1213, %mul3A_1231 : vector<16xf32>
        %mul3A_1233 = arith.mulf %gather3A_1225, %gather3A_1225 : vector<16xf32>
        %add3A_1234 = arith.addf %add3A_1215, %mul3A_1233 : vector<16xf32>
        %mul3A_1235 = arith.mulf %gather3A_1226, %gather3A_1226 : vector<16xf32>
        %add3A_1236 = arith.addf %add3A_1217, %mul3A_1235 : vector<16xf32>
        %broadcast_in_dim3A_1237 = arith.constant 27 : i32
        %broadcast_in_dim3A_1238 = vector.broadcast %broadcast_in_dim3A_1237 : i32 to vector<16xi32>
        %gather3A_1239 = tpu.vector_load_idx %arg18[%add3A_371, %broadcast_in_dim3A_1238] : memref<128x64xf32, #tpu.memory_space<vmem>>[vector<16xi32>, vector<16xi32>], vector<16xf32>,
        %mul3A_1240 = arith.mulf %gather3A_1239, %div3A_724 : vector<16xf32>
        %swap3A_1241 = arith.constant 432 : index
        %swap3A_1242 = tpu.vector_load %arg23[%swap3A_1241] {strides = array<i32>} : memref<1024xf32, #tpu.memory_space<vmem>>, vector<16xf32>,
        tpu.vector_store %arg23[%swap3A_1241], %mul3A_1240 {strides = array<i32>} : memref<1024xf32, #tpu.memory_space<vmem>>, vector<16xf32>,
        %gather3A_1243 = tpu.vector_load_idx %arg15[%add3A_371, %broadcast_in_dim3A_1238] : memref<128x64xf32, #tpu.memory_space<vmem>>[vector<16xi32>, vector<16xi32>], vector<16xf32>,
        %gather3A_1244 = tpu.vector_load_idx %arg16[%add3A_371, %broadcast_in_dim3A_1238] : memref<128x64xf32, #tpu.memory_space<vmem>>[vector<16xi32>, vector<16xi32>], vector<16xf32>,
        %gather3A_1245 = tpu.vector_load_idx %arg17[%add3A_371, %broadcast_in_dim3A_1238] : memref<128x64xf32, #tpu.memory_space<vmem>>[vector<16xi32>, vector<16xi32>], vector<16xf32>,
        %mul3A_1246 = arith.mulf %gather3A_1243, %mul3A_1240 : vector<16xf32>
        %add3A_1247 = arith.addf %add3A_1228, %mul3A_1246 : vector<16xf32>
        %mul3A_1248 = arith.mulf %gather3A_1244, %mul3A_1240 : vector<16xf32>
        %add3A_1249 = arith.addf %add3A_1230, %mul3A_1248 : vector<16xf32>
        %mul3A_1250 = arith.mulf %gather3A_1243, %gather3A_1243 : vector<16xf32>
        %add3A_1251 = arith.addf %add3A_1232, %mul3A_1250 : vector<16xf32>
        %mul3A_1252 = arith.mulf %gather3A_1244, %gather3A_1244 : vector<16xf32>
        %add3A_1253 = arith.addf %add3A_1234, %mul3A_1252 : vector<16xf32>
        %mul3A_1254 = arith.mulf %gather3A_1245, %gather3A_1245 : vector<16xf32>
        %add3A_1255 = arith.addf %add3A_1236, %mul3A_1254 : vector<16xf32>
        %broadcast_in_dim3A_1256 = arith.constant 28 : i32
        %broadcast_in_dim3A_1257 = vector.broadcast %broadcast_in_dim3A_1256 : i32 to vector<16xi32>
        %gather3A_1258 = tpu.vector_load_idx %arg18[%add3A_371, %broadcast_in_dim3A_1257] : memref<128x64xf32, #tpu.memory_space<vmem>>[vector<16xi32>, vector<16xi32>], vector<16xf32>,
        %mul3A_1259 = arith.mulf %gather3A_1258, %div3A_724 : vector<16xf32>
        %swap3A_1260 = arith.constant 448 : index
        %swap3A_1261 = tpu.vector_load %arg23[%swap3A_1260] {strides = array<i32>} : memref<1024xf32, #tpu.memory_space<vmem>>, vector<16xf32>,
        tpu.vector_store %arg23[%swap3A_1260], %mul3A_1259 {strides = array<i32>} : memref<1024xf32, #tpu.memory_space<vmem>>, vector<16xf32>,
        %gather3A_1262 = tpu.vector_load_idx %arg15[%add3A_371, %broadcast_in_dim3A_1257] : memref<128x64xf32, #tpu.memory_space<vmem>>[vector<16xi32>, vector<16xi32>], vector<16xf32>,
        %gather3A_1263 = tpu.vector_load_idx %arg16[%add3A_371, %broadcast_in_dim3A_1257] : memref<128x64xf32, #tpu.memory_space<vmem>>[vector<16xi32>, vector<16xi32>], vector<16xf32>,
        %gather3A_1264 = tpu.vector_load_idx %arg17[%add3A_371, %broadcast_in_dim3A_1257] : memref<128x64xf32, #tpu.memory_space<vmem>>[vector<16xi32>, vector<16xi32>], vector<16xf32>,
        %mul3A_1265 = arith.mulf %gather3A_1262, %mul3A_1259 : vector<16xf32>
        %add3A_1266 = arith.addf %add3A_1247, %mul3A_1265 : vector<16xf32>
        %mul3A_1267 = arith.mulf %gather3A_1263, %mul3A_1259 : vector<16xf32>
        %add3A_1268 = arith.addf %add3A_1249, %mul3A_1267 : vector<16xf32>
        %mul3A_1269 = arith.mulf %gather3A_1262, %gather3A_1262 : vector<16xf32>
        %add3A_1270 = arith.addf %add3A_1251, %mul3A_1269 : vector<16xf32>
        %mul3A_1271 = arith.mulf %gather3A_1263, %gather3A_1263 : vector<16xf32>
        %add3A_1272 = arith.addf %add3A_1253, %mul3A_1271 : vector<16xf32>
        %mul3A_1273 = arith.mulf %gather3A_1264, %gather3A_1264 : vector<16xf32>
        %add3A_1274 = arith.addf %add3A_1255, %mul3A_1273 : vector<16xf32>
        %broadcast_in_dim3A_1275 = arith.constant 29 : i32
        %broadcast_in_dim3A_1276 = vector.broadcast %broadcast_in_dim3A_1275 : i32 to vector<16xi32>
        %gather3A_1277 = tpu.vector_load_idx %arg18[%add3A_371, %broadcast_in_dim3A_1276] : memref<128x64xf32, #tpu.memory_space<vmem>>[vector<16xi32>, vector<16xi32>], vector<16xf32>,
        %mul3A_1278 = arith.mulf %gather3A_1277, %div3A_724 : vector<16xf32>
        %swap3A_1279 = arith.constant 464 : index
        %swap3A_1280 = tpu.vector_load %arg23[%swap3A_1279] {strides = array<i32>} : memref<1024xf32, #tpu.memory_space<vmem>>, vector<16xf32>,
        tpu.vector_store %arg23[%swap3A_1279], %mul3A_1278 {strides = array<i32>} : memref<1024xf32, #tpu.memory_space<vmem>>, vector<16xf32>,
        %gather3A_1281 = tpu.vector_load_idx %arg15[%add3A_371, %broadcast_in_dim3A_1276] : memref<128x64xf32, #tpu.memory_space<vmem>>[vector<16xi32>, vector<16xi32>], vector<16xf32>,
        %gather3A_1282 = tpu.vector_load_idx %arg16[%add3A_371, %broadcast_in_dim3A_1276] : memref<128x64xf32, #tpu.memory_space<vmem>>[vector<16xi32>, vector<16xi32>], vector<16xf32>,
        %gather3A_1283 = tpu.vector_load_idx %arg17[%add3A_371, %broadcast_in_dim3A_1276] : memref<128x64xf32, #tpu.memory_space<vmem>>[vector<16xi32>, vector<16xi32>], vector<16xf32>,
        %mul3A_1284 = arith.mulf %gather3A_1281, %mul3A_1278 : vector<16xf32>
        %add3A_1285 = arith.addf %add3A_1266, %mul3A_1284 : vector<16xf32>
        %mul3A_1286 = arith.mulf %gather3A_1282, %mul3A_1278 : vector<16xf32>
        %add3A_1287 = arith.addf %add3A_1268, %mul3A_1286 : vector<16xf32>
        %mul3A_1288 = arith.mulf %gather3A_1281, %gather3A_1281 : vector<16xf32>
        %add3A_1289 = arith.addf %add3A_1270, %mul3A_1288 : vector<16xf32>
        %mul3A_1290 = arith.mulf %gather3A_1282, %gather3A_1282 : vector<16xf32>
        %add3A_1291 = arith.addf %add3A_1272, %mul3A_1290 : vector<16xf32>
        %mul3A_1292 = arith.mulf %gather3A_1283, %gather3A_1283 : vector<16xf32>
        %add3A_1293 = arith.addf %add3A_1274, %mul3A_1292 : vector<16xf32>
        %broadcast_in_dim3A_1294 = arith.constant 30 : i32
        %broadcast_in_dim3A_1295 = vector.broadcast %broadcast_in_dim3A_1294 : i32 to vector<16xi32>
        %gather3A_1296 = tpu.vector_load_idx %arg18[%add3A_371, %broadcast_in_dim3A_1295] : memref<128x64xf32, #tpu.memory_space<vmem>>[vector<16xi32>, vector<16xi32>], vector<16xf32>,
        %mul3A_1297 = arith.mulf %gather3A_1296, %div3A_724 : vector<16xf32>
        %swap3A_1298 = arith.constant 480 : index
        %swap3A_1299 = tpu.vector_load %arg23[%swap3A_1298] {strides = array<i32>} : memref<1024xf32, #tpu.memory_space<vmem>>, vector<16xf32>,
        tpu.vector_store %arg23[%swap3A_1298], %mul3A_1297 {strides = array<i32>} : memref<1024xf32, #tpu.memory_space<vmem>>, vector<16xf32>,
        %gather3A_1300 = tpu.vector_load_idx %arg15[%add3A_371, %broadcast_in_dim3A_1295] : memref<128x64xf32, #tpu.memory_space<vmem>>[vector<16xi32>, vector<16xi32>], vector<16xf32>,
        %gather3A_1301 = tpu.vector_load_idx %arg16[%add3A_371, %broadcast_in_dim3A_1295] : memref<128x64xf32, #tpu.memory_space<vmem>>[vector<16xi32>, vector<16xi32>], vector<16xf32>,
        %gather3A_1302 = tpu.vector_load_idx %arg17[%add3A_371, %broadcast_in_dim3A_1295] : memref<128x64xf32, #tpu.memory_space<vmem>>[vector<16xi32>, vector<16xi32>], vector<16xf32>,
        %mul3A_1303 = arith.mulf %gather3A_1300, %mul3A_1297 : vector<16xf32>
        %add3A_1304 = arith.addf %add3A_1285, %mul3A_1303 : vector<16xf32>
        %mul3A_1305 = arith.mulf %gather3A_1301, %mul3A_1297 : vector<16xf32>
        %add3A_1306 = arith.addf %add3A_1287, %mul3A_1305 : vector<16xf32>
        %mul3A_1307 = arith.mulf %gather3A_1300, %gather3A_1300 : vector<16xf32>
        %add3A_1308 = arith.addf %add3A_1289, %mul3A_1307 : vector<16xf32>
        %mul3A_1309 = arith.mulf %gather3A_1301, %gather3A_1301 : vector<16xf32>
        %add3A_1310 = arith.addf %add3A_1291, %mul3A_1309 : vector<16xf32>
        %mul3A_1311 = arith.mulf %gather3A_1302, %gather3A_1302 : vector<16xf32>
        %add3A_1312 = arith.addf %add3A_1293, %mul3A_1311 : vector<16xf32>
        %broadcast_in_dim3A_1313 = arith.constant 31 : i32
        %broadcast_in_dim3A_1314 = vector.broadcast %broadcast_in_dim3A_1313 : i32 to vector<16xi32>
        %gather3A_1315 = tpu.vector_load_idx %arg18[%add3A_371, %broadcast_in_dim3A_1314] : memref<128x64xf32, #tpu.memory_space<vmem>>[vector<16xi32>, vector<16xi32>], vector<16xf32>,
        %mul3A_1316 = arith.mulf %gather3A_1315, %div3A_724 : vector<16xf32>
        %swap3A_1317 = arith.constant 496 : index
        %swap3A_1318 = tpu.vector_load %arg23[%swap3A_1317] {strides = array<i32>} : memref<1024xf32, #tpu.memory_space<vmem>>, vector<16xf32>,
        tpu.vector_store %arg23[%swap3A_1317], %mul3A_1316 {strides = array<i32>} : memref<1024xf32, #tpu.memory_space<vmem>>, vector<16xf32>,
        %gather3A_1319 = tpu.vector_load_idx %arg15[%add3A_371, %broadcast_in_dim3A_1314] : memref<128x64xf32, #tpu.memory_space<vmem>>[vector<16xi32>, vector<16xi32>], vector<16xf32>,
        %gather3A_1320 = tpu.vector_load_idx %arg16[%add3A_371, %broadcast_in_dim3A_1314] : memref<128x64xf32, #tpu.memory_space<vmem>>[vector<16xi32>, vector<16xi32>], vector<16xf32>,
        %gather3A_1321 = tpu.vector_load_idx %arg17[%add3A_371, %broadcast_in_dim3A_1314] : memref<128x64xf32, #tpu.memory_space<vmem>>[vector<16xi32>, vector<16xi32>], vector<16xf32>,
        %mul3A_1322 = arith.mulf %gather3A_1319, %mul3A_1316 : vector<16xf32>
        %add3A_1323 = arith.addf %add3A_1304, %mul3A_1322 : vector<16xf32>
        %mul3A_1324 = arith.mulf %gather3A_1320, %mul3A_1316 : vector<16xf32>
        %add3A_1325 = arith.addf %add3A_1306, %mul3A_1324 : vector<16xf32>
        %mul3A_1326 = arith.mulf %gather3A_1319, %gather3A_1319 : vector<16xf32>
        %add3A_1327 = arith.addf %add3A_1308, %mul3A_1326 : vector<16xf32>
        %mul3A_1328 = arith.mulf %gather3A_1320, %gather3A_1320 : vector<16xf32>
        %add3A_1329 = arith.addf %add3A_1310, %mul3A_1328 : vector<16xf32>
        %mul3A_1330 = arith.mulf %gather3A_1321, %gather3A_1321 : vector<16xf32>
        %add3A_1331 = arith.addf %add3A_1312, %mul3A_1330 : vector<16xf32>
        %broadcast_in_dim3A_1332 = arith.constant 32 : i32
        %broadcast_in_dim3A_1333 = vector.broadcast %broadcast_in_dim3A_1332 : i32 to vector<16xi32>
        %gather3A_1334 = tpu.vector_load_idx %arg18[%add3A_371, %broadcast_in_dim3A_1333] : memref<128x64xf32, #tpu.memory_space<vmem>>[vector<16xi32>, vector<16xi32>], vector<16xf32>,
        %mul3A_1335 = arith.mulf %gather3A_1334, %div3A_724 : vector<16xf32>
        %swap3A_1336 = arith.constant 512 : index
        %swap3A_1337 = tpu.vector_load %arg23[%swap3A_1336] {strides = array<i32>} : memref<1024xf32, #tpu.memory_space<vmem>>, vector<16xf32>,
        tpu.vector_store %arg23[%swap3A_1336], %mul3A_1335 {strides = array<i32>} : memref<1024xf32, #tpu.memory_space<vmem>>, vector<16xf32>,
        %gather3A_1338 = tpu.vector_load_idx %arg15[%add3A_371, %broadcast_in_dim3A_1333] : memref<128x64xf32, #tpu.memory_space<vmem>>[vector<16xi32>, vector<16xi32>], vector<16xf32>,
        %gather3A_1339 = tpu.vector_load_idx %arg16[%add3A_371, %broadcast_in_dim3A_1333] : memref<128x64xf32, #tpu.memory_space<vmem>>[vector<16xi32>, vector<16xi32>], vector<16xf32>,
        %gather3A_1340 = tpu.vector_load_idx %arg17[%add3A_371, %broadcast_in_dim3A_1333] : memref<128x64xf32, #tpu.memory_space<vmem>>[vector<16xi32>, vector<16xi32>], vector<16xf32>,
        %mul3A_1341 = arith.mulf %gather3A_1338, %mul3A_1335 : vector<16xf32>
        %add3A_1342 = arith.addf %add3A_1323, %mul3A_1341 : vector<16xf32>
        %mul3A_1343 = arith.mulf %gather3A_1339, %mul3A_1335 : vector<16xf32>
        %add3A_1344 = arith.addf %add3A_1325, %mul3A_1343 : vector<16xf32>
        %mul3A_1345 = arith.mulf %gather3A_1338, %gather3A_1338 : vector<16xf32>
        %add3A_1346 = arith.addf %add3A_1327, %mul3A_1345 : vector<16xf32>
        %mul3A_1347 = arith.mulf %gather3A_1339, %gather3A_1339 : vector<16xf32>
        %add3A_1348 = arith.addf %add3A_1329, %mul3A_1347 : vector<16xf32>
        %mul3A_1349 = arith.mulf %gather3A_1340, %gather3A_1340 : vector<16xf32>
        %add3A_1350 = arith.addf %add3A_1331, %mul3A_1349 : vector<16xf32>
        %broadcast_in_dim3A_1351 = arith.constant 33 : i32
        %broadcast_in_dim3A_1352 = vector.broadcast %broadcast_in_dim3A_1351 : i32 to vector<16xi32>
        %gather3A_1353 = tpu.vector_load_idx %arg18[%add3A_371, %broadcast_in_dim3A_1352] : memref<128x64xf32, #tpu.memory_space<vmem>>[vector<16xi32>, vector<16xi32>], vector<16xf32>,
        %mul3A_1354 = arith.mulf %gather3A_1353, %div3A_724 : vector<16xf32>
        %swap3A_1355 = arith.constant 528 : index
        %swap3A_1356 = tpu.vector_load %arg23[%swap3A_1355] {strides = array<i32>} : memref<1024xf32, #tpu.memory_space<vmem>>, vector<16xf32>,
        tpu.vector_store %arg23[%swap3A_1355], %mul3A_1354 {strides = array<i32>} : memref<1024xf32, #tpu.memory_space<vmem>>, vector<16xf32>,
        %gather3A_1357 = tpu.vector_load_idx %arg15[%add3A_371, %broadcast_in_dim3A_1352] : memref<128x64xf32, #tpu.memory_space<vmem>>[vector<16xi32>, vector<16xi32>], vector<16xf32>,
        %gather3A_1358 = tpu.vector_load_idx %arg16[%add3A_371, %broadcast_in_dim3A_1352] : memref<128x64xf32, #tpu.memory_space<vmem>>[vector<16xi32>, vector<16xi32>], vector<16xf32>,
        %gather3A_1359 = tpu.vector_load_idx %arg17[%add3A_371, %broadcast_in_dim3A_1352] : memref<128x64xf32, #tpu.memory_space<vmem>>[vector<16xi32>, vector<16xi32>], vector<16xf32>,
        %mul3A_1360 = arith.mulf %gather3A_1357, %mul3A_1354 : vector<16xf32>
        %add3A_1361 = arith.addf %add3A_1342, %mul3A_1360 : vector<16xf32>
        %mul3A_1362 = arith.mulf %gather3A_1358, %mul3A_1354 : vector<16xf32>
        %add3A_1363 = arith.addf %add3A_1344, %mul3A_1362 : vector<16xf32>
        %mul3A_1364 = arith.mulf %gather3A_1357, %gather3A_1357 : vector<16xf32>
        %add3A_1365 = arith.addf %add3A_1346, %mul3A_1364 : vector<16xf32>
        %mul3A_1366 = arith.mulf %gather3A_1358, %gather3A_1358 : vector<16xf32>
        %add3A_1367 = arith.addf %add3A_1348, %mul3A_1366 : vector<16xf32>
        %mul3A_1368 = arith.mulf %gather3A_1359, %gather3A_1359 : vector<16xf32>
        %add3A_1369 = arith.addf %add3A_1350, %mul3A_1368 : vector<16xf32>
        %broadcast_in_dim3A_1370 = arith.constant 34 : i32
        %broadcast_in_dim3A_1371 = vector.broadcast %broadcast_in_dim3A_1370 : i32 to vector<16xi32>
        %gather3A_1372 = tpu.vector_load_idx %arg18[%add3A_371, %broadcast_in_dim3A_1371] : memref<128x64xf32, #tpu.memory_space<vmem>>[vector<16xi32>, vector<16xi32>], vector<16xf32>,
        %mul3A_1373 = arith.mulf %gather3A_1372, %div3A_724 : vector<16xf32>
        %swap3A_1374 = arith.constant 544 : index
        %swap3A_1375 = tpu.vector_load %arg23[%swap3A_1374] {strides = array<i32>} : memref<1024xf32, #tpu.memory_space<vmem>>, vector<16xf32>,
        tpu.vector_store %arg23[%swap3A_1374], %mul3A_1373 {strides = array<i32>} : memref<1024xf32, #tpu.memory_space<vmem>>, vector<16xf32>,
        %gather3A_1376 = tpu.vector_load_idx %arg15[%add3A_371, %broadcast_in_dim3A_1371] : memref<128x64xf32, #tpu.memory_space<vmem>>[vector<16xi32>, vector<16xi32>], vector<16xf32>,
        %gather3A_1377 = tpu.vector_load_idx %arg16[%add3A_371, %broadcast_in_dim3A_1371] : memref<128x64xf32, #tpu.memory_space<vmem>>[vector<16xi32>, vector<16xi32>], vector<16xf32>,
        %gather3A_1378 = tpu.vector_load_idx %arg17[%add3A_371, %broadcast_in_dim3A_1371] : memref<128x64xf32, #tpu.memory_space<vmem>>[vector<16xi32>, vector<16xi32>], vector<16xf32>,
        %mul3A_1379 = arith.mulf %gather3A_1376, %mul3A_1373 : vector<16xf32>
        %add3A_1380 = arith.addf %add3A_1361, %mul3A_1379 : vector<16xf32>
        %mul3A_1381 = arith.mulf %gather3A_1377, %mul3A_1373 : vector<16xf32>
        %add3A_1382 = arith.addf %add3A_1363, %mul3A_1381 : vector<16xf32>
        %mul3A_1383 = arith.mulf %gather3A_1376, %gather3A_1376 : vector<16xf32>
        %add3A_1384 = arith.addf %add3A_1365, %mul3A_1383 : vector<16xf32>
        %mul3A_1385 = arith.mulf %gather3A_1377, %gather3A_1377 : vector<16xf32>
        %add3A_1386 = arith.addf %add3A_1367, %mul3A_1385 : vector<16xf32>
        %mul3A_1387 = arith.mulf %gather3A_1378, %gather3A_1378 : vector<16xf32>
        %add3A_1388 = arith.addf %add3A_1369, %mul3A_1387 : vector<16xf32>
        %broadcast_in_dim3A_1389 = arith.constant 35 : i32
        %broadcast_in_dim3A_1390 = vector.broadcast %broadcast_in_dim3A_1389 : i32 to vector<16xi32>
        %gather3A_1391 = tpu.vector_load_idx %arg18[%add3A_371, %broadcast_in_dim3A_1390] : memref<128x64xf32, #tpu.memory_space<vmem>>[vector<16xi32>, vector<16xi32>], vector<16xf32>,
        %mul3A_1392 = arith.mulf %gather3A_1391, %div3A_724 : vector<16xf32>
        %swap3A_1393 = arith.constant 560 : index
        %swap3A_1394 = tpu.vector_load %arg23[%swap3A_1393] {strides = array<i32>} : memref<1024xf32, #tpu.memory_space<vmem>>, vector<16xf32>,
        tpu.vector_store %arg23[%swap3A_1393], %mul3A_1392 {strides = array<i32>} : memref<1024xf32, #tpu.memory_space<vmem>>, vector<16xf32>,
        %gather3A_1395 = tpu.vector_load_idx %arg15[%add3A_371, %broadcast_in_dim3A_1390] : memref<128x64xf32, #tpu.memory_space<vmem>>[vector<16xi32>, vector<16xi32>], vector<16xf32>,
        %gather3A_1396 = tpu.vector_load_idx %arg16[%add3A_371, %broadcast_in_dim3A_1390] : memref<128x64xf32, #tpu.memory_space<vmem>>[vector<16xi32>, vector<16xi32>], vector<16xf32>,
        %gather3A_1397 = tpu.vector_load_idx %arg17[%add3A_371, %broadcast_in_dim3A_1390] : memref<128x64xf32, #tpu.memory_space<vmem>>[vector<16xi32>, vector<16xi32>], vector<16xf32>,
        %mul3A_1398 = arith.mulf %gather3A_1395, %mul3A_1392 : vector<16xf32>
        %add3A_1399 = arith.addf %add3A_1380, %mul3A_1398 : vector<16xf32>
        %mul3A_1400 = arith.mulf %gather3A_1396, %mul3A_1392 : vector<16xf32>
        %add3A_1401 = arith.addf %add3A_1382, %mul3A_1400 : vector<16xf32>
        %mul3A_1402 = arith.mulf %gather3A_1395, %gather3A_1395 : vector<16xf32>
        %add3A_1403 = arith.addf %add3A_1384, %mul3A_1402 : vector<16xf32>
        %mul3A_1404 = arith.mulf %gather3A_1396, %gather3A_1396 : vector<16xf32>
        %add3A_1405 = arith.addf %add3A_1386, %mul3A_1404 : vector<16xf32>
        %mul3A_1406 = arith.mulf %gather3A_1397, %gather3A_1397 : vector<16xf32>
        %add3A_1407 = arith.addf %add3A_1388, %mul3A_1406 : vector<16xf32>
        %broadcast_in_dim3A_1408 = arith.constant 36 : i32
        %broadcast_in_dim3A_1409 = vector.broadcast %broadcast_in_dim3A_1408 : i32 to vector<16xi32>
        %gather3A_1410 = tpu.vector_load_idx %arg18[%add3A_371, %broadcast_in_dim3A_1409] : memref<128x64xf32, #tpu.memory_space<vmem>>[vector<16xi32>, vector<16xi32>], vector<16xf32>,
        %mul3A_1411 = arith.mulf %gather3A_1410, %div3A_724 : vector<16xf32>
        %swap3A_1412 = arith.constant 576 : index
        %swap3A_1413 = tpu.vector_load %arg23[%swap3A_1412] {strides = array<i32>} : memref<1024xf32, #tpu.memory_space<vmem>>, vector<16xf32>,
        tpu.vector_store %arg23[%swap3A_1412], %mul3A_1411 {strides = array<i32>} : memref<1024xf32, #tpu.memory_space<vmem>>, vector<16xf32>,
        %gather3A_1414 = tpu.vector_load_idx %arg15[%add3A_371, %broadcast_in_dim3A_1409] : memref<128x64xf32, #tpu.memory_space<vmem>>[vector<16xi32>, vector<16xi32>], vector<16xf32>,
        %gather3A_1415 = tpu.vector_load_idx %arg16[%add3A_371, %broadcast_in_dim3A_1409] : memref<128x64xf32, #tpu.memory_space<vmem>>[vector<16xi32>, vector<16xi32>], vector<16xf32>,
        %gather3A_1416 = tpu.vector_load_idx %arg17[%add3A_371, %broadcast_in_dim3A_1409] : memref<128x64xf32, #tpu.memory_space<vmem>>[vector<16xi32>, vector<16xi32>], vector<16xf32>,
        %mul3A_1417 = arith.mulf %gather3A_1414, %mul3A_1411 : vector<16xf32>
        %add3A_1418 = arith.addf %add3A_1399, %mul3A_1417 : vector<16xf32>
        %mul3A_1419 = arith.mulf %gather3A_1415, %mul3A_1411 : vector<16xf32>
        %add3A_1420 = arith.addf %add3A_1401, %mul3A_1419 : vector<16xf32>
        %mul3A_1421 = arith.mulf %gather3A_1414, %gather3A_1414 : vector<16xf32>
        %add3A_1422 = arith.addf %add3A_1403, %mul3A_1421 : vector<16xf32>
        %mul3A_1423 = arith.mulf %gather3A_1415, %gather3A_1415 : vector<16xf32>
        %add3A_1424 = arith.addf %add3A_1405, %mul3A_1423 : vector<16xf32>
        %mul3A_1425 = arith.mulf %gather3A_1416, %gather3A_1416 : vector<16xf32>
        %add3A_1426 = arith.addf %add3A_1407, %mul3A_1425 : vector<16xf32>
        %broadcast_in_dim3A_1427 = arith.constant 37 : i32
        %broadcast_in_dim3A_1428 = vector.broadcast %broadcast_in_dim3A_1427 : i32 to vector<16xi32>
        %gather3A_1429 = tpu.vector_load_idx %arg18[%add3A_371, %broadcast_in_dim3A_1428] : memref<128x64xf32, #tpu.memory_space<vmem>>[vector<16xi32>, vector<16xi32>], vector<16xf32>,
        %mul3A_1430 = arith.mulf %gather3A_1429, %div3A_724 : vector<16xf32>
        %swap3A_1431 = arith.constant 592 : index
        %swap3A_1432 = tpu.vector_load %arg23[%swap3A_1431] {strides = array<i32>} : memref<1024xf32, #tpu.memory_space<vmem>>, vector<16xf32>,
        tpu.vector_store %arg23[%swap3A_1431], %mul3A_1430 {strides = array<i32>} : memref<1024xf32, #tpu.memory_space<vmem>>, vector<16xf32>,
        %gather3A_1433 = tpu.vector_load_idx %arg15[%add3A_371, %broadcast_in_dim3A_1428] : memref<128x64xf32, #tpu.memory_space<vmem>>[vector<16xi32>, vector<16xi32>], vector<16xf32>,
        %gather3A_1434 = tpu.vector_load_idx %arg16[%add3A_371, %broadcast_in_dim3A_1428] : memref<128x64xf32, #tpu.memory_space<vmem>>[vector<16xi32>, vector<16xi32>], vector<16xf32>,
        %gather3A_1435 = tpu.vector_load_idx %arg17[%add3A_371, %broadcast_in_dim3A_1428] : memref<128x64xf32, #tpu.memory_space<vmem>>[vector<16xi32>, vector<16xi32>], vector<16xf32>,
        %mul3A_1436 = arith.mulf %gather3A_1433, %mul3A_1430 : vector<16xf32>
        %add3A_1437 = arith.addf %add3A_1418, %mul3A_1436 : vector<16xf32>
        %mul3A_1438 = arith.mulf %gather3A_1434, %mul3A_1430 : vector<16xf32>
        %add3A_1439 = arith.addf %add3A_1420, %mul3A_1438 : vector<16xf32>
        %mul3A_1440 = arith.mulf %gather3A_1433, %gather3A_1433 : vector<16xf32>
        %add3A_1441 = arith.addf %add3A_1422, %mul3A_1440 : vector<16xf32>
        %mul3A_1442 = arith.mulf %gather3A_1434, %gather3A_1434 : vector<16xf32>
        %add3A_1443 = arith.addf %add3A_1424, %mul3A_1442 : vector<16xf32>
        %mul3A_1444 = arith.mulf %gather3A_1435, %gather3A_1435 : vector<16xf32>
        %add3A_1445 = arith.addf %add3A_1426, %mul3A_1444 : vector<16xf32>
        %broadcast_in_dim3A_1446 = arith.constant 38 : i32
        %broadcast_in_dim3A_1447 = vector.broadcast %broadcast_in_dim3A_1446 : i32 to vector<16xi32>
        %gather3A_1448 = tpu.vector_load_idx %arg18[%add3A_371, %broadcast_in_dim3A_1447] : memref<128x64xf32, #tpu.memory_space<vmem>>[vector<16xi32>, vector<16xi32>], vector<16xf32>,
        %mul3A_1449 = arith.mulf %gather3A_1448, %div3A_724 : vector<16xf32>
        %swap3A_1450 = arith.constant 608 : index
        %swap3A_1451 = tpu.vector_load %arg23[%swap3A_1450] {strides = array<i32>} : memref<1024xf32, #tpu.memory_space<vmem>>, vector<16xf32>,
        tpu.vector_store %arg23[%swap3A_1450], %mul3A_1449 {strides = array<i32>} : memref<1024xf32, #tpu.memory_space<vmem>>, vector<16xf32>,
        %gather3A_1452 = tpu.vector_load_idx %arg15[%add3A_371, %broadcast_in_dim3A_1447] : memref<128x64xf32, #tpu.memory_space<vmem>>[vector<16xi32>, vector<16xi32>], vector<16xf32>,
        %gather3A_1453 = tpu.vector_load_idx %arg16[%add3A_371, %broadcast_in_dim3A_1447] : memref<128x64xf32, #tpu.memory_space<vmem>>[vector<16xi32>, vector<16xi32>], vector<16xf32>,
        %gather3A_1454 = tpu.vector_load_idx %arg17[%add3A_371, %broadcast_in_dim3A_1447] : memref<128x64xf32, #tpu.memory_space<vmem>>[vector<16xi32>, vector<16xi32>], vector<16xf32>,
        %mul3A_1455 = arith.mulf %gather3A_1452, %mul3A_1449 : vector<16xf32>
        %add3A_1456 = arith.addf %add3A_1437, %mul3A_1455 : vector<16xf32>
        %mul3A_1457 = arith.mulf %gather3A_1453, %mul3A_1449 : vector<16xf32>
        %add3A_1458 = arith.addf %add3A_1439, %mul3A_1457 : vector<16xf32>
        %mul3A_1459 = arith.mulf %gather3A_1452, %gather3A_1452 : vector<16xf32>
        %add3A_1460 = arith.addf %add3A_1441, %mul3A_1459 : vector<16xf32>
        %mul3A_1461 = arith.mulf %gather3A_1453, %gather3A_1453 : vector<16xf32>
        %add3A_1462 = arith.addf %add3A_1443, %mul3A_1461 : vector<16xf32>
        %mul3A_1463 = arith.mulf %gather3A_1454, %gather3A_1454 : vector<16xf32>
        %add3A_1464 = arith.addf %add3A_1445, %mul3A_1463 : vector<16xf32>
        %broadcast_in_dim3A_1465 = arith.constant 39 : i32
        %broadcast_in_dim3A_1466 = vector.broadcast %broadcast_in_dim3A_1465 : i32 to vector<16xi32>
        %gather3A_1467 = tpu.vector_load_idx %arg18[%add3A_371, %broadcast_in_dim3A_1466] : memref<128x64xf32, #tpu.memory_space<vmem>>[vector<16xi32>, vector<16xi32>], vector<16xf32>,
        %mul3A_1468 = arith.mulf %gather3A_1467, %div3A_724 : vector<16xf32>
        %swap3A_1469 = arith.constant 624 : index
        %swap3A_1470 = tpu.vector_load %arg23[%swap3A_1469] {strides = array<i32>} : memref<1024xf32, #tpu.memory_space<vmem>>, vector<16xf32>,
        tpu.vector_store %arg23[%swap3A_1469], %mul3A_1468 {strides = array<i32>} : memref<1024xf32, #tpu.memory_space<vmem>>, vector<16xf32>,
        %gather3A_1471 = tpu.vector_load_idx %arg15[%add3A_371, %broadcast_in_dim3A_1466] : memref<128x64xf32, #tpu.memory_space<vmem>>[vector<16xi32>, vector<16xi32>], vector<16xf32>,
        %gather3A_1472 = tpu.vector_load_idx %arg16[%add3A_371, %broadcast_in_dim3A_1466] : memref<128x64xf32, #tpu.memory_space<vmem>>[vector<16xi32>, vector<16xi32>], vector<16xf32>,
        %gather3A_1473 = tpu.vector_load_idx %arg17[%add3A_371, %broadcast_in_dim3A_1466] : memref<128x64xf32, #tpu.memory_space<vmem>>[vector<16xi32>, vector<16xi32>], vector<16xf32>,
        %mul3A_1474 = arith.mulf %gather3A_1471, %mul3A_1468 : vector<16xf32>
        %add3A_1475 = arith.addf %add3A_1456, %mul3A_1474 : vector<16xf32>
        %mul3A_1476 = arith.mulf %gather3A_1472, %mul3A_1468 : vector<16xf32>
        %add3A_1477 = arith.addf %add3A_1458, %mul3A_1476 : vector<16xf32>
        %mul3A_1478 = arith.mulf %gather3A_1471, %gather3A_1471 : vector<16xf32>
        %add3A_1479 = arith.addf %add3A_1460, %mul3A_1478 : vector<16xf32>
        %mul3A_1480 = arith.mulf %gather3A_1472, %gather3A_1472 : vector<16xf32>
        %add3A_1481 = arith.addf %add3A_1462, %mul3A_1480 : vector<16xf32>
        %mul3A_1482 = arith.mulf %gather3A_1473, %gather3A_1473 : vector<16xf32>
        %add3A_1483 = arith.addf %add3A_1464, %mul3A_1482 : vector<16xf32>
        %broadcast_in_dim3A_1484 = arith.constant 40 : i32
        %broadcast_in_dim3A_1485 = vector.broadcast %broadcast_in_dim3A_1484 : i32 to vector<16xi32>
        %gather3A_1486 = tpu.vector_load_idx %arg18[%add3A_371, %broadcast_in_dim3A_1485] : memref<128x64xf32, #tpu.memory_space<vmem>>[vector<16xi32>, vector<16xi32>], vector<16xf32>,
        %mul3A_1487 = arith.mulf %gather3A_1486, %div3A_724 : vector<16xf32>
        %swap3A_1488 = arith.constant 640 : index
        %swap3A_1489 = tpu.vector_load %arg23[%swap3A_1488] {strides = array<i32>} : memref<1024xf32, #tpu.memory_space<vmem>>, vector<16xf32>,
        tpu.vector_store %arg23[%swap3A_1488], %mul3A_1487 {strides = array<i32>} : memref<1024xf32, #tpu.memory_space<vmem>>, vector<16xf32>,
        %gather3A_1490 = tpu.vector_load_idx %arg15[%add3A_371, %broadcast_in_dim3A_1485] : memref<128x64xf32, #tpu.memory_space<vmem>>[vector<16xi32>, vector<16xi32>], vector<16xf32>,
        %gather3A_1491 = tpu.vector_load_idx %arg16[%add3A_371, %broadcast_in_dim3A_1485] : memref<128x64xf32, #tpu.memory_space<vmem>>[vector<16xi32>, vector<16xi32>], vector<16xf32>,
        %gather3A_1492 = tpu.vector_load_idx %arg17[%add3A_371, %broadcast_in_dim3A_1485] : memref<128x64xf32, #tpu.memory_space<vmem>>[vector<16xi32>, vector<16xi32>], vector<16xf32>,
        %mul3A_1493 = arith.mulf %gather3A_1490, %mul3A_1487 : vector<16xf32>
        %add3A_1494 = arith.addf %add3A_1475, %mul3A_1493 : vector<16xf32>
        %mul3A_1495 = arith.mulf %gather3A_1491, %mul3A_1487 : vector<16xf32>
        %add3A_1496 = arith.addf %add3A_1477, %mul3A_1495 : vector<16xf32>
        %mul3A_1497 = arith.mulf %gather3A_1490, %gather3A_1490 : vector<16xf32>
        %add3A_1498 = arith.addf %add3A_1479, %mul3A_1497 : vector<16xf32>
        %mul3A_1499 = arith.mulf %gather3A_1491, %gather3A_1491 : vector<16xf32>
        %add3A_1500 = arith.addf %add3A_1481, %mul3A_1499 : vector<16xf32>
        %mul3A_1501 = arith.mulf %gather3A_1492, %gather3A_1492 : vector<16xf32>
        %add3A_1502 = arith.addf %add3A_1483, %mul3A_1501 : vector<16xf32>
        %broadcast_in_dim3A_1503 = arith.constant 41 : i32
        %broadcast_in_dim3A_1504 = vector.broadcast %broadcast_in_dim3A_1503 : i32 to vector<16xi32>
        %gather3A_1505 = tpu.vector_load_idx %arg18[%add3A_371, %broadcast_in_dim3A_1504] : memref<128x64xf32, #tpu.memory_space<vmem>>[vector<16xi32>, vector<16xi32>], vector<16xf32>,
        %mul3A_1506 = arith.mulf %gather3A_1505, %div3A_724 : vector<16xf32>
        %swap3A_1507 = arith.constant 656 : index
        %swap3A_1508 = tpu.vector_load %arg23[%swap3A_1507] {strides = array<i32>} : memref<1024xf32, #tpu.memory_space<vmem>>, vector<16xf32>,
        tpu.vector_store %arg23[%swap3A_1507], %mul3A_1506 {strides = array<i32>} : memref<1024xf32, #tpu.memory_space<vmem>>, vector<16xf32>,
        %gather3A_1509 = tpu.vector_load_idx %arg15[%add3A_371, %broadcast_in_dim3A_1504] : memref<128x64xf32, #tpu.memory_space<vmem>>[vector<16xi32>, vector<16xi32>], vector<16xf32>,
        %gather3A_1510 = tpu.vector_load_idx %arg16[%add3A_371, %broadcast_in_dim3A_1504] : memref<128x64xf32, #tpu.memory_space<vmem>>[vector<16xi32>, vector<16xi32>], vector<16xf32>,
        %gather3A_1511 = tpu.vector_load_idx %arg17[%add3A_371, %broadcast_in_dim3A_1504] : memref<128x64xf32, #tpu.memory_space<vmem>>[vector<16xi32>, vector<16xi32>], vector<16xf32>,
        %mul3A_1512 = arith.mulf %gather3A_1509, %mul3A_1506 : vector<16xf32>
        %add3A_1513 = arith.addf %add3A_1494, %mul3A_1512 : vector<16xf32>
        %mul3A_1514 = arith.mulf %gather3A_1510, %mul3A_1506 : vector<16xf32>
        %add3A_1515 = arith.addf %add3A_1496, %mul3A_1514 : vector<16xf32>
        %mul3A_1516 = arith.mulf %gather3A_1509, %gather3A_1509 : vector<16xf32>
        %add3A_1517 = arith.addf %add3A_1498, %mul3A_1516 : vector<16xf32>
        %mul3A_1518 = arith.mulf %gather3A_1510, %gather3A_1510 : vector<16xf32>
        %add3A_1519 = arith.addf %add3A_1500, %mul3A_1518 : vector<16xf32>
        %mul3A_1520 = arith.mulf %gather3A_1511, %gather3A_1511 : vector<16xf32>
        %add3A_1521 = arith.addf %add3A_1502, %mul3A_1520 : vector<16xf32>
        %broadcast_in_dim3A_1522 = arith.constant 42 : i32
        %broadcast_in_dim3A_1523 = vector.broadcast %broadcast_in_dim3A_1522 : i32 to vector<16xi32>
        %gather3A_1524 = tpu.vector_load_idx %arg18[%add3A_371, %broadcast_in_dim3A_1523] : memref<128x64xf32, #tpu.memory_space<vmem>>[vector<16xi32>, vector<16xi32>], vector<16xf32>,
        %mul3A_1525 = arith.mulf %gather3A_1524, %div3A_724 : vector<16xf32>
        %swap3A_1526 = arith.constant 672 : index
        %swap3A_1527 = tpu.vector_load %arg23[%swap3A_1526] {strides = array<i32>} : memref<1024xf32, #tpu.memory_space<vmem>>, vector<16xf32>,
        tpu.vector_store %arg23[%swap3A_1526], %mul3A_1525 {strides = array<i32>} : memref<1024xf32, #tpu.memory_space<vmem>>, vector<16xf32>,
        %gather3A_1528 = tpu.vector_load_idx %arg15[%add3A_371, %broadcast_in_dim3A_1523] : memref<128x64xf32, #tpu.memory_space<vmem>>[vector<16xi32>, vector<16xi32>], vector<16xf32>,
        %gather3A_1529 = tpu.vector_load_idx %arg16[%add3A_371, %broadcast_in_dim3A_1523] : memref<128x64xf32, #tpu.memory_space<vmem>>[vector<16xi32>, vector<16xi32>], vector<16xf32>,
        %gather3A_1530 = tpu.vector_load_idx %arg17[%add3A_371, %broadcast_in_dim3A_1523] : memref<128x64xf32, #tpu.memory_space<vmem>>[vector<16xi32>, vector<16xi32>], vector<16xf32>,
        %mul3A_1531 = arith.mulf %gather3A_1528, %mul3A_1525 : vector<16xf32>
        %add3A_1532 = arith.addf %add3A_1513, %mul3A_1531 : vector<16xf32>
        %mul3A_1533 = arith.mulf %gather3A_1529, %mul3A_1525 : vector<16xf32>
        %add3A_1534 = arith.addf %add3A_1515, %mul3A_1533 : vector<16xf32>
        %mul3A_1535 = arith.mulf %gather3A_1528, %gather3A_1528 : vector<16xf32>
        %add3A_1536 = arith.addf %add3A_1517, %mul3A_1535 : vector<16xf32>
        %mul3A_1537 = arith.mulf %gather3A_1529, %gather3A_1529 : vector<16xf32>
        %add3A_1538 = arith.addf %add3A_1519, %mul3A_1537 : vector<16xf32>
        %mul3A_1539 = arith.mulf %gather3A_1530, %gather3A_1530 : vector<16xf32>
        %add3A_1540 = arith.addf %add3A_1521, %mul3A_1539 : vector<16xf32>
        %broadcast_in_dim3A_1541 = arith.constant 43 : i32
        %broadcast_in_dim3A_1542 = vector.broadcast %broadcast_in_dim3A_1541 : i32 to vector<16xi32>
        %gather3A_1543 = tpu.vector_load_idx %arg18[%add3A_371, %broadcast_in_dim3A_1542] : memref<128x64xf32, #tpu.memory_space<vmem>>[vector<16xi32>, vector<16xi32>], vector<16xf32>,
        %mul3A_1544 = arith.mulf %gather3A_1543, %div3A_724 : vector<16xf32>
        %swap3A_1545 = arith.constant 688 : index
        %swap3A_1546 = tpu.vector_load %arg23[%swap3A_1545] {strides = array<i32>} : memref<1024xf32, #tpu.memory_space<vmem>>, vector<16xf32>,
        tpu.vector_store %arg23[%swap3A_1545], %mul3A_1544 {strides = array<i32>} : memref<1024xf32, #tpu.memory_space<vmem>>, vector<16xf32>,
        %gather3A_1547 = tpu.vector_load_idx %arg15[%add3A_371, %broadcast_in_dim3A_1542] : memref<128x64xf32, #tpu.memory_space<vmem>>[vector<16xi32>, vector<16xi32>], vector<16xf32>,
        %gather3A_1548 = tpu.vector_load_idx %arg16[%add3A_371, %broadcast_in_dim3A_1542] : memref<128x64xf32, #tpu.memory_space<vmem>>[vector<16xi32>, vector<16xi32>], vector<16xf32>,
        %gather3A_1549 = tpu.vector_load_idx %arg17[%add3A_371, %broadcast_in_dim3A_1542] : memref<128x64xf32, #tpu.memory_space<vmem>>[vector<16xi32>, vector<16xi32>], vector<16xf32>,
        %mul3A_1550 = arith.mulf %gather3A_1547, %mul3A_1544 : vector<16xf32>
        %add3A_1551 = arith.addf %add3A_1532, %mul3A_1550 : vector<16xf32>
        %mul3A_1552 = arith.mulf %gather3A_1548, %mul3A_1544 : vector<16xf32>
        %add3A_1553 = arith.addf %add3A_1534, %mul3A_1552 : vector<16xf32>
        %mul3A_1554 = arith.mulf %gather3A_1547, %gather3A_1547 : vector<16xf32>
        %add3A_1555 = arith.addf %add3A_1536, %mul3A_1554 : vector<16xf32>
        %mul3A_1556 = arith.mulf %gather3A_1548, %gather3A_1548 : vector<16xf32>
        %add3A_1557 = arith.addf %add3A_1538, %mul3A_1556 : vector<16xf32>
        %mul3A_1558 = arith.mulf %gather3A_1549, %gather3A_1549 : vector<16xf32>
        %add3A_1559 = arith.addf %add3A_1540, %mul3A_1558 : vector<16xf32>
        %broadcast_in_dim3A_1560 = arith.constant 44 : i32
        %broadcast_in_dim3A_1561 = vector.broadcast %broadcast_in_dim3A_1560 : i32 to vector<16xi32>
        %gather3A_1562 = tpu.vector_load_idx %arg18[%add3A_371, %broadcast_in_dim3A_1561] : memref<128x64xf32, #tpu.memory_space<vmem>>[vector<16xi32>, vector<16xi32>], vector<16xf32>,
        %mul3A_1563 = arith.mulf %gather3A_1562, %div3A_724 : vector<16xf32>
        %swap3A_1564 = arith.constant 704 : index
        %swap3A_1565 = tpu.vector_load %arg23[%swap3A_1564] {strides = array<i32>} : memref<1024xf32, #tpu.memory_space<vmem>>, vector<16xf32>,
        tpu.vector_store %arg23[%swap3A_1564], %mul3A_1563 {strides = array<i32>} : memref<1024xf32, #tpu.memory_space<vmem>>, vector<16xf32>,
        %gather3A_1566 = tpu.vector_load_idx %arg15[%add3A_371, %broadcast_in_dim3A_1561] : memref<128x64xf32, #tpu.memory_space<vmem>>[vector<16xi32>, vector<16xi32>], vector<16xf32>,
        %gather3A_1567 = tpu.vector_load_idx %arg16[%add3A_371, %broadcast_in_dim3A_1561] : memref<128x64xf32, #tpu.memory_space<vmem>>[vector<16xi32>, vector<16xi32>], vector<16xf32>,
        %gather3A_1568 = tpu.vector_load_idx %arg17[%add3A_371, %broadcast_in_dim3A_1561] : memref<128x64xf32, #tpu.memory_space<vmem>>[vector<16xi32>, vector<16xi32>], vector<16xf32>,
        %mul3A_1569 = arith.mulf %gather3A_1566, %mul3A_1563 : vector<16xf32>
        %add3A_1570 = arith.addf %add3A_1551, %mul3A_1569 : vector<16xf32>
        %mul3A_1571 = arith.mulf %gather3A_1567, %mul3A_1563 : vector<16xf32>
        %add3A_1572 = arith.addf %add3A_1553, %mul3A_1571 : vector<16xf32>
        %mul3A_1573 = arith.mulf %gather3A_1566, %gather3A_1566 : vector<16xf32>
        %add3A_1574 = arith.addf %add3A_1555, %mul3A_1573 : vector<16xf32>
        %mul3A_1575 = arith.mulf %gather3A_1567, %gather3A_1567 : vector<16xf32>
        %add3A_1576 = arith.addf %add3A_1557, %mul3A_1575 : vector<16xf32>
        %mul3A_1577 = arith.mulf %gather3A_1568, %gather3A_1568 : vector<16xf32>
        %add3A_1578 = arith.addf %add3A_1559, %mul3A_1577 : vector<16xf32>
        %broadcast_in_dim3A_1579 = arith.constant 45 : i32
        %broadcast_in_dim3A_1580 = vector.broadcast %broadcast_in_dim3A_1579 : i32 to vector<16xi32>
        %gather3A_1581 = tpu.vector_load_idx %arg18[%add3A_371, %broadcast_in_dim3A_1580] : memref<128x64xf32, #tpu.memory_space<vmem>>[vector<16xi32>, vector<16xi32>], vector<16xf32>,
        %mul3A_1582 = arith.mulf %gather3A_1581, %div3A_724 : vector<16xf32>
        %swap3A_1583 = arith.constant 720 : index
        %swap3A_1584 = tpu.vector_load %arg23[%swap3A_1583] {strides = array<i32>} : memref<1024xf32, #tpu.memory_space<vmem>>, vector<16xf32>,
        tpu.vector_store %arg23[%swap3A_1583], %mul3A_1582 {strides = array<i32>} : memref<1024xf32, #tpu.memory_space<vmem>>, vector<16xf32>,
        %gather3A_1585 = tpu.vector_load_idx %arg15[%add3A_371, %broadcast_in_dim3A_1580] : memref<128x64xf32, #tpu.memory_space<vmem>>[vector<16xi32>, vector<16xi32>], vector<16xf32>,
        %gather3A_1586 = tpu.vector_load_idx %arg16[%add3A_371, %broadcast_in_dim3A_1580] : memref<128x64xf32, #tpu.memory_space<vmem>>[vector<16xi32>, vector<16xi32>], vector<16xf32>,
        %gather3A_1587 = tpu.vector_load_idx %arg17[%add3A_371, %broadcast_in_dim3A_1580] : memref<128x64xf32, #tpu.memory_space<vmem>>[vector<16xi32>, vector<16xi32>], vector<16xf32>,
        %mul3A_1588 = arith.mulf %gather3A_1585, %mul3A_1582 : vector<16xf32>
        %add3A_1589 = arith.addf %add3A_1570, %mul3A_1588 : vector<16xf32>
        %mul3A_1590 = arith.mulf %gather3A_1586, %mul3A_1582 : vector<16xf32>
        %add3A_1591 = arith.addf %add3A_1572, %mul3A_1590 : vector<16xf32>
        %mul3A_1592 = arith.mulf %gather3A_1585, %gather3A_1585 : vector<16xf32>
        %add3A_1593 = arith.addf %add3A_1574, %mul3A_1592 : vector<16xf32>
        %mul3A_1594 = arith.mulf %gather3A_1586, %gather3A_1586 : vector<16xf32>
        %add3A_1595 = arith.addf %add3A_1576, %mul3A_1594 : vector<16xf32>
        %mul3A_1596 = arith.mulf %gather3A_1587, %gather3A_1587 : vector<16xf32>
        %add3A_1597 = arith.addf %add3A_1578, %mul3A_1596 : vector<16xf32>
        %broadcast_in_dim3A_1598 = arith.constant 46 : i32
        %broadcast_in_dim3A_1599 = vector.broadcast %broadcast_in_dim3A_1598 : i32 to vector<16xi32>
        %gather3A_1600 = tpu.vector_load_idx %arg18[%add3A_371, %broadcast_in_dim3A_1599] : memref<128x64xf32, #tpu.memory_space<vmem>>[vector<16xi32>, vector<16xi32>], vector<16xf32>,
        %mul3A_1601 = arith.mulf %gather3A_1600, %div3A_724 : vector<16xf32>
        %swap3A_1602 = arith.constant 736 : index
        %swap3A_1603 = tpu.vector_load %arg23[%swap3A_1602] {strides = array<i32>} : memref<1024xf32, #tpu.memory_space<vmem>>, vector<16xf32>,
        tpu.vector_store %arg23[%swap3A_1602], %mul3A_1601 {strides = array<i32>} : memref<1024xf32, #tpu.memory_space<vmem>>, vector<16xf32>,
        %gather3A_1604 = tpu.vector_load_idx %arg15[%add3A_371, %broadcast_in_dim3A_1599] : memref<128x64xf32, #tpu.memory_space<vmem>>[vector<16xi32>, vector<16xi32>], vector<16xf32>,
        %gather3A_1605 = tpu.vector_load_idx %arg16[%add3A_371, %broadcast_in_dim3A_1599] : memref<128x64xf32, #tpu.memory_space<vmem>>[vector<16xi32>, vector<16xi32>], vector<16xf32>,
        %gather3A_1606 = tpu.vector_load_idx %arg17[%add3A_371, %broadcast_in_dim3A_1599] : memref<128x64xf32, #tpu.memory_space<vmem>>[vector<16xi32>, vector<16xi32>], vector<16xf32>,
        %mul3A_1607 = arith.mulf %gather3A_1604, %mul3A_1601 : vector<16xf32>
        %add3A_1608 = arith.addf %add3A_1589, %mul3A_1607 : vector<16xf32>
        %mul3A_1609 = arith.mulf %gather3A_1605, %mul3A_1601 : vector<16xf32>
        %add3A_1610 = arith.addf %add3A_1591, %mul3A_1609 : vector<16xf32>
        %mul3A_1611 = arith.mulf %gather3A_1604, %gather3A_1604 : vector<16xf32>
        %add3A_1612 = arith.addf %add3A_1593, %mul3A_1611 : vector<16xf32>
        %mul3A_1613 = arith.mulf %gather3A_1605, %gather3A_1605 : vector<16xf32>
        %add3A_1614 = arith.addf %add3A_1595, %mul3A_1613 : vector<16xf32>
        %mul3A_1615 = arith.mulf %gather3A_1606, %gather3A_1606 : vector<16xf32>
        %add3A_1616 = arith.addf %add3A_1597, %mul3A_1615 : vector<16xf32>
        %broadcast_in_dim3A_1617 = arith.constant 47 : i32
        %broadcast_in_dim3A_1618 = vector.broadcast %broadcast_in_dim3A_1617 : i32 to vector<16xi32>
        %gather3A_1619 = tpu.vector_load_idx %arg18[%add3A_371, %broadcast_in_dim3A_1618] : memref<128x64xf32, #tpu.memory_space<vmem>>[vector<16xi32>, vector<16xi32>], vector<16xf32>,
        %mul3A_1620 = arith.mulf %gather3A_1619, %div3A_724 : vector<16xf32>
        %swap3A_1621 = arith.constant 752 : index
        %swap3A_1622 = tpu.vector_load %arg23[%swap3A_1621] {strides = array<i32>} : memref<1024xf32, #tpu.memory_space<vmem>>, vector<16xf32>,
        tpu.vector_store %arg23[%swap3A_1621], %mul3A_1620 {strides = array<i32>} : memref<1024xf32, #tpu.memory_space<vmem>>, vector<16xf32>,
        %gather3A_1623 = tpu.vector_load_idx %arg15[%add3A_371, %broadcast_in_dim3A_1618] : memref<128x64xf32, #tpu.memory_space<vmem>>[vector<16xi32>, vector<16xi32>], vector<16xf32>,
        %gather3A_1624 = tpu.vector_load_idx %arg16[%add3A_371, %broadcast_in_dim3A_1618] : memref<128x64xf32, #tpu.memory_space<vmem>>[vector<16xi32>, vector<16xi32>], vector<16xf32>,
        %gather3A_1625 = tpu.vector_load_idx %arg17[%add3A_371, %broadcast_in_dim3A_1618] : memref<128x64xf32, #tpu.memory_space<vmem>>[vector<16xi32>, vector<16xi32>], vector<16xf32>,
        %mul3A_1626 = arith.mulf %gather3A_1623, %mul3A_1620 : vector<16xf32>
        %add3A_1627 = arith.addf %add3A_1608, %mul3A_1626 : vector<16xf32>
        %mul3A_1628 = arith.mulf %gather3A_1624, %mul3A_1620 : vector<16xf32>
        %add3A_1629 = arith.addf %add3A_1610, %mul3A_1628 : vector<16xf32>
        %mul3A_1630 = arith.mulf %gather3A_1623, %gather3A_1623 : vector<16xf32>
        %add3A_1631 = arith.addf %add3A_1612, %mul3A_1630 : vector<16xf32>
        %mul3A_1632 = arith.mulf %gather3A_1624, %gather3A_1624 : vector<16xf32>
        %add3A_1633 = arith.addf %add3A_1614, %mul3A_1632 : vector<16xf32>
        %mul3A_1634 = arith.mulf %gather3A_1625, %gather3A_1625 : vector<16xf32>
        %add3A_1635 = arith.addf %add3A_1616, %mul3A_1634 : vector<16xf32>
        %broadcast_in_dim3A_1636 = arith.constant 48 : i32
        %broadcast_in_dim3A_1637 = vector.broadcast %broadcast_in_dim3A_1636 : i32 to vector<16xi32>
        %gather3A_1638 = tpu.vector_load_idx %arg18[%add3A_371, %broadcast_in_dim3A_1637] : memref<128x64xf32, #tpu.memory_space<vmem>>[vector<16xi32>, vector<16xi32>], vector<16xf32>,
        %mul3A_1639 = arith.mulf %gather3A_1638, %div3A_724 : vector<16xf32>
        %swap3A_1640 = arith.constant 768 : index
        %swap3A_1641 = tpu.vector_load %arg23[%swap3A_1640] {strides = array<i32>} : memref<1024xf32, #tpu.memory_space<vmem>>, vector<16xf32>,
        tpu.vector_store %arg23[%swap3A_1640], %mul3A_1639 {strides = array<i32>} : memref<1024xf32, #tpu.memory_space<vmem>>, vector<16xf32>,
        %gather3A_1642 = tpu.vector_load_idx %arg15[%add3A_371, %broadcast_in_dim3A_1637] : memref<128x64xf32, #tpu.memory_space<vmem>>[vector<16xi32>, vector<16xi32>], vector<16xf32>,
        %gather3A_1643 = tpu.vector_load_idx %arg16[%add3A_371, %broadcast_in_dim3A_1637] : memref<128x64xf32, #tpu.memory_space<vmem>>[vector<16xi32>, vector<16xi32>], vector<16xf32>,
        %gather3A_1644 = tpu.vector_load_idx %arg17[%add3A_371, %broadcast_in_dim3A_1637] : memref<128x64xf32, #tpu.memory_space<vmem>>[vector<16xi32>, vector<16xi32>], vector<16xf32>,
        %mul3A_1645 = arith.mulf %gather3A_1642, %mul3A_1639 : vector<16xf32>
        %add3A_1646 = arith.addf %add3A_1627, %mul3A_1645 : vector<16xf32>
        %mul3A_1647 = arith.mulf %gather3A_1643, %mul3A_1639 : vector<16xf32>
        %add3A_1648 = arith.addf %add3A_1629, %mul3A_1647 : vector<16xf32>
        %mul3A_1649 = arith.mulf %gather3A_1642, %gather3A_1642 : vector<16xf32>
        %add3A_1650 = arith.addf %add3A_1631, %mul3A_1649 : vector<16xf32>
        %mul3A_1651 = arith.mulf %gather3A_1643, %gather3A_1643 : vector<16xf32>
        %add3A_1652 = arith.addf %add3A_1633, %mul3A_1651 : vector<16xf32>
        %mul3A_1653 = arith.mulf %gather3A_1644, %gather3A_1644 : vector<16xf32>
        %add3A_1654 = arith.addf %add3A_1635, %mul3A_1653 : vector<16xf32>
        %broadcast_in_dim3A_1655 = arith.constant 49 : i32
        %broadcast_in_dim3A_1656 = vector.broadcast %broadcast_in_dim3A_1655 : i32 to vector<16xi32>
        %gather3A_1657 = tpu.vector_load_idx %arg18[%add3A_371, %broadcast_in_dim3A_1656] : memref<128x64xf32, #tpu.memory_space<vmem>>[vector<16xi32>, vector<16xi32>], vector<16xf32>,
        %mul3A_1658 = arith.mulf %gather3A_1657, %div3A_724 : vector<16xf32>
        %swap3A_1659 = arith.constant 784 : index
        %swap3A_1660 = tpu.vector_load %arg23[%swap3A_1659] {strides = array<i32>} : memref<1024xf32, #tpu.memory_space<vmem>>, vector<16xf32>,
        tpu.vector_store %arg23[%swap3A_1659], %mul3A_1658 {strides = array<i32>} : memref<1024xf32, #tpu.memory_space<vmem>>, vector<16xf32>,
        %gather3A_1661 = tpu.vector_load_idx %arg15[%add3A_371, %broadcast_in_dim3A_1656] : memref<128x64xf32, #tpu.memory_space<vmem>>[vector<16xi32>, vector<16xi32>], vector<16xf32>,
        %gather3A_1662 = tpu.vector_load_idx %arg16[%add3A_371, %broadcast_in_dim3A_1656] : memref<128x64xf32, #tpu.memory_space<vmem>>[vector<16xi32>, vector<16xi32>], vector<16xf32>,
        %gather3A_1663 = tpu.vector_load_idx %arg17[%add3A_371, %broadcast_in_dim3A_1656] : memref<128x64xf32, #tpu.memory_space<vmem>>[vector<16xi32>, vector<16xi32>], vector<16xf32>,
        %mul3A_1664 = arith.mulf %gather3A_1661, %mul3A_1658 : vector<16xf32>
        %add3A_1665 = arith.addf %add3A_1646, %mul3A_1664 : vector<16xf32>
        %mul3A_1666 = arith.mulf %gather3A_1662, %mul3A_1658 : vector<16xf32>
        %add3A_1667 = arith.addf %add3A_1648, %mul3A_1666 : vector<16xf32>
        %mul3A_1668 = arith.mulf %gather3A_1661, %gather3A_1661 : vector<16xf32>
        %add3A_1669 = arith.addf %add3A_1650, %mul3A_1668 : vector<16xf32>
        %mul3A_1670 = arith.mulf %gather3A_1662, %gather3A_1662 : vector<16xf32>
        %add3A_1671 = arith.addf %add3A_1652, %mul3A_1670 : vector<16xf32>
        %mul3A_1672 = arith.mulf %gather3A_1663, %gather3A_1663 : vector<16xf32>
        %add3A_1673 = arith.addf %add3A_1654, %mul3A_1672 : vector<16xf32>
        %broadcast_in_dim3A_1674 = arith.constant 50 : i32
        %broadcast_in_dim3A_1675 = vector.broadcast %broadcast_in_dim3A_1674 : i32 to vector<16xi32>
        %gather3A_1676 = tpu.vector_load_idx %arg18[%add3A_371, %broadcast_in_dim3A_1675] : memref<128x64xf32, #tpu.memory_space<vmem>>[vector<16xi32>, vector<16xi32>], vector<16xf32>,
        %mul3A_1677 = arith.mulf %gather3A_1676, %div3A_724 : vector<16xf32>
        %swap3A_1678 = arith.constant 800 : index
        %swap3A_1679 = tpu.vector_load %arg23[%swap3A_1678] {strides = array<i32>} : memref<1024xf32, #tpu.memory_space<vmem>>, vector<16xf32>,
        tpu.vector_store %arg23[%swap3A_1678], %mul3A_1677 {strides = array<i32>} : memref<1024xf32, #tpu.memory_space<vmem>>, vector<16xf32>,
        %gather3A_1680 = tpu.vector_load_idx %arg15[%add3A_371, %broadcast_in_dim3A_1675] : memref<128x64xf32, #tpu.memory_space<vmem>>[vector<16xi32>, vector<16xi32>], vector<16xf32>,
        %gather3A_1681 = tpu.vector_load_idx %arg16[%add3A_371, %broadcast_in_dim3A_1675] : memref<128x64xf32, #tpu.memory_space<vmem>>[vector<16xi32>, vector<16xi32>], vector<16xf32>,
        %gather3A_1682 = tpu.vector_load_idx %arg17[%add3A_371, %broadcast_in_dim3A_1675] : memref<128x64xf32, #tpu.memory_space<vmem>>[vector<16xi32>, vector<16xi32>], vector<16xf32>,
        %mul3A_1683 = arith.mulf %gather3A_1680, %mul3A_1677 : vector<16xf32>
        %add3A_1684 = arith.addf %add3A_1665, %mul3A_1683 : vector<16xf32>
        %mul3A_1685 = arith.mulf %gather3A_1681, %mul3A_1677 : vector<16xf32>
        %add3A_1686 = arith.addf %add3A_1667, %mul3A_1685 : vector<16xf32>
        %mul3A_1687 = arith.mulf %gather3A_1680, %gather3A_1680 : vector<16xf32>
        %add3A_1688 = arith.addf %add3A_1669, %mul3A_1687 : vector<16xf32>
        %mul3A_1689 = arith.mulf %gather3A_1681, %gather3A_1681 : vector<16xf32>
        %add3A_1690 = arith.addf %add3A_1671, %mul3A_1689 : vector<16xf32>
        %mul3A_1691 = arith.mulf %gather3A_1682, %gather3A_1682 : vector<16xf32>
        %add3A_1692 = arith.addf %add3A_1673, %mul3A_1691 : vector<16xf32>
        %broadcast_in_dim3A_1693 = arith.constant 51 : i32
        %broadcast_in_dim3A_1694 = vector.broadcast %broadcast_in_dim3A_1693 : i32 to vector<16xi32>
        %gather3A_1695 = tpu.vector_load_idx %arg18[%add3A_371, %broadcast_in_dim3A_1694] : memref<128x64xf32, #tpu.memory_space<vmem>>[vector<16xi32>, vector<16xi32>], vector<16xf32>,
        %mul3A_1696 = arith.mulf %gather3A_1695, %div3A_724 : vector<16xf32>
        %swap3A_1697 = arith.constant 816 : index
        %swap3A_1698 = tpu.vector_load %arg23[%swap3A_1697] {strides = array<i32>} : memref<1024xf32, #tpu.memory_space<vmem>>, vector<16xf32>,
        tpu.vector_store %arg23[%swap3A_1697], %mul3A_1696 {strides = array<i32>} : memref<1024xf32, #tpu.memory_space<vmem>>, vector<16xf32>,
        %gather3A_1699 = tpu.vector_load_idx %arg15[%add3A_371, %broadcast_in_dim3A_1694] : memref<128x64xf32, #tpu.memory_space<vmem>>[vector<16xi32>, vector<16xi32>], vector<16xf32>,
        %gather3A_1700 = tpu.vector_load_idx %arg16[%add3A_371, %broadcast_in_dim3A_1694] : memref<128x64xf32, #tpu.memory_space<vmem>>[vector<16xi32>, vector<16xi32>], vector<16xf32>,
        %gather3A_1701 = tpu.vector_load_idx %arg17[%add3A_371, %broadcast_in_dim3A_1694] : memref<128x64xf32, #tpu.memory_space<vmem>>[vector<16xi32>, vector<16xi32>], vector<16xf32>,
        %mul3A_1702 = arith.mulf %gather3A_1699, %mul3A_1696 : vector<16xf32>
        %add3A_1703 = arith.addf %add3A_1684, %mul3A_1702 : vector<16xf32>
        %mul3A_1704 = arith.mulf %gather3A_1700, %mul3A_1696 : vector<16xf32>
        %add3A_1705 = arith.addf %add3A_1686, %mul3A_1704 : vector<16xf32>
        %mul3A_1706 = arith.mulf %gather3A_1699, %gather3A_1699 : vector<16xf32>
        %add3A_1707 = arith.addf %add3A_1688, %mul3A_1706 : vector<16xf32>
        %mul3A_1708 = arith.mulf %gather3A_1700, %gather3A_1700 : vector<16xf32>
        %add3A_1709 = arith.addf %add3A_1690, %mul3A_1708 : vector<16xf32>
        %mul3A_1710 = arith.mulf %gather3A_1701, %gather3A_1701 : vector<16xf32>
        %add3A_1711 = arith.addf %add3A_1692, %mul3A_1710 : vector<16xf32>
        %broadcast_in_dim3A_1712 = arith.constant 52 : i32
        %broadcast_in_dim3A_1713 = vector.broadcast %broadcast_in_dim3A_1712 : i32 to vector<16xi32>
        %gather3A_1714 = tpu.vector_load_idx %arg18[%add3A_371, %broadcast_in_dim3A_1713] : memref<128x64xf32, #tpu.memory_space<vmem>>[vector<16xi32>, vector<16xi32>], vector<16xf32>,
        %mul3A_1715 = arith.mulf %gather3A_1714, %div3A_724 : vector<16xf32>
        %swap3A_1716 = arith.constant 832 : index
        %swap3A_1717 = tpu.vector_load %arg23[%swap3A_1716] {strides = array<i32>} : memref<1024xf32, #tpu.memory_space<vmem>>, vector<16xf32>,
        tpu.vector_store %arg23[%swap3A_1716], %mul3A_1715 {strides = array<i32>} : memref<1024xf32, #tpu.memory_space<vmem>>, vector<16xf32>,
        %gather3A_1718 = tpu.vector_load_idx %arg15[%add3A_371, %broadcast_in_dim3A_1713] : memref<128x64xf32, #tpu.memory_space<vmem>>[vector<16xi32>, vector<16xi32>], vector<16xf32>,
        %gather3A_1719 = tpu.vector_load_idx %arg16[%add3A_371, %broadcast_in_dim3A_1713] : memref<128x64xf32, #tpu.memory_space<vmem>>[vector<16xi32>, vector<16xi32>], vector<16xf32>,
        %gather3A_1720 = tpu.vector_load_idx %arg17[%add3A_371, %broadcast_in_dim3A_1713] : memref<128x64xf32, #tpu.memory_space<vmem>>[vector<16xi32>, vector<16xi32>], vector<16xf32>,
        %mul3A_1721 = arith.mulf %gather3A_1718, %mul3A_1715 : vector<16xf32>
        %add3A_1722 = arith.addf %add3A_1703, %mul3A_1721 : vector<16xf32>
        %mul3A_1723 = arith.mulf %gather3A_1719, %mul3A_1715 : vector<16xf32>
        %add3A_1724 = arith.addf %add3A_1705, %mul3A_1723 : vector<16xf32>
        %mul3A_1725 = arith.mulf %gather3A_1718, %gather3A_1718 : vector<16xf32>
        %add3A_1726 = arith.addf %add3A_1707, %mul3A_1725 : vector<16xf32>
        %mul3A_1727 = arith.mulf %gather3A_1719, %gather3A_1719 : vector<16xf32>
        %add3A_1728 = arith.addf %add3A_1709, %mul3A_1727 : vector<16xf32>
        %mul3A_1729 = arith.mulf %gather3A_1720, %gather3A_1720 : vector<16xf32>
        %add3A_1730 = arith.addf %add3A_1711, %mul3A_1729 : vector<16xf32>
        %broadcast_in_dim3A_1731 = arith.constant 53 : i32
        %broadcast_in_dim3A_1732 = vector.broadcast %broadcast_in_dim3A_1731 : i32 to vector<16xi32>
        %gather3A_1733 = tpu.vector_load_idx %arg18[%add3A_371, %broadcast_in_dim3A_1732] : memref<128x64xf32, #tpu.memory_space<vmem>>[vector<16xi32>, vector<16xi32>], vector<16xf32>,
        %mul3A_1734 = arith.mulf %gather3A_1733, %div3A_724 : vector<16xf32>
        %swap3A_1735 = arith.constant 848 : index
        %swap3A_1736 = tpu.vector_load %arg23[%swap3A_1735] {strides = array<i32>} : memref<1024xf32, #tpu.memory_space<vmem>>, vector<16xf32>,
        tpu.vector_store %arg23[%swap3A_1735], %mul3A_1734 {strides = array<i32>} : memref<1024xf32, #tpu.memory_space<vmem>>, vector<16xf32>,
        %gather3A_1737 = tpu.vector_load_idx %arg15[%add3A_371, %broadcast_in_dim3A_1732] : memref<128x64xf32, #tpu.memory_space<vmem>>[vector<16xi32>, vector<16xi32>], vector<16xf32>,
        %gather3A_1738 = tpu.vector_load_idx %arg16[%add3A_371, %broadcast_in_dim3A_1732] : memref<128x64xf32, #tpu.memory_space<vmem>>[vector<16xi32>, vector<16xi32>], vector<16xf32>,
        %gather3A_1739 = tpu.vector_load_idx %arg17[%add3A_371, %broadcast_in_dim3A_1732] : memref<128x64xf32, #tpu.memory_space<vmem>>[vector<16xi32>, vector<16xi32>], vector<16xf32>,
        %mul3A_1740 = arith.mulf %gather3A_1737, %mul3A_1734 : vector<16xf32>
        %add3A_1741 = arith.addf %add3A_1722, %mul3A_1740 : vector<16xf32>
        %mul3A_1742 = arith.mulf %gather3A_1738, %mul3A_1734 : vector<16xf32>
        %add3A_1743 = arith.addf %add3A_1724, %mul3A_1742 : vector<16xf32>
        %mul3A_1744 = arith.mulf %gather3A_1737, %gather3A_1737 : vector<16xf32>
        %add3A_1745 = arith.addf %add3A_1726, %mul3A_1744 : vector<16xf32>
        %mul3A_1746 = arith.mulf %gather3A_1738, %gather3A_1738 : vector<16xf32>
        %add3A_1747 = arith.addf %add3A_1728, %mul3A_1746 : vector<16xf32>
        %mul3A_1748 = arith.mulf %gather3A_1739, %gather3A_1739 : vector<16xf32>
        %add3A_1749 = arith.addf %add3A_1730, %mul3A_1748 : vector<16xf32>
        %broadcast_in_dim3A_1750 = arith.constant 54 : i32
        %broadcast_in_dim3A_1751 = vector.broadcast %broadcast_in_dim3A_1750 : i32 to vector<16xi32>
        %gather3A_1752 = tpu.vector_load_idx %arg18[%add3A_371, %broadcast_in_dim3A_1751] : memref<128x64xf32, #tpu.memory_space<vmem>>[vector<16xi32>, vector<16xi32>], vector<16xf32>,
        %mul3A_1753 = arith.mulf %gather3A_1752, %div3A_724 : vector<16xf32>
        %swap3A_1754 = arith.constant 864 : index
        %swap3A_1755 = tpu.vector_load %arg23[%swap3A_1754] {strides = array<i32>} : memref<1024xf32, #tpu.memory_space<vmem>>, vector<16xf32>,
        tpu.vector_store %arg23[%swap3A_1754], %mul3A_1753 {strides = array<i32>} : memref<1024xf32, #tpu.memory_space<vmem>>, vector<16xf32>,
        %gather3A_1756 = tpu.vector_load_idx %arg15[%add3A_371, %broadcast_in_dim3A_1751] : memref<128x64xf32, #tpu.memory_space<vmem>>[vector<16xi32>, vector<16xi32>], vector<16xf32>,
        %gather3A_1757 = tpu.vector_load_idx %arg16[%add3A_371, %broadcast_in_dim3A_1751] : memref<128x64xf32, #tpu.memory_space<vmem>>[vector<16xi32>, vector<16xi32>], vector<16xf32>,
        %gather3A_1758 = tpu.vector_load_idx %arg17[%add3A_371, %broadcast_in_dim3A_1751] : memref<128x64xf32, #tpu.memory_space<vmem>>[vector<16xi32>, vector<16xi32>], vector<16xf32>,
        %mul3A_1759 = arith.mulf %gather3A_1756, %mul3A_1753 : vector<16xf32>
        %add3A_1760 = arith.addf %add3A_1741, %mul3A_1759 : vector<16xf32>
        %mul3A_1761 = arith.mulf %gather3A_1757, %mul3A_1753 : vector<16xf32>
        %add3A_1762 = arith.addf %add3A_1743, %mul3A_1761 : vector<16xf32>
        %mul3A_1763 = arith.mulf %gather3A_1756, %gather3A_1756 : vector<16xf32>
        %add3A_1764 = arith.addf %add3A_1745, %mul3A_1763 : vector<16xf32>
        %mul3A_1765 = arith.mulf %gather3A_1757, %gather3A_1757 : vector<16xf32>
        %add3A_1766 = arith.addf %add3A_1747, %mul3A_1765 : vector<16xf32>
        %mul3A_1767 = arith.mulf %gather3A_1758, %gather3A_1758 : vector<16xf32>
        %add3A_1768 = arith.addf %add3A_1749, %mul3A_1767 : vector<16xf32>
        %broadcast_in_dim3A_1769 = arith.constant 55 : i32
        %broadcast_in_dim3A_1770 = vector.broadcast %broadcast_in_dim3A_1769 : i32 to vector<16xi32>
        %gather3A_1771 = tpu.vector_load_idx %arg18[%add3A_371, %broadcast_in_dim3A_1770] : memref<128x64xf32, #tpu.memory_space<vmem>>[vector<16xi32>, vector<16xi32>], vector<16xf32>,
        %mul3A_1772 = arith.mulf %gather3A_1771, %div3A_724 : vector<16xf32>
        %swap3A_1773 = arith.constant 880 : index
        %swap3A_1774 = tpu.vector_load %arg23[%swap3A_1773] {strides = array<i32>} : memref<1024xf32, #tpu.memory_space<vmem>>, vector<16xf32>,
        tpu.vector_store %arg23[%swap3A_1773], %mul3A_1772 {strides = array<i32>} : memref<1024xf32, #tpu.memory_space<vmem>>, vector<16xf32>,
        %gather3A_1775 = tpu.vector_load_idx %arg15[%add3A_371, %broadcast_in_dim3A_1770] : memref<128x64xf32, #tpu.memory_space<vmem>>[vector<16xi32>, vector<16xi32>], vector<16xf32>,
        %gather3A_1776 = tpu.vector_load_idx %arg16[%add3A_371, %broadcast_in_dim3A_1770] : memref<128x64xf32, #tpu.memory_space<vmem>>[vector<16xi32>, vector<16xi32>], vector<16xf32>,
        %gather3A_1777 = tpu.vector_load_idx %arg17[%add3A_371, %broadcast_in_dim3A_1770] : memref<128x64xf32, #tpu.memory_space<vmem>>[vector<16xi32>, vector<16xi32>], vector<16xf32>,
        %mul3A_1778 = arith.mulf %gather3A_1775, %mul3A_1772 : vector<16xf32>
        %add3A_1779 = arith.addf %add3A_1760, %mul3A_1778 : vector<16xf32>
        %mul3A_1780 = arith.mulf %gather3A_1776, %mul3A_1772 : vector<16xf32>
        %add3A_1781 = arith.addf %add3A_1762, %mul3A_1780 : vector<16xf32>
        %mul3A_1782 = arith.mulf %gather3A_1775, %gather3A_1775 : vector<16xf32>
        %add3A_1783 = arith.addf %add3A_1764, %mul3A_1782 : vector<16xf32>
        %mul3A_1784 = arith.mulf %gather3A_1776, %gather3A_1776 : vector<16xf32>
        %add3A_1785 = arith.addf %add3A_1766, %mul3A_1784 : vector<16xf32>
        %mul3A_1786 = arith.mulf %gather3A_1777, %gather3A_1777 : vector<16xf32>
        %add3A_1787 = arith.addf %add3A_1768, %mul3A_1786 : vector<16xf32>
        %broadcast_in_dim3A_1788 = arith.constant 56 : i32
        %broadcast_in_dim3A_1789 = vector.broadcast %broadcast_in_dim3A_1788 : i32 to vector<16xi32>
        %gather3A_1790 = tpu.vector_load_idx %arg18[%add3A_371, %broadcast_in_dim3A_1789] : memref<128x64xf32, #tpu.memory_space<vmem>>[vector<16xi32>, vector<16xi32>], vector<16xf32>,
        %mul3A_1791 = arith.mulf %gather3A_1790, %div3A_724 : vector<16xf32>
        %swap3A_1792 = arith.constant 896 : index
        %swap3A_1793 = tpu.vector_load %arg23[%swap3A_1792] {strides = array<i32>} : memref<1024xf32, #tpu.memory_space<vmem>>, vector<16xf32>,
        tpu.vector_store %arg23[%swap3A_1792], %mul3A_1791 {strides = array<i32>} : memref<1024xf32, #tpu.memory_space<vmem>>, vector<16xf32>,
        %gather3A_1794 = tpu.vector_load_idx %arg15[%add3A_371, %broadcast_in_dim3A_1789] : memref<128x64xf32, #tpu.memory_space<vmem>>[vector<16xi32>, vector<16xi32>], vector<16xf32>,
        %gather3A_1795 = tpu.vector_load_idx %arg16[%add3A_371, %broadcast_in_dim3A_1789] : memref<128x64xf32, #tpu.memory_space<vmem>>[vector<16xi32>, vector<16xi32>], vector<16xf32>,
        %gather3A_1796 = tpu.vector_load_idx %arg17[%add3A_371, %broadcast_in_dim3A_1789] : memref<128x64xf32, #tpu.memory_space<vmem>>[vector<16xi32>, vector<16xi32>], vector<16xf32>,
        %mul3A_1797 = arith.mulf %gather3A_1794, %mul3A_1791 : vector<16xf32>
        %add3A_1798 = arith.addf %add3A_1779, %mul3A_1797 : vector<16xf32>
        %mul3A_1799 = arith.mulf %gather3A_1795, %mul3A_1791 : vector<16xf32>
        %add3A_1800 = arith.addf %add3A_1781, %mul3A_1799 : vector<16xf32>
        %mul3A_1801 = arith.mulf %gather3A_1794, %gather3A_1794 : vector<16xf32>
        %add3A_1802 = arith.addf %add3A_1783, %mul3A_1801 : vector<16xf32>
        %mul3A_1803 = arith.mulf %gather3A_1795, %gather3A_1795 : vector<16xf32>
        %add3A_1804 = arith.addf %add3A_1785, %mul3A_1803 : vector<16xf32>
        %mul3A_1805 = arith.mulf %gather3A_1796, %gather3A_1796 : vector<16xf32>
        %add3A_1806 = arith.addf %add3A_1787, %mul3A_1805 : vector<16xf32>
        %broadcast_in_dim3A_1807 = arith.constant 57 : i32
        %broadcast_in_dim3A_1808 = vector.broadcast %broadcast_in_dim3A_1807 : i32 to vector<16xi32>
        %gather3A_1809 = tpu.vector_load_idx %arg18[%add3A_371, %broadcast_in_dim3A_1808] : memref<128x64xf32, #tpu.memory_space<vmem>>[vector<16xi32>, vector<16xi32>], vector<16xf32>,
        %mul3A_1810 = arith.mulf %gather3A_1809, %div3A_724 : vector<16xf32>
        %swap3A_1811 = arith.constant 912 : index
        %swap3A_1812 = tpu.vector_load %arg23[%swap3A_1811] {strides = array<i32>} : memref<1024xf32, #tpu.memory_space<vmem>>, vector<16xf32>,
        tpu.vector_store %arg23[%swap3A_1811], %mul3A_1810 {strides = array<i32>} : memref<1024xf32, #tpu.memory_space<vmem>>, vector<16xf32>,
        %gather3A_1813 = tpu.vector_load_idx %arg15[%add3A_371, %broadcast_in_dim3A_1808] : memref<128x64xf32, #tpu.memory_space<vmem>>[vector<16xi32>, vector<16xi32>], vector<16xf32>,
        %gather3A_1814 = tpu.vector_load_idx %arg16[%add3A_371, %broadcast_in_dim3A_1808] : memref<128x64xf32, #tpu.memory_space<vmem>>[vector<16xi32>, vector<16xi32>], vector<16xf32>,
        %gather3A_1815 = tpu.vector_load_idx %arg17[%add3A_371, %broadcast_in_dim3A_1808] : memref<128x64xf32, #tpu.memory_space<vmem>>[vector<16xi32>, vector<16xi32>], vector<16xf32>,
        %mul3A_1816 = arith.mulf %gather3A_1813, %mul3A_1810 : vector<16xf32>
        %add3A_1817 = arith.addf %add3A_1798, %mul3A_1816 : vector<16xf32>
        %mul3A_1818 = arith.mulf %gather3A_1814, %mul3A_1810 : vector<16xf32>
        %add3A_1819 = arith.addf %add3A_1800, %mul3A_1818 : vector<16xf32>
        %mul3A_1820 = arith.mulf %gather3A_1813, %gather3A_1813 : vector<16xf32>
        %add3A_1821 = arith.addf %add3A_1802, %mul3A_1820 : vector<16xf32>
        %mul3A_1822 = arith.mulf %gather3A_1814, %gather3A_1814 : vector<16xf32>
        %add3A_1823 = arith.addf %add3A_1804, %mul3A_1822 : vector<16xf32>
        %mul3A_1824 = arith.mulf %gather3A_1815, %gather3A_1815 : vector<16xf32>
        %add3A_1825 = arith.addf %add3A_1806, %mul3A_1824 : vector<16xf32>
        %broadcast_in_dim3A_1826 = arith.constant 58 : i32
        %broadcast_in_dim3A_1827 = vector.broadcast %broadcast_in_dim3A_1826 : i32 to vector<16xi32>
        %gather3A_1828 = tpu.vector_load_idx %arg18[%add3A_371, %broadcast_in_dim3A_1827] : memref<128x64xf32, #tpu.memory_space<vmem>>[vector<16xi32>, vector<16xi32>], vector<16xf32>,
        %mul3A_1829 = arith.mulf %gather3A_1828, %div3A_724 : vector<16xf32>
        %swap3A_1830 = arith.constant 928 : index
        %swap3A_1831 = tpu.vector_load %arg23[%swap3A_1830] {strides = array<i32>} : memref<1024xf32, #tpu.memory_space<vmem>>, vector<16xf32>,
        tpu.vector_store %arg23[%swap3A_1830], %mul3A_1829 {strides = array<i32>} : memref<1024xf32, #tpu.memory_space<vmem>>, vector<16xf32>,
        %gather3A_1832 = tpu.vector_load_idx %arg15[%add3A_371, %broadcast_in_dim3A_1827] : memref<128x64xf32, #tpu.memory_space<vmem>>[vector<16xi32>, vector<16xi32>], vector<16xf32>,
        %gather3A_1833 = tpu.vector_load_idx %arg16[%add3A_371, %broadcast_in_dim3A_1827] : memref<128x64xf32, #tpu.memory_space<vmem>>[vector<16xi32>, vector<16xi32>], vector<16xf32>,
        %gather3A_1834 = tpu.vector_load_idx %arg17[%add3A_371, %broadcast_in_dim3A_1827] : memref<128x64xf32, #tpu.memory_space<vmem>>[vector<16xi32>, vector<16xi32>], vector<16xf32>,
        %mul3A_1835 = arith.mulf %gather3A_1832, %mul3A_1829 : vector<16xf32>
        %add3A_1836 = arith.addf %add3A_1817, %mul3A_1835 : vector<16xf32>
        %mul3A_1837 = arith.mulf %gather3A_1833, %mul3A_1829 : vector<16xf32>
        %add3A_1838 = arith.addf %add3A_1819, %mul3A_1837 : vector<16xf32>
        %mul3A_1839 = arith.mulf %gather3A_1832, %gather3A_1832 : vector<16xf32>
        %add3A_1840 = arith.addf %add3A_1821, %mul3A_1839 : vector<16xf32>
        %mul3A_1841 = arith.mulf %gather3A_1833, %gather3A_1833 : vector<16xf32>
        %add3A_1842 = arith.addf %add3A_1823, %mul3A_1841 : vector<16xf32>
        %mul3A_1843 = arith.mulf %gather3A_1834, %gather3A_1834 : vector<16xf32>
        %add3A_1844 = arith.addf %add3A_1825, %mul3A_1843 : vector<16xf32>
        %broadcast_in_dim3A_1845 = arith.constant 59 : i32
        %broadcast_in_dim3A_1846 = vector.broadcast %broadcast_in_dim3A_1845 : i32 to vector<16xi32>
        %gather3A_1847 = tpu.vector_load_idx %arg18[%add3A_371, %broadcast_in_dim3A_1846] : memref<128x64xf32, #tpu.memory_space<vmem>>[vector<16xi32>, vector<16xi32>], vector<16xf32>,
        %mul3A_1848 = arith.mulf %gather3A_1847, %div3A_724 : vector<16xf32>
        %swap3A_1849 = arith.constant 944 : index
        %swap3A_1850 = tpu.vector_load %arg23[%swap3A_1849] {strides = array<i32>} : memref<1024xf32, #tpu.memory_space<vmem>>, vector<16xf32>,
        tpu.vector_store %arg23[%swap3A_1849], %mul3A_1848 {strides = array<i32>} : memref<1024xf32, #tpu.memory_space<vmem>>, vector<16xf32>,
        %gather3A_1851 = tpu.vector_load_idx %arg15[%add3A_371, %broadcast_in_dim3A_1846] : memref<128x64xf32, #tpu.memory_space<vmem>>[vector<16xi32>, vector<16xi32>], vector<16xf32>,
        %gather3A_1852 = tpu.vector_load_idx %arg16[%add3A_371, %broadcast_in_dim3A_1846] : memref<128x64xf32, #tpu.memory_space<vmem>>[vector<16xi32>, vector<16xi32>], vector<16xf32>,
        %gather3A_1853 = tpu.vector_load_idx %arg17[%add3A_371, %broadcast_in_dim3A_1846] : memref<128x64xf32, #tpu.memory_space<vmem>>[vector<16xi32>, vector<16xi32>], vector<16xf32>,
        %mul3A_1854 = arith.mulf %gather3A_1851, %mul3A_1848 : vector<16xf32>
        %add3A_1855 = arith.addf %add3A_1836, %mul3A_1854 : vector<16xf32>
        %mul3A_1856 = arith.mulf %gather3A_1852, %mul3A_1848 : vector<16xf32>
        %add3A_1857 = arith.addf %add3A_1838, %mul3A_1856 : vector<16xf32>
        %mul3A_1858 = arith.mulf %gather3A_1851, %gather3A_1851 : vector<16xf32>
        %add3A_1859 = arith.addf %add3A_1840, %mul3A_1858 : vector<16xf32>
        %mul3A_1860 = arith.mulf %gather3A_1852, %gather3A_1852 : vector<16xf32>
        %add3A_1861 = arith.addf %add3A_1842, %mul3A_1860 : vector<16xf32>
        %mul3A_1862 = arith.mulf %gather3A_1853, %gather3A_1853 : vector<16xf32>
        %add3A_1863 = arith.addf %add3A_1844, %mul3A_1862 : vector<16xf32>
        %broadcast_in_dim3A_1864 = arith.constant 60 : i32
        %broadcast_in_dim3A_1865 = vector.broadcast %broadcast_in_dim3A_1864 : i32 to vector<16xi32>
        %gather3A_1866 = tpu.vector_load_idx %arg18[%add3A_371, %broadcast_in_dim3A_1865] : memref<128x64xf32, #tpu.memory_space<vmem>>[vector<16xi32>, vector<16xi32>], vector<16xf32>,
        %mul3A_1867 = arith.mulf %gather3A_1866, %div3A_724 : vector<16xf32>
        %swap3A_1868 = arith.constant 960 : index
        %swap3A_1869 = tpu.vector_load %arg23[%swap3A_1868] {strides = array<i32>} : memref<1024xf32, #tpu.memory_space<vmem>>, vector<16xf32>,
        tpu.vector_store %arg23[%swap3A_1868], %mul3A_1867 {strides = array<i32>} : memref<1024xf32, #tpu.memory_space<vmem>>, vector<16xf32>,
        %gather3A_1870 = tpu.vector_load_idx %arg15[%add3A_371, %broadcast_in_dim3A_1865] : memref<128x64xf32, #tpu.memory_space<vmem>>[vector<16xi32>, vector<16xi32>], vector<16xf32>,
        %gather3A_1871 = tpu.vector_load_idx %arg16[%add3A_371, %broadcast_in_dim3A_1865] : memref<128x64xf32, #tpu.memory_space<vmem>>[vector<16xi32>, vector<16xi32>], vector<16xf32>,
        %gather3A_1872 = tpu.vector_load_idx %arg17[%add3A_371, %broadcast_in_dim3A_1865] : memref<128x64xf32, #tpu.memory_space<vmem>>[vector<16xi32>, vector<16xi32>], vector<16xf32>,
        %mul3A_1873 = arith.mulf %gather3A_1870, %mul3A_1867 : vector<16xf32>
        %add3A_1874 = arith.addf %add3A_1855, %mul3A_1873 : vector<16xf32>
        %mul3A_1875 = arith.mulf %gather3A_1871, %mul3A_1867 : vector<16xf32>
        %add3A_1876 = arith.addf %add3A_1857, %mul3A_1875 : vector<16xf32>
        %mul3A_1877 = arith.mulf %gather3A_1870, %gather3A_1870 : vector<16xf32>
        %add3A_1878 = arith.addf %add3A_1859, %mul3A_1877 : vector<16xf32>
        %mul3A_1879 = arith.mulf %gather3A_1871, %gather3A_1871 : vector<16xf32>
        %add3A_1880 = arith.addf %add3A_1861, %mul3A_1879 : vector<16xf32>
        %mul3A_1881 = arith.mulf %gather3A_1872, %gather3A_1872 : vector<16xf32>
        %add3A_1882 = arith.addf %add3A_1863, %mul3A_1881 : vector<16xf32>
        %broadcast_in_dim3A_1883 = arith.constant 61 : i32
        %broadcast_in_dim3A_1884 = vector.broadcast %broadcast_in_dim3A_1883 : i32 to vector<16xi32>
        %gather3A_1885 = tpu.vector_load_idx %arg18[%add3A_371, %broadcast_in_dim3A_1884] : memref<128x64xf32, #tpu.memory_space<vmem>>[vector<16xi32>, vector<16xi32>], vector<16xf32>,
        %mul3A_1886 = arith.mulf %gather3A_1885, %div3A_724 : vector<16xf32>
        %swap3A_1887 = arith.constant 976 : index
        %swap3A_1888 = tpu.vector_load %arg23[%swap3A_1887] {strides = array<i32>} : memref<1024xf32, #tpu.memory_space<vmem>>, vector<16xf32>,
        tpu.vector_store %arg23[%swap3A_1887], %mul3A_1886 {strides = array<i32>} : memref<1024xf32, #tpu.memory_space<vmem>>, vector<16xf32>,
        %gather3A_1889 = tpu.vector_load_idx %arg15[%add3A_371, %broadcast_in_dim3A_1884] : memref<128x64xf32, #tpu.memory_space<vmem>>[vector<16xi32>, vector<16xi32>], vector<16xf32>,
        %gather3A_1890 = tpu.vector_load_idx %arg16[%add3A_371, %broadcast_in_dim3A_1884] : memref<128x64xf32, #tpu.memory_space<vmem>>[vector<16xi32>, vector<16xi32>], vector<16xf32>,
        %gather3A_1891 = tpu.vector_load_idx %arg17[%add3A_371, %broadcast_in_dim3A_1884] : memref<128x64xf32, #tpu.memory_space<vmem>>[vector<16xi32>, vector<16xi32>], vector<16xf32>,
        %mul3A_1892 = arith.mulf %gather3A_1889, %mul3A_1886 : vector<16xf32>
        %add3A_1893 = arith.addf %add3A_1874, %mul3A_1892 : vector<16xf32>
        %mul3A_1894 = arith.mulf %gather3A_1890, %mul3A_1886 : vector<16xf32>
        %add3A_1895 = arith.addf %add3A_1876, %mul3A_1894 : vector<16xf32>
        %mul3A_1896 = arith.mulf %gather3A_1889, %gather3A_1889 : vector<16xf32>
        %add3A_1897 = arith.addf %add3A_1878, %mul3A_1896 : vector<16xf32>
        %mul3A_1898 = arith.mulf %gather3A_1890, %gather3A_1890 : vector<16xf32>
        %add3A_1899 = arith.addf %add3A_1880, %mul3A_1898 : vector<16xf32>
        %mul3A_1900 = arith.mulf %gather3A_1891, %gather3A_1891 : vector<16xf32>
        %add3A_1901 = arith.addf %add3A_1882, %mul3A_1900 : vector<16xf32>
        %broadcast_in_dim3A_1902 = arith.constant 62 : i32
        %broadcast_in_dim3A_1903 = vector.broadcast %broadcast_in_dim3A_1902 : i32 to vector<16xi32>
        %gather3A_1904 = tpu.vector_load_idx %arg18[%add3A_371, %broadcast_in_dim3A_1903] : memref<128x64xf32, #tpu.memory_space<vmem>>[vector<16xi32>, vector<16xi32>], vector<16xf32>,
        %mul3A_1905 = arith.mulf %gather3A_1904, %div3A_724 : vector<16xf32>
        %swap3A_1906 = arith.constant 992 : index
        %swap3A_1907 = tpu.vector_load %arg23[%swap3A_1906] {strides = array<i32>} : memref<1024xf32, #tpu.memory_space<vmem>>, vector<16xf32>,
        tpu.vector_store %arg23[%swap3A_1906], %mul3A_1905 {strides = array<i32>} : memref<1024xf32, #tpu.memory_space<vmem>>, vector<16xf32>,
        %gather3A_1908 = tpu.vector_load_idx %arg15[%add3A_371, %broadcast_in_dim3A_1903] : memref<128x64xf32, #tpu.memory_space<vmem>>[vector<16xi32>, vector<16xi32>], vector<16xf32>,
        %gather3A_1909 = tpu.vector_load_idx %arg16[%add3A_371, %broadcast_in_dim3A_1903] : memref<128x64xf32, #tpu.memory_space<vmem>>[vector<16xi32>, vector<16xi32>], vector<16xf32>,
        %gather3A_1910 = tpu.vector_load_idx %arg17[%add3A_371, %broadcast_in_dim3A_1903] : memref<128x64xf32, #tpu.memory_space<vmem>>[vector<16xi32>, vector<16xi32>], vector<16xf32>,
        %mul3A_1911 = arith.mulf %gather3A_1908, %mul3A_1905 : vector<16xf32>
        %add3A_1912 = arith.addf %add3A_1893, %mul3A_1911 : vector<16xf32>
        %mul3A_1913 = arith.mulf %gather3A_1909, %mul3A_1905 : vector<16xf32>
        %add3A_1914 = arith.addf %add3A_1895, %mul3A_1913 : vector<16xf32>
        %mul3A_1915 = arith.mulf %gather3A_1908, %gather3A_1908 : vector<16xf32>
        %add3A_1916 = arith.addf %add3A_1897, %mul3A_1915 : vector<16xf32>
        %mul3A_1917 = arith.mulf %gather3A_1909, %gather3A_1909 : vector<16xf32>
        %add3A_1918 = arith.addf %add3A_1899, %mul3A_1917 : vector<16xf32>
        %mul3A_1919 = arith.mulf %gather3A_1910, %gather3A_1910 : vector<16xf32>
        %add3A_1920 = arith.addf %add3A_1901, %mul3A_1919 : vector<16xf32>
        %broadcast_in_dim3A_1921 = arith.constant 63 : i32
        %broadcast_in_dim3A_1922 = vector.broadcast %broadcast_in_dim3A_1921 : i32 to vector<16xi32>
        %gather3A_1923 = tpu.vector_load_idx %arg18[%add3A_371, %broadcast_in_dim3A_1922] : memref<128x64xf32, #tpu.memory_space<vmem>>[vector<16xi32>, vector<16xi32>], vector<16xf32>,
        %mul3A_1924 = arith.mulf %gather3A_1923, %div3A_724 : vector<16xf32>
        %swap3A_1925 = arith.constant 1008 : index
        %swap3A_1926 = tpu.vector_load %arg23[%swap3A_1925] {strides = array<i32>} : memref<1024xf32, #tpu.memory_space<vmem>>, vector<16xf32>,
        tpu.vector_store %arg23[%swap3A_1925], %mul3A_1924 {strides = array<i32>} : memref<1024xf32, #tpu.memory_space<vmem>>, vector<16xf32>,
        %gather3A_1927 = tpu.vector_load_idx %arg15[%add3A_371, %broadcast_in_dim3A_1922] : memref<128x64xf32, #tpu.memory_space<vmem>>[vector<16xi32>, vector<16xi32>], vector<16xf32>,
        %gather3A_1928 = tpu.vector_load_idx %arg16[%add3A_371, %broadcast_in_dim3A_1922] : memref<128x64xf32, #tpu.memory_space<vmem>>[vector<16xi32>, vector<16xi32>], vector<16xf32>,
        %gather3A_1929 = tpu.vector_load_idx %arg17[%add3A_371, %broadcast_in_dim3A_1922] : memref<128x64xf32, #tpu.memory_space<vmem>>[vector<16xi32>, vector<16xi32>], vector<16xf32>,
        %mul3A_1930 = arith.mulf %gather3A_1927, %mul3A_1924 : vector<16xf32>
        %add3A_1931 = arith.addf %add3A_1912, %mul3A_1930 : vector<16xf32>
        %mul3A_1932 = arith.mulf %gather3A_1928, %mul3A_1924 : vector<16xf32>
        %add3A_1933 = arith.addf %add3A_1914, %mul3A_1932 : vector<16xf32>
        %mul3A_1934 = arith.mulf %gather3A_1927, %gather3A_1927 : vector<16xf32>
        %add3A_1935 = arith.addf %add3A_1916, %mul3A_1934 : vector<16xf32>
        %mul3A_1936 = arith.mulf %gather3A_1928, %gather3A_1928 : vector<16xf32>
        %add3A_1937 = arith.addf %add3A_1918, %mul3A_1936 : vector<16xf32>
        %mul3A_1938 = arith.mulf %gather3A_1929, %gather3A_1929 : vector<16xf32>
        %add3A_1939 = arith.addf %add3A_1920, %mul3A_1938 : vector<16xf32>
        %mul3A_1940 = arith.mulf %add3A_1931, %add3A_1931 : vector<16xf32>
        %sub3A_1941 = arith.subf %add3A_1935, %mul3A_1940 : vector<16xf32>
        %max3A_1942 = arith.constant 0.000000e+00 : f32
        %max3A_1943 = vector.broadcast %max3A_1942 : f32 to vector<16xf32>
        %max3A_1944 = arith.maximumf %sub3A_1941, %max3A_1943 : vector<16xf32>
        %mul3A_1945 = arith.mulf %add3A_1933, %add3A_1933 : vector<16xf32>
        %sub3A_1946 = arith.subf %add3A_1937, %mul3A_1945 : vector<16xf32>
        %max3A_1947 = arith.constant 0.000000e+00 : f32
        %max3A_1948 = vector.broadcast %max3A_1947 : f32 to vector<16xf32>
        %max3A_1949 = arith.maximumf %sub3A_1946, %max3A_1948 : vector<16xf32>
        %max3A_1950 = arith.constant 1.000000e-30 : f32
        %max3A_1951 = vector.broadcast %max3A_1950 : f32 to vector<16xf32>
        %max3A_1952 = arith.maximumf %max3A_1944, %max3A_1951 : vector<16xf32>
        %bitcast_convert_type3A_1953 = tpu.bitcast %max3A_1952 : vector<16xf32> -> vector<16xi32>
        %shift_right_logical3A_1954 = arith.constant 1 : i32
        %shift_right_logical3A_1955 = vector.broadcast %shift_right_logical3A_1954 : i32 to vector<16xi32>
        %shift_right_logical3A_1956 = arith.shrui %bitcast_convert_type3A_1953, %shift_right_logical3A_1955 : vector<16xi32>
        %sub3A_1957 = arith.constant 1597463007 : i32
        %sub3A_1958 = vector.broadcast %sub3A_1957 : i32 to vector<16xi32>
        %sub3A_1959 = arith.subi %sub3A_1958, %shift_right_logical3A_1956 : vector<16xi32>
        %bitcast_convert_type3A_1960 = tpu.bitcast %sub3A_1959 : vector<16xi32> -> vector<16xf32>
        %mul3A_1961 = arith.constant 5.000000e-01 : f32
        %mul3A_1962 = vector.broadcast %mul3A_1961 : f32 to vector<16xf32>
        %mul3A_1963 = arith.mulf %mul3A_1962, %max3A_1952 : vector<16xf32>
        %mul3A_1964 = arith.mulf %mul3A_1963, %bitcast_convert_type3A_1960 : vector<16xf32>
        %mul3A_1965 = arith.mulf %mul3A_1964, %bitcast_convert_type3A_1960 : vector<16xf32>
        %sub3A_1966 = arith.constant 1.500000e+00 : f32
        %sub3A_1967 = vector.broadcast %sub3A_1966 : f32 to vector<16xf32>
        %sub3A_1968 = arith.subf %sub3A_1967, %mul3A_1965 : vector<16xf32>
        %mul3A_1969 = arith.mulf %bitcast_convert_type3A_1960, %sub3A_1968 : vector<16xf32>
        %mul3A_1970 = arith.mulf %mul3A_1963, %mul3A_1969 : vector<16xf32>
        %mul3A_1971 = arith.mulf %mul3A_1970, %mul3A_1969 : vector<16xf32>
        %sub3A_1972 = arith.constant 1.500000e+00 : f32
        %sub3A_1973 = vector.broadcast %sub3A_1972 : f32 to vector<16xf32>
        %sub3A_1974 = arith.subf %sub3A_1973, %mul3A_1971 : vector<16xf32>
        %mul3A_1975 = arith.mulf %mul3A_1969, %sub3A_1974 : vector<16xf32>
        %mul3A_1976 = arith.mulf %mul3A_1963, %mul3A_1975 : vector<16xf32>
        %mul3A_1977 = arith.mulf %mul3A_1976, %mul3A_1975 : vector<16xf32>
        %sub3A_1978 = arith.constant 1.500000e+00 : f32
        %sub3A_1979 = vector.broadcast %sub3A_1978 : f32 to vector<16xf32>
        %sub3A_1980 = arith.subf %sub3A_1979, %mul3A_1977 : vector<16xf32>
        %mul3A_1981 = arith.mulf %mul3A_1975, %sub3A_1980 : vector<16xf32>
        %mul3A_1982 = arith.mulf %max3A_1952, %mul3A_1981 : vector<16xf32>
        %max3A_1983 = arith.constant 9.99999996E-13 : f32
        %max3A_1984 = vector.broadcast %max3A_1983 : f32 to vector<16xf32>
        %max3A_1985 = arith.maximumf %mul3A_1982, %max3A_1984 : vector<16xf32>
        %div3A_1986 = arith.constant 1.000000e+00 : f32
        %div3A_1987 = vector.broadcast %div3A_1986 : f32 to vector<16xf32>
        %div3A_1988 = arith.divf %div3A_1987, %max3A_1985 : vector<16xf32>
        %max3A_1989 = arith.constant 1.000000e-30 : f32
        %max3A_1990 = vector.broadcast %max3A_1989 : f32 to vector<16xf32>
        %max3A_1991 = arith.maximumf %max3A_1949, %max3A_1990 : vector<16xf32>
        %bitcast_convert_type3A_1992 = tpu.bitcast %max3A_1991 : vector<16xf32> -> vector<16xi32>
        %shift_right_logical3A_1993 = arith.constant 1 : i32
        %shift_right_logical3A_1994 = vector.broadcast %shift_right_logical3A_1993 : i32 to vector<16xi32>
        %shift_right_logical3A_1995 = arith.shrui %bitcast_convert_type3A_1992, %shift_right_logical3A_1994 : vector<16xi32>
        %sub3A_1996 = arith.constant 1597463007 : i32
        %sub3A_1997 = vector.broadcast %sub3A_1996 : i32 to vector<16xi32>
        %sub3A_1998 = arith.subi %sub3A_1997, %shift_right_logical3A_1995 : vector<16xi32>
        %bitcast_convert_type3A_1999 = tpu.bitcast %sub3A_1998 : vector<16xi32> -> vector<16xf32>
        %mul3A_2000 = arith.constant 5.000000e-01 : f32
        %mul3A_2001 = vector.broadcast %mul3A_2000 : f32 to vector<16xf32>
        %mul3A_2002 = arith.mulf %mul3A_2001, %max3A_1991 : vector<16xf32>
        %mul3A_2003 = arith.mulf %mul3A_2002, %bitcast_convert_type3A_1999 : vector<16xf32>
        %mul3A_2004 = arith.mulf %mul3A_2003, %bitcast_convert_type3A_1999 : vector<16xf32>
        %sub3A_2005 = arith.constant 1.500000e+00 : f32
        %sub3A_2006 = vector.broadcast %sub3A_2005 : f32 to vector<16xf32>
        %sub3A_2007 = arith.subf %sub3A_2006, %mul3A_2004 : vector<16xf32>
        %mul3A_2008 = arith.mulf %bitcast_convert_type3A_1999, %sub3A_2007 : vector<16xf32>
        %mul3A_2009 = arith.mulf %mul3A_2002, %mul3A_2008 : vector<16xf32>
        %mul3A_2010 = arith.mulf %mul3A_2009, %mul3A_2008 : vector<16xf32>
        %sub3A_2011 = arith.constant 1.500000e+00 : f32
        %sub3A_2012 = vector.broadcast %sub3A_2011 : f32 to vector<16xf32>
        %sub3A_2013 = arith.subf %sub3A_2012, %mul3A_2010 : vector<16xf32>
        %mul3A_2014 = arith.mulf %mul3A_2008, %sub3A_2013 : vector<16xf32>
        %mul3A_2015 = arith.mulf %mul3A_2002, %mul3A_2014 : vector<16xf32>
        %mul3A_2016 = arith.mulf %mul3A_2015, %mul3A_2014 : vector<16xf32>
        %sub3A_2017 = arith.constant 1.500000e+00 : f32
        %sub3A_2018 = vector.broadcast %sub3A_2017 : f32 to vector<16xf32>
        %sub3A_2019 = arith.subf %sub3A_2018, %mul3A_2016 : vector<16xf32>
        %mul3A_2020 = arith.mulf %mul3A_2014, %sub3A_2019 : vector<16xf32>
        %mul3A_2021 = arith.mulf %max3A_1991, %mul3A_2020 : vector<16xf32>
        %max3A_2022 = arith.constant 9.99999996E-13 : f32
        %max3A_2023 = vector.broadcast %max3A_2022 : f32 to vector<16xf32>
        %max3A_2024 = arith.maximumf %mul3A_2021, %max3A_2023 : vector<16xf32>
        %div3A_2025 = arith.constant 1.000000e+00 : f32
        %div3A_2026 = vector.broadcast %div3A_2025 : f32 to vector<16xf32>
        %div3A_2027 = arith.divf %div3A_2026, %max3A_2024 : vector<16xf32>
        %max3A_2028 = arith.constant 1.000000e-30 : f32
        %max3A_2029 = vector.broadcast %max3A_2028 : f32 to vector<16xf32>
        %max3A_2030 = arith.maximumf %add3A_1939, %max3A_2029 : vector<16xf32>
        %bitcast_convert_type3A_2031 = tpu.bitcast %max3A_2030 : vector<16xf32> -> vector<16xi32>
        %shift_right_logical3A_2032 = arith.constant 1 : i32
        %shift_right_logical3A_2033 = vector.broadcast %shift_right_logical3A_2032 : i32 to vector<16xi32>
        %shift_right_logical3A_2034 = arith.shrui %bitcast_convert_type3A_2031, %shift_right_logical3A_2033 : vector<16xi32>
        %sub3A_2035 = arith.constant 1597463007 : i32
        %sub3A_2036 = vector.broadcast %sub3A_2035 : i32 to vector<16xi32>
        %sub3A_2037 = arith.subi %sub3A_2036, %shift_right_logical3A_2034 : vector<16xi32>
        %bitcast_convert_type3A_2038 = tpu.bitcast %sub3A_2037 : vector<16xi32> -> vector<16xf32>
        %mul3A_2039 = arith.constant 5.000000e-01 : f32
        %mul3A_2040 = vector.broadcast %mul3A_2039 : f32 to vector<16xf32>
        %mul3A_2041 = arith.mulf %mul3A_2040, %max3A_2030 : vector<16xf32>
        %mul3A_2042 = arith.mulf %mul3A_2041, %bitcast_convert_type3A_2038 : vector<16xf32>
        %mul3A_2043 = arith.mulf %mul3A_2042, %bitcast_convert_type3A_2038 : vector<16xf32>
        %sub3A_2044 = arith.constant 1.500000e+00 : f32
        %sub3A_2045 = vector.broadcast %sub3A_2044 : f32 to vector<16xf32>
        %sub3A_2046 = arith.subf %sub3A_2045, %mul3A_2043 : vector<16xf32>
        %mul3A_2047 = arith.mulf %bitcast_convert_type3A_2038, %sub3A_2046 : vector<16xf32>
        %mul3A_2048 = arith.mulf %mul3A_2041, %mul3A_2047 : vector<16xf32>
        %mul3A_2049 = arith.mulf %mul3A_2048, %mul3A_2047 : vector<16xf32>
        %sub3A_2050 = arith.constant 1.500000e+00 : f32
        %sub3A_2051 = vector.broadcast %sub3A_2050 : f32 to vector<16xf32>
        %sub3A_2052 = arith.subf %sub3A_2051, %mul3A_2049 : vector<16xf32>
        %mul3A_2053 = arith.mulf %mul3A_2047, %sub3A_2052 : vector<16xf32>
        %mul3A_2054 = arith.mulf %mul3A_2041, %mul3A_2053 : vector<16xf32>
        %mul3A_2055 = arith.mulf %mul3A_2054, %mul3A_2053 : vector<16xf32>
        %sub3A_2056 = arith.constant 1.500000e+00 : f32
        %sub3A_2057 = vector.broadcast %sub3A_2056 : f32 to vector<16xf32>
        %sub3A_2058 = arith.subf %sub3A_2057, %mul3A_2055 : vector<16xf32>
        %mul3A_2059 = arith.mulf %mul3A_2053, %sub3A_2058 : vector<16xf32>
        %mul3A_2060 = arith.mulf %max3A_2030, %mul3A_2059 : vector<16xf32>
        %max3A_2061 = arith.constant 9.99999996E-13 : f32
        %max3A_2062 = vector.broadcast %max3A_2061 : f32 to vector<16xf32>
        %max3A_2063 = arith.maximumf %mul3A_2060, %max3A_2062 : vector<16xf32>
        %div3A_2064 = arith.constant 1.000000e+00 : f32
        %div3A_2065 = vector.broadcast %div3A_2064 : f32 to vector<16xf32>
        %div3A_2066 = arith.divf %div3A_2065, %max3A_2063 : vector<16xf32>
        %broadcast_in_dim3A_2067 = arith.constant 0 : i32
        %broadcast_in_dim3A_2068 = vector.broadcast %broadcast_in_dim3A_2067 : i32 to vector<16xi32>
        %get3A_2069 = arith.constant 0 : index
        %get3A_2070 = tpu.vector_load %arg23[%get3A_2069] {strides = array<i32>} : memref<1024xf32, #tpu.memory_space<vmem>>, vector<16xf32>,
        %gather3A_2071 = tpu.vector_load_idx %arg15[%add3A_371, %broadcast_in_dim3A_2068] : memref<128x64xf32, #tpu.memory_space<vmem>>[vector<16xi32>, vector<16xi32>], vector<16xf32>,
        %gather3A_2072 = tpu.vector_load_idx %arg16[%add3A_371, %broadcast_in_dim3A_2068] : memref<128x64xf32, #tpu.memory_space<vmem>>[vector<16xi32>, vector<16xi32>], vector<16xf32>,
        %gather3A_2073 = tpu.vector_load_idx %arg17[%add3A_371, %broadcast_in_dim3A_2068] : memref<128x64xf32, #tpu.memory_space<vmem>>[vector<16xi32>, vector<16xi32>], vector<16xf32>,
        %mul3A_2074 = arith.mulf %add3A_1931, %get3A_2070 : vector<16xf32>
        %sub3A_2075 = arith.subf %gather3A_2071, %mul3A_2074 : vector<16xf32>
        %mul3A_2076 = arith.mulf %sub3A_2075, %div3A_1988 : vector<16xf32>
        %mul3A_2077 = arith.mulf %add3A_1933, %get3A_2070 : vector<16xf32>
        %sub3A_2078 = arith.subf %gather3A_2072, %mul3A_2077 : vector<16xf32>
        %mul3A_2079 = arith.mulf %sub3A_2078, %div3A_2027 : vector<16xf32>
        %mul3A_2080 = arith.mulf %gather3A_2073, %div3A_2066 : vector<16xf32>
        %add3A_2081 = arith.addf %mul3A_2076, %mul3A_2080 : vector<16xf32>
        %sub3A_2082 = arith.subf %add3A_2081, %mul3A_2079 : vector<16xf32>
        %abs3A = math.absf %sub3A_2082 : vector<16xf32>
        %add3A_2083 = arith.addf %broadcast_in_dim3A_3, %abs3A : vector<16xf32>
        %broadcast_in_dim3A_2084 = arith.constant 1 : i32
        %broadcast_in_dim3A_2085 = vector.broadcast %broadcast_in_dim3A_2084 : i32 to vector<16xi32>
        %get3A_2086 = arith.constant 16 : index
        %get3A_2087 = tpu.vector_load %arg23[%get3A_2086] {strides = array<i32>} : memref<1024xf32, #tpu.memory_space<vmem>>, vector<16xf32>,
        %gather3A_2088 = tpu.vector_load_idx %arg15[%add3A_371, %broadcast_in_dim3A_2085] : memref<128x64xf32, #tpu.memory_space<vmem>>[vector<16xi32>, vector<16xi32>], vector<16xf32>,
        %gather3A_2089 = tpu.vector_load_idx %arg16[%add3A_371, %broadcast_in_dim3A_2085] : memref<128x64xf32, #tpu.memory_space<vmem>>[vector<16xi32>, vector<16xi32>], vector<16xf32>,
        %gather3A_2090 = tpu.vector_load_idx %arg17[%add3A_371, %broadcast_in_dim3A_2085] : memref<128x64xf32, #tpu.memory_space<vmem>>[vector<16xi32>, vector<16xi32>], vector<16xf32>,
        %mul3A_2091 = arith.mulf %add3A_1931, %get3A_2087 : vector<16xf32>
        %sub3A_2092 = arith.subf %gather3A_2088, %mul3A_2091 : vector<16xf32>
        %mul3A_2093 = arith.mulf %sub3A_2092, %div3A_1988 : vector<16xf32>
        %mul3A_2094 = arith.mulf %add3A_1933, %get3A_2087 : vector<16xf32>
        %sub3A_2095 = arith.subf %gather3A_2089, %mul3A_2094 : vector<16xf32>
        %mul3A_2096 = arith.mulf %sub3A_2095, %div3A_2027 : vector<16xf32>
        %mul3A_2097 = arith.mulf %gather3A_2090, %div3A_2066 : vector<16xf32>
        %add3A_2098 = arith.addf %mul3A_2093, %mul3A_2097 : vector<16xf32>
        %sub3A_2099 = arith.subf %add3A_2098, %mul3A_2096 : vector<16xf32>
        %abs3A_2100 = math.absf %sub3A_2099 : vector<16xf32>
        %add3A_2101 = arith.addf %add3A_2083, %abs3A_2100 : vector<16xf32>
        %broadcast_in_dim3A_2102 = arith.constant 2 : i32
        %broadcast_in_dim3A_2103 = vector.broadcast %broadcast_in_dim3A_2102 : i32 to vector<16xi32>
        %get3A_2104 = arith.constant 32 : index
        %get3A_2105 = tpu.vector_load %arg23[%get3A_2104] {strides = array<i32>} : memref<1024xf32, #tpu.memory_space<vmem>>, vector<16xf32>,
        %gather3A_2106 = tpu.vector_load_idx %arg15[%add3A_371, %broadcast_in_dim3A_2103] : memref<128x64xf32, #tpu.memory_space<vmem>>[vector<16xi32>, vector<16xi32>], vector<16xf32>,
        %gather3A_2107 = tpu.vector_load_idx %arg16[%add3A_371, %broadcast_in_dim3A_2103] : memref<128x64xf32, #tpu.memory_space<vmem>>[vector<16xi32>, vector<16xi32>], vector<16xf32>,
        %gather3A_2108 = tpu.vector_load_idx %arg17[%add3A_371, %broadcast_in_dim3A_2103] : memref<128x64xf32, #tpu.memory_space<vmem>>[vector<16xi32>, vector<16xi32>], vector<16xf32>,
        %mul3A_2109 = arith.mulf %add3A_1931, %get3A_2105 : vector<16xf32>
        %sub3A_2110 = arith.subf %gather3A_2106, %mul3A_2109 : vector<16xf32>
        %mul3A_2111 = arith.mulf %sub3A_2110, %div3A_1988 : vector<16xf32>
        %mul3A_2112 = arith.mulf %add3A_1933, %get3A_2105 : vector<16xf32>
        %sub3A_2113 = arith.subf %gather3A_2107, %mul3A_2112 : vector<16xf32>
        %mul3A_2114 = arith.mulf %sub3A_2113, %div3A_2027 : vector<16xf32>
        %mul3A_2115 = arith.mulf %gather3A_2108, %div3A_2066 : vector<16xf32>
        %add3A_2116 = arith.addf %mul3A_2111, %mul3A_2115 : vector<16xf32>
        %sub3A_2117 = arith.subf %add3A_2116, %mul3A_2114 : vector<16xf32>
        %abs3A_2118 = math.absf %sub3A_2117 : vector<16xf32>
        %add3A_2119 = arith.addf %add3A_2101, %abs3A_2118 : vector<16xf32>
        %broadcast_in_dim3A_2120 = arith.constant 3 : i32
        %broadcast_in_dim3A_2121 = vector.broadcast %broadcast_in_dim3A_2120 : i32 to vector<16xi32>
        %get3A_2122 = arith.constant 48 : index
        %get3A_2123 = tpu.vector_load %arg23[%get3A_2122] {strides = array<i32>} : memref<1024xf32, #tpu.memory_space<vmem>>, vector<16xf32>,
        %gather3A_2124 = tpu.vector_load_idx %arg15[%add3A_371, %broadcast_in_dim3A_2121] : memref<128x64xf32, #tpu.memory_space<vmem>>[vector<16xi32>, vector<16xi32>], vector<16xf32>,
        %gather3A_2125 = tpu.vector_load_idx %arg16[%add3A_371, %broadcast_in_dim3A_2121] : memref<128x64xf32, #tpu.memory_space<vmem>>[vector<16xi32>, vector<16xi32>], vector<16xf32>,
        %gather3A_2126 = tpu.vector_load_idx %arg17[%add3A_371, %broadcast_in_dim3A_2121] : memref<128x64xf32, #tpu.memory_space<vmem>>[vector<16xi32>, vector<16xi32>], vector<16xf32>,
        %mul3A_2127 = arith.mulf %add3A_1931, %get3A_2123 : vector<16xf32>
        %sub3A_2128 = arith.subf %gather3A_2124, %mul3A_2127 : vector<16xf32>
        %mul3A_2129 = arith.mulf %sub3A_2128, %div3A_1988 : vector<16xf32>
        %mul3A_2130 = arith.mulf %add3A_1933, %get3A_2123 : vector<16xf32>
        %sub3A_2131 = arith.subf %gather3A_2125, %mul3A_2130 : vector<16xf32>
        %mul3A_2132 = arith.mulf %sub3A_2131, %div3A_2027 : vector<16xf32>
        %mul3A_2133 = arith.mulf %gather3A_2126, %div3A_2066 : vector<16xf32>
        %add3A_2134 = arith.addf %mul3A_2129, %mul3A_2133 : vector<16xf32>
        %sub3A_2135 = arith.subf %add3A_2134, %mul3A_2132 : vector<16xf32>
        %abs3A_2136 = math.absf %sub3A_2135 : vector<16xf32>
        %add3A_2137 = arith.addf %add3A_2119, %abs3A_2136 : vector<16xf32>
        %broadcast_in_dim3A_2138 = arith.constant 4 : i32
        %broadcast_in_dim3A_2139 = vector.broadcast %broadcast_in_dim3A_2138 : i32 to vector<16xi32>
        %get3A_2140 = arith.constant 64 : index
        %get3A_2141 = tpu.vector_load %arg23[%get3A_2140] {strides = array<i32>} : memref<1024xf32, #tpu.memory_space<vmem>>, vector<16xf32>,
        %gather3A_2142 = tpu.vector_load_idx %arg15[%add3A_371, %broadcast_in_dim3A_2139] : memref<128x64xf32, #tpu.memory_space<vmem>>[vector<16xi32>, vector<16xi32>], vector<16xf32>,
        %gather3A_2143 = tpu.vector_load_idx %arg16[%add3A_371, %broadcast_in_dim3A_2139] : memref<128x64xf32, #tpu.memory_space<vmem>>[vector<16xi32>, vector<16xi32>], vector<16xf32>,
        %gather3A_2144 = tpu.vector_load_idx %arg17[%add3A_371, %broadcast_in_dim3A_2139] : memref<128x64xf32, #tpu.memory_space<vmem>>[vector<16xi32>, vector<16xi32>], vector<16xf32>,
        %mul3A_2145 = arith.mulf %add3A_1931, %get3A_2141 : vector<16xf32>
        %sub3A_2146 = arith.subf %gather3A_2142, %mul3A_2145 : vector<16xf32>
        %mul3A_2147 = arith.mulf %sub3A_2146, %div3A_1988 : vector<16xf32>
        %mul3A_2148 = arith.mulf %add3A_1933, %get3A_2141 : vector<16xf32>
        %sub3A_2149 = arith.subf %gather3A_2143, %mul3A_2148 : vector<16xf32>
        %mul3A_2150 = arith.mulf %sub3A_2149, %div3A_2027 : vector<16xf32>
        %mul3A_2151 = arith.mulf %gather3A_2144, %div3A_2066 : vector<16xf32>
        %add3A_2152 = arith.addf %mul3A_2147, %mul3A_2151 : vector<16xf32>
        %sub3A_2153 = arith.subf %add3A_2152, %mul3A_2150 : vector<16xf32>
        %abs3A_2154 = math.absf %sub3A_2153 : vector<16xf32>
        %add3A_2155 = arith.addf %add3A_2137, %abs3A_2154 : vector<16xf32>
        %broadcast_in_dim3A_2156 = arith.constant 5 : i32
        %broadcast_in_dim3A_2157 = vector.broadcast %broadcast_in_dim3A_2156 : i32 to vector<16xi32>
        %get3A_2158 = arith.constant 80 : index
        %get3A_2159 = tpu.vector_load %arg23[%get3A_2158] {strides = array<i32>} : memref<1024xf32, #tpu.memory_space<vmem>>, vector<16xf32>,
        %gather3A_2160 = tpu.vector_load_idx %arg15[%add3A_371, %broadcast_in_dim3A_2157] : memref<128x64xf32, #tpu.memory_space<vmem>>[vector<16xi32>, vector<16xi32>], vector<16xf32>,
        %gather3A_2161 = tpu.vector_load_idx %arg16[%add3A_371, %broadcast_in_dim3A_2157] : memref<128x64xf32, #tpu.memory_space<vmem>>[vector<16xi32>, vector<16xi32>], vector<16xf32>,
        %gather3A_2162 = tpu.vector_load_idx %arg17[%add3A_371, %broadcast_in_dim3A_2157] : memref<128x64xf32, #tpu.memory_space<vmem>>[vector<16xi32>, vector<16xi32>], vector<16xf32>,
        %mul3A_2163 = arith.mulf %add3A_1931, %get3A_2159 : vector<16xf32>
        %sub3A_2164 = arith.subf %gather3A_2160, %mul3A_2163 : vector<16xf32>
        %mul3A_2165 = arith.mulf %sub3A_2164, %div3A_1988 : vector<16xf32>
        %mul3A_2166 = arith.mulf %add3A_1933, %get3A_2159 : vector<16xf32>
        %sub3A_2167 = arith.subf %gather3A_2161, %mul3A_2166 : vector<16xf32>
        %mul3A_2168 = arith.mulf %sub3A_2167, %div3A_2027 : vector<16xf32>
        %mul3A_2169 = arith.mulf %gather3A_2162, %div3A_2066 : vector<16xf32>
        %add3A_2170 = arith.addf %mul3A_2165, %mul3A_2169 : vector<16xf32>
        %sub3A_2171 = arith.subf %add3A_2170, %mul3A_2168 : vector<16xf32>
        %abs3A_2172 = math.absf %sub3A_2171 : vector<16xf32>
        %add3A_2173 = arith.addf %add3A_2155, %abs3A_2172 : vector<16xf32>
        %broadcast_in_dim3A_2174 = arith.constant 6 : i32
        %broadcast_in_dim3A_2175 = vector.broadcast %broadcast_in_dim3A_2174 : i32 to vector<16xi32>
        %get3A_2176 = arith.constant 96 : index
        %get3A_2177 = tpu.vector_load %arg23[%get3A_2176] {strides = array<i32>} : memref<1024xf32, #tpu.memory_space<vmem>>, vector<16xf32>,
        %gather3A_2178 = tpu.vector_load_idx %arg15[%add3A_371, %broadcast_in_dim3A_2175] : memref<128x64xf32, #tpu.memory_space<vmem>>[vector<16xi32>, vector<16xi32>], vector<16xf32>,
        %gather3A_2179 = tpu.vector_load_idx %arg16[%add3A_371, %broadcast_in_dim3A_2175] : memref<128x64xf32, #tpu.memory_space<vmem>>[vector<16xi32>, vector<16xi32>], vector<16xf32>,
        %gather3A_2180 = tpu.vector_load_idx %arg17[%add3A_371, %broadcast_in_dim3A_2175] : memref<128x64xf32, #tpu.memory_space<vmem>>[vector<16xi32>, vector<16xi32>], vector<16xf32>,
        %mul3A_2181 = arith.mulf %add3A_1931, %get3A_2177 : vector<16xf32>
        %sub3A_2182 = arith.subf %gather3A_2178, %mul3A_2181 : vector<16xf32>
        %mul3A_2183 = arith.mulf %sub3A_2182, %div3A_1988 : vector<16xf32>
        %mul3A_2184 = arith.mulf %add3A_1933, %get3A_2177 : vector<16xf32>
        %sub3A_2185 = arith.subf %gather3A_2179, %mul3A_2184 : vector<16xf32>
        %mul3A_2186 = arith.mulf %sub3A_2185, %div3A_2027 : vector<16xf32>
        %mul3A_2187 = arith.mulf %gather3A_2180, %div3A_2066 : vector<16xf32>
        %add3A_2188 = arith.addf %mul3A_2183, %mul3A_2187 : vector<16xf32>
        %sub3A_2189 = arith.subf %add3A_2188, %mul3A_2186 : vector<16xf32>
        %abs3A_2190 = math.absf %sub3A_2189 : vector<16xf32>
        %add3A_2191 = arith.addf %add3A_2173, %abs3A_2190 : vector<16xf32>
        %broadcast_in_dim3A_2192 = arith.constant 7 : i32
        %broadcast_in_dim3A_2193 = vector.broadcast %broadcast_in_dim3A_2192 : i32 to vector<16xi32>
        %get3A_2194 = arith.constant 112 : index
        %get3A_2195 = tpu.vector_load %arg23[%get3A_2194] {strides = array<i32>} : memref<1024xf32, #tpu.memory_space<vmem>>, vector<16xf32>,
        %gather3A_2196 = tpu.vector_load_idx %arg15[%add3A_371, %broadcast_in_dim3A_2193] : memref<128x64xf32, #tpu.memory_space<vmem>>[vector<16xi32>, vector<16xi32>], vector<16xf32>,
        %gather3A_2197 = tpu.vector_load_idx %arg16[%add3A_371, %broadcast_in_dim3A_2193] : memref<128x64xf32, #tpu.memory_space<vmem>>[vector<16xi32>, vector<16xi32>], vector<16xf32>,
        %gather3A_2198 = tpu.vector_load_idx %arg17[%add3A_371, %broadcast_in_dim3A_2193] : memref<128x64xf32, #tpu.memory_space<vmem>>[vector<16xi32>, vector<16xi32>], vector<16xf32>,
        %mul3A_2199 = arith.mulf %add3A_1931, %get3A_2195 : vector<16xf32>
        %sub3A_2200 = arith.subf %gather3A_2196, %mul3A_2199 : vector<16xf32>
        %mul3A_2201 = arith.mulf %sub3A_2200, %div3A_1988 : vector<16xf32>
        %mul3A_2202 = arith.mulf %add3A_1933, %get3A_2195 : vector<16xf32>
        %sub3A_2203 = arith.subf %gather3A_2197, %mul3A_2202 : vector<16xf32>
        %mul3A_2204 = arith.mulf %sub3A_2203, %div3A_2027 : vector<16xf32>
        %mul3A_2205 = arith.mulf %gather3A_2198, %div3A_2066 : vector<16xf32>
        %add3A_2206 = arith.addf %mul3A_2201, %mul3A_2205 : vector<16xf32>
        %sub3A_2207 = arith.subf %add3A_2206, %mul3A_2204 : vector<16xf32>
        %abs3A_2208 = math.absf %sub3A_2207 : vector<16xf32>
        %add3A_2209 = arith.addf %add3A_2191, %abs3A_2208 : vector<16xf32>
        %broadcast_in_dim3A_2210 = arith.constant 8 : i32
        %broadcast_in_dim3A_2211 = vector.broadcast %broadcast_in_dim3A_2210 : i32 to vector<16xi32>
        %get3A_2212 = arith.constant 128 : index
        %get3A_2213 = tpu.vector_load %arg23[%get3A_2212] {strides = array<i32>} : memref<1024xf32, #tpu.memory_space<vmem>>, vector<16xf32>,
        %gather3A_2214 = tpu.vector_load_idx %arg15[%add3A_371, %broadcast_in_dim3A_2211] : memref<128x64xf32, #tpu.memory_space<vmem>>[vector<16xi32>, vector<16xi32>], vector<16xf32>,
        %gather3A_2215 = tpu.vector_load_idx %arg16[%add3A_371, %broadcast_in_dim3A_2211] : memref<128x64xf32, #tpu.memory_space<vmem>>[vector<16xi32>, vector<16xi32>], vector<16xf32>,
        %gather3A_2216 = tpu.vector_load_idx %arg17[%add3A_371, %broadcast_in_dim3A_2211] : memref<128x64xf32, #tpu.memory_space<vmem>>[vector<16xi32>, vector<16xi32>], vector<16xf32>,
        %mul3A_2217 = arith.mulf %add3A_1931, %get3A_2213 : vector<16xf32>
        %sub3A_2218 = arith.subf %gather3A_2214, %mul3A_2217 : vector<16xf32>
        %mul3A_2219 = arith.mulf %sub3A_2218, %div3A_1988 : vector<16xf32>
        %mul3A_2220 = arith.mulf %add3A_1933, %get3A_2213 : vector<16xf32>
        %sub3A_2221 = arith.subf %gather3A_2215, %mul3A_2220 : vector<16xf32>
        %mul3A_2222 = arith.mulf %sub3A_2221, %div3A_2027 : vector<16xf32>
        %mul3A_2223 = arith.mulf %gather3A_2216, %div3A_2066 : vector<16xf32>
        %add3A_2224 = arith.addf %mul3A_2219, %mul3A_2223 : vector<16xf32>
        %sub3A_2225 = arith.subf %add3A_2224, %mul3A_2222 : vector<16xf32>
        %abs3A_2226 = math.absf %sub3A_2225 : vector<16xf32>
        %add3A_2227 = arith.addf %add3A_2209, %abs3A_2226 : vector<16xf32>
        %broadcast_in_dim3A_2228 = arith.constant 9 : i32
        %broadcast_in_dim3A_2229 = vector.broadcast %broadcast_in_dim3A_2228 : i32 to vector<16xi32>
        %get3A_2230 = arith.constant 144 : index
        %get3A_2231 = tpu.vector_load %arg23[%get3A_2230] {strides = array<i32>} : memref<1024xf32, #tpu.memory_space<vmem>>, vector<16xf32>,
        %gather3A_2232 = tpu.vector_load_idx %arg15[%add3A_371, %broadcast_in_dim3A_2229] : memref<128x64xf32, #tpu.memory_space<vmem>>[vector<16xi32>, vector<16xi32>], vector<16xf32>,
        %gather3A_2233 = tpu.vector_load_idx %arg16[%add3A_371, %broadcast_in_dim3A_2229] : memref<128x64xf32, #tpu.memory_space<vmem>>[vector<16xi32>, vector<16xi32>], vector<16xf32>,
        %gather3A_2234 = tpu.vector_load_idx %arg17[%add3A_371, %broadcast_in_dim3A_2229] : memref<128x64xf32, #tpu.memory_space<vmem>>[vector<16xi32>, vector<16xi32>], vector<16xf32>,
        %mul3A_2235 = arith.mulf %add3A_1931, %get3A_2231 : vector<16xf32>
        %sub3A_2236 = arith.subf %gather3A_2232, %mul3A_2235 : vector<16xf32>
        %mul3A_2237 = arith.mulf %sub3A_2236, %div3A_1988 : vector<16xf32>
        %mul3A_2238 = arith.mulf %add3A_1933, %get3A_2231 : vector<16xf32>
        %sub3A_2239 = arith.subf %gather3A_2233, %mul3A_2238 : vector<16xf32>
        %mul3A_2240 = arith.mulf %sub3A_2239, %div3A_2027 : vector<16xf32>
        %mul3A_2241 = arith.mulf %gather3A_2234, %div3A_2066 : vector<16xf32>
        %add3A_2242 = arith.addf %mul3A_2237, %mul3A_2241 : vector<16xf32>
        %sub3A_2243 = arith.subf %add3A_2242, %mul3A_2240 : vector<16xf32>
        %abs3A_2244 = math.absf %sub3A_2243 : vector<16xf32>
        %add3A_2245 = arith.addf %add3A_2227, %abs3A_2244 : vector<16xf32>
        %broadcast_in_dim3A_2246 = arith.constant 10 : i32
        %broadcast_in_dim3A_2247 = vector.broadcast %broadcast_in_dim3A_2246 : i32 to vector<16xi32>
        %get3A_2248 = arith.constant 160 : index
        %get3A_2249 = tpu.vector_load %arg23[%get3A_2248] {strides = array<i32>} : memref<1024xf32, #tpu.memory_space<vmem>>, vector<16xf32>,
        %gather3A_2250 = tpu.vector_load_idx %arg15[%add3A_371, %broadcast_in_dim3A_2247] : memref<128x64xf32, #tpu.memory_space<vmem>>[vector<16xi32>, vector<16xi32>], vector<16xf32>,
        %gather3A_2251 = tpu.vector_load_idx %arg16[%add3A_371, %broadcast_in_dim3A_2247] : memref<128x64xf32, #tpu.memory_space<vmem>>[vector<16xi32>, vector<16xi32>], vector<16xf32>,
        %gather3A_2252 = tpu.vector_load_idx %arg17[%add3A_371, %broadcast_in_dim3A_2247] : memref<128x64xf32, #tpu.memory_space<vmem>>[vector<16xi32>, vector<16xi32>], vector<16xf32>,
        %mul3A_2253 = arith.mulf %add3A_1931, %get3A_2249 : vector<16xf32>
        %sub3A_2254 = arith.subf %gather3A_2250, %mul3A_2253 : vector<16xf32>
        %mul3A_2255 = arith.mulf %sub3A_2254, %div3A_1988 : vector<16xf32>
        %mul3A_2256 = arith.mulf %add3A_1933, %get3A_2249 : vector<16xf32>
        %sub3A_2257 = arith.subf %gather3A_2251, %mul3A_2256 : vector<16xf32>
        %mul3A_2258 = arith.mulf %sub3A_2257, %div3A_2027 : vector<16xf32>
        %mul3A_2259 = arith.mulf %gather3A_2252, %div3A_2066 : vector<16xf32>
        %add3A_2260 = arith.addf %mul3A_2255, %mul3A_2259 : vector<16xf32>
        %sub3A_2261 = arith.subf %add3A_2260, %mul3A_2258 : vector<16xf32>
        %abs3A_2262 = math.absf %sub3A_2261 : vector<16xf32>
        %add3A_2263 = arith.addf %add3A_2245, %abs3A_2262 : vector<16xf32>
        %broadcast_in_dim3A_2264 = arith.constant 11 : i32
        %broadcast_in_dim3A_2265 = vector.broadcast %broadcast_in_dim3A_2264 : i32 to vector<16xi32>
        %get3A_2266 = arith.constant 176 : index
        %get3A_2267 = tpu.vector_load %arg23[%get3A_2266] {strides = array<i32>} : memref<1024xf32, #tpu.memory_space<vmem>>, vector<16xf32>,
        %gather3A_2268 = tpu.vector_load_idx %arg15[%add3A_371, %broadcast_in_dim3A_2265] : memref<128x64xf32, #tpu.memory_space<vmem>>[vector<16xi32>, vector<16xi32>], vector<16xf32>,
        %gather3A_2269 = tpu.vector_load_idx %arg16[%add3A_371, %broadcast_in_dim3A_2265] : memref<128x64xf32, #tpu.memory_space<vmem>>[vector<16xi32>, vector<16xi32>], vector<16xf32>,
        %gather3A_2270 = tpu.vector_load_idx %arg17[%add3A_371, %broadcast_in_dim3A_2265] : memref<128x64xf32, #tpu.memory_space<vmem>>[vector<16xi32>, vector<16xi32>], vector<16xf32>,
        %mul3A_2271 = arith.mulf %add3A_1931, %get3A_2267 : vector<16xf32>
        %sub3A_2272 = arith.subf %gather3A_2268, %mul3A_2271 : vector<16xf32>
        %mul3A_2273 = arith.mulf %sub3A_2272, %div3A_1988 : vector<16xf32>
        %mul3A_2274 = arith.mulf %add3A_1933, %get3A_2267 : vector<16xf32>
        %sub3A_2275 = arith.subf %gather3A_2269, %mul3A_2274 : vector<16xf32>
        %mul3A_2276 = arith.mulf %sub3A_2275, %div3A_2027 : vector<16xf32>
        %mul3A_2277 = arith.mulf %gather3A_2270, %div3A_2066 : vector<16xf32>
        %add3A_2278 = arith.addf %mul3A_2273, %mul3A_2277 : vector<16xf32>
        %sub3A_2279 = arith.subf %add3A_2278, %mul3A_2276 : vector<16xf32>
        %abs3A_2280 = math.absf %sub3A_2279 : vector<16xf32>
        %add3A_2281 = arith.addf %add3A_2263, %abs3A_2280 : vector<16xf32>
        %broadcast_in_dim3A_2282 = arith.constant 12 : i32
        %broadcast_in_dim3A_2283 = vector.broadcast %broadcast_in_dim3A_2282 : i32 to vector<16xi32>
        %get3A_2284 = arith.constant 192 : index
        %get3A_2285 = tpu.vector_load %arg23[%get3A_2284] {strides = array<i32>} : memref<1024xf32, #tpu.memory_space<vmem>>, vector<16xf32>,
        %gather3A_2286 = tpu.vector_load_idx %arg15[%add3A_371, %broadcast_in_dim3A_2283] : memref<128x64xf32, #tpu.memory_space<vmem>>[vector<16xi32>, vector<16xi32>], vector<16xf32>,
        %gather3A_2287 = tpu.vector_load_idx %arg16[%add3A_371, %broadcast_in_dim3A_2283] : memref<128x64xf32, #tpu.memory_space<vmem>>[vector<16xi32>, vector<16xi32>], vector<16xf32>,
        %gather3A_2288 = tpu.vector_load_idx %arg17[%add3A_371, %broadcast_in_dim3A_2283] : memref<128x64xf32, #tpu.memory_space<vmem>>[vector<16xi32>, vector<16xi32>], vector<16xf32>,
        %mul3A_2289 = arith.mulf %add3A_1931, %get3A_2285 : vector<16xf32>
        %sub3A_2290 = arith.subf %gather3A_2286, %mul3A_2289 : vector<16xf32>
        %mul3A_2291 = arith.mulf %sub3A_2290, %div3A_1988 : vector<16xf32>
        %mul3A_2292 = arith.mulf %add3A_1933, %get3A_2285 : vector<16xf32>
        %sub3A_2293 = arith.subf %gather3A_2287, %mul3A_2292 : vector<16xf32>
        %mul3A_2294 = arith.mulf %sub3A_2293, %div3A_2027 : vector<16xf32>
        %mul3A_2295 = arith.mulf %gather3A_2288, %div3A_2066 : vector<16xf32>
        %add3A_2296 = arith.addf %mul3A_2291, %mul3A_2295 : vector<16xf32>
        %sub3A_2297 = arith.subf %add3A_2296, %mul3A_2294 : vector<16xf32>
        %abs3A_2298 = math.absf %sub3A_2297 : vector<16xf32>
        %add3A_2299 = arith.addf %add3A_2281, %abs3A_2298 : vector<16xf32>
        %broadcast_in_dim3A_2300 = arith.constant 13 : i32
        %broadcast_in_dim3A_2301 = vector.broadcast %broadcast_in_dim3A_2300 : i32 to vector<16xi32>
        %get3A_2302 = arith.constant 208 : index
        %get3A_2303 = tpu.vector_load %arg23[%get3A_2302] {strides = array<i32>} : memref<1024xf32, #tpu.memory_space<vmem>>, vector<16xf32>,
        %gather3A_2304 = tpu.vector_load_idx %arg15[%add3A_371, %broadcast_in_dim3A_2301] : memref<128x64xf32, #tpu.memory_space<vmem>>[vector<16xi32>, vector<16xi32>], vector<16xf32>,
        %gather3A_2305 = tpu.vector_load_idx %arg16[%add3A_371, %broadcast_in_dim3A_2301] : memref<128x64xf32, #tpu.memory_space<vmem>>[vector<16xi32>, vector<16xi32>], vector<16xf32>,
        %gather3A_2306 = tpu.vector_load_idx %arg17[%add3A_371, %broadcast_in_dim3A_2301] : memref<128x64xf32, #tpu.memory_space<vmem>>[vector<16xi32>, vector<16xi32>], vector<16xf32>,
        %mul3A_2307 = arith.mulf %add3A_1931, %get3A_2303 : vector<16xf32>
        %sub3A_2308 = arith.subf %gather3A_2304, %mul3A_2307 : vector<16xf32>
        %mul3A_2309 = arith.mulf %sub3A_2308, %div3A_1988 : vector<16xf32>
        %mul3A_2310 = arith.mulf %add3A_1933, %get3A_2303 : vector<16xf32>
        %sub3A_2311 = arith.subf %gather3A_2305, %mul3A_2310 : vector<16xf32>
        %mul3A_2312 = arith.mulf %sub3A_2311, %div3A_2027 : vector<16xf32>
        %mul3A_2313 = arith.mulf %gather3A_2306, %div3A_2066 : vector<16xf32>
        %add3A_2314 = arith.addf %mul3A_2309, %mul3A_2313 : vector<16xf32>
        %sub3A_2315 = arith.subf %add3A_2314, %mul3A_2312 : vector<16xf32>
        %abs3A_2316 = math.absf %sub3A_2315 : vector<16xf32>
        %add3A_2317 = arith.addf %add3A_2299, %abs3A_2316 : vector<16xf32>
        %broadcast_in_dim3A_2318 = arith.constant 14 : i32
        %broadcast_in_dim3A_2319 = vector.broadcast %broadcast_in_dim3A_2318 : i32 to vector<16xi32>
        %get3A_2320 = arith.constant 224 : index
        %get3A_2321 = tpu.vector_load %arg23[%get3A_2320] {strides = array<i32>} : memref<1024xf32, #tpu.memory_space<vmem>>, vector<16xf32>,
        %gather3A_2322 = tpu.vector_load_idx %arg15[%add3A_371, %broadcast_in_dim3A_2319] : memref<128x64xf32, #tpu.memory_space<vmem>>[vector<16xi32>, vector<16xi32>], vector<16xf32>,
        %gather3A_2323 = tpu.vector_load_idx %arg16[%add3A_371, %broadcast_in_dim3A_2319] : memref<128x64xf32, #tpu.memory_space<vmem>>[vector<16xi32>, vector<16xi32>], vector<16xf32>,
        %gather3A_2324 = tpu.vector_load_idx %arg17[%add3A_371, %broadcast_in_dim3A_2319] : memref<128x64xf32, #tpu.memory_space<vmem>>[vector<16xi32>, vector<16xi32>], vector<16xf32>,
        %mul3A_2325 = arith.mulf %add3A_1931, %get3A_2321 : vector<16xf32>
        %sub3A_2326 = arith.subf %gather3A_2322, %mul3A_2325 : vector<16xf32>
        %mul3A_2327 = arith.mulf %sub3A_2326, %div3A_1988 : vector<16xf32>
        %mul3A_2328 = arith.mulf %add3A_1933, %get3A_2321 : vector<16xf32>
        %sub3A_2329 = arith.subf %gather3A_2323, %mul3A_2328 : vector<16xf32>
        %mul3A_2330 = arith.mulf %sub3A_2329, %div3A_2027 : vector<16xf32>
        %mul3A_2331 = arith.mulf %gather3A_2324, %div3A_2066 : vector<16xf32>
        %add3A_2332 = arith.addf %mul3A_2327, %mul3A_2331 : vector<16xf32>
        %sub3A_2333 = arith.subf %add3A_2332, %mul3A_2330 : vector<16xf32>
        %abs3A_2334 = math.absf %sub3A_2333 : vector<16xf32>
        %add3A_2335 = arith.addf %add3A_2317, %abs3A_2334 : vector<16xf32>
        %broadcast_in_dim3A_2336 = arith.constant 15 : i32
        %broadcast_in_dim3A_2337 = vector.broadcast %broadcast_in_dim3A_2336 : i32 to vector<16xi32>
        %get3A_2338 = arith.constant 240 : index
        %get3A_2339 = tpu.vector_load %arg23[%get3A_2338] {strides = array<i32>} : memref<1024xf32, #tpu.memory_space<vmem>>, vector<16xf32>,
        %gather3A_2340 = tpu.vector_load_idx %arg15[%add3A_371, %broadcast_in_dim3A_2337] : memref<128x64xf32, #tpu.memory_space<vmem>>[vector<16xi32>, vector<16xi32>], vector<16xf32>,
        %gather3A_2341 = tpu.vector_load_idx %arg16[%add3A_371, %broadcast_in_dim3A_2337] : memref<128x64xf32, #tpu.memory_space<vmem>>[vector<16xi32>, vector<16xi32>], vector<16xf32>,
        %gather3A_2342 = tpu.vector_load_idx %arg17[%add3A_371, %broadcast_in_dim3A_2337] : memref<128x64xf32, #tpu.memory_space<vmem>>[vector<16xi32>, vector<16xi32>], vector<16xf32>,
        %mul3A_2343 = arith.mulf %add3A_1931, %get3A_2339 : vector<16xf32>
        %sub3A_2344 = arith.subf %gather3A_2340, %mul3A_2343 : vector<16xf32>
        %mul3A_2345 = arith.mulf %sub3A_2344, %div3A_1988 : vector<16xf32>
        %mul3A_2346 = arith.mulf %add3A_1933, %get3A_2339 : vector<16xf32>
        %sub3A_2347 = arith.subf %gather3A_2341, %mul3A_2346 : vector<16xf32>
        %mul3A_2348 = arith.mulf %sub3A_2347, %div3A_2027 : vector<16xf32>
        %mul3A_2349 = arith.mulf %gather3A_2342, %div3A_2066 : vector<16xf32>
        %add3A_2350 = arith.addf %mul3A_2345, %mul3A_2349 : vector<16xf32>
        %sub3A_2351 = arith.subf %add3A_2350, %mul3A_2348 : vector<16xf32>
        %abs3A_2352 = math.absf %sub3A_2351 : vector<16xf32>
        %add3A_2353 = arith.addf %add3A_2335, %abs3A_2352 : vector<16xf32>
        %broadcast_in_dim3A_2354 = arith.constant 16 : i32
        %broadcast_in_dim3A_2355 = vector.broadcast %broadcast_in_dim3A_2354 : i32 to vector<16xi32>
        %get3A_2356 = arith.constant 256 : index
        %get3A_2357 = tpu.vector_load %arg23[%get3A_2356] {strides = array<i32>} : memref<1024xf32, #tpu.memory_space<vmem>>, vector<16xf32>,
        %gather3A_2358 = tpu.vector_load_idx %arg15[%add3A_371, %broadcast_in_dim3A_2355] : memref<128x64xf32, #tpu.memory_space<vmem>>[vector<16xi32>, vector<16xi32>], vector<16xf32>,
        %gather3A_2359 = tpu.vector_load_idx %arg16[%add3A_371, %broadcast_in_dim3A_2355] : memref<128x64xf32, #tpu.memory_space<vmem>>[vector<16xi32>, vector<16xi32>], vector<16xf32>,
        %gather3A_2360 = tpu.vector_load_idx %arg17[%add3A_371, %broadcast_in_dim3A_2355] : memref<128x64xf32, #tpu.memory_space<vmem>>[vector<16xi32>, vector<16xi32>], vector<16xf32>,
        %mul3A_2361 = arith.mulf %add3A_1931, %get3A_2357 : vector<16xf32>
        %sub3A_2362 = arith.subf %gather3A_2358, %mul3A_2361 : vector<16xf32>
        %mul3A_2363 = arith.mulf %sub3A_2362, %div3A_1988 : vector<16xf32>
        %mul3A_2364 = arith.mulf %add3A_1933, %get3A_2357 : vector<16xf32>
        %sub3A_2365 = arith.subf %gather3A_2359, %mul3A_2364 : vector<16xf32>
        %mul3A_2366 = arith.mulf %sub3A_2365, %div3A_2027 : vector<16xf32>
        %mul3A_2367 = arith.mulf %gather3A_2360, %div3A_2066 : vector<16xf32>
        %add3A_2368 = arith.addf %mul3A_2363, %mul3A_2367 : vector<16xf32>
        %sub3A_2369 = arith.subf %add3A_2368, %mul3A_2366 : vector<16xf32>
        %abs3A_2370 = math.absf %sub3A_2369 : vector<16xf32>
        %add3A_2371 = arith.addf %add3A_2353, %abs3A_2370 : vector<16xf32>
        %broadcast_in_dim3A_2372 = arith.constant 17 : i32
        %broadcast_in_dim3A_2373 = vector.broadcast %broadcast_in_dim3A_2372 : i32 to vector<16xi32>
        %get3A_2374 = arith.constant 272 : index
        %get3A_2375 = tpu.vector_load %arg23[%get3A_2374] {strides = array<i32>} : memref<1024xf32, #tpu.memory_space<vmem>>, vector<16xf32>,
        %gather3A_2376 = tpu.vector_load_idx %arg15[%add3A_371, %broadcast_in_dim3A_2373] : memref<128x64xf32, #tpu.memory_space<vmem>>[vector<16xi32>, vector<16xi32>], vector<16xf32>,
        %gather3A_2377 = tpu.vector_load_idx %arg16[%add3A_371, %broadcast_in_dim3A_2373] : memref<128x64xf32, #tpu.memory_space<vmem>>[vector<16xi32>, vector<16xi32>], vector<16xf32>,
        %gather3A_2378 = tpu.vector_load_idx %arg17[%add3A_371, %broadcast_in_dim3A_2373] : memref<128x64xf32, #tpu.memory_space<vmem>>[vector<16xi32>, vector<16xi32>], vector<16xf32>,
        %mul3A_2379 = arith.mulf %add3A_1931, %get3A_2375 : vector<16xf32>
        %sub3A_2380 = arith.subf %gather3A_2376, %mul3A_2379 : vector<16xf32>
        %mul3A_2381 = arith.mulf %sub3A_2380, %div3A_1988 : vector<16xf32>
        %mul3A_2382 = arith.mulf %add3A_1933, %get3A_2375 : vector<16xf32>
        %sub3A_2383 = arith.subf %gather3A_2377, %mul3A_2382 : vector<16xf32>
        %mul3A_2384 = arith.mulf %sub3A_2383, %div3A_2027 : vector<16xf32>
        %mul3A_2385 = arith.mulf %gather3A_2378, %div3A_2066 : vector<16xf32>
        %add3A_2386 = arith.addf %mul3A_2381, %mul3A_2385 : vector<16xf32>
        %sub3A_2387 = arith.subf %add3A_2386, %mul3A_2384 : vector<16xf32>
        %abs3A_2388 = math.absf %sub3A_2387 : vector<16xf32>
        %add3A_2389 = arith.addf %add3A_2371, %abs3A_2388 : vector<16xf32>
        %broadcast_in_dim3A_2390 = arith.constant 18 : i32
        %broadcast_in_dim3A_2391 = vector.broadcast %broadcast_in_dim3A_2390 : i32 to vector<16xi32>
        %get3A_2392 = arith.constant 288 : index
        %get3A_2393 = tpu.vector_load %arg23[%get3A_2392] {strides = array<i32>} : memref<1024xf32, #tpu.memory_space<vmem>>, vector<16xf32>,
        %gather3A_2394 = tpu.vector_load_idx %arg15[%add3A_371, %broadcast_in_dim3A_2391] : memref<128x64xf32, #tpu.memory_space<vmem>>[vector<16xi32>, vector<16xi32>], vector<16xf32>,
        %gather3A_2395 = tpu.vector_load_idx %arg16[%add3A_371, %broadcast_in_dim3A_2391] : memref<128x64xf32, #tpu.memory_space<vmem>>[vector<16xi32>, vector<16xi32>], vector<16xf32>,
        %gather3A_2396 = tpu.vector_load_idx %arg17[%add3A_371, %broadcast_in_dim3A_2391] : memref<128x64xf32, #tpu.memory_space<vmem>>[vector<16xi32>, vector<16xi32>], vector<16xf32>,
        %mul3A_2397 = arith.mulf %add3A_1931, %get3A_2393 : vector<16xf32>
        %sub3A_2398 = arith.subf %gather3A_2394, %mul3A_2397 : vector<16xf32>
        %mul3A_2399 = arith.mulf %sub3A_2398, %div3A_1988 : vector<16xf32>
        %mul3A_2400 = arith.mulf %add3A_1933, %get3A_2393 : vector<16xf32>
        %sub3A_2401 = arith.subf %gather3A_2395, %mul3A_2400 : vector<16xf32>
        %mul3A_2402 = arith.mulf %sub3A_2401, %div3A_2027 : vector<16xf32>
        %mul3A_2403 = arith.mulf %gather3A_2396, %div3A_2066 : vector<16xf32>
        %add3A_2404 = arith.addf %mul3A_2399, %mul3A_2403 : vector<16xf32>
        %sub3A_2405 = arith.subf %add3A_2404, %mul3A_2402 : vector<16xf32>
        %abs3A_2406 = math.absf %sub3A_2405 : vector<16xf32>
        %add3A_2407 = arith.addf %add3A_2389, %abs3A_2406 : vector<16xf32>
        %broadcast_in_dim3A_2408 = arith.constant 19 : i32
        %broadcast_in_dim3A_2409 = vector.broadcast %broadcast_in_dim3A_2408 : i32 to vector<16xi32>
        %get3A_2410 = arith.constant 304 : index
        %get3A_2411 = tpu.vector_load %arg23[%get3A_2410] {strides = array<i32>} : memref<1024xf32, #tpu.memory_space<vmem>>, vector<16xf32>,
        %gather3A_2412 = tpu.vector_load_idx %arg15[%add3A_371, %broadcast_in_dim3A_2409] : memref<128x64xf32, #tpu.memory_space<vmem>>[vector<16xi32>, vector<16xi32>], vector<16xf32>,
        %gather3A_2413 = tpu.vector_load_idx %arg16[%add3A_371, %broadcast_in_dim3A_2409] : memref<128x64xf32, #tpu.memory_space<vmem>>[vector<16xi32>, vector<16xi32>], vector<16xf32>,
        %gather3A_2414 = tpu.vector_load_idx %arg17[%add3A_371, %broadcast_in_dim3A_2409] : memref<128x64xf32, #tpu.memory_space<vmem>>[vector<16xi32>, vector<16xi32>], vector<16xf32>,
        %mul3A_2415 = arith.mulf %add3A_1931, %get3A_2411 : vector<16xf32>
        %sub3A_2416 = arith.subf %gather3A_2412, %mul3A_2415 : vector<16xf32>
        %mul3A_2417 = arith.mulf %sub3A_2416, %div3A_1988 : vector<16xf32>
        %mul3A_2418 = arith.mulf %add3A_1933, %get3A_2411 : vector<16xf32>
        %sub3A_2419 = arith.subf %gather3A_2413, %mul3A_2418 : vector<16xf32>
        %mul3A_2420 = arith.mulf %sub3A_2419, %div3A_2027 : vector<16xf32>
        %mul3A_2421 = arith.mulf %gather3A_2414, %div3A_2066 : vector<16xf32>
        %add3A_2422 = arith.addf %mul3A_2417, %mul3A_2421 : vector<16xf32>
        %sub3A_2423 = arith.subf %add3A_2422, %mul3A_2420 : vector<16xf32>
        %abs3A_2424 = math.absf %sub3A_2423 : vector<16xf32>
        %add3A_2425 = arith.addf %add3A_2407, %abs3A_2424 : vector<16xf32>
        %broadcast_in_dim3A_2426 = arith.constant 20 : i32
        %broadcast_in_dim3A_2427 = vector.broadcast %broadcast_in_dim3A_2426 : i32 to vector<16xi32>
        %get3A_2428 = arith.constant 320 : index
        %get3A_2429 = tpu.vector_load %arg23[%get3A_2428] {strides = array<i32>} : memref<1024xf32, #tpu.memory_space<vmem>>, vector<16xf32>,
        %gather3A_2430 = tpu.vector_load_idx %arg15[%add3A_371, %broadcast_in_dim3A_2427] : memref<128x64xf32, #tpu.memory_space<vmem>>[vector<16xi32>, vector<16xi32>], vector<16xf32>,
        %gather3A_2431 = tpu.vector_load_idx %arg16[%add3A_371, %broadcast_in_dim3A_2427] : memref<128x64xf32, #tpu.memory_space<vmem>>[vector<16xi32>, vector<16xi32>], vector<16xf32>,
        %gather3A_2432 = tpu.vector_load_idx %arg17[%add3A_371, %broadcast_in_dim3A_2427] : memref<128x64xf32, #tpu.memory_space<vmem>>[vector<16xi32>, vector<16xi32>], vector<16xf32>,
        %mul3A_2433 = arith.mulf %add3A_1931, %get3A_2429 : vector<16xf32>
        %sub3A_2434 = arith.subf %gather3A_2430, %mul3A_2433 : vector<16xf32>
        %mul3A_2435 = arith.mulf %sub3A_2434, %div3A_1988 : vector<16xf32>
        %mul3A_2436 = arith.mulf %add3A_1933, %get3A_2429 : vector<16xf32>
        %sub3A_2437 = arith.subf %gather3A_2431, %mul3A_2436 : vector<16xf32>
        %mul3A_2438 = arith.mulf %sub3A_2437, %div3A_2027 : vector<16xf32>
        %mul3A_2439 = arith.mulf %gather3A_2432, %div3A_2066 : vector<16xf32>
        %add3A_2440 = arith.addf %mul3A_2435, %mul3A_2439 : vector<16xf32>
        %sub3A_2441 = arith.subf %add3A_2440, %mul3A_2438 : vector<16xf32>
        %abs3A_2442 = math.absf %sub3A_2441 : vector<16xf32>
        %add3A_2443 = arith.addf %add3A_2425, %abs3A_2442 : vector<16xf32>
        %broadcast_in_dim3A_2444 = arith.constant 21 : i32
        %broadcast_in_dim3A_2445 = vector.broadcast %broadcast_in_dim3A_2444 : i32 to vector<16xi32>
        %get3A_2446 = arith.constant 336 : index
        %get3A_2447 = tpu.vector_load %arg23[%get3A_2446] {strides = array<i32>} : memref<1024xf32, #tpu.memory_space<vmem>>, vector<16xf32>,
        %gather3A_2448 = tpu.vector_load_idx %arg15[%add3A_371, %broadcast_in_dim3A_2445] : memref<128x64xf32, #tpu.memory_space<vmem>>[vector<16xi32>, vector<16xi32>], vector<16xf32>,
        %gather3A_2449 = tpu.vector_load_idx %arg16[%add3A_371, %broadcast_in_dim3A_2445] : memref<128x64xf32, #tpu.memory_space<vmem>>[vector<16xi32>, vector<16xi32>], vector<16xf32>,
        %gather3A_2450 = tpu.vector_load_idx %arg17[%add3A_371, %broadcast_in_dim3A_2445] : memref<128x64xf32, #tpu.memory_space<vmem>>[vector<16xi32>, vector<16xi32>], vector<16xf32>,
        %mul3A_2451 = arith.mulf %add3A_1931, %get3A_2447 : vector<16xf32>
        %sub3A_2452 = arith.subf %gather3A_2448, %mul3A_2451 : vector<16xf32>
        %mul3A_2453 = arith.mulf %sub3A_2452, %div3A_1988 : vector<16xf32>
        %mul3A_2454 = arith.mulf %add3A_1933, %get3A_2447 : vector<16xf32>
        %sub3A_2455 = arith.subf %gather3A_2449, %mul3A_2454 : vector<16xf32>
        %mul3A_2456 = arith.mulf %sub3A_2455, %div3A_2027 : vector<16xf32>
        %mul3A_2457 = arith.mulf %gather3A_2450, %div3A_2066 : vector<16xf32>
        %add3A_2458 = arith.addf %mul3A_2453, %mul3A_2457 : vector<16xf32>
        %sub3A_2459 = arith.subf %add3A_2458, %mul3A_2456 : vector<16xf32>
        %abs3A_2460 = math.absf %sub3A_2459 : vector<16xf32>
        %add3A_2461 = arith.addf %add3A_2443, %abs3A_2460 : vector<16xf32>
        %broadcast_in_dim3A_2462 = arith.constant 22 : i32
        %broadcast_in_dim3A_2463 = vector.broadcast %broadcast_in_dim3A_2462 : i32 to vector<16xi32>
        %get3A_2464 = arith.constant 352 : index
        %get3A_2465 = tpu.vector_load %arg23[%get3A_2464] {strides = array<i32>} : memref<1024xf32, #tpu.memory_space<vmem>>, vector<16xf32>,
        %gather3A_2466 = tpu.vector_load_idx %arg15[%add3A_371, %broadcast_in_dim3A_2463] : memref<128x64xf32, #tpu.memory_space<vmem>>[vector<16xi32>, vector<16xi32>], vector<16xf32>,
        %gather3A_2467 = tpu.vector_load_idx %arg16[%add3A_371, %broadcast_in_dim3A_2463] : memref<128x64xf32, #tpu.memory_space<vmem>>[vector<16xi32>, vector<16xi32>], vector<16xf32>,
        %gather3A_2468 = tpu.vector_load_idx %arg17[%add3A_371, %broadcast_in_dim3A_2463] : memref<128x64xf32, #tpu.memory_space<vmem>>[vector<16xi32>, vector<16xi32>], vector<16xf32>,
        %mul3A_2469 = arith.mulf %add3A_1931, %get3A_2465 : vector<16xf32>
        %sub3A_2470 = arith.subf %gather3A_2466, %mul3A_2469 : vector<16xf32>
        %mul3A_2471 = arith.mulf %sub3A_2470, %div3A_1988 : vector<16xf32>
        %mul3A_2472 = arith.mulf %add3A_1933, %get3A_2465 : vector<16xf32>
        %sub3A_2473 = arith.subf %gather3A_2467, %mul3A_2472 : vector<16xf32>
        %mul3A_2474 = arith.mulf %sub3A_2473, %div3A_2027 : vector<16xf32>
        %mul3A_2475 = arith.mulf %gather3A_2468, %div3A_2066 : vector<16xf32>
        %add3A_2476 = arith.addf %mul3A_2471, %mul3A_2475 : vector<16xf32>
        %sub3A_2477 = arith.subf %add3A_2476, %mul3A_2474 : vector<16xf32>
        %abs3A_2478 = math.absf %sub3A_2477 : vector<16xf32>
        %add3A_2479 = arith.addf %add3A_2461, %abs3A_2478 : vector<16xf32>
        %broadcast_in_dim3A_2480 = arith.constant 23 : i32
        %broadcast_in_dim3A_2481 = vector.broadcast %broadcast_in_dim3A_2480 : i32 to vector<16xi32>
        %get3A_2482 = arith.constant 368 : index
        %get3A_2483 = tpu.vector_load %arg23[%get3A_2482] {strides = array<i32>} : memref<1024xf32, #tpu.memory_space<vmem>>, vector<16xf32>,
        %gather3A_2484 = tpu.vector_load_idx %arg15[%add3A_371, %broadcast_in_dim3A_2481] : memref<128x64xf32, #tpu.memory_space<vmem>>[vector<16xi32>, vector<16xi32>], vector<16xf32>,
        %gather3A_2485 = tpu.vector_load_idx %arg16[%add3A_371, %broadcast_in_dim3A_2481] : memref<128x64xf32, #tpu.memory_space<vmem>>[vector<16xi32>, vector<16xi32>], vector<16xf32>,
        %gather3A_2486 = tpu.vector_load_idx %arg17[%add3A_371, %broadcast_in_dim3A_2481] : memref<128x64xf32, #tpu.memory_space<vmem>>[vector<16xi32>, vector<16xi32>], vector<16xf32>,
        %mul3A_2487 = arith.mulf %add3A_1931, %get3A_2483 : vector<16xf32>
        %sub3A_2488 = arith.subf %gather3A_2484, %mul3A_2487 : vector<16xf32>
        %mul3A_2489 = arith.mulf %sub3A_2488, %div3A_1988 : vector<16xf32>
        %mul3A_2490 = arith.mulf %add3A_1933, %get3A_2483 : vector<16xf32>
        %sub3A_2491 = arith.subf %gather3A_2485, %mul3A_2490 : vector<16xf32>
        %mul3A_2492 = arith.mulf %sub3A_2491, %div3A_2027 : vector<16xf32>
        %mul3A_2493 = arith.mulf %gather3A_2486, %div3A_2066 : vector<16xf32>
        %add3A_2494 = arith.addf %mul3A_2489, %mul3A_2493 : vector<16xf32>
        %sub3A_2495 = arith.subf %add3A_2494, %mul3A_2492 : vector<16xf32>
        %abs3A_2496 = math.absf %sub3A_2495 : vector<16xf32>
        %add3A_2497 = arith.addf %add3A_2479, %abs3A_2496 : vector<16xf32>
        %broadcast_in_dim3A_2498 = arith.constant 24 : i32
        %broadcast_in_dim3A_2499 = vector.broadcast %broadcast_in_dim3A_2498 : i32 to vector<16xi32>
        %get3A_2500 = arith.constant 384 : index
        %get3A_2501 = tpu.vector_load %arg23[%get3A_2500] {strides = array<i32>} : memref<1024xf32, #tpu.memory_space<vmem>>, vector<16xf32>,
        %gather3A_2502 = tpu.vector_load_idx %arg15[%add3A_371, %broadcast_in_dim3A_2499] : memref<128x64xf32, #tpu.memory_space<vmem>>[vector<16xi32>, vector<16xi32>], vector<16xf32>,
        %gather3A_2503 = tpu.vector_load_idx %arg16[%add3A_371, %broadcast_in_dim3A_2499] : memref<128x64xf32, #tpu.memory_space<vmem>>[vector<16xi32>, vector<16xi32>], vector<16xf32>,
        %gather3A_2504 = tpu.vector_load_idx %arg17[%add3A_371, %broadcast_in_dim3A_2499] : memref<128x64xf32, #tpu.memory_space<vmem>>[vector<16xi32>, vector<16xi32>], vector<16xf32>,
        %mul3A_2505 = arith.mulf %add3A_1931, %get3A_2501 : vector<16xf32>
        %sub3A_2506 = arith.subf %gather3A_2502, %mul3A_2505 : vector<16xf32>
        %mul3A_2507 = arith.mulf %sub3A_2506, %div3A_1988 : vector<16xf32>
        %mul3A_2508 = arith.mulf %add3A_1933, %get3A_2501 : vector<16xf32>
        %sub3A_2509 = arith.subf %gather3A_2503, %mul3A_2508 : vector<16xf32>
        %mul3A_2510 = arith.mulf %sub3A_2509, %div3A_2027 : vector<16xf32>
        %mul3A_2511 = arith.mulf %gather3A_2504, %div3A_2066 : vector<16xf32>
        %add3A_2512 = arith.addf %mul3A_2507, %mul3A_2511 : vector<16xf32>
        %sub3A_2513 = arith.subf %add3A_2512, %mul3A_2510 : vector<16xf32>
        %abs3A_2514 = math.absf %sub3A_2513 : vector<16xf32>
        %add3A_2515 = arith.addf %add3A_2497, %abs3A_2514 : vector<16xf32>
        %broadcast_in_dim3A_2516 = arith.constant 25 : i32
        %broadcast_in_dim3A_2517 = vector.broadcast %broadcast_in_dim3A_2516 : i32 to vector<16xi32>
        %get3A_2518 = arith.constant 400 : index
        %get3A_2519 = tpu.vector_load %arg23[%get3A_2518] {strides = array<i32>} : memref<1024xf32, #tpu.memory_space<vmem>>, vector<16xf32>,
        %gather3A_2520 = tpu.vector_load_idx %arg15[%add3A_371, %broadcast_in_dim3A_2517] : memref<128x64xf32, #tpu.memory_space<vmem>>[vector<16xi32>, vector<16xi32>], vector<16xf32>,
        %gather3A_2521 = tpu.vector_load_idx %arg16[%add3A_371, %broadcast_in_dim3A_2517] : memref<128x64xf32, #tpu.memory_space<vmem>>[vector<16xi32>, vector<16xi32>], vector<16xf32>,
        %gather3A_2522 = tpu.vector_load_idx %arg17[%add3A_371, %broadcast_in_dim3A_2517] : memref<128x64xf32, #tpu.memory_space<vmem>>[vector<16xi32>, vector<16xi32>], vector<16xf32>,
        %mul3A_2523 = arith.mulf %add3A_1931, %get3A_2519 : vector<16xf32>
        %sub3A_2524 = arith.subf %gather3A_2520, %mul3A_2523 : vector<16xf32>
        %mul3A_2525 = arith.mulf %sub3A_2524, %div3A_1988 : vector<16xf32>
        %mul3A_2526 = arith.mulf %add3A_1933, %get3A_2519 : vector<16xf32>
        %sub3A_2527 = arith.subf %gather3A_2521, %mul3A_2526 : vector<16xf32>
        %mul3A_2528 = arith.mulf %sub3A_2527, %div3A_2027 : vector<16xf32>
        %mul3A_2529 = arith.mulf %gather3A_2522, %div3A_2066 : vector<16xf32>
        %add3A_2530 = arith.addf %mul3A_2525, %mul3A_2529 : vector<16xf32>
        %sub3A_2531 = arith.subf %add3A_2530, %mul3A_2528 : vector<16xf32>
        %abs3A_2532 = math.absf %sub3A_2531 : vector<16xf32>
        %add3A_2533 = arith.addf %add3A_2515, %abs3A_2532 : vector<16xf32>
        %broadcast_in_dim3A_2534 = arith.constant 26 : i32
        %broadcast_in_dim3A_2535 = vector.broadcast %broadcast_in_dim3A_2534 : i32 to vector<16xi32>
        %get3A_2536 = arith.constant 416 : index
        %get3A_2537 = tpu.vector_load %arg23[%get3A_2536] {strides = array<i32>} : memref<1024xf32, #tpu.memory_space<vmem>>, vector<16xf32>,
        %gather3A_2538 = tpu.vector_load_idx %arg15[%add3A_371, %broadcast_in_dim3A_2535] : memref<128x64xf32, #tpu.memory_space<vmem>>[vector<16xi32>, vector<16xi32>], vector<16xf32>,
        %gather3A_2539 = tpu.vector_load_idx %arg16[%add3A_371, %broadcast_in_dim3A_2535] : memref<128x64xf32, #tpu.memory_space<vmem>>[vector<16xi32>, vector<16xi32>], vector<16xf32>,
        %gather3A_2540 = tpu.vector_load_idx %arg17[%add3A_371, %broadcast_in_dim3A_2535] : memref<128x64xf32, #tpu.memory_space<vmem>>[vector<16xi32>, vector<16xi32>], vector<16xf32>,
        %mul3A_2541 = arith.mulf %add3A_1931, %get3A_2537 : vector<16xf32>
        %sub3A_2542 = arith.subf %gather3A_2538, %mul3A_2541 : vector<16xf32>
        %mul3A_2543 = arith.mulf %sub3A_2542, %div3A_1988 : vector<16xf32>
        %mul3A_2544 = arith.mulf %add3A_1933, %get3A_2537 : vector<16xf32>
        %sub3A_2545 = arith.subf %gather3A_2539, %mul3A_2544 : vector<16xf32>
        %mul3A_2546 = arith.mulf %sub3A_2545, %div3A_2027 : vector<16xf32>
        %mul3A_2547 = arith.mulf %gather3A_2540, %div3A_2066 : vector<16xf32>
        %add3A_2548 = arith.addf %mul3A_2543, %mul3A_2547 : vector<16xf32>
        %sub3A_2549 = arith.subf %add3A_2548, %mul3A_2546 : vector<16xf32>
        %abs3A_2550 = math.absf %sub3A_2549 : vector<16xf32>
        %add3A_2551 = arith.addf %add3A_2533, %abs3A_2550 : vector<16xf32>
        %broadcast_in_dim3A_2552 = arith.constant 27 : i32
        %broadcast_in_dim3A_2553 = vector.broadcast %broadcast_in_dim3A_2552 : i32 to vector<16xi32>
        %get3A_2554 = arith.constant 432 : index
        %get3A_2555 = tpu.vector_load %arg23[%get3A_2554] {strides = array<i32>} : memref<1024xf32, #tpu.memory_space<vmem>>, vector<16xf32>,
        %gather3A_2556 = tpu.vector_load_idx %arg15[%add3A_371, %broadcast_in_dim3A_2553] : memref<128x64xf32, #tpu.memory_space<vmem>>[vector<16xi32>, vector<16xi32>], vector<16xf32>,
        %gather3A_2557 = tpu.vector_load_idx %arg16[%add3A_371, %broadcast_in_dim3A_2553] : memref<128x64xf32, #tpu.memory_space<vmem>>[vector<16xi32>, vector<16xi32>], vector<16xf32>,
        %gather3A_2558 = tpu.vector_load_idx %arg17[%add3A_371, %broadcast_in_dim3A_2553] : memref<128x64xf32, #tpu.memory_space<vmem>>[vector<16xi32>, vector<16xi32>], vector<16xf32>,
        %mul3A_2559 = arith.mulf %add3A_1931, %get3A_2555 : vector<16xf32>
        %sub3A_2560 = arith.subf %gather3A_2556, %mul3A_2559 : vector<16xf32>
        %mul3A_2561 = arith.mulf %sub3A_2560, %div3A_1988 : vector<16xf32>
        %mul3A_2562 = arith.mulf %add3A_1933, %get3A_2555 : vector<16xf32>
        %sub3A_2563 = arith.subf %gather3A_2557, %mul3A_2562 : vector<16xf32>
        %mul3A_2564 = arith.mulf %sub3A_2563, %div3A_2027 : vector<16xf32>
        %mul3A_2565 = arith.mulf %gather3A_2558, %div3A_2066 : vector<16xf32>
        %add3A_2566 = arith.addf %mul3A_2561, %mul3A_2565 : vector<16xf32>
        %sub3A_2567 = arith.subf %add3A_2566, %mul3A_2564 : vector<16xf32>
        %abs3A_2568 = math.absf %sub3A_2567 : vector<16xf32>
        %add3A_2569 = arith.addf %add3A_2551, %abs3A_2568 : vector<16xf32>
        %broadcast_in_dim3A_2570 = arith.constant 28 : i32
        %broadcast_in_dim3A_2571 = vector.broadcast %broadcast_in_dim3A_2570 : i32 to vector<16xi32>
        %get3A_2572 = arith.constant 448 : index
        %get3A_2573 = tpu.vector_load %arg23[%get3A_2572] {strides = array<i32>} : memref<1024xf32, #tpu.memory_space<vmem>>, vector<16xf32>,
        %gather3A_2574 = tpu.vector_load_idx %arg15[%add3A_371, %broadcast_in_dim3A_2571] : memref<128x64xf32, #tpu.memory_space<vmem>>[vector<16xi32>, vector<16xi32>], vector<16xf32>,
        %gather3A_2575 = tpu.vector_load_idx %arg16[%add3A_371, %broadcast_in_dim3A_2571] : memref<128x64xf32, #tpu.memory_space<vmem>>[vector<16xi32>, vector<16xi32>], vector<16xf32>,
        %gather3A_2576 = tpu.vector_load_idx %arg17[%add3A_371, %broadcast_in_dim3A_2571] : memref<128x64xf32, #tpu.memory_space<vmem>>[vector<16xi32>, vector<16xi32>], vector<16xf32>,
        %mul3A_2577 = arith.mulf %add3A_1931, %get3A_2573 : vector<16xf32>
        %sub3A_2578 = arith.subf %gather3A_2574, %mul3A_2577 : vector<16xf32>
        %mul3A_2579 = arith.mulf %sub3A_2578, %div3A_1988 : vector<16xf32>
        %mul3A_2580 = arith.mulf %add3A_1933, %get3A_2573 : vector<16xf32>
        %sub3A_2581 = arith.subf %gather3A_2575, %mul3A_2580 : vector<16xf32>
        %mul3A_2582 = arith.mulf %sub3A_2581, %div3A_2027 : vector<16xf32>
        %mul3A_2583 = arith.mulf %gather3A_2576, %div3A_2066 : vector<16xf32>
        %add3A_2584 = arith.addf %mul3A_2579, %mul3A_2583 : vector<16xf32>
        %sub3A_2585 = arith.subf %add3A_2584, %mul3A_2582 : vector<16xf32>
        %abs3A_2586 = math.absf %sub3A_2585 : vector<16xf32>
        %add3A_2587 = arith.addf %add3A_2569, %abs3A_2586 : vector<16xf32>
        %broadcast_in_dim3A_2588 = arith.constant 29 : i32
        %broadcast_in_dim3A_2589 = vector.broadcast %broadcast_in_dim3A_2588 : i32 to vector<16xi32>
        %get3A_2590 = arith.constant 464 : index
        %get3A_2591 = tpu.vector_load %arg23[%get3A_2590] {strides = array<i32>} : memref<1024xf32, #tpu.memory_space<vmem>>, vector<16xf32>,
        %gather3A_2592 = tpu.vector_load_idx %arg15[%add3A_371, %broadcast_in_dim3A_2589] : memref<128x64xf32, #tpu.memory_space<vmem>>[vector<16xi32>, vector<16xi32>], vector<16xf32>,
        %gather3A_2593 = tpu.vector_load_idx %arg16[%add3A_371, %broadcast_in_dim3A_2589] : memref<128x64xf32, #tpu.memory_space<vmem>>[vector<16xi32>, vector<16xi32>], vector<16xf32>,
        %gather3A_2594 = tpu.vector_load_idx %arg17[%add3A_371, %broadcast_in_dim3A_2589] : memref<128x64xf32, #tpu.memory_space<vmem>>[vector<16xi32>, vector<16xi32>], vector<16xf32>,
        %mul3A_2595 = arith.mulf %add3A_1931, %get3A_2591 : vector<16xf32>
        %sub3A_2596 = arith.subf %gather3A_2592, %mul3A_2595 : vector<16xf32>
        %mul3A_2597 = arith.mulf %sub3A_2596, %div3A_1988 : vector<16xf32>
        %mul3A_2598 = arith.mulf %add3A_1933, %get3A_2591 : vector<16xf32>
        %sub3A_2599 = arith.subf %gather3A_2593, %mul3A_2598 : vector<16xf32>
        %mul3A_2600 = arith.mulf %sub3A_2599, %div3A_2027 : vector<16xf32>
        %mul3A_2601 = arith.mulf %gather3A_2594, %div3A_2066 : vector<16xf32>
        %add3A_2602 = arith.addf %mul3A_2597, %mul3A_2601 : vector<16xf32>
        %sub3A_2603 = arith.subf %add3A_2602, %mul3A_2600 : vector<16xf32>
        %abs3A_2604 = math.absf %sub3A_2603 : vector<16xf32>
        %add3A_2605 = arith.addf %add3A_2587, %abs3A_2604 : vector<16xf32>
        %broadcast_in_dim3A_2606 = arith.constant 30 : i32
        %broadcast_in_dim3A_2607 = vector.broadcast %broadcast_in_dim3A_2606 : i32 to vector<16xi32>
        %get3A_2608 = arith.constant 480 : index
        %get3A_2609 = tpu.vector_load %arg23[%get3A_2608] {strides = array<i32>} : memref<1024xf32, #tpu.memory_space<vmem>>, vector<16xf32>,
        %gather3A_2610 = tpu.vector_load_idx %arg15[%add3A_371, %broadcast_in_dim3A_2607] : memref<128x64xf32, #tpu.memory_space<vmem>>[vector<16xi32>, vector<16xi32>], vector<16xf32>,
        %gather3A_2611 = tpu.vector_load_idx %arg16[%add3A_371, %broadcast_in_dim3A_2607] : memref<128x64xf32, #tpu.memory_space<vmem>>[vector<16xi32>, vector<16xi32>], vector<16xf32>,
        %gather3A_2612 = tpu.vector_load_idx %arg17[%add3A_371, %broadcast_in_dim3A_2607] : memref<128x64xf32, #tpu.memory_space<vmem>>[vector<16xi32>, vector<16xi32>], vector<16xf32>,
        %mul3A_2613 = arith.mulf %add3A_1931, %get3A_2609 : vector<16xf32>
        %sub3A_2614 = arith.subf %gather3A_2610, %mul3A_2613 : vector<16xf32>
        %mul3A_2615 = arith.mulf %sub3A_2614, %div3A_1988 : vector<16xf32>
        %mul3A_2616 = arith.mulf %add3A_1933, %get3A_2609 : vector<16xf32>
        %sub3A_2617 = arith.subf %gather3A_2611, %mul3A_2616 : vector<16xf32>
        %mul3A_2618 = arith.mulf %sub3A_2617, %div3A_2027 : vector<16xf32>
        %mul3A_2619 = arith.mulf %gather3A_2612, %div3A_2066 : vector<16xf32>
        %add3A_2620 = arith.addf %mul3A_2615, %mul3A_2619 : vector<16xf32>
        %sub3A_2621 = arith.subf %add3A_2620, %mul3A_2618 : vector<16xf32>
        %abs3A_2622 = math.absf %sub3A_2621 : vector<16xf32>
        %add3A_2623 = arith.addf %add3A_2605, %abs3A_2622 : vector<16xf32>
        %broadcast_in_dim3A_2624 = arith.constant 31 : i32
        %broadcast_in_dim3A_2625 = vector.broadcast %broadcast_in_dim3A_2624 : i32 to vector<16xi32>
        %get3A_2626 = arith.constant 496 : index
        %get3A_2627 = tpu.vector_load %arg23[%get3A_2626] {strides = array<i32>} : memref<1024xf32, #tpu.memory_space<vmem>>, vector<16xf32>,
        %gather3A_2628 = tpu.vector_load_idx %arg15[%add3A_371, %broadcast_in_dim3A_2625] : memref<128x64xf32, #tpu.memory_space<vmem>>[vector<16xi32>, vector<16xi32>], vector<16xf32>,
        %gather3A_2629 = tpu.vector_load_idx %arg16[%add3A_371, %broadcast_in_dim3A_2625] : memref<128x64xf32, #tpu.memory_space<vmem>>[vector<16xi32>, vector<16xi32>], vector<16xf32>,
        %gather3A_2630 = tpu.vector_load_idx %arg17[%add3A_371, %broadcast_in_dim3A_2625] : memref<128x64xf32, #tpu.memory_space<vmem>>[vector<16xi32>, vector<16xi32>], vector<16xf32>,
        %mul3A_2631 = arith.mulf %add3A_1931, %get3A_2627 : vector<16xf32>
        %sub3A_2632 = arith.subf %gather3A_2628, %mul3A_2631 : vector<16xf32>
        %mul3A_2633 = arith.mulf %sub3A_2632, %div3A_1988 : vector<16xf32>
        %mul3A_2634 = arith.mulf %add3A_1933, %get3A_2627 : vector<16xf32>
        %sub3A_2635 = arith.subf %gather3A_2629, %mul3A_2634 : vector<16xf32>
        %mul3A_2636 = arith.mulf %sub3A_2635, %div3A_2027 : vector<16xf32>
        %mul3A_2637 = arith.mulf %gather3A_2630, %div3A_2066 : vector<16xf32>
        %add3A_2638 = arith.addf %mul3A_2633, %mul3A_2637 : vector<16xf32>
        %sub3A_2639 = arith.subf %add3A_2638, %mul3A_2636 : vector<16xf32>
        %abs3A_2640 = math.absf %sub3A_2639 : vector<16xf32>
        %add3A_2641 = arith.addf %add3A_2623, %abs3A_2640 : vector<16xf32>
        %broadcast_in_dim3A_2642 = arith.constant 32 : i32
        %broadcast_in_dim3A_2643 = vector.broadcast %broadcast_in_dim3A_2642 : i32 to vector<16xi32>
        %get3A_2644 = arith.constant 512 : index
        %get3A_2645 = tpu.vector_load %arg23[%get3A_2644] {strides = array<i32>} : memref<1024xf32, #tpu.memory_space<vmem>>, vector<16xf32>,
        %gather3A_2646 = tpu.vector_load_idx %arg15[%add3A_371, %broadcast_in_dim3A_2643] : memref<128x64xf32, #tpu.memory_space<vmem>>[vector<16xi32>, vector<16xi32>], vector<16xf32>,
        %gather3A_2647 = tpu.vector_load_idx %arg16[%add3A_371, %broadcast_in_dim3A_2643] : memref<128x64xf32, #tpu.memory_space<vmem>>[vector<16xi32>, vector<16xi32>], vector<16xf32>,
        %gather3A_2648 = tpu.vector_load_idx %arg17[%add3A_371, %broadcast_in_dim3A_2643] : memref<128x64xf32, #tpu.memory_space<vmem>>[vector<16xi32>, vector<16xi32>], vector<16xf32>,
        %mul3A_2649 = arith.mulf %add3A_1931, %get3A_2645 : vector<16xf32>
        %sub3A_2650 = arith.subf %gather3A_2646, %mul3A_2649 : vector<16xf32>
        %mul3A_2651 = arith.mulf %sub3A_2650, %div3A_1988 : vector<16xf32>
        %mul3A_2652 = arith.mulf %add3A_1933, %get3A_2645 : vector<16xf32>
        %sub3A_2653 = arith.subf %gather3A_2647, %mul3A_2652 : vector<16xf32>
        %mul3A_2654 = arith.mulf %sub3A_2653, %div3A_2027 : vector<16xf32>
        %mul3A_2655 = arith.mulf %gather3A_2648, %div3A_2066 : vector<16xf32>
        %add3A_2656 = arith.addf %mul3A_2651, %mul3A_2655 : vector<16xf32>
        %sub3A_2657 = arith.subf %add3A_2656, %mul3A_2654 : vector<16xf32>
        %abs3A_2658 = math.absf %sub3A_2657 : vector<16xf32>
        %add3A_2659 = arith.addf %add3A_2641, %abs3A_2658 : vector<16xf32>
        %broadcast_in_dim3A_2660 = arith.constant 33 : i32
        %broadcast_in_dim3A_2661 = vector.broadcast %broadcast_in_dim3A_2660 : i32 to vector<16xi32>
        %get3A_2662 = arith.constant 528 : index
        %get3A_2663 = tpu.vector_load %arg23[%get3A_2662] {strides = array<i32>} : memref<1024xf32, #tpu.memory_space<vmem>>, vector<16xf32>,
        %gather3A_2664 = tpu.vector_load_idx %arg15[%add3A_371, %broadcast_in_dim3A_2661] : memref<128x64xf32, #tpu.memory_space<vmem>>[vector<16xi32>, vector<16xi32>], vector<16xf32>,
        %gather3A_2665 = tpu.vector_load_idx %arg16[%add3A_371, %broadcast_in_dim3A_2661] : memref<128x64xf32, #tpu.memory_space<vmem>>[vector<16xi32>, vector<16xi32>], vector<16xf32>,
        %gather3A_2666 = tpu.vector_load_idx %arg17[%add3A_371, %broadcast_in_dim3A_2661] : memref<128x64xf32, #tpu.memory_space<vmem>>[vector<16xi32>, vector<16xi32>], vector<16xf32>,
        %mul3A_2667 = arith.mulf %add3A_1931, %get3A_2663 : vector<16xf32>
        %sub3A_2668 = arith.subf %gather3A_2664, %mul3A_2667 : vector<16xf32>
        %mul3A_2669 = arith.mulf %sub3A_2668, %div3A_1988 : vector<16xf32>
        %mul3A_2670 = arith.mulf %add3A_1933, %get3A_2663 : vector<16xf32>
        %sub3A_2671 = arith.subf %gather3A_2665, %mul3A_2670 : vector<16xf32>
        %mul3A_2672 = arith.mulf %sub3A_2671, %div3A_2027 : vector<16xf32>
        %mul3A_2673 = arith.mulf %gather3A_2666, %div3A_2066 : vector<16xf32>
        %add3A_2674 = arith.addf %mul3A_2669, %mul3A_2673 : vector<16xf32>
        %sub3A_2675 = arith.subf %add3A_2674, %mul3A_2672 : vector<16xf32>
        %abs3A_2676 = math.absf %sub3A_2675 : vector<16xf32>
        %add3A_2677 = arith.addf %add3A_2659, %abs3A_2676 : vector<16xf32>
        %broadcast_in_dim3A_2678 = arith.constant 34 : i32
        %broadcast_in_dim3A_2679 = vector.broadcast %broadcast_in_dim3A_2678 : i32 to vector<16xi32>
        %get3A_2680 = arith.constant 544 : index
        %get3A_2681 = tpu.vector_load %arg23[%get3A_2680] {strides = array<i32>} : memref<1024xf32, #tpu.memory_space<vmem>>, vector<16xf32>,
        %gather3A_2682 = tpu.vector_load_idx %arg15[%add3A_371, %broadcast_in_dim3A_2679] : memref<128x64xf32, #tpu.memory_space<vmem>>[vector<16xi32>, vector<16xi32>], vector<16xf32>,
        %gather3A_2683 = tpu.vector_load_idx %arg16[%add3A_371, %broadcast_in_dim3A_2679] : memref<128x64xf32, #tpu.memory_space<vmem>>[vector<16xi32>, vector<16xi32>], vector<16xf32>,
        %gather3A_2684 = tpu.vector_load_idx %arg17[%add3A_371, %broadcast_in_dim3A_2679] : memref<128x64xf32, #tpu.memory_space<vmem>>[vector<16xi32>, vector<16xi32>], vector<16xf32>,
        %mul3A_2685 = arith.mulf %add3A_1931, %get3A_2681 : vector<16xf32>
        %sub3A_2686 = arith.subf %gather3A_2682, %mul3A_2685 : vector<16xf32>
        %mul3A_2687 = arith.mulf %sub3A_2686, %div3A_1988 : vector<16xf32>
        %mul3A_2688 = arith.mulf %add3A_1933, %get3A_2681 : vector<16xf32>
        %sub3A_2689 = arith.subf %gather3A_2683, %mul3A_2688 : vector<16xf32>
        %mul3A_2690 = arith.mulf %sub3A_2689, %div3A_2027 : vector<16xf32>
        %mul3A_2691 = arith.mulf %gather3A_2684, %div3A_2066 : vector<16xf32>
        %add3A_2692 = arith.addf %mul3A_2687, %mul3A_2691 : vector<16xf32>
        %sub3A_2693 = arith.subf %add3A_2692, %mul3A_2690 : vector<16xf32>
        %abs3A_2694 = math.absf %sub3A_2693 : vector<16xf32>
        %add3A_2695 = arith.addf %add3A_2677, %abs3A_2694 : vector<16xf32>
        %broadcast_in_dim3A_2696 = arith.constant 35 : i32
        %broadcast_in_dim3A_2697 = vector.broadcast %broadcast_in_dim3A_2696 : i32 to vector<16xi32>
        %get3A_2698 = arith.constant 560 : index
        %get3A_2699 = tpu.vector_load %arg23[%get3A_2698] {strides = array<i32>} : memref<1024xf32, #tpu.memory_space<vmem>>, vector<16xf32>,
        %gather3A_2700 = tpu.vector_load_idx %arg15[%add3A_371, %broadcast_in_dim3A_2697] : memref<128x64xf32, #tpu.memory_space<vmem>>[vector<16xi32>, vector<16xi32>], vector<16xf32>,
        %gather3A_2701 = tpu.vector_load_idx %arg16[%add3A_371, %broadcast_in_dim3A_2697] : memref<128x64xf32, #tpu.memory_space<vmem>>[vector<16xi32>, vector<16xi32>], vector<16xf32>,
        %gather3A_2702 = tpu.vector_load_idx %arg17[%add3A_371, %broadcast_in_dim3A_2697] : memref<128x64xf32, #tpu.memory_space<vmem>>[vector<16xi32>, vector<16xi32>], vector<16xf32>,
        %mul3A_2703 = arith.mulf %add3A_1931, %get3A_2699 : vector<16xf32>
        %sub3A_2704 = arith.subf %gather3A_2700, %mul3A_2703 : vector<16xf32>
        %mul3A_2705 = arith.mulf %sub3A_2704, %div3A_1988 : vector<16xf32>
        %mul3A_2706 = arith.mulf %add3A_1933, %get3A_2699 : vector<16xf32>
        %sub3A_2707 = arith.subf %gather3A_2701, %mul3A_2706 : vector<16xf32>
        %mul3A_2708 = arith.mulf %sub3A_2707, %div3A_2027 : vector<16xf32>
        %mul3A_2709 = arith.mulf %gather3A_2702, %div3A_2066 : vector<16xf32>
        %add3A_2710 = arith.addf %mul3A_2705, %mul3A_2709 : vector<16xf32>
        %sub3A_2711 = arith.subf %add3A_2710, %mul3A_2708 : vector<16xf32>
        %abs3A_2712 = math.absf %sub3A_2711 : vector<16xf32>
        %add3A_2713 = arith.addf %add3A_2695, %abs3A_2712 : vector<16xf32>
        %broadcast_in_dim3A_2714 = arith.constant 36 : i32
        %broadcast_in_dim3A_2715 = vector.broadcast %broadcast_in_dim3A_2714 : i32 to vector<16xi32>
        %get3A_2716 = arith.constant 576 : index
        %get3A_2717 = tpu.vector_load %arg23[%get3A_2716] {strides = array<i32>} : memref<1024xf32, #tpu.memory_space<vmem>>, vector<16xf32>,
        %gather3A_2718 = tpu.vector_load_idx %arg15[%add3A_371, %broadcast_in_dim3A_2715] : memref<128x64xf32, #tpu.memory_space<vmem>>[vector<16xi32>, vector<16xi32>], vector<16xf32>,
        %gather3A_2719 = tpu.vector_load_idx %arg16[%add3A_371, %broadcast_in_dim3A_2715] : memref<128x64xf32, #tpu.memory_space<vmem>>[vector<16xi32>, vector<16xi32>], vector<16xf32>,
        %gather3A_2720 = tpu.vector_load_idx %arg17[%add3A_371, %broadcast_in_dim3A_2715] : memref<128x64xf32, #tpu.memory_space<vmem>>[vector<16xi32>, vector<16xi32>], vector<16xf32>,
        %mul3A_2721 = arith.mulf %add3A_1931, %get3A_2717 : vector<16xf32>
        %sub3A_2722 = arith.subf %gather3A_2718, %mul3A_2721 : vector<16xf32>
        %mul3A_2723 = arith.mulf %sub3A_2722, %div3A_1988 : vector<16xf32>
        %mul3A_2724 = arith.mulf %add3A_1933, %get3A_2717 : vector<16xf32>
        %sub3A_2725 = arith.subf %gather3A_2719, %mul3A_2724 : vector<16xf32>
        %mul3A_2726 = arith.mulf %sub3A_2725, %div3A_2027 : vector<16xf32>
        %mul3A_2727 = arith.mulf %gather3A_2720, %div3A_2066 : vector<16xf32>
        %add3A_2728 = arith.addf %mul3A_2723, %mul3A_2727 : vector<16xf32>
        %sub3A_2729 = arith.subf %add3A_2728, %mul3A_2726 : vector<16xf32>
        %abs3A_2730 = math.absf %sub3A_2729 : vector<16xf32>
        %add3A_2731 = arith.addf %add3A_2713, %abs3A_2730 : vector<16xf32>
        %broadcast_in_dim3A_2732 = arith.constant 37 : i32
        %broadcast_in_dim3A_2733 = vector.broadcast %broadcast_in_dim3A_2732 : i32 to vector<16xi32>
        %get3A_2734 = arith.constant 592 : index
        %get3A_2735 = tpu.vector_load %arg23[%get3A_2734] {strides = array<i32>} : memref<1024xf32, #tpu.memory_space<vmem>>, vector<16xf32>,
        %gather3A_2736 = tpu.vector_load_idx %arg15[%add3A_371, %broadcast_in_dim3A_2733] : memref<128x64xf32, #tpu.memory_space<vmem>>[vector<16xi32>, vector<16xi32>], vector<16xf32>,
        %gather3A_2737 = tpu.vector_load_idx %arg16[%add3A_371, %broadcast_in_dim3A_2733] : memref<128x64xf32, #tpu.memory_space<vmem>>[vector<16xi32>, vector<16xi32>], vector<16xf32>,
        %gather3A_2738 = tpu.vector_load_idx %arg17[%add3A_371, %broadcast_in_dim3A_2733] : memref<128x64xf32, #tpu.memory_space<vmem>>[vector<16xi32>, vector<16xi32>], vector<16xf32>,
        %mul3A_2739 = arith.mulf %add3A_1931, %get3A_2735 : vector<16xf32>
        %sub3A_2740 = arith.subf %gather3A_2736, %mul3A_2739 : vector<16xf32>
        %mul3A_2741 = arith.mulf %sub3A_2740, %div3A_1988 : vector<16xf32>
        %mul3A_2742 = arith.mulf %add3A_1933, %get3A_2735 : vector<16xf32>
        %sub3A_2743 = arith.subf %gather3A_2737, %mul3A_2742 : vector<16xf32>
        %mul3A_2744 = arith.mulf %sub3A_2743, %div3A_2027 : vector<16xf32>
        %mul3A_2745 = arith.mulf %gather3A_2738, %div3A_2066 : vector<16xf32>
        %add3A_2746 = arith.addf %mul3A_2741, %mul3A_2745 : vector<16xf32>
        %sub3A_2747 = arith.subf %add3A_2746, %mul3A_2744 : vector<16xf32>
        %abs3A_2748 = math.absf %sub3A_2747 : vector<16xf32>
        %add3A_2749 = arith.addf %add3A_2731, %abs3A_2748 : vector<16xf32>
        %broadcast_in_dim3A_2750 = arith.constant 38 : i32
        %broadcast_in_dim3A_2751 = vector.broadcast %broadcast_in_dim3A_2750 : i32 to vector<16xi32>
        %get3A_2752 = arith.constant 608 : index
        %get3A_2753 = tpu.vector_load %arg23[%get3A_2752] {strides = array<i32>} : memref<1024xf32, #tpu.memory_space<vmem>>, vector<16xf32>,
        %gather3A_2754 = tpu.vector_load_idx %arg15[%add3A_371, %broadcast_in_dim3A_2751] : memref<128x64xf32, #tpu.memory_space<vmem>>[vector<16xi32>, vector<16xi32>], vector<16xf32>,
        %gather3A_2755 = tpu.vector_load_idx %arg16[%add3A_371, %broadcast_in_dim3A_2751] : memref<128x64xf32, #tpu.memory_space<vmem>>[vector<16xi32>, vector<16xi32>], vector<16xf32>,
        %gather3A_2756 = tpu.vector_load_idx %arg17[%add3A_371, %broadcast_in_dim3A_2751] : memref<128x64xf32, #tpu.memory_space<vmem>>[vector<16xi32>, vector<16xi32>], vector<16xf32>,
        %mul3A_2757 = arith.mulf %add3A_1931, %get3A_2753 : vector<16xf32>
        %sub3A_2758 = arith.subf %gather3A_2754, %mul3A_2757 : vector<16xf32>
        %mul3A_2759 = arith.mulf %sub3A_2758, %div3A_1988 : vector<16xf32>
        %mul3A_2760 = arith.mulf %add3A_1933, %get3A_2753 : vector<16xf32>
        %sub3A_2761 = arith.subf %gather3A_2755, %mul3A_2760 : vector<16xf32>
        %mul3A_2762 = arith.mulf %sub3A_2761, %div3A_2027 : vector<16xf32>
        %mul3A_2763 = arith.mulf %gather3A_2756, %div3A_2066 : vector<16xf32>
        %add3A_2764 = arith.addf %mul3A_2759, %mul3A_2763 : vector<16xf32>
        %sub3A_2765 = arith.subf %add3A_2764, %mul3A_2762 : vector<16xf32>
        %abs3A_2766 = math.absf %sub3A_2765 : vector<16xf32>
        %add3A_2767 = arith.addf %add3A_2749, %abs3A_2766 : vector<16xf32>
        %broadcast_in_dim3A_2768 = arith.constant 39 : i32
        %broadcast_in_dim3A_2769 = vector.broadcast %broadcast_in_dim3A_2768 : i32 to vector<16xi32>
        %get3A_2770 = arith.constant 624 : index
        %get3A_2771 = tpu.vector_load %arg23[%get3A_2770] {strides = array<i32>} : memref<1024xf32, #tpu.memory_space<vmem>>, vector<16xf32>,
        %gather3A_2772 = tpu.vector_load_idx %arg15[%add3A_371, %broadcast_in_dim3A_2769] : memref<128x64xf32, #tpu.memory_space<vmem>>[vector<16xi32>, vector<16xi32>], vector<16xf32>,
        %gather3A_2773 = tpu.vector_load_idx %arg16[%add3A_371, %broadcast_in_dim3A_2769] : memref<128x64xf32, #tpu.memory_space<vmem>>[vector<16xi32>, vector<16xi32>], vector<16xf32>,
        %gather3A_2774 = tpu.vector_load_idx %arg17[%add3A_371, %broadcast_in_dim3A_2769] : memref<128x64xf32, #tpu.memory_space<vmem>>[vector<16xi32>, vector<16xi32>], vector<16xf32>,
        %mul3A_2775 = arith.mulf %add3A_1931, %get3A_2771 : vector<16xf32>
        %sub3A_2776 = arith.subf %gather3A_2772, %mul3A_2775 : vector<16xf32>
        %mul3A_2777 = arith.mulf %sub3A_2776, %div3A_1988 : vector<16xf32>
        %mul3A_2778 = arith.mulf %add3A_1933, %get3A_2771 : vector<16xf32>
        %sub3A_2779 = arith.subf %gather3A_2773, %mul3A_2778 : vector<16xf32>
        %mul3A_2780 = arith.mulf %sub3A_2779, %div3A_2027 : vector<16xf32>
        %mul3A_2781 = arith.mulf %gather3A_2774, %div3A_2066 : vector<16xf32>
        %add3A_2782 = arith.addf %mul3A_2777, %mul3A_2781 : vector<16xf32>
        %sub3A_2783 = arith.subf %add3A_2782, %mul3A_2780 : vector<16xf32>
        %abs3A_2784 = math.absf %sub3A_2783 : vector<16xf32>
        %add3A_2785 = arith.addf %add3A_2767, %abs3A_2784 : vector<16xf32>
        %broadcast_in_dim3A_2786 = arith.constant 40 : i32
        %broadcast_in_dim3A_2787 = vector.broadcast %broadcast_in_dim3A_2786 : i32 to vector<16xi32>
        %get3A_2788 = arith.constant 640 : index
        %get3A_2789 = tpu.vector_load %arg23[%get3A_2788] {strides = array<i32>} : memref<1024xf32, #tpu.memory_space<vmem>>, vector<16xf32>,
        %gather3A_2790 = tpu.vector_load_idx %arg15[%add3A_371, %broadcast_in_dim3A_2787] : memref<128x64xf32, #tpu.memory_space<vmem>>[vector<16xi32>, vector<16xi32>], vector<16xf32>,
        %gather3A_2791 = tpu.vector_load_idx %arg16[%add3A_371, %broadcast_in_dim3A_2787] : memref<128x64xf32, #tpu.memory_space<vmem>>[vector<16xi32>, vector<16xi32>], vector<16xf32>,
        %gather3A_2792 = tpu.vector_load_idx %arg17[%add3A_371, %broadcast_in_dim3A_2787] : memref<128x64xf32, #tpu.memory_space<vmem>>[vector<16xi32>, vector<16xi32>], vector<16xf32>,
        %mul3A_2793 = arith.mulf %add3A_1931, %get3A_2789 : vector<16xf32>
        %sub3A_2794 = arith.subf %gather3A_2790, %mul3A_2793 : vector<16xf32>
        %mul3A_2795 = arith.mulf %sub3A_2794, %div3A_1988 : vector<16xf32>
        %mul3A_2796 = arith.mulf %add3A_1933, %get3A_2789 : vector<16xf32>
        %sub3A_2797 = arith.subf %gather3A_2791, %mul3A_2796 : vector<16xf32>
        %mul3A_2798 = arith.mulf %sub3A_2797, %div3A_2027 : vector<16xf32>
        %mul3A_2799 = arith.mulf %gather3A_2792, %div3A_2066 : vector<16xf32>
        %add3A_2800 = arith.addf %mul3A_2795, %mul3A_2799 : vector<16xf32>
        %sub3A_2801 = arith.subf %add3A_2800, %mul3A_2798 : vector<16xf32>
        %abs3A_2802 = math.absf %sub3A_2801 : vector<16xf32>
        %add3A_2803 = arith.addf %add3A_2785, %abs3A_2802 : vector<16xf32>
        %broadcast_in_dim3A_2804 = arith.constant 41 : i32
        %broadcast_in_dim3A_2805 = vector.broadcast %broadcast_in_dim3A_2804 : i32 to vector<16xi32>
        %get3A_2806 = arith.constant 656 : index
        %get3A_2807 = tpu.vector_load %arg23[%get3A_2806] {strides = array<i32>} : memref<1024xf32, #tpu.memory_space<vmem>>, vector<16xf32>,
        %gather3A_2808 = tpu.vector_load_idx %arg15[%add3A_371, %broadcast_in_dim3A_2805] : memref<128x64xf32, #tpu.memory_space<vmem>>[vector<16xi32>, vector<16xi32>], vector<16xf32>,
        %gather3A_2809 = tpu.vector_load_idx %arg16[%add3A_371, %broadcast_in_dim3A_2805] : memref<128x64xf32, #tpu.memory_space<vmem>>[vector<16xi32>, vector<16xi32>], vector<16xf32>,
        %gather3A_2810 = tpu.vector_load_idx %arg17[%add3A_371, %broadcast_in_dim3A_2805] : memref<128x64xf32, #tpu.memory_space<vmem>>[vector<16xi32>, vector<16xi32>], vector<16xf32>,
        %mul3A_2811 = arith.mulf %add3A_1931, %get3A_2807 : vector<16xf32>
        %sub3A_2812 = arith.subf %gather3A_2808, %mul3A_2811 : vector<16xf32>
        %mul3A_2813 = arith.mulf %sub3A_2812, %div3A_1988 : vector<16xf32>
        %mul3A_2814 = arith.mulf %add3A_1933, %get3A_2807 : vector<16xf32>
        %sub3A_2815 = arith.subf %gather3A_2809, %mul3A_2814 : vector<16xf32>
        %mul3A_2816 = arith.mulf %sub3A_2815, %div3A_2027 : vector<16xf32>
        %mul3A_2817 = arith.mulf %gather3A_2810, %div3A_2066 : vector<16xf32>
        %add3A_2818 = arith.addf %mul3A_2813, %mul3A_2817 : vector<16xf32>
        %sub3A_2819 = arith.subf %add3A_2818, %mul3A_2816 : vector<16xf32>
        %abs3A_2820 = math.absf %sub3A_2819 : vector<16xf32>
        %add3A_2821 = arith.addf %add3A_2803, %abs3A_2820 : vector<16xf32>
        %broadcast_in_dim3A_2822 = arith.constant 42 : i32
        %broadcast_in_dim3A_2823 = vector.broadcast %broadcast_in_dim3A_2822 : i32 to vector<16xi32>
        %get3A_2824 = arith.constant 672 : index
        %get3A_2825 = tpu.vector_load %arg23[%get3A_2824] {strides = array<i32>} : memref<1024xf32, #tpu.memory_space<vmem>>, vector<16xf32>,
        %gather3A_2826 = tpu.vector_load_idx %arg15[%add3A_371, %broadcast_in_dim3A_2823] : memref<128x64xf32, #tpu.memory_space<vmem>>[vector<16xi32>, vector<16xi32>], vector<16xf32>,
        %gather3A_2827 = tpu.vector_load_idx %arg16[%add3A_371, %broadcast_in_dim3A_2823] : memref<128x64xf32, #tpu.memory_space<vmem>>[vector<16xi32>, vector<16xi32>], vector<16xf32>,
        %gather3A_2828 = tpu.vector_load_idx %arg17[%add3A_371, %broadcast_in_dim3A_2823] : memref<128x64xf32, #tpu.memory_space<vmem>>[vector<16xi32>, vector<16xi32>], vector<16xf32>,
        %mul3A_2829 = arith.mulf %add3A_1931, %get3A_2825 : vector<16xf32>
        %sub3A_2830 = arith.subf %gather3A_2826, %mul3A_2829 : vector<16xf32>
        %mul3A_2831 = arith.mulf %sub3A_2830, %div3A_1988 : vector<16xf32>
        %mul3A_2832 = arith.mulf %add3A_1933, %get3A_2825 : vector<16xf32>
        %sub3A_2833 = arith.subf %gather3A_2827, %mul3A_2832 : vector<16xf32>
        %mul3A_2834 = arith.mulf %sub3A_2833, %div3A_2027 : vector<16xf32>
        %mul3A_2835 = arith.mulf %gather3A_2828, %div3A_2066 : vector<16xf32>
        %add3A_2836 = arith.addf %mul3A_2831, %mul3A_2835 : vector<16xf32>
        %sub3A_2837 = arith.subf %add3A_2836, %mul3A_2834 : vector<16xf32>
        %abs3A_2838 = math.absf %sub3A_2837 : vector<16xf32>
        %add3A_2839 = arith.addf %add3A_2821, %abs3A_2838 : vector<16xf32>
        %broadcast_in_dim3A_2840 = arith.constant 43 : i32
        %broadcast_in_dim3A_2841 = vector.broadcast %broadcast_in_dim3A_2840 : i32 to vector<16xi32>
        %get3A_2842 = arith.constant 688 : index
        %get3A_2843 = tpu.vector_load %arg23[%get3A_2842] {strides = array<i32>} : memref<1024xf32, #tpu.memory_space<vmem>>, vector<16xf32>,
        %gather3A_2844 = tpu.vector_load_idx %arg15[%add3A_371, %broadcast_in_dim3A_2841] : memref<128x64xf32, #tpu.memory_space<vmem>>[vector<16xi32>, vector<16xi32>], vector<16xf32>,
        %gather3A_2845 = tpu.vector_load_idx %arg16[%add3A_371, %broadcast_in_dim3A_2841] : memref<128x64xf32, #tpu.memory_space<vmem>>[vector<16xi32>, vector<16xi32>], vector<16xf32>,
        %gather3A_2846 = tpu.vector_load_idx %arg17[%add3A_371, %broadcast_in_dim3A_2841] : memref<128x64xf32, #tpu.memory_space<vmem>>[vector<16xi32>, vector<16xi32>], vector<16xf32>,
        %mul3A_2847 = arith.mulf %add3A_1931, %get3A_2843 : vector<16xf32>
        %sub3A_2848 = arith.subf %gather3A_2844, %mul3A_2847 : vector<16xf32>
        %mul3A_2849 = arith.mulf %sub3A_2848, %div3A_1988 : vector<16xf32>
        %mul3A_2850 = arith.mulf %add3A_1933, %get3A_2843 : vector<16xf32>
        %sub3A_2851 = arith.subf %gather3A_2845, %mul3A_2850 : vector<16xf32>
        %mul3A_2852 = arith.mulf %sub3A_2851, %div3A_2027 : vector<16xf32>
        %mul3A_2853 = arith.mulf %gather3A_2846, %div3A_2066 : vector<16xf32>
        %add3A_2854 = arith.addf %mul3A_2849, %mul3A_2853 : vector<16xf32>
        %sub3A_2855 = arith.subf %add3A_2854, %mul3A_2852 : vector<16xf32>
        %abs3A_2856 = math.absf %sub3A_2855 : vector<16xf32>
        %add3A_2857 = arith.addf %add3A_2839, %abs3A_2856 : vector<16xf32>
        %broadcast_in_dim3A_2858 = arith.constant 44 : i32
        %broadcast_in_dim3A_2859 = vector.broadcast %broadcast_in_dim3A_2858 : i32 to vector<16xi32>
        %get3A_2860 = arith.constant 704 : index
        %get3A_2861 = tpu.vector_load %arg23[%get3A_2860] {strides = array<i32>} : memref<1024xf32, #tpu.memory_space<vmem>>, vector<16xf32>,
        %gather3A_2862 = tpu.vector_load_idx %arg15[%add3A_371, %broadcast_in_dim3A_2859] : memref<128x64xf32, #tpu.memory_space<vmem>>[vector<16xi32>, vector<16xi32>], vector<16xf32>,
        %gather3A_2863 = tpu.vector_load_idx %arg16[%add3A_371, %broadcast_in_dim3A_2859] : memref<128x64xf32, #tpu.memory_space<vmem>>[vector<16xi32>, vector<16xi32>], vector<16xf32>,
        %gather3A_2864 = tpu.vector_load_idx %arg17[%add3A_371, %broadcast_in_dim3A_2859] : memref<128x64xf32, #tpu.memory_space<vmem>>[vector<16xi32>, vector<16xi32>], vector<16xf32>,
        %mul3A_2865 = arith.mulf %add3A_1931, %get3A_2861 : vector<16xf32>
        %sub3A_2866 = arith.subf %gather3A_2862, %mul3A_2865 : vector<16xf32>
        %mul3A_2867 = arith.mulf %sub3A_2866, %div3A_1988 : vector<16xf32>
        %mul3A_2868 = arith.mulf %add3A_1933, %get3A_2861 : vector<16xf32>
        %sub3A_2869 = arith.subf %gather3A_2863, %mul3A_2868 : vector<16xf32>
        %mul3A_2870 = arith.mulf %sub3A_2869, %div3A_2027 : vector<16xf32>
        %mul3A_2871 = arith.mulf %gather3A_2864, %div3A_2066 : vector<16xf32>
        %add3A_2872 = arith.addf %mul3A_2867, %mul3A_2871 : vector<16xf32>
        %sub3A_2873 = arith.subf %add3A_2872, %mul3A_2870 : vector<16xf32>
        %abs3A_2874 = math.absf %sub3A_2873 : vector<16xf32>
        %add3A_2875 = arith.addf %add3A_2857, %abs3A_2874 : vector<16xf32>
        %broadcast_in_dim3A_2876 = arith.constant 45 : i32
        %broadcast_in_dim3A_2877 = vector.broadcast %broadcast_in_dim3A_2876 : i32 to vector<16xi32>
        %get3A_2878 = arith.constant 720 : index
        %get3A_2879 = tpu.vector_load %arg23[%get3A_2878] {strides = array<i32>} : memref<1024xf32, #tpu.memory_space<vmem>>, vector<16xf32>,
        %gather3A_2880 = tpu.vector_load_idx %arg15[%add3A_371, %broadcast_in_dim3A_2877] : memref<128x64xf32, #tpu.memory_space<vmem>>[vector<16xi32>, vector<16xi32>], vector<16xf32>,
        %gather3A_2881 = tpu.vector_load_idx %arg16[%add3A_371, %broadcast_in_dim3A_2877] : memref<128x64xf32, #tpu.memory_space<vmem>>[vector<16xi32>, vector<16xi32>], vector<16xf32>,
        %gather3A_2882 = tpu.vector_load_idx %arg17[%add3A_371, %broadcast_in_dim3A_2877] : memref<128x64xf32, #tpu.memory_space<vmem>>[vector<16xi32>, vector<16xi32>], vector<16xf32>,
        %mul3A_2883 = arith.mulf %add3A_1931, %get3A_2879 : vector<16xf32>
        %sub3A_2884 = arith.subf %gather3A_2880, %mul3A_2883 : vector<16xf32>
        %mul3A_2885 = arith.mulf %sub3A_2884, %div3A_1988 : vector<16xf32>
        %mul3A_2886 = arith.mulf %add3A_1933, %get3A_2879 : vector<16xf32>
        %sub3A_2887 = arith.subf %gather3A_2881, %mul3A_2886 : vector<16xf32>
        %mul3A_2888 = arith.mulf %sub3A_2887, %div3A_2027 : vector<16xf32>
        %mul3A_2889 = arith.mulf %gather3A_2882, %div3A_2066 : vector<16xf32>
        %add3A_2890 = arith.addf %mul3A_2885, %mul3A_2889 : vector<16xf32>
        %sub3A_2891 = arith.subf %add3A_2890, %mul3A_2888 : vector<16xf32>
        %abs3A_2892 = math.absf %sub3A_2891 : vector<16xf32>
        %add3A_2893 = arith.addf %add3A_2875, %abs3A_2892 : vector<16xf32>
        %broadcast_in_dim3A_2894 = arith.constant 46 : i32
        %broadcast_in_dim3A_2895 = vector.broadcast %broadcast_in_dim3A_2894 : i32 to vector<16xi32>
        %get3A_2896 = arith.constant 736 : index
        %get3A_2897 = tpu.vector_load %arg23[%get3A_2896] {strides = array<i32>} : memref<1024xf32, #tpu.memory_space<vmem>>, vector<16xf32>,
        %gather3A_2898 = tpu.vector_load_idx %arg15[%add3A_371, %broadcast_in_dim3A_2895] : memref<128x64xf32, #tpu.memory_space<vmem>>[vector<16xi32>, vector<16xi32>], vector<16xf32>,
        %gather3A_2899 = tpu.vector_load_idx %arg16[%add3A_371, %broadcast_in_dim3A_2895] : memref<128x64xf32, #tpu.memory_space<vmem>>[vector<16xi32>, vector<16xi32>], vector<16xf32>,
        %gather3A_2900 = tpu.vector_load_idx %arg17[%add3A_371, %broadcast_in_dim3A_2895] : memref<128x64xf32, #tpu.memory_space<vmem>>[vector<16xi32>, vector<16xi32>], vector<16xf32>,
        %mul3A_2901 = arith.mulf %add3A_1931, %get3A_2897 : vector<16xf32>
        %sub3A_2902 = arith.subf %gather3A_2898, %mul3A_2901 : vector<16xf32>
        %mul3A_2903 = arith.mulf %sub3A_2902, %div3A_1988 : vector<16xf32>
        %mul3A_2904 = arith.mulf %add3A_1933, %get3A_2897 : vector<16xf32>
        %sub3A_2905 = arith.subf %gather3A_2899, %mul3A_2904 : vector<16xf32>
        %mul3A_2906 = arith.mulf %sub3A_2905, %div3A_2027 : vector<16xf32>
        %mul3A_2907 = arith.mulf %gather3A_2900, %div3A_2066 : vector<16xf32>
        %add3A_2908 = arith.addf %mul3A_2903, %mul3A_2907 : vector<16xf32>
        %sub3A_2909 = arith.subf %add3A_2908, %mul3A_2906 : vector<16xf32>
        %abs3A_2910 = math.absf %sub3A_2909 : vector<16xf32>
        %add3A_2911 = arith.addf %add3A_2893, %abs3A_2910 : vector<16xf32>
        %broadcast_in_dim3A_2912 = arith.constant 47 : i32
        %broadcast_in_dim3A_2913 = vector.broadcast %broadcast_in_dim3A_2912 : i32 to vector<16xi32>
        %get3A_2914 = arith.constant 752 : index
        %get3A_2915 = tpu.vector_load %arg23[%get3A_2914] {strides = array<i32>} : memref<1024xf32, #tpu.memory_space<vmem>>, vector<16xf32>,
        %gather3A_2916 = tpu.vector_load_idx %arg15[%add3A_371, %broadcast_in_dim3A_2913] : memref<128x64xf32, #tpu.memory_space<vmem>>[vector<16xi32>, vector<16xi32>], vector<16xf32>,
        %gather3A_2917 = tpu.vector_load_idx %arg16[%add3A_371, %broadcast_in_dim3A_2913] : memref<128x64xf32, #tpu.memory_space<vmem>>[vector<16xi32>, vector<16xi32>], vector<16xf32>,
        %gather3A_2918 = tpu.vector_load_idx %arg17[%add3A_371, %broadcast_in_dim3A_2913] : memref<128x64xf32, #tpu.memory_space<vmem>>[vector<16xi32>, vector<16xi32>], vector<16xf32>,
        %mul3A_2919 = arith.mulf %add3A_1931, %get3A_2915 : vector<16xf32>
        %sub3A_2920 = arith.subf %gather3A_2916, %mul3A_2919 : vector<16xf32>
        %mul3A_2921 = arith.mulf %sub3A_2920, %div3A_1988 : vector<16xf32>
        %mul3A_2922 = arith.mulf %add3A_1933, %get3A_2915 : vector<16xf32>
        %sub3A_2923 = arith.subf %gather3A_2917, %mul3A_2922 : vector<16xf32>
        %mul3A_2924 = arith.mulf %sub3A_2923, %div3A_2027 : vector<16xf32>
        %mul3A_2925 = arith.mulf %gather3A_2918, %div3A_2066 : vector<16xf32>
        %add3A_2926 = arith.addf %mul3A_2921, %mul3A_2925 : vector<16xf32>
        %sub3A_2927 = arith.subf %add3A_2926, %mul3A_2924 : vector<16xf32>
        %abs3A_2928 = math.absf %sub3A_2927 : vector<16xf32>
        %add3A_2929 = arith.addf %add3A_2911, %abs3A_2928 : vector<16xf32>
        %broadcast_in_dim3A_2930 = arith.constant 48 : i32
        %broadcast_in_dim3A_2931 = vector.broadcast %broadcast_in_dim3A_2930 : i32 to vector<16xi32>
        %get3A_2932 = arith.constant 768 : index
        %get3A_2933 = tpu.vector_load %arg23[%get3A_2932] {strides = array<i32>} : memref<1024xf32, #tpu.memory_space<vmem>>, vector<16xf32>,
        %gather3A_2934 = tpu.vector_load_idx %arg15[%add3A_371, %broadcast_in_dim3A_2931] : memref<128x64xf32, #tpu.memory_space<vmem>>[vector<16xi32>, vector<16xi32>], vector<16xf32>,
        %gather3A_2935 = tpu.vector_load_idx %arg16[%add3A_371, %broadcast_in_dim3A_2931] : memref<128x64xf32, #tpu.memory_space<vmem>>[vector<16xi32>, vector<16xi32>], vector<16xf32>,
        %gather3A_2936 = tpu.vector_load_idx %arg17[%add3A_371, %broadcast_in_dim3A_2931] : memref<128x64xf32, #tpu.memory_space<vmem>>[vector<16xi32>, vector<16xi32>], vector<16xf32>,
        %mul3A_2937 = arith.mulf %add3A_1931, %get3A_2933 : vector<16xf32>
        %sub3A_2938 = arith.subf %gather3A_2934, %mul3A_2937 : vector<16xf32>
        %mul3A_2939 = arith.mulf %sub3A_2938, %div3A_1988 : vector<16xf32>
        %mul3A_2940 = arith.mulf %add3A_1933, %get3A_2933 : vector<16xf32>
        %sub3A_2941 = arith.subf %gather3A_2935, %mul3A_2940 : vector<16xf32>
        %mul3A_2942 = arith.mulf %sub3A_2941, %div3A_2027 : vector<16xf32>
        %mul3A_2943 = arith.mulf %gather3A_2936, %div3A_2066 : vector<16xf32>
        %add3A_2944 = arith.addf %mul3A_2939, %mul3A_2943 : vector<16xf32>
        %sub3A_2945 = arith.subf %add3A_2944, %mul3A_2942 : vector<16xf32>
        %abs3A_2946 = math.absf %sub3A_2945 : vector<16xf32>
        %add3A_2947 = arith.addf %add3A_2929, %abs3A_2946 : vector<16xf32>
        %broadcast_in_dim3A_2948 = arith.constant 49 : i32
        %broadcast_in_dim3A_2949 = vector.broadcast %broadcast_in_dim3A_2948 : i32 to vector<16xi32>
        %get3A_2950 = arith.constant 784 : index
        %get3A_2951 = tpu.vector_load %arg23[%get3A_2950] {strides = array<i32>} : memref<1024xf32, #tpu.memory_space<vmem>>, vector<16xf32>,
        %gather3A_2952 = tpu.vector_load_idx %arg15[%add3A_371, %broadcast_in_dim3A_2949] : memref<128x64xf32, #tpu.memory_space<vmem>>[vector<16xi32>, vector<16xi32>], vector<16xf32>,
        %gather3A_2953 = tpu.vector_load_idx %arg16[%add3A_371, %broadcast_in_dim3A_2949] : memref<128x64xf32, #tpu.memory_space<vmem>>[vector<16xi32>, vector<16xi32>], vector<16xf32>,
        %gather3A_2954 = tpu.vector_load_idx %arg17[%add3A_371, %broadcast_in_dim3A_2949] : memref<128x64xf32, #tpu.memory_space<vmem>>[vector<16xi32>, vector<16xi32>], vector<16xf32>,
        %mul3A_2955 = arith.mulf %add3A_1931, %get3A_2951 : vector<16xf32>
        %sub3A_2956 = arith.subf %gather3A_2952, %mul3A_2955 : vector<16xf32>
        %mul3A_2957 = arith.mulf %sub3A_2956, %div3A_1988 : vector<16xf32>
        %mul3A_2958 = arith.mulf %add3A_1933, %get3A_2951 : vector<16xf32>
        %sub3A_2959 = arith.subf %gather3A_2953, %mul3A_2958 : vector<16xf32>
        %mul3A_2960 = arith.mulf %sub3A_2959, %div3A_2027 : vector<16xf32>
        %mul3A_2961 = arith.mulf %gather3A_2954, %div3A_2066 : vector<16xf32>
        %add3A_2962 = arith.addf %mul3A_2957, %mul3A_2961 : vector<16xf32>
        %sub3A_2963 = arith.subf %add3A_2962, %mul3A_2960 : vector<16xf32>
        %abs3A_2964 = math.absf %sub3A_2963 : vector<16xf32>
        %add3A_2965 = arith.addf %add3A_2947, %abs3A_2964 : vector<16xf32>
        %broadcast_in_dim3A_2966 = arith.constant 50 : i32
        %broadcast_in_dim3A_2967 = vector.broadcast %broadcast_in_dim3A_2966 : i32 to vector<16xi32>
        %get3A_2968 = arith.constant 800 : index
        %get3A_2969 = tpu.vector_load %arg23[%get3A_2968] {strides = array<i32>} : memref<1024xf32, #tpu.memory_space<vmem>>, vector<16xf32>,
        %gather3A_2970 = tpu.vector_load_idx %arg15[%add3A_371, %broadcast_in_dim3A_2967] : memref<128x64xf32, #tpu.memory_space<vmem>>[vector<16xi32>, vector<16xi32>], vector<16xf32>,
        %gather3A_2971 = tpu.vector_load_idx %arg16[%add3A_371, %broadcast_in_dim3A_2967] : memref<128x64xf32, #tpu.memory_space<vmem>>[vector<16xi32>, vector<16xi32>], vector<16xf32>,
        %gather3A_2972 = tpu.vector_load_idx %arg17[%add3A_371, %broadcast_in_dim3A_2967] : memref<128x64xf32, #tpu.memory_space<vmem>>[vector<16xi32>, vector<16xi32>], vector<16xf32>,
        %mul3A_2973 = arith.mulf %add3A_1931, %get3A_2969 : vector<16xf32>
        %sub3A_2974 = arith.subf %gather3A_2970, %mul3A_2973 : vector<16xf32>
        %mul3A_2975 = arith.mulf %sub3A_2974, %div3A_1988 : vector<16xf32>
        %mul3A_2976 = arith.mulf %add3A_1933, %get3A_2969 : vector<16xf32>
        %sub3A_2977 = arith.subf %gather3A_2971, %mul3A_2976 : vector<16xf32>
        %mul3A_2978 = arith.mulf %sub3A_2977, %div3A_2027 : vector<16xf32>
        %mul3A_2979 = arith.mulf %gather3A_2972, %div3A_2066 : vector<16xf32>
        %add3A_2980 = arith.addf %mul3A_2975, %mul3A_2979 : vector<16xf32>
        %sub3A_2981 = arith.subf %add3A_2980, %mul3A_2978 : vector<16xf32>
        %abs3A_2982 = math.absf %sub3A_2981 : vector<16xf32>
        %add3A_2983 = arith.addf %add3A_2965, %abs3A_2982 : vector<16xf32>
        %broadcast_in_dim3A_2984 = arith.constant 51 : i32
        %broadcast_in_dim3A_2985 = vector.broadcast %broadcast_in_dim3A_2984 : i32 to vector<16xi32>
        %get3A_2986 = arith.constant 816 : index
        %get3A_2987 = tpu.vector_load %arg23[%get3A_2986] {strides = array<i32>} : memref<1024xf32, #tpu.memory_space<vmem>>, vector<16xf32>,
        %gather3A_2988 = tpu.vector_load_idx %arg15[%add3A_371, %broadcast_in_dim3A_2985] : memref<128x64xf32, #tpu.memory_space<vmem>>[vector<16xi32>, vector<16xi32>], vector<16xf32>,
        %gather3A_2989 = tpu.vector_load_idx %arg16[%add3A_371, %broadcast_in_dim3A_2985] : memref<128x64xf32, #tpu.memory_space<vmem>>[vector<16xi32>, vector<16xi32>], vector<16xf32>,
        %gather3A_2990 = tpu.vector_load_idx %arg17[%add3A_371, %broadcast_in_dim3A_2985] : memref<128x64xf32, #tpu.memory_space<vmem>>[vector<16xi32>, vector<16xi32>], vector<16xf32>,
        %mul3A_2991 = arith.mulf %add3A_1931, %get3A_2987 : vector<16xf32>
        %sub3A_2992 = arith.subf %gather3A_2988, %mul3A_2991 : vector<16xf32>
        %mul3A_2993 = arith.mulf %sub3A_2992, %div3A_1988 : vector<16xf32>
        %mul3A_2994 = arith.mulf %add3A_1933, %get3A_2987 : vector<16xf32>
        %sub3A_2995 = arith.subf %gather3A_2989, %mul3A_2994 : vector<16xf32>
        %mul3A_2996 = arith.mulf %sub3A_2995, %div3A_2027 : vector<16xf32>
        %mul3A_2997 = arith.mulf %gather3A_2990, %div3A_2066 : vector<16xf32>
        %add3A_2998 = arith.addf %mul3A_2993, %mul3A_2997 : vector<16xf32>
        %sub3A_2999 = arith.subf %add3A_2998, %mul3A_2996 : vector<16xf32>
        %abs3A_3000 = math.absf %sub3A_2999 : vector<16xf32>
        %add3A_3001 = arith.addf %add3A_2983, %abs3A_3000 : vector<16xf32>
        %broadcast_in_dim3A_3002 = arith.constant 52 : i32
        %broadcast_in_dim3A_3003 = vector.broadcast %broadcast_in_dim3A_3002 : i32 to vector<16xi32>
        %get3A_3004 = arith.constant 832 : index
        %get3A_3005 = tpu.vector_load %arg23[%get3A_3004] {strides = array<i32>} : memref<1024xf32, #tpu.memory_space<vmem>>, vector<16xf32>,
        %gather3A_3006 = tpu.vector_load_idx %arg15[%add3A_371, %broadcast_in_dim3A_3003] : memref<128x64xf32, #tpu.memory_space<vmem>>[vector<16xi32>, vector<16xi32>], vector<16xf32>,
        %gather3A_3007 = tpu.vector_load_idx %arg16[%add3A_371, %broadcast_in_dim3A_3003] : memref<128x64xf32, #tpu.memory_space<vmem>>[vector<16xi32>, vector<16xi32>], vector<16xf32>,
        %gather3A_3008 = tpu.vector_load_idx %arg17[%add3A_371, %broadcast_in_dim3A_3003] : memref<128x64xf32, #tpu.memory_space<vmem>>[vector<16xi32>, vector<16xi32>], vector<16xf32>,
        %mul3A_3009 = arith.mulf %add3A_1931, %get3A_3005 : vector<16xf32>
        %sub3A_3010 = arith.subf %gather3A_3006, %mul3A_3009 : vector<16xf32>
        %mul3A_3011 = arith.mulf %sub3A_3010, %div3A_1988 : vector<16xf32>
        %mul3A_3012 = arith.mulf %add3A_1933, %get3A_3005 : vector<16xf32>
        %sub3A_3013 = arith.subf %gather3A_3007, %mul3A_3012 : vector<16xf32>
        %mul3A_3014 = arith.mulf %sub3A_3013, %div3A_2027 : vector<16xf32>
        %mul3A_3015 = arith.mulf %gather3A_3008, %div3A_2066 : vector<16xf32>
        %add3A_3016 = arith.addf %mul3A_3011, %mul3A_3015 : vector<16xf32>
        %sub3A_3017 = arith.subf %add3A_3016, %mul3A_3014 : vector<16xf32>
        %abs3A_3018 = math.absf %sub3A_3017 : vector<16xf32>
        %add3A_3019 = arith.addf %add3A_3001, %abs3A_3018 : vector<16xf32>
        %broadcast_in_dim3A_3020 = arith.constant 53 : i32
        %broadcast_in_dim3A_3021 = vector.broadcast %broadcast_in_dim3A_3020 : i32 to vector<16xi32>
        %get3A_3022 = arith.constant 848 : index
        %get3A_3023 = tpu.vector_load %arg23[%get3A_3022] {strides = array<i32>} : memref<1024xf32, #tpu.memory_space<vmem>>, vector<16xf32>,
        %gather3A_3024 = tpu.vector_load_idx %arg15[%add3A_371, %broadcast_in_dim3A_3021] : memref<128x64xf32, #tpu.memory_space<vmem>>[vector<16xi32>, vector<16xi32>], vector<16xf32>,
        %gather3A_3025 = tpu.vector_load_idx %arg16[%add3A_371, %broadcast_in_dim3A_3021] : memref<128x64xf32, #tpu.memory_space<vmem>>[vector<16xi32>, vector<16xi32>], vector<16xf32>,
        %gather3A_3026 = tpu.vector_load_idx %arg17[%add3A_371, %broadcast_in_dim3A_3021] : memref<128x64xf32, #tpu.memory_space<vmem>>[vector<16xi32>, vector<16xi32>], vector<16xf32>,
        %mul3A_3027 = arith.mulf %add3A_1931, %get3A_3023 : vector<16xf32>
        %sub3A_3028 = arith.subf %gather3A_3024, %mul3A_3027 : vector<16xf32>
        %mul3A_3029 = arith.mulf %sub3A_3028, %div3A_1988 : vector<16xf32>
        %mul3A_3030 = arith.mulf %add3A_1933, %get3A_3023 : vector<16xf32>
        %sub3A_3031 = arith.subf %gather3A_3025, %mul3A_3030 : vector<16xf32>
        %mul3A_3032 = arith.mulf %sub3A_3031, %div3A_2027 : vector<16xf32>
        %mul3A_3033 = arith.mulf %gather3A_3026, %div3A_2066 : vector<16xf32>
        %add3A_3034 = arith.addf %mul3A_3029, %mul3A_3033 : vector<16xf32>
        %sub3A_3035 = arith.subf %add3A_3034, %mul3A_3032 : vector<16xf32>
        %abs3A_3036 = math.absf %sub3A_3035 : vector<16xf32>
        %add3A_3037 = arith.addf %add3A_3019, %abs3A_3036 : vector<16xf32>
        %broadcast_in_dim3A_3038 = arith.constant 54 : i32
        %broadcast_in_dim3A_3039 = vector.broadcast %broadcast_in_dim3A_3038 : i32 to vector<16xi32>
        %get3A_3040 = arith.constant 864 : index
        %get3A_3041 = tpu.vector_load %arg23[%get3A_3040] {strides = array<i32>} : memref<1024xf32, #tpu.memory_space<vmem>>, vector<16xf32>,
        %gather3A_3042 = tpu.vector_load_idx %arg15[%add3A_371, %broadcast_in_dim3A_3039] : memref<128x64xf32, #tpu.memory_space<vmem>>[vector<16xi32>, vector<16xi32>], vector<16xf32>,
        %gather3A_3043 = tpu.vector_load_idx %arg16[%add3A_371, %broadcast_in_dim3A_3039] : memref<128x64xf32, #tpu.memory_space<vmem>>[vector<16xi32>, vector<16xi32>], vector<16xf32>,
        %gather3A_3044 = tpu.vector_load_idx %arg17[%add3A_371, %broadcast_in_dim3A_3039] : memref<128x64xf32, #tpu.memory_space<vmem>>[vector<16xi32>, vector<16xi32>], vector<16xf32>,
        %mul3A_3045 = arith.mulf %add3A_1931, %get3A_3041 : vector<16xf32>
        %sub3A_3046 = arith.subf %gather3A_3042, %mul3A_3045 : vector<16xf32>
        %mul3A_3047 = arith.mulf %sub3A_3046, %div3A_1988 : vector<16xf32>
        %mul3A_3048 = arith.mulf %add3A_1933, %get3A_3041 : vector<16xf32>
        %sub3A_3049 = arith.subf %gather3A_3043, %mul3A_3048 : vector<16xf32>
        %mul3A_3050 = arith.mulf %sub3A_3049, %div3A_2027 : vector<16xf32>
        %mul3A_3051 = arith.mulf %gather3A_3044, %div3A_2066 : vector<16xf32>
        %add3A_3052 = arith.addf %mul3A_3047, %mul3A_3051 : vector<16xf32>
        %sub3A_3053 = arith.subf %add3A_3052, %mul3A_3050 : vector<16xf32>
        %abs3A_3054 = math.absf %sub3A_3053 : vector<16xf32>
        %add3A_3055 = arith.addf %add3A_3037, %abs3A_3054 : vector<16xf32>
        %broadcast_in_dim3A_3056 = arith.constant 55 : i32
        %broadcast_in_dim3A_3057 = vector.broadcast %broadcast_in_dim3A_3056 : i32 to vector<16xi32>
        %get3A_3058 = arith.constant 880 : index
        %get3A_3059 = tpu.vector_load %arg23[%get3A_3058] {strides = array<i32>} : memref<1024xf32, #tpu.memory_space<vmem>>, vector<16xf32>,
        %gather3A_3060 = tpu.vector_load_idx %arg15[%add3A_371, %broadcast_in_dim3A_3057] : memref<128x64xf32, #tpu.memory_space<vmem>>[vector<16xi32>, vector<16xi32>], vector<16xf32>,
        %gather3A_3061 = tpu.vector_load_idx %arg16[%add3A_371, %broadcast_in_dim3A_3057] : memref<128x64xf32, #tpu.memory_space<vmem>>[vector<16xi32>, vector<16xi32>], vector<16xf32>,
        %gather3A_3062 = tpu.vector_load_idx %arg17[%add3A_371, %broadcast_in_dim3A_3057] : memref<128x64xf32, #tpu.memory_space<vmem>>[vector<16xi32>, vector<16xi32>], vector<16xf32>,
        %mul3A_3063 = arith.mulf %add3A_1931, %get3A_3059 : vector<16xf32>
        %sub3A_3064 = arith.subf %gather3A_3060, %mul3A_3063 : vector<16xf32>
        %mul3A_3065 = arith.mulf %sub3A_3064, %div3A_1988 : vector<16xf32>
        %mul3A_3066 = arith.mulf %add3A_1933, %get3A_3059 : vector<16xf32>
        %sub3A_3067 = arith.subf %gather3A_3061, %mul3A_3066 : vector<16xf32>
        %mul3A_3068 = arith.mulf %sub3A_3067, %div3A_2027 : vector<16xf32>
        %mul3A_3069 = arith.mulf %gather3A_3062, %div3A_2066 : vector<16xf32>
        %add3A_3070 = arith.addf %mul3A_3065, %mul3A_3069 : vector<16xf32>
        %sub3A_3071 = arith.subf %add3A_3070, %mul3A_3068 : vector<16xf32>
        %abs3A_3072 = math.absf %sub3A_3071 : vector<16xf32>
        %add3A_3073 = arith.addf %add3A_3055, %abs3A_3072 : vector<16xf32>
        %broadcast_in_dim3A_3074 = arith.constant 56 : i32
        %broadcast_in_dim3A_3075 = vector.broadcast %broadcast_in_dim3A_3074 : i32 to vector<16xi32>
        %get3A_3076 = arith.constant 896 : index
        %get3A_3077 = tpu.vector_load %arg23[%get3A_3076] {strides = array<i32>} : memref<1024xf32, #tpu.memory_space<vmem>>, vector<16xf32>,
        %gather3A_3078 = tpu.vector_load_idx %arg15[%add3A_371, %broadcast_in_dim3A_3075] : memref<128x64xf32, #tpu.memory_space<vmem>>[vector<16xi32>, vector<16xi32>], vector<16xf32>,
        %gather3A_3079 = tpu.vector_load_idx %arg16[%add3A_371, %broadcast_in_dim3A_3075] : memref<128x64xf32, #tpu.memory_space<vmem>>[vector<16xi32>, vector<16xi32>], vector<16xf32>,
        %gather3A_3080 = tpu.vector_load_idx %arg17[%add3A_371, %broadcast_in_dim3A_3075] : memref<128x64xf32, #tpu.memory_space<vmem>>[vector<16xi32>, vector<16xi32>], vector<16xf32>,
        %mul3A_3081 = arith.mulf %add3A_1931, %get3A_3077 : vector<16xf32>
        %sub3A_3082 = arith.subf %gather3A_3078, %mul3A_3081 : vector<16xf32>
        %mul3A_3083 = arith.mulf %sub3A_3082, %div3A_1988 : vector<16xf32>
        %mul3A_3084 = arith.mulf %add3A_1933, %get3A_3077 : vector<16xf32>
        %sub3A_3085 = arith.subf %gather3A_3079, %mul3A_3084 : vector<16xf32>
        %mul3A_3086 = arith.mulf %sub3A_3085, %div3A_2027 : vector<16xf32>
        %mul3A_3087 = arith.mulf %gather3A_3080, %div3A_2066 : vector<16xf32>
        %add3A_3088 = arith.addf %mul3A_3083, %mul3A_3087 : vector<16xf32>
        %sub3A_3089 = arith.subf %add3A_3088, %mul3A_3086 : vector<16xf32>
        %abs3A_3090 = math.absf %sub3A_3089 : vector<16xf32>
        %add3A_3091 = arith.addf %add3A_3073, %abs3A_3090 : vector<16xf32>
        %broadcast_in_dim3A_3092 = arith.constant 57 : i32
        %broadcast_in_dim3A_3093 = vector.broadcast %broadcast_in_dim3A_3092 : i32 to vector<16xi32>
        %get3A_3094 = arith.constant 912 : index
        %get3A_3095 = tpu.vector_load %arg23[%get3A_3094] {strides = array<i32>} : memref<1024xf32, #tpu.memory_space<vmem>>, vector<16xf32>,
        %gather3A_3096 = tpu.vector_load_idx %arg15[%add3A_371, %broadcast_in_dim3A_3093] : memref<128x64xf32, #tpu.memory_space<vmem>>[vector<16xi32>, vector<16xi32>], vector<16xf32>,
        %gather3A_3097 = tpu.vector_load_idx %arg16[%add3A_371, %broadcast_in_dim3A_3093] : memref<128x64xf32, #tpu.memory_space<vmem>>[vector<16xi32>, vector<16xi32>], vector<16xf32>,
        %gather3A_3098 = tpu.vector_load_idx %arg17[%add3A_371, %broadcast_in_dim3A_3093] : memref<128x64xf32, #tpu.memory_space<vmem>>[vector<16xi32>, vector<16xi32>], vector<16xf32>,
        %mul3A_3099 = arith.mulf %add3A_1931, %get3A_3095 : vector<16xf32>
        %sub3A_3100 = arith.subf %gather3A_3096, %mul3A_3099 : vector<16xf32>
        %mul3A_3101 = arith.mulf %sub3A_3100, %div3A_1988 : vector<16xf32>
        %mul3A_3102 = arith.mulf %add3A_1933, %get3A_3095 : vector<16xf32>
        %sub3A_3103 = arith.subf %gather3A_3097, %mul3A_3102 : vector<16xf32>
        %mul3A_3104 = arith.mulf %sub3A_3103, %div3A_2027 : vector<16xf32>
        %mul3A_3105 = arith.mulf %gather3A_3098, %div3A_2066 : vector<16xf32>
        %add3A_3106 = arith.addf %mul3A_3101, %mul3A_3105 : vector<16xf32>
        %sub3A_3107 = arith.subf %add3A_3106, %mul3A_3104 : vector<16xf32>
        %abs3A_3108 = math.absf %sub3A_3107 : vector<16xf32>
        %add3A_3109 = arith.addf %add3A_3091, %abs3A_3108 : vector<16xf32>
        %broadcast_in_dim3A_3110 = arith.constant 58 : i32
        %broadcast_in_dim3A_3111 = vector.broadcast %broadcast_in_dim3A_3110 : i32 to vector<16xi32>
        %get3A_3112 = arith.constant 928 : index
        %get3A_3113 = tpu.vector_load %arg23[%get3A_3112] {strides = array<i32>} : memref<1024xf32, #tpu.memory_space<vmem>>, vector<16xf32>,
        %gather3A_3114 = tpu.vector_load_idx %arg15[%add3A_371, %broadcast_in_dim3A_3111] : memref<128x64xf32, #tpu.memory_space<vmem>>[vector<16xi32>, vector<16xi32>], vector<16xf32>,
        %gather3A_3115 = tpu.vector_load_idx %arg16[%add3A_371, %broadcast_in_dim3A_3111] : memref<128x64xf32, #tpu.memory_space<vmem>>[vector<16xi32>, vector<16xi32>], vector<16xf32>,
        %gather3A_3116 = tpu.vector_load_idx %arg17[%add3A_371, %broadcast_in_dim3A_3111] : memref<128x64xf32, #tpu.memory_space<vmem>>[vector<16xi32>, vector<16xi32>], vector<16xf32>,
        %mul3A_3117 = arith.mulf %add3A_1931, %get3A_3113 : vector<16xf32>
        %sub3A_3118 = arith.subf %gather3A_3114, %mul3A_3117 : vector<16xf32>
        %mul3A_3119 = arith.mulf %sub3A_3118, %div3A_1988 : vector<16xf32>
        %mul3A_3120 = arith.mulf %add3A_1933, %get3A_3113 : vector<16xf32>
        %sub3A_3121 = arith.subf %gather3A_3115, %mul3A_3120 : vector<16xf32>
        %mul3A_3122 = arith.mulf %sub3A_3121, %div3A_2027 : vector<16xf32>
        %mul3A_3123 = arith.mulf %gather3A_3116, %div3A_2066 : vector<16xf32>
        %add3A_3124 = arith.addf %mul3A_3119, %mul3A_3123 : vector<16xf32>
        %sub3A_3125 = arith.subf %add3A_3124, %mul3A_3122 : vector<16xf32>
        %abs3A_3126 = math.absf %sub3A_3125 : vector<16xf32>
        %add3A_3127 = arith.addf %add3A_3109, %abs3A_3126 : vector<16xf32>
        %broadcast_in_dim3A_3128 = arith.constant 59 : i32
        %broadcast_in_dim3A_3129 = vector.broadcast %broadcast_in_dim3A_3128 : i32 to vector<16xi32>
        %get3A_3130 = arith.constant 944 : index
        %get3A_3131 = tpu.vector_load %arg23[%get3A_3130] {strides = array<i32>} : memref<1024xf32, #tpu.memory_space<vmem>>, vector<16xf32>,
        %gather3A_3132 = tpu.vector_load_idx %arg15[%add3A_371, %broadcast_in_dim3A_3129] : memref<128x64xf32, #tpu.memory_space<vmem>>[vector<16xi32>, vector<16xi32>], vector<16xf32>,
        %gather3A_3133 = tpu.vector_load_idx %arg16[%add3A_371, %broadcast_in_dim3A_3129] : memref<128x64xf32, #tpu.memory_space<vmem>>[vector<16xi32>, vector<16xi32>], vector<16xf32>,
        %gather3A_3134 = tpu.vector_load_idx %arg17[%add3A_371, %broadcast_in_dim3A_3129] : memref<128x64xf32, #tpu.memory_space<vmem>>[vector<16xi32>, vector<16xi32>], vector<16xf32>,
        %mul3A_3135 = arith.mulf %add3A_1931, %get3A_3131 : vector<16xf32>
        %sub3A_3136 = arith.subf %gather3A_3132, %mul3A_3135 : vector<16xf32>
        %mul3A_3137 = arith.mulf %sub3A_3136, %div3A_1988 : vector<16xf32>
        %mul3A_3138 = arith.mulf %add3A_1933, %get3A_3131 : vector<16xf32>
        %sub3A_3139 = arith.subf %gather3A_3133, %mul3A_3138 : vector<16xf32>
        %mul3A_3140 = arith.mulf %sub3A_3139, %div3A_2027 : vector<16xf32>
        %mul3A_3141 = arith.mulf %gather3A_3134, %div3A_2066 : vector<16xf32>
        %add3A_3142 = arith.addf %mul3A_3137, %mul3A_3141 : vector<16xf32>
        %sub3A_3143 = arith.subf %add3A_3142, %mul3A_3140 : vector<16xf32>
        %abs3A_3144 = math.absf %sub3A_3143 : vector<16xf32>
        %add3A_3145 = arith.addf %add3A_3127, %abs3A_3144 : vector<16xf32>
        %broadcast_in_dim3A_3146 = arith.constant 60 : i32
        %broadcast_in_dim3A_3147 = vector.broadcast %broadcast_in_dim3A_3146 : i32 to vector<16xi32>
        %get3A_3148 = arith.constant 960 : index
        %get3A_3149 = tpu.vector_load %arg23[%get3A_3148] {strides = array<i32>} : memref<1024xf32, #tpu.memory_space<vmem>>, vector<16xf32>,
        %gather3A_3150 = tpu.vector_load_idx %arg15[%add3A_371, %broadcast_in_dim3A_3147] : memref<128x64xf32, #tpu.memory_space<vmem>>[vector<16xi32>, vector<16xi32>], vector<16xf32>,
        %gather3A_3151 = tpu.vector_load_idx %arg16[%add3A_371, %broadcast_in_dim3A_3147] : memref<128x64xf32, #tpu.memory_space<vmem>>[vector<16xi32>, vector<16xi32>], vector<16xf32>,
        %gather3A_3152 = tpu.vector_load_idx %arg17[%add3A_371, %broadcast_in_dim3A_3147] : memref<128x64xf32, #tpu.memory_space<vmem>>[vector<16xi32>, vector<16xi32>], vector<16xf32>,
        %mul3A_3153 = arith.mulf %add3A_1931, %get3A_3149 : vector<16xf32>
        %sub3A_3154 = arith.subf %gather3A_3150, %mul3A_3153 : vector<16xf32>
        %mul3A_3155 = arith.mulf %sub3A_3154, %div3A_1988 : vector<16xf32>
        %mul3A_3156 = arith.mulf %add3A_1933, %get3A_3149 : vector<16xf32>
        %sub3A_3157 = arith.subf %gather3A_3151, %mul3A_3156 : vector<16xf32>
        %mul3A_3158 = arith.mulf %sub3A_3157, %div3A_2027 : vector<16xf32>
        %mul3A_3159 = arith.mulf %gather3A_3152, %div3A_2066 : vector<16xf32>
        %add3A_3160 = arith.addf %mul3A_3155, %mul3A_3159 : vector<16xf32>
        %sub3A_3161 = arith.subf %add3A_3160, %mul3A_3158 : vector<16xf32>
        %abs3A_3162 = math.absf %sub3A_3161 : vector<16xf32>
        %add3A_3163 = arith.addf %add3A_3145, %abs3A_3162 : vector<16xf32>
        %broadcast_in_dim3A_3164 = arith.constant 61 : i32
        %broadcast_in_dim3A_3165 = vector.broadcast %broadcast_in_dim3A_3164 : i32 to vector<16xi32>
        %get3A_3166 = arith.constant 976 : index
        %get3A_3167 = tpu.vector_load %arg23[%get3A_3166] {strides = array<i32>} : memref<1024xf32, #tpu.memory_space<vmem>>, vector<16xf32>,
        %gather3A_3168 = tpu.vector_load_idx %arg15[%add3A_371, %broadcast_in_dim3A_3165] : memref<128x64xf32, #tpu.memory_space<vmem>>[vector<16xi32>, vector<16xi32>], vector<16xf32>,
        %gather3A_3169 = tpu.vector_load_idx %arg16[%add3A_371, %broadcast_in_dim3A_3165] : memref<128x64xf32, #tpu.memory_space<vmem>>[vector<16xi32>, vector<16xi32>], vector<16xf32>,
        %gather3A_3170 = tpu.vector_load_idx %arg17[%add3A_371, %broadcast_in_dim3A_3165] : memref<128x64xf32, #tpu.memory_space<vmem>>[vector<16xi32>, vector<16xi32>], vector<16xf32>,
        %mul3A_3171 = arith.mulf %add3A_1931, %get3A_3167 : vector<16xf32>
        %sub3A_3172 = arith.subf %gather3A_3168, %mul3A_3171 : vector<16xf32>
        %mul3A_3173 = arith.mulf %sub3A_3172, %div3A_1988 : vector<16xf32>
        %mul3A_3174 = arith.mulf %add3A_1933, %get3A_3167 : vector<16xf32>
        %sub3A_3175 = arith.subf %gather3A_3169, %mul3A_3174 : vector<16xf32>
        %mul3A_3176 = arith.mulf %sub3A_3175, %div3A_2027 : vector<16xf32>
        %mul3A_3177 = arith.mulf %gather3A_3170, %div3A_2066 : vector<16xf32>
        %add3A_3178 = arith.addf %mul3A_3173, %mul3A_3177 : vector<16xf32>
        %sub3A_3179 = arith.subf %add3A_3178, %mul3A_3176 : vector<16xf32>
        %abs3A_3180 = math.absf %sub3A_3179 : vector<16xf32>
        %add3A_3181 = arith.addf %add3A_3163, %abs3A_3180 : vector<16xf32>
        %broadcast_in_dim3A_3182 = arith.constant 62 : i32
        %broadcast_in_dim3A_3183 = vector.broadcast %broadcast_in_dim3A_3182 : i32 to vector<16xi32>
        %get3A_3184 = arith.constant 992 : index
        %get3A_3185 = tpu.vector_load %arg23[%get3A_3184] {strides = array<i32>} : memref<1024xf32, #tpu.memory_space<vmem>>, vector<16xf32>,
        %gather3A_3186 = tpu.vector_load_idx %arg15[%add3A_371, %broadcast_in_dim3A_3183] : memref<128x64xf32, #tpu.memory_space<vmem>>[vector<16xi32>, vector<16xi32>], vector<16xf32>,
        %gather3A_3187 = tpu.vector_load_idx %arg16[%add3A_371, %broadcast_in_dim3A_3183] : memref<128x64xf32, #tpu.memory_space<vmem>>[vector<16xi32>, vector<16xi32>], vector<16xf32>,
        %gather3A_3188 = tpu.vector_load_idx %arg17[%add3A_371, %broadcast_in_dim3A_3183] : memref<128x64xf32, #tpu.memory_space<vmem>>[vector<16xi32>, vector<16xi32>], vector<16xf32>,
        %mul3A_3189 = arith.mulf %add3A_1931, %get3A_3185 : vector<16xf32>
        %sub3A_3190 = arith.subf %gather3A_3186, %mul3A_3189 : vector<16xf32>
        %mul3A_3191 = arith.mulf %sub3A_3190, %div3A_1988 : vector<16xf32>
        %mul3A_3192 = arith.mulf %add3A_1933, %get3A_3185 : vector<16xf32>
        %sub3A_3193 = arith.subf %gather3A_3187, %mul3A_3192 : vector<16xf32>
        %mul3A_3194 = arith.mulf %sub3A_3193, %div3A_2027 : vector<16xf32>
        %mul3A_3195 = arith.mulf %gather3A_3188, %div3A_2066 : vector<16xf32>
        %add3A_3196 = arith.addf %mul3A_3191, %mul3A_3195 : vector<16xf32>
        %sub3A_3197 = arith.subf %add3A_3196, %mul3A_3194 : vector<16xf32>
        %abs3A_3198 = math.absf %sub3A_3197 : vector<16xf32>
        %add3A_3199 = arith.addf %add3A_3181, %abs3A_3198 : vector<16xf32>
        %broadcast_in_dim3A_3200 = arith.constant 63 : i32
        %broadcast_in_dim3A_3201 = vector.broadcast %broadcast_in_dim3A_3200 : i32 to vector<16xi32>
        %get3A_3202 = arith.constant 1008 : index
        %get3A_3203 = tpu.vector_load %arg23[%get3A_3202] {strides = array<i32>} : memref<1024xf32, #tpu.memory_space<vmem>>, vector<16xf32>,
        %gather3A_3204 = tpu.vector_load_idx %arg15[%add3A_371, %broadcast_in_dim3A_3201] : memref<128x64xf32, #tpu.memory_space<vmem>>[vector<16xi32>, vector<16xi32>], vector<16xf32>,
        %gather3A_3205 = tpu.vector_load_idx %arg16[%add3A_371, %broadcast_in_dim3A_3201] : memref<128x64xf32, #tpu.memory_space<vmem>>[vector<16xi32>, vector<16xi32>], vector<16xf32>,
        %gather3A_3206 = tpu.vector_load_idx %arg17[%add3A_371, %broadcast_in_dim3A_3201] : memref<128x64xf32, #tpu.memory_space<vmem>>[vector<16xi32>, vector<16xi32>], vector<16xf32>,
        %mul3A_3207 = arith.mulf %add3A_1931, %get3A_3203 : vector<16xf32>
        %sub3A_3208 = arith.subf %gather3A_3204, %mul3A_3207 : vector<16xf32>
        %mul3A_3209 = arith.mulf %sub3A_3208, %div3A_1988 : vector<16xf32>
        %mul3A_3210 = arith.mulf %add3A_1933, %get3A_3203 : vector<16xf32>
        %sub3A_3211 = arith.subf %gather3A_3205, %mul3A_3210 : vector<16xf32>
        %mul3A_3212 = arith.mulf %sub3A_3211, %div3A_2027 : vector<16xf32>
        %mul3A_3213 = arith.mulf %gather3A_3206, %div3A_2066 : vector<16xf32>
        %add3A_3214 = arith.addf %mul3A_3209, %mul3A_3213 : vector<16xf32>
        %sub3A_3215 = arith.subf %add3A_3214, %mul3A_3212 : vector<16xf32>
        %abs3A_3216 = math.absf %sub3A_3215 : vector<16xf32>
        %add3A_3217 = arith.addf %add3A_3199, %abs3A_3216 : vector<16xf32>
        %mul3A_3218 = arith.constant 16 : i32
        %mul3A_3219 = arith.muli %scan3A_367, %mul3A_3218 : i32
        %add3A_3220 = arith.addi %multiple_of3A, %mul3A_3219 : i32
        %swap3A_3221 = arith.index_cast %add3A_3220 : i32 to index
        %swap3A_3222 = tpu.vector_load %arg24[%swap3A_3221] {strides = array<i32>} : memref<512xf32, #tpu.memory_space<vmem>>, vector<16xf32>,
        tpu.vector_store %arg24[%swap3A_3221], %add3A_3217 {strides = array<i32>} : memref<512xf32, #tpu.memory_space<vmem>>, vector<16xf32>,
      }
      %scan3A_365 = arith.constant 8 : i32
      %scan3A_366 = arith.constant 0 : i32
      scf.yield %scan3A_366 : i32
    }
    %scan3A_9 = arith.constant 4 : i32
    "tpu.region"() ({
      %run_scoped3A = tpu.sem_alloc : memref<!tpu.dma_semaphore, #tpu.memory_space<semaphore_mem>>
      %dma_start3A = tpu.memref_slice %arg8[%mul3A_2] : memref<16384xf32, #tpu.memory_space<hbm>> -> memref<512xf32, #tpu.memory_space<hbm>>
      %dma_start3A_10 = tpu.memref_slice %arg8[%mul3A_2] : memref<16384xf32, #tpu.memory_space<hbm>> -> memref<512xf32, #tpu.memory_space<hbm>>
      tpu.enqueue_dma source(%arg24 : memref<512xf32, #tpu.memory_space<vmem>>) target(%dma_start3A_10 : memref<512xf32, #tpu.memory_space<hbm>>) target_semaphore(%run_scoped3A : memref<!tpu.dma_semaphore, #tpu.memory_space<semaphore_mem>>)
      %dma_wait3A = tpu.memref_slice %arg8[%mul3A_2] : memref<16384xf32, #tpu.memory_space<hbm>> -> memref<512xf32, #tpu.memory_space<hbm>>
      %dma_wait3A_11 = tpu.memref_slice %arg8[%mul3A_2] : memref<16384xf32, #tpu.memory_space<hbm>> -> memref<512xf32, #tpu.memory_space<hbm>>
      tpu.wait_dma2 semaphore(%run_scoped3A : memref<!tpu.dma_semaphore, #tpu.memory_space<semaphore_mem>>) src(%arg24 : memref<512xf32, #tpu.memory_space<vmem>>) dst(%dma_wait3A_11 : memref<512xf32, #tpu.memory_space<hbm>>)
      tpu.yield
    }) : () -> ()
    return
  }
}

</mosaic_0001>

<sc_bundles>
// kernel: kernel.3.cloned.1.call-start
scs
__scs_entry_jumppad:
0x0: {  	(pc) =	sbr.rel $0x88, $3  }
0x1: {  	(tag) =	ssettag $0x0;
	lr =	simm.s32 $0x1  }
0x2: {  	[smem:$0x3F9D] =	sst lr;
	_ =	strace $0xD0000000  }
0x3: {  	_ = 	snop  }
0x4: {  	_ = 	snop  }
0x5: {  	_ = 	snop  }
0x6: {  	_ = 	snop  }
0x7: {  	_ = 	snop  }
__scs_overlays_trampoline_lowered:
0x8: {  	[smem:$0x3FAC] =	sst s0  }
0x9: {  	[smem:$0x3FAD] =	sst s1  }
0xa: {  	[smem:$0x3FAE] =	sst s2  }
0xb: {  	[smem:$0x3FAF] =	sst s3  }
0xc: {  	[smem:$0x3FB0] =	sst s4  }
0xd: {  	[smem:$0x3FB1] =	sst s5  }
0xe: {  	[smem:$0x3FB2] =	sst s6  }
0xf: {  	[smem:$0x3FB3] =	sst s7  }
0x10: {  	[smem:$0x3FB4] =	sst s8  }
0x11: {  	[smem:$0x3FB5] =	sst s9;
	s0 =	simm.s32 @!p0 $0x0  }
0x12: {  	s1 =	sld [smem:$0x3F9B];
	s0 =	simm.s32 @p0 $0x1  }
0x13: {  	[smem:$0x3FB6] =	sst s0;
	s0 =	simm.s32 @!p1 $0x0  }
0x14: {  	s2 =	sld [smem:$0x3F9A];
	s0 =	simm.s32 @p1 $0x1  }
0x15: {  	[smem:$0x3FB7] =	sst s0;
	s0 =	simm.s32 @!p2 $0x0  }
0x16: {  	s3 =	sld [smem:$0x3FDB];
	s0 =	simm.s32 @p2 $0x1  }
0x17: {  	s4 =	simm.s32 $0x1BF5;
	[smem:$0x3FB9] =	sst s0  }
0x18: {  	s0 =	sld [smem:$0x3F9C];
	_ =	swait.ge [sflag:s4], $0x0  }
0x19: {  	s7 =	sld [smem:$0x3F9D]  }
0x1a: {  	s8 =	sadd.s32 $0xFFFFE003, lr  }
0x1b: {  	s9 =	sadd.s32 $0xFFFFFEF7, lr;
	s5 =	simm.s32 $0xFFFFFFFF;
	p2 =	slt.u32 s8, $0xFFFFF086  }
0x1c: {  	p1 =	slt.u32 s9, $0xF7A;
	s5 =	simm.s32 @!p2 $0x0  }
0x1d: {  	s5 =	simm.s32 @p1 $0x1;
	p0 =	seq.s32 s7, s2  }
0x1e: {  	s7 =	smul.u32 @!p0 $0xF7A, s2;
	p2 =	seq.s32 @!p0 s5, $0x0  }
0x1f: {  	s9 =	smul.u32 $0xF7A, s1;
	s8 =	simm.s32 @!p0 $0x1BF5;
	p2 =	por !p2, p0  }
0x20: {  	[sflag:s8] =	ssyncset.s32 @!p0 $0xFFFFF086;
	s6 =	sadd.s32 @!p0 s3, s7;
	s7 =	simm.s32 @!p0 $0x108  }
0x21: {  	s3 =	sadd.s32 s3, s9;
	s6 =	sadd.s32 @!p0 $0x88, s6;
	s7 =	simm.s32 @p2 $0x1082  }
0x22: {  	[simem:s7], [sflag:s8] =	dma.local @!p0 [hbm:s6], $0xF7A  }
0x23: {  	s9 =	sor.u32 $0xD0000000, s2;
	s6 =	simm.s32 $0x108;
	_ =	swait.ge @!p0 [sflag:s8], $0x0  }
0x24: {  	s3 =	sadd.s32 $0x88, s3;
	s6 =	simm.s32 @!p1 $0x1082;
	[sflag:s4] =	ssyncset.s32 $0xFFFFF086  }
0x25: {  	[simem:s6], [sflag:s4] =	dma.local [hbm:s3], $0xF7A  }
0x26: {  	[smem:$0x3F9D] =	sst s1;
	(tag) =	ssettag s2;
	_ =	strace s9  }
0x27: {  	s1 =	sld [smem:$0x3FAD]  }
0x28: {  	s2 =	sld [smem:$0x3FAE]  }
0x29: {  	s4 =	sld [smem:$0x3FB0]  }
0x2a: {  	p0 =	seq.s32 s5, $0x0;
	s5 =	sld [smem:$0x3FB1]  }
0x2b: {  	s6 =	sld [smem:$0x3FB2]  }
0x2c: {  	s7 =	sld [smem:$0x3FB3]  }
0x2d: {  	s3 =	simm.s32 $0x108;
	s8 =	sld [smem:$0x3FB4]  }
0x2e: {  	s3 =	simm.s32 @!p0 $0x1082;
	s9 =	sld [smem:$0x3FB5]  }
0x2f: {  	lr =	sadd.s32 s0, s3;
	s0 =	sld [smem:$0x3FAC]  }
0x30: {  	s3 =	sld [smem:$0x3FAF]  }
0x31: {  	[smem:$0x3FB8] =	sst s10  }
0x32: {  	s10 =	sld [smem:$0x3FB6];
	_ =	sdelay $0x3  }
0x33: {  	p0 =	seq.s32 s10, $0x1;
	s10 =	sld [smem:$0x3FB8];
	_ =	sdelay $0x3  }
0x34: {  	[smem:$0x3FB8] =	sst s10  }
0x35: {  	s10 =	sld [smem:$0x3FB7];
	_ =	sdelay $0x3  }
0x36: {  	p1 =	seq.s32 s10, $0x1;
	s10 =	sld [smem:$0x3FB8];
	_ =	sdelay $0x3  }
0x37: {  	[smem:$0x3FB8] =	sst s10  }
0x38: {  	s10 =	sld [smem:$0x3FB9]  }
0x39: {  	_ = 	snop;
	(pc) =	sbr.ind lr, $3  }
0x3a: {  	_ = 	snop  }
0x3b: {  	_ = 	snop  }
0x3c: {  	p2 =	seq.s32 s10, $0x1;
	s10 =	sld [smem:$0x3FB8]  }
0x3d: {  	_ =	shalt  }
0x3e: {  	_ =	shalt  }
0x3f: {  	_ =	shalt  }
0x40: {  	_ =	shalt  }
0x41: {  	_ =	shalt  }
0x42: {  	_ =	shalt  }
0x43: {  	_ =	shalt  }
0x44: {  	_ =	shalt  }
0x45: {  	_ =	shalt  }
0x46: {  	_ =	shalt  }
0x47: {  	_ =	shalt  }
0x48: {  	_ =	shalt  }
0x49: {  	_ =	shalt  }
0x4a: {  	_ =	shalt  }
0x4b: {  	_ =	shalt  }
0x4c: {  	_ =	shalt  }
0x4d: {  	_ =	shalt  }
0x4e: {  	_ =	shalt  }
0x4f: {  	_ =	shalt  }
0x50: {  	_ =	shalt  }
0x51: {  	_ =	shalt  }
0x52: {  	_ =	shalt  }
0x53: {  	_ =	shalt  }
0x54: {  	_ =	shalt  }
0x55: {  	_ =	shalt  }
0x56: {  	_ =	shalt  }
0x57: {  	_ =	shalt  }
0x58: {  	_ =	shalt  }
0x59: {  	_ =	shalt  }
0x5a: {  	_ =	shalt  }
0x5b: {  	_ =	shalt  }
0x5c: {  	_ =	shalt  }
0x5d: {  	_ =	shalt  }
0x5e: {  	_ =	shalt  }
0x5f: {  	_ =	shalt  }
0x60: {  	_ =	shalt  }
0x61: {  	_ =	shalt  }
0x62: {  	_ =	shalt  }
0x63: {  	_ =	shalt  }
0x64: {  	_ =	shalt  }
0x65: {  	_ =	shalt  }
0x66: {  	_ =	shalt  }
0x67: {  	_ =	shalt  }
0x68: {  	_ =	shalt  }
0x69: {  	_ =	shalt  }
0x6a: {  	_ =	shalt  }
0x6b: {  	_ =	shalt  }
0x6c: {  	_ =	shalt  }
0x6d: {  	_ =	shalt  }
0x6e: {  	_ =	shalt  }
0x6f: {  	_ =	shalt  }
0x70: {  	_ =	shalt  }
0x71: {  	_ =	shalt  }
0x72: {  	_ =	shalt  }
0x73: {  	_ =	shalt  }
0x74: {  	_ =	shalt  }
0x75: {  	_ =	shalt  }
0x76: {  	_ =	shalt  }
0x77: {  	_ =	shalt  }
0x78: {  	_ =	shalt  }
0x79: {  	_ =	shalt  }
0x7a: {  	_ =	shalt  }
0x7b: {  	_ =	shalt  }
0x7c: {  	_ =	shalt  }
0x7d: {  	_ =	shalt  }
0x7e: {  	_ =	shalt  }
0x7f: {  	_ =	shalt  }
0x80: {  	_ =	shalt  }
0x81: {  	_ =	shalt  }
0x82: {  	_ =	shalt  }
0x83: {  	_ =	shalt  }
0x84: {  	_ =	shalt  }
0x85: {  	_ =	shalt  }
0x86: {  	_ =	shalt  }
0x87: {  	_ =	shalt  }
.Lfunc_end0:
.L_simem_size_0:
called_computation_lowered:
.L_overlay_start_0:
0x88: {  	s2 =	sld [smem:$0x3FD9]  }
0x89: {  	s3 =	sld [smem:$0x3FFE];
	_ =	sdelay $0x1  }
0x8a: {  	s1 =	srdreg.scid  }
0x8b: {  	s0 =	sand.u32 $0x1, s1  }
0x8c: {  	s17 =	sshll.u32 s0, $0xA;
	s2 =	sadd.s32 s3, s2  }
0x8d: {  	s2 =	sadd.s32 s2, s17  }
0x8e: {  	[smem:$0x3FC4] =	sst s2  }
0x8f: {  	_ = 	snop  }
0x90: {  	s2 =	sld [smem:$0x3FD0];
	(tm) =	ssettm $0x1  }
0x91: {  	s18 =	sld [smem:$0x3FFB];
	_ =	sdelay $0x3  }
0x92: {  	_ =	strace s18  }
0x93: {  	s3 =	sld [smem:$0x3FFC];
	_ =	sdelay $0x3  }
0x94: {  	_ =	strace s3  }
0x95: {  	s3 =	sld [smem:$0x3FFD];
	_ =	sdelay $0x3  }
0x96: {  	_ =	strace s3  }
0x97: {  	_ =	strace $0x8FFFFFFF  }
0x98: {  	s19 =	sld [smem:$0x3FDB];
	_ =	sdelay $0x1  }
0x99: {  	s4 =	simm.s32 $_scs_section_size  }
0x9a: {  	s5 =	simm.s32 $_size__tile_overlayer_lowered;
	s6 =	simm.s32 $_tile_overlayer_lowered  }
0x9b: {  	s22 =	simm.s32 $0x1BFF;
	s21 =	sshll.u32 s6, $0x1;
	s3 =	sadd.s32 s4, s19  }
0x9c: {  	s7 =	simm.s32 $0x0;
	s20 =	sshll.u32 s5, $0x1;
	s5 =	sadd.s32 s21, s3  }
0x9d: {  	[timem:s7], [sflag:s22] =	dma.local [hbm:s5], s20  }
0x9e: {  	_ =	swait.ge [sflag:s22], s20  }
0x9f: {  	s4 =	ssub.s32 $0x0, s20;
	[sflag:s22] =	ssyncset.done $0x0  }
0xa0: {  	[sflag:s22] =	ssyncadd.s32 s4;
	_ =	sdelay $0x1  }
0xa1: {  	s23 =	simm.s32 $0x1B8B  }
0xa2: {  	_ =	swait.ge [sflag:s23], $0x1  }
0xa3: {  	[sflag:s23] =	ssyncset.done $0x0  }
0xa4: {  	s25 =	simm.s32 $0x1B8E;
	s24 =	sld [smem:$0x3FFE];
	[sflag:s23] =	ssyncadd.s32 $0xFFFFFFFF  }
0xa5: {  	s26 =	simm.s32 $execute0_lowered;
	[smem:$0x3FD2] =	sst s25  }
0xa6: {  	s5 =	sshll.u32 s26, $0x1;
	_ =	strace $0x80000046;
	[dreg:$0x1] =	wrdreg $0xFFFFFFFF  }
0xa7: {  	s28 =	simm.s32 $_size_execute0_lowered;
	s3 =	sadd.s32 s3, s5;
	[dreg:$0x0] =	wrdreg $0x0  }
0xa8: {  	s5 =	sshll.u32 s28, $0x1;
	[dreg:$0x2] =	wrdreg s3  }
0xa9: {  	[dreg:$0x3] =	wrdreg s5  }
0xaa: {  	[dreg:$0x4] =	wrdreg $0xC0  }
0xab: {  	_ =	task [dreg:s7], $0x5FFFF  }
0xac: {  	[dreg:$0x1] =	wrdreg $0xFFFFFFFF  }
0xad: {  	[dreg:$0x0] =	wrdreg $0x60  }
0xae: {  	[dreg:$0x2] =	wrdreg s24  }
0xaf: {  	[dreg:$0x3] =	wrdreg s2  }
0xb0: {  	[dreg:$0x4] =	wrdreg $0x6000  }
0xb1: {  	[dreg:$0x5] =	wrdreg $0x8000  }
0xb2: {  	[dreg:$0x6] =	wrdreg $0x9  }
0xb3: {  	_ =	task.clear_ibuf [dreg:s7], $0x7FFFF;
	_ =	strace $0x90000046  }
0xb4: {  	s29 =	simm.s32 $0x9;
	_ =	strace $0x80000048  }
0xb5: {  	_ =	swait.ge [sflag:s29], $0x1  }
0xb6: {  	[sflag:s29] =	ssyncadd.s32 $0xFFFFFFFF  }
0xb7: {  	_ =	strace $0x90000048  }
0xb8: {  	_ =	sfence  }
0xb9: {  	s30 =	sld [smem:$0x0];
	_ =	sdelay $0x2  }
0xba: {  	s31 =	sshll.u32 s1, $0xD;
	s1 =	sshrl.u32 s1, $0x2  }
0xbb: {  	s3 =	sand.u32 $0x4000, s31;
	s1 =	sadd.s32 s1, s30  }
0xbc: {  	s0 =	sor.u32 s3, s0;
	s1 =	sshll.u32 s1, $0x11  }
0xbd: {  	s0 =	sor.u32 s1, s0  }
0xbe: {  	s0 =	sadd.s32 $0x8F2B, s0  }
0xbf: {  	[sflag:s0] =	ssyncadd.remote.s32 $0x1  }
0xc0: {  	_ =	sfence.sel $0xFFFF  }
0xc1: {  	[dreg:$0x0] =	wrdreg $0xFFFFFFFF;
	(pc) =	sbr.abs _section_cstart, $3  }
0xc2: {  	[dreg:$0x1] =	wrdreg $0xFFFFFFFF  }
0xc3: {  	_ =	task.clear_ibuf [dreg:s7], $0x2FFFF;
	_ =	strace $0x9FFFFFFF  }
0xc4: {  	(tm) =	ssettm $0x7FFFFFFF  }
0xc5: {  	_ =	shalt  }
tec
execute0_lowered:
.L_overlay_start_1:
0x0: {  	(tag) =	ssettag $0x1  }
0x1: {  	s0 =	rddreg [dreg:$0x0]  }
0x2: {  	s1 =	rddreg [dreg:$0x1]  }
0x3: {  	s6 =	rddreg [dreg:$0x2]  }
0x4: {  	s7 =	rddreg [dreg:$0x3]  }
0x5: {  	s2 =	srdreg.scid;
	s12 =	stileid.u32;
	s17 =	simm.s32 $0x4800  }
0x6: {  	s18 =	simm.s32 $0x6800;
	s15 =	simm.s32 $0x1;
	s14 =	simm.s32 $0x2  }
0x7: {  	s3 =	sand.u32 $0x1, s2;
	s2 =	simm.s32 $0x0;
	s4 =	sshll.u32 s12, $0x7  }
0x8: {  	s29 =	sshll.u32 s12, $0x9;
	s30 =	sshll.u32 s12, $0xE;
	s31 =	sshll.u32 s12, $0x6  }
0x9: {  	s5 =	sshll.u32 s3, $0x6;
	[smem:$0x7FF] =	sst s2;
	s10 =	ssub.s32 $0x2, s3  }
0xa: {  	s3 =	sadd.s32 $0xF44200, s0;
	s6 =	sadd.s32 s29, s6;
	s16 =	sor.u32 $0x1C02, s31  }
0xb: {  	s8 =	sor.u32 s5, s4;
	_ =	strace $0x80000047;
	s4 =	sadd.s32 $0x16E5400, s0  }
0xc: {  	s11 =	sshrl.u32 s10, $0x1;
	s5 =	sadd.s32 $0x1E86600, s0;
	[dreg:$0x8] =	wrdreg s6  }
0xd: {  	s6 =	simm.s32 $0x8800;
	s9 =	sadd.s32 s8, s0;
	s1 =	sadd.s32 s1, s8  }
0xe: {  	s25 =	ssub.s32 s10, s11;
	s26 =	sadd.s32 $0x1600, s9;
	[dreg:$0x9] =	wrdreg s1  }
0xf: {  	v0 =	vlaneseq.u32;
	s10 =	sadd.s32 s30, s7;
	s28 =	sadd.s32 $0xE00, s9;
	[dreg:$0x5] =	wrdreg s26  }
0x10: {  	v2 =	vmul.u32 $0x40, v0;
	s7 =	simm.s32 $0x3;
	s9 =	sadd.s32 $0x600, s9;
	[dreg:$0x6] =	wrdreg s28  }
0x11: {  	s8 =	simm.s32 $0xA800;
	s0 =	smax.u32 s25, $0x1;
	[dreg:$0x7] =	wrdreg s9  }
0x12: {  	vm0 =	vmmov $0xffff;
	[tilespmem:$0x1FFF0] =	vst v2;
	s11 =	sadd.s32 $0x2000, s10;
	s1 =	simm.s32 $0x0;
	[dreg:$0xa] =	wrdreg s0  }
.LBB2_1:
0x13: {  	[dreg:$0xb] =	wrdreg s1  }
0x14: {  	s0 =	rddreg [dreg:$0x5]  }
0x15: {  	[tilespmem:s2], [sflag:$0x3] =	stream.linear.gather [hbm4b:s0+s2], $0x200, $0x38;
	[tilespmem:$0xCE00] =	vst v63  }
0x16: {  	_ =	swait.ge [sflag:s7], $0x200  }
0x17: {  	[sflag:s7] =	ssyncset.done $0x0  }
0x18: {  	s29 =	simm.s32 $0x200;
	s28 =	rddreg [dreg:$0x6];
	[sflag:s7] =	ssyncadd.s32 $0xFFFFFE00  }
0x19: {  	[tilespmem:s29], [sflag:$0x3] =	stream.linear.gather [hbm4b:s28+s2], $0x200, $0x38;
	[tilespmem:$0xCE00] =	vst v63  }
0x1a: {  	_ =	swait.ge [sflag:s7], $0x200  }
0x1b: {  	[sflag:s7] =	ssyncset.done $0x0  }
0x1c: {  	s9 =	simm.s32 $0x400;
	s30 =	rddreg [dreg:$0x7];
	[sflag:s7] =	ssyncadd.s32 $0xFFFFFE00  }
0x1d: {  	[tilespmem:s9], [sflag:$0x3] =	stream.linear.gather [hbm4b:s30+s2], $0x200, $0x38;
	[tilespmem:$0xCE00] =	vst v63  }
0x1e: {  	_ =	swait.ge [sflag:s7], $0x200  }
0x1f: {  	[sflag:s7] =	ssyncset.done $0x0  }
0x20: {  	s31 =	rddreg [dreg:$0x8];
	[sflag:s7] =	ssyncadd.s32 $0xFFFFFE00  }
0x21: {  	[spmem:s31] =	stream.linear.scatter [tilespmem:s29], [sflag:$0x3], $0x200, $0x38;
	[tilespmem:$0xCE00] =	vst v63  }
0x22: {  	_ =	swait.ge [sflag:s7], $0x200  }
0x23: {  	[sflag:s7] =	ssyncset.done $0x0  }
0x24: {  	[sflag:s7] =	ssyncadd.s32 $0xFFFFFE00  }
0x25: {  	[smem:s2], [sflag:$0x3] =	stream.linear.gather [spmem:s31], $0x200, $0x38;
	[tilespmem:$0xCE00] =	vst v63  }
0x26: {  	_ =	swait.ge [sflag:s7], $0x200  }
0x27: {  	s20 =	simm.s32 $0xCC00;
	[sflag:s7] =	ssyncset.done $0x0  }
0x28: {  	s21 =	simm.s32 $0x3;
	s12 =	simm.s32 $0x0;
	[sflag:s7] =	ssyncadd.s32 $0xFFFFFE00  }
.LBB2_2:
0x29: {  	s9 =	simm.s32 $0x0  }
0x2a: {  	s13 =	sshll.u32 s12, $0x7;
	s19 =	sand.u32 $0x78, s9  }
0x2b: {  	s9 =	sand.u32 $0x4, s9;
	s19 =	sadd.s32 s19, s13  }
0x2c: {  	s9 =	sld [smem:s19+s9];
	_ =	sdelay $0x1  }
0x2d: {  	s25 =	sadd.s32 $0x0, s10  }
0x2e: {  	s22 =	simm.s32 $0x1;
	s23 =	sshrl.u32 s25, $0x3;
	s9 =	sshll.u32 s9, $0x3  }
0x2f: {  	s24 =	sadd.s32 $0x2000, s25;
	s22 =	sand.u32 $0x5, s22;
	s9 =	sand.u32 $0x1FFFFFF8, s9  }
0x30: {  	s24 =	sshrl.u32 s24, $0x3;
	s26 =	sadd.s32 s4, s9;
	s9 =	sadd.s32 s5, s9  }
0x31: {  	[spmem:s23], [sflag:s16] =	dma.local [hbm:s26], $0x8  }
0x32: {  	[spmem:s24], [sflag:s16] =	dma.local [hbm:s9], $0x8  }
0x33: {  	s9 =	sld [smem:s19+s22];
	_ =	sdelay $0x1  }
0x34: {  	s31 =	simm.s32 $0x2  }
0x35: {  	s0 =	sand.u32 $0x6, s31;
	s26 =	sadd.s32 $0x2040, s25;
	s9 =	sshll.u32 s9, $0x3  }
0x36: {  	s24 =	sadd.s32 $0x40, s25;
	s23 =	sshrl.u32 s26, $0x3;
	s9 =	sand.u32 $0x1FFFFFF8, s9  }
0x37: {  	s22 =	sshrl.u32 s24, $0x3;
	s30 =	sadd.s32 s4, s9;
	s9 =	sadd.s32 s5, s9  }
0x38: {  	[spmem:s22], [sflag:s16] =	dma.local [hbm:s30], $0x8  }
0x39: {  	[spmem:s23], [sflag:s16] =	dma.local [hbm:s9], $0x8  }
0x3a: {  	s9 =	sld [smem:s19+s0]  }
0x3b: {  	s28 =	sadd.s32 $0x2080, s25  }
0x3c: {  	s1 =	sadd.s32 $0x80, s25;
	s31 =	sadd.s32 $0xC0, s25;
	s28 =	sshrl.u32 s28, $0x3  }
0x3d: {  	s26 =	sshrl.u32 s1, $0x3;
	s24 =	simm.s32 $0x800;
	s9 =	sshll.u32 s9, $0x3  }
0x3e: {  	s22 =	simm.s32 $0x400;
	s30 =	sadd.s32 $0x20C0, s25;
	s9 =	sand.u32 $0x1FFFFFF8, s9  }
0x3f: {  	s19 =	simm.s32 $0x4;
	s29 =	sadd.s32 s4, s9;
	s9 =	sadd.s32 s5, s9  }
0x40: {  	[spmem:s26], [sflag:s16] =	dma.local [hbm:s29], $0x8  }
0x41: {  	[spmem:s28], [sflag:s16] =	dma.local [hbm:s9], $0x8  }
0x42: {  	s25 =	simm.s32 $0x8;
	s23 =	sand.u32 $0x78, s19;
	s29 =	sld [smem:s21+$0x0]  }
0x43: {  	s26 =	sshrl.u32 s30, $0x3;
	s28 =	sshrl.u32 s31, $0x3;
	s9 =	smov.u32 s21  }
.LBB2_3:
0x44: {  	p0 =	sne.s32 s24, $0x7C00  }
0x45: {  	s29 =	sshll.u32 s29, $0x3;
	s9 =	sadd.s32 $0x4, s9;
	s30 =	smov.u32 s24  }
0x46: {  	s31 =	sadd.s32 s23, s13;
	s23 =	sand.u32 $0x78, s25;
	s29 =	sand.u32 $0x1FFFFFF8, s29  }
0x47: {  	s0 =	sand.u32 $0x4, s19;
	s1 =	sadd.s32 s4, s29;
	s29 =	sadd.s32 s5, s29  }
0x48: {  	[spmem:s28], [sflag:s16] =	dma.local [hbm:s1], $0x8  }
0x49: {  	[spmem:s26], [sflag:s16] =	dma.local [hbm:s29], $0x8  }
0x4a: {  	s24 =	sadd.s32 $0x400, s24;
	s1 =	sshra.s32 s22, $0x2;
	s0 =	sld [smem:s31+s0]  }
0x4b: {  	s22 =	smov.u32 s30;
	s26 =	sadd.s32 s1, s10;
	s1 =	sadd.s32 $0x1, s19  }
0x4c: {  	s28 =	sshrl.u32 s26, $0x3;
	s29 =	sadd.s32 $0x2000, s26;
	s1 =	sand.u32 $0x5, s1  }
0x4d: {  	s0 =	sshll.u32 s0, $0x3  }
0x4e: {  	s0 =	sand.u32 $0x1FFFFFF8, s0  }
0x4f: {  	s29 =	sshrl.u32 s29, $0x3;
	s30 =	sadd.s32 s4, s0;
	s0 =	sadd.s32 s5, s0  }
0x50: {  	[spmem:s28], [sflag:s16] =	dma.local [hbm:s30], $0x8  }
0x51: {  	[spmem:s29], [sflag:s16] =	dma.local [hbm:s0], $0x8  }
0x52: {  	s0 =	sld [smem:s31+s1];
	s1 =	sadd.s32 $0x20C0, s26  }
0x53: {  	s28 =	sadd.s32 $0x40, s26  }
0x54: {  	s28 =	sshrl.u32 s28, $0x3;
	s29 =	sadd.s32 $0x2040, s26  }
0x55: {  	s29 =	sshrl.u32 s29, $0x3;
	s0 =	sshll.u32 s0, $0x3  }
0x56: {  	s0 =	sand.u32 $0x1FFFFFF8, s0  }
0x57: {  	s19 =	sadd.s32 $0x2, s19;
	s30 =	sadd.s32 s4, s0;
	s0 =	sadd.s32 s5, s0  }
0x58: {  	[spmem:s28], [sflag:s16] =	dma.local [hbm:s30], $0x8  }
0x59: {  	[spmem:s29], [sflag:s16] =	dma.local [hbm:s0], $0x8  }
0x5a: {  	s0 =	sand.u32 $0x6, s19;
	s19 =	smov.u32 s25  }
0x5b: {  	s28 =	sadd.s32 $0x80, s26;
	s0 =	sld [smem:s31+s0]  }
0x5c: {  	s28 =	sshrl.u32 s28, $0x3;
	s29 =	sadd.s32 $0x2080, s26  }
0x5d: {  	s29 =	sshrl.u32 s29, $0x3  }
0x5e: {  	s0 =	sshll.u32 s0, $0x3  }
0x5f: {  	s0 =	sand.u32 $0x1FFFFFF8, s0  }
0x60: {  	s30 =	sadd.s32 s4, s0;
	s0 =	sadd.s32 s5, s0  }
0x61: {  	[spmem:s28], [sflag:s16] =	dma.local [hbm:s30], $0x8  }
.Ltmp0:
0x62: {  	_ = 	snop;
	(pc) =	sbr.rel @p0 .LBB2_3-.Ltmp0, $4  }
0x63: {  	[spmem:s29], [sflag:s16] =	dma.local [hbm:s0], $0x8  }
0x64: {  	s0 =	sadd.s32 $0xC0, s26;
	s29 =	sld [smem:s9+$0x0]  }
0x65: {  	s25 =	sadd.s32 $0x4, s25;
	s28 =	sshrl.u32 s0, $0x3  }
0x66: {  	s26 =	sshrl.u32 s1, $0x3  }
0x67: {  	s0 =	sshll.u32 s29, $0x3  }
0x68: {  	s0 =	sand.u32 $0x1FFFFFF8, s0  }
0x69: {  	s1 =	sadd.s32 s4, s0  }
0x6a: {  	[spmem:s28], [sflag:s16] =	dma.local [hbm:s1], $0x8  }
0x6b: {  	s25 =	sand.u32 $0x4, s19;
	s0 =	sadd.s32 s5, s0;
	s1 =	sadd.s32 s23, s13  }
0x6c: {  	[spmem:s26], [sflag:s16] =	dma.local [hbm:s0], $0x8  }
0x6d: {  	s0 =	sld [smem:s1+s25];
	_ =	sdelay $0x1  }
0x6e: {  	s22 =	sshra.s32 s22, $0x2  }
0x6f: {  	s22 =	sadd.s32 s22, s10;
	s0 =	sshll.u32 s0, $0x3  }
0x70: {  	s29 =	sadd.s32 $0x2000, s22;
	s0 =	sand.u32 $0x1FFFFFF8, s0  }
0x71: {  	s28 =	sadd.s32 $0x1, s19;
	s26 =	sshrl.u32 s22, $0x3;
	s24 =	sadd.s32 s4, s0  }
0x72: {  	[spmem:s26], [sflag:s16] =	dma.local [hbm:s24], $0x8  }
0x73: {  	s23 =	sand.u32 $0x5, s28;
	s0 =	sadd.s32 s5, s0;
	s24 =	sshrl.u32 s29, $0x3  }
0x74: {  	[spmem:s24], [sflag:s16] =	dma.local [hbm:s0], $0x8  }
0x75: {  	s0 =	sld [smem:s1+s23];
	_ =	sdelay $0x2  }
0x76: {  	s0 =	sshll.u32 s0, $0x3  }
0x77: {  	s30 =	sadd.s32 $0x40, s22;
	s0 =	sand.u32 $0x1FFFFFF8, s0  }
0x78: {  	s24 =	sadd.s32 $0x2040, s22;
	s23 =	sshrl.u32 s30, $0x3;
	s31 =	sadd.s32 s4, s0  }
0x79: {  	[spmem:s23], [sflag:s16] =	dma.local [hbm:s31], $0x8  }
0x7a: {  	s25 =	sadd.s32 $0x2, s19;
	s0 =	sadd.s32 s5, s0;
	s23 =	sshrl.u32 s24, $0x3  }
0x7b: {  	[spmem:s23], [sflag:s16] =	dma.local [hbm:s0], $0x8  }
0x7c: {  	s0 =	sand.u32 $0x6, s25  }
0x7d: {  	s0 =	sld [smem:s1+s0];
	_ =	sdelay $0x2  }
0x7e: {  	s0 =	sshll.u32 s0, $0x3  }
0x7f: {  	s26 =	sadd.s32 $0x80, s22;
	s0 =	sand.u32 $0x1FFFFFF8, s0  }
0x80: {  	s29 =	sadd.s32 $0x2080, s22;
	s1 =	sshrl.u32 s26, $0x3;
	s28 =	sadd.s32 s4, s0  }
0x81: {  	[spmem:s1], [sflag:s16] =	dma.local [hbm:s28], $0x8  }
0x82: {  	s9 =	sadd.s32 $0x4, s9;
	s0 =	sadd.s32 s5, s0;
	s1 =	sshrl.u32 s29, $0x3  }
0x83: {  	[spmem:s1], [sflag:s16] =	dma.local [hbm:s0], $0x8  }
0x84: {  	s0 =	sld [smem:s9+$0x0];
	_ =	sdelay $0x2  }
0x85: {  	s0 =	sshll.u32 s0, $0x3  }
0x86: {  	s30 =	sadd.s32 $0xC0, s22;
	s0 =	sand.u32 $0x1FFFFFF8, s0  }
0x87: {  	s19 =	sadd.s32 $0x20C0, s22;
	s1 =	sshrl.u32 s30, $0x3;
	s31 =	sadd.s32 s4, s0  }
0x88: {  	[spmem:s1], [sflag:s16] =	dma.local [hbm:s31], $0x8  }
0x89: {  	s0 =	sadd.s32 s5, s0;
	s1 =	sshrl.u32 s19, $0x3  }
0x8a: {  	[spmem:s1], [sflag:s16] =	dma.local [hbm:s0], $0x8  }
0x8b: {  	v0 =	vld [tilespmem:s13+$0x0];
	_ =	sdelay $0x1  }
0x8c: {  	v1 =	vld [tilespmem:s13+$0x400];
	_ =	sdelay $0x5  }
0x8d: {  	[tilespmem:s17], [sflag:$0x1] =	stream.indirect_vreg.gather [hbm4b:s3+s2], $0x40, v0, vm0, $0xb8;
	[tilespmem:$0xCE00] =	vst v63  }
0x8e: {  	s22 =	sor.u32 $0x10, s13  }
0x8f: {  	[tilespmem:s18], [sflag:$0x1] =	stream.indirect_vreg.gather [hbm4b:s3+s2], $0x40, v1, vm0, $0xb8;
	[tilespmem:$0xCE00] =	vst v63  }
0x90: {  	v0 =	vld [tilespmem:s22+$0x0];
	_ =	sdelay $0x1  }
0x91: {  	v1 =	vld [tilespmem:s13+$0x410];
	_ =	sdelay $0x4  }
0x92: {  	s23 =	simm.s32 $0x4C00  }
0x93: {  	[tilespmem:s23], [sflag:$0x1] =	stream.indirect_vreg.gather [hbm4b:s3+s2], $0x40, v0, vm0, $0xb8;
	[tilespmem:$0xCE00] =	vst v63  }
0x94: {  	s24 =	simm.s32 $0x6C00;
	s25 =	sor.u32 $0x20, s13  }
0x95: {  	[tilespmem:s24], [sflag:$0x1] =	stream.indirect_vreg.gather [hbm4b:s3+s2], $0x40, v1, vm0, $0xb8;
	[tilespmem:$0xCE00] =	vst v63  }
0x96: {  	v0 =	vld [tilespmem:s25+$0x0];
	_ =	sdelay $0x1  }
0x97: {  	v1 =	vld [tilespmem:s13+$0x420];
	_ =	sdelay $0x4  }
0x98: {  	s26 =	simm.s32 $0x5000  }
0x99: {  	[tilespmem:s26], [sflag:$0x1] =	stream.indirect_vreg.gather [hbm4b:s3+s2], $0x40, v0, vm0, $0xb8;
	[tilespmem:$0xCE00] =	vst v63  }
0x9a: {  	s28 =	simm.s32 $0x7000;
	s29 =	sor.u32 $0x30, s13  }
0x9b: {  	[tilespmem:s28], [sflag:$0x1] =	stream.indirect_vreg.gather [hbm4b:s3+s2], $0x40, v1, vm0, $0xb8;
	[tilespmem:$0xCE00] =	vst v63  }
0x9c: {  	v0 =	vld [tilespmem:s29+$0x0];
	_ =	sdelay $0x1  }
0x9d: {  	v1 =	vld [tilespmem:s13+$0x430];
	_ =	sdelay $0x4  }
0x9e: {  	s30 =	simm.s32 $0x5400  }
0x9f: {  	[tilespmem:s30], [sflag:$0x1] =	stream.indirect_vreg.gather [hbm4b:s3+s2], $0x40, v0, vm0, $0xb8;
	[tilespmem:$0xCE00] =	vst v63  }
0xa0: {  	s31 =	simm.s32 $0x7400;
	s1 =	sor.u32 $0x40, s13  }
0xa1: {  	[tilespmem:s31], [sflag:$0x1] =	stream.indirect_vreg.gather [hbm4b:s3+s2], $0x40, v1, vm0, $0xb8;
	[tilespmem:$0xCE00] =	vst v63  }
0xa2: {  	v0 =	vld [tilespmem:s1+$0x0];
	_ =	sdelay $0x1  }
0xa3: {  	v1 =	vld [tilespmem:s13+$0x440];
	_ =	sdelay $0x4  }
0xa4: {  	s9 =	simm.s32 $0x5800  }
0xa5: {  	[tilespmem:s9], [sflag:$0x1] =	stream.indirect_vreg.gather [hbm4b:s3+s2], $0x40, v0, vm0, $0xb8;
	[tilespmem:$0xCE00] =	vst v63  }
0xa6: {  	s19 =	simm.s32 $0x7800;
	s22 =	sor.u32 $0x50, s13  }
0xa7: {  	[tilespmem:s19], [sflag:$0x1] =	stream.indirect_vreg.gather [hbm4b:s3+s2], $0x40, v1, vm0, $0xb8;
	[tilespmem:$0xCE00] =	vst v63  }
0xa8: {  	v0 =	vld [tilespmem:s22+$0x0];
	_ =	sdelay $0x1  }
0xa9: {  	v1 =	vld [tilespmem:s13+$0x450];
	_ =	sdelay $0x4  }
0xaa: {  	s23 =	simm.s32 $0x5C00  }
0xab: {  	[tilespmem:s23], [sflag:$0x1] =	stream.indirect_vreg.gather [hbm4b:s3+s2], $0x40, v0, vm0, $0xb8;
	[tilespmem:$0xCE00] =	vst v63  }
0xac: {  	s24 =	simm.s32 $0x7C00;
	s25 =	sor.u32 $0x60, s13  }
0xad: {  	[tilespmem:s24], [sflag:$0x1] =	stream.indirect_vreg.gather [hbm4b:s3+s2], $0x40, v1, vm0, $0xb8;
	[tilespmem:$0xCE00] =	vst v63  }
0xae: {  	v0 =	vld [tilespmem:s25+$0x0];
	_ =	sdelay $0x1  }
0xaf: {  	v1 =	vld [tilespmem:s13+$0x460];
	_ =	sdelay $0x4  }
0xb0: {  	s26 =	simm.s32 $0x6000  }
0xb1: {  	[tilespmem:s26], [sflag:$0x1] =	stream.indirect_vreg.gather [hbm4b:s3+s2], $0x40, v0, vm0, $0xb8;
	[tilespmem:$0xCE00] =	vst v63  }
0xb2: {  	s28 =	simm.s32 $0x8000;
	s29 =	sor.u32 $0x70, s13  }
0xb3: {  	[tilespmem:s28], [sflag:$0x1] =	stream.indirect_vreg.gather [hbm4b:s3+s2], $0x40, v1, vm0, $0xb8;
	[tilespmem:$0xCE00] =	vst v63  }
0xb4: {  	v0 =	vld [tilespmem:s29+$0x0];
	_ =	sdelay $0x1  }
0xb5: {  	v1 =	vld [tilespmem:s13+$0x470];
	_ =	sdelay $0x4  }
0xb6: {  	s30 =	simm.s32 $0x6400  }
0xb7: {  	[tilespmem:s30], [sflag:$0x1] =	stream.indirect_vreg.gather [hbm4b:s3+s2], $0x40, v0, vm0, $0xb8;
	[tilespmem:$0xCE00] =	vst v63  }
0xb8: {  	s31 =	simm.s32 $0x8400  }
0xb9: {  	[tilespmem:s31], [sflag:$0x1] =	stream.indirect_vreg.gather [hbm4b:s3+s2], $0x40, v1, vm0, $0xb8;
	[tilespmem:$0xCE00] =	vst v63  }
0xba: {  	_ =	swait.ge [sflag:s15], $0x400  }
0xbb: {  	[sflag:s15] =	ssyncset.done $0x0  }
0xbc: {  	[sflag:s15] =	ssyncadd.s32 $0xFFFFFC00  }
0xbd: {  	_ =	swait.ge [sflag:s15], $0x400  }
0xbe: {  	[sflag:s15] =	ssyncset.done $0x0  }
0xbf: {  	[sflag:s15] =	ssyncadd.s32 $0xFFFFFC00  }
0xc0: {  	_ =	swait.ge [sflag:s15], $0x400  }
0xc1: {  	[sflag:s15] =	ssyncset.done $0x0  }
0xc2: {  	[sflag:s15] =	ssyncadd.s32 $0xFFFFFC00  }
0xc3: {  	_ =	swait.ge [sflag:s15], $0x400  }
0xc4: {  	[sflag:s15] =	ssyncset.done $0x0  }
0xc5: {  	[sflag:s15] =	ssyncadd.s32 $0xFFFFFC00  }
0xc6: {  	_ =	swait.ge [sflag:s15], $0x400  }
0xc7: {  	[sflag:s15] =	ssyncset.done $0x0  }
0xc8: {  	[sflag:s15] =	ssyncadd.s32 $0xFFFFFC00  }
0xc9: {  	_ =	swait.ge [sflag:s15], $0x400  }
0xca: {  	[sflag:s15] =	ssyncset.done $0x0  }
0xcb: {  	[sflag:s15] =	ssyncadd.s32 $0xFFFFFC00  }
0xcc: {  	_ =	swait.ge [sflag:s15], $0x400  }
0xcd: {  	[sflag:s15] =	ssyncset.done $0x0  }
0xce: {  	[sflag:s15] =	ssyncadd.s32 $0xFFFFFC00  }
0xcf: {  	_ =	swait.ge [sflag:s15], $0x400  }
0xd0: {  	[sflag:s15] =	ssyncset.done $0x0  }
0xd1: {  	[sflag:s15] =	ssyncadd.s32 $0xFFFFFC00  }
0xd2: {  	_ =	swait.ge [sflag:s15], $0x400  }
0xd3: {  	[sflag:s15] =	ssyncset.done $0x0  }
0xd4: {  	[sflag:s15] =	ssyncadd.s32 $0xFFFFFC00  }
0xd5: {  	_ =	swait.ge [sflag:s15], $0x400  }
0xd6: {  	[sflag:s15] =	ssyncset.done $0x0  }
0xd7: {  	[sflag:s15] =	ssyncadd.s32 $0xFFFFFC00  }
0xd8: {  	_ =	swait.ge [sflag:s15], $0x400  }
0xd9: {  	[sflag:s15] =	ssyncset.done $0x0  }
0xda: {  	[sflag:s15] =	ssyncadd.s32 $0xFFFFFC00  }
0xdb: {  	_ =	swait.ge [sflag:s15], $0x400  }
0xdc: {  	[sflag:s15] =	ssyncset.done $0x0  }
0xdd: {  	[sflag:s15] =	ssyncadd.s32 $0xFFFFFC00  }
0xde: {  	_ =	swait.ge [sflag:s15], $0x400  }
0xdf: {  	[sflag:s15] =	ssyncset.done $0x0  }
0xe0: {  	[sflag:s15] =	ssyncadd.s32 $0xFFFFFC00  }
0xe1: {  	_ =	swait.ge [sflag:s15], $0x400  }
0xe2: {  	[sflag:s15] =	ssyncset.done $0x0  }
0xe3: {  	[sflag:s15] =	ssyncadd.s32 $0xFFFFFC00  }
0xe4: {  	_ =	swait.ge [sflag:s15], $0x400  }
0xe5: {  	[sflag:s15] =	ssyncset.done $0x0  }
0xe6: {  	[sflag:s15] =	ssyncadd.s32 $0xFFFFFC00  }
0xe7: {  	_ =	swait.ge [sflag:s15], $0x400  }
0xe8: {  	[sflag:s15] =	ssyncset.done $0x0  }
0xe9: {  	[sflag:s15] =	ssyncadd.s32 $0xFFFFFC00  }
0xea: {  	_ =	swait.ge [sflag:s14], $0x8  }
0xeb: {  	[sflag:s14] =	ssyncset.done $0x0  }
0xec: {  	[sflag:s14] =	ssyncadd.s32 $0xFFFFFFF8  }
0xed: {  	_ =	swait.ge [sflag:s14], $0x8  }
0xee: {  	[sflag:s14] =	ssyncset.done $0x0  }
0xef: {  	[sflag:s14] =	ssyncadd.s32 $0xFFFFFFF8  }
0xf0: {  	_ =	swait.ge [sflag:s14], $0x8  }
0xf1: {  	[sflag:s14] =	ssyncset.done $0x0  }
0xf2: {  	[sflag:s14] =	ssyncadd.s32 $0xFFFFFFF8  }
0xf3: {  	_ =	swait.ge [sflag:s14], $0x8  }
0xf4: {  	[sflag:s14] =	ssyncset.done $0x0  }
0xf5: {  	[sflag:s14] =	ssyncadd.s32 $0xFFFFFFF8  }
0xf6: {  	_ =	swait.ge [sflag:s14], $0x8  }
0xf7: {  	[sflag:s14] =	ssyncset.done $0x0  }
0xf8: {  	[sflag:s14] =	ssyncadd.s32 $0xFFFFFFF8  }
0xf9: {  	_ =	swait.ge [sflag:s14], $0x8  }
0xfa: {  	[sflag:s14] =	ssyncset.done $0x0  }
0xfb: {  	[sflag:s14] =	ssyncadd.s32 $0xFFFFFFF8  }
0xfc: {  	_ =	swait.ge [sflag:s14], $0x8  }
0xfd: {  	[sflag:s14] =	ssyncset.done $0x0  }
0xfe: {  	[sflag:s14] =	ssyncadd.s32 $0xFFFFFFF8  }
0xff: {  	_ =	swait.ge [sflag:s14], $0x8  }
0x100: {  	s9 =	simm.s32 $0x1F;
	[sflag:s14] =	ssyncset.done $0x0  }
.LBB2_5:
0x101: {  	p0 =	sne.s32 s9, $0x1;
	s9 =	sadd.s32 $0xFFFFFFFF, s9;
	[sflag:s14] =	ssyncadd.s32 $0xFFFFFFF8  }
0x102: {  	_ =	swait.ge [sflag:s14], $0x8  }
0x103: {  	[sflag:s14] =	ssyncset.done $0x0  }
0x104: {  	[sflag:s14] =	ssyncadd.s32 $0xFFFFFFF8  }
0x105: {  	_ =	swait.ge [sflag:s14], $0x8  }
0x106: {  	[sflag:s14] =	ssyncset.done $0x0  }
0x107: {  	[sflag:s14] =	ssyncadd.s32 $0xFFFFFFF8  }
0x108: {  	_ =	swait.ge [sflag:s14], $0x8  }
0x109: {  	[sflag:s14] =	ssyncset.done $0x0  }
0x10a: {  	[sflag:s14] =	ssyncadd.s32 $0xFFFFFFF8  }
0x10b: {  	_ =	swait.ge [sflag:s14], $0x8  }
0x10c: {  	[sflag:s14] =	ssyncset.done $0x0  }
0x10d: {  	[sflag:s14] =	ssyncadd.s32 $0xFFFFFFF8  }
0x10e: {  	_ =	swait.ge [sflag:s14], $0x8  }
0x10f: {  	[sflag:s14] =	ssyncset.done $0x0  }
0x110: {  	[sflag:s14] =	ssyncadd.s32 $0xFFFFFFF8  }
0x111: {  	_ =	swait.ge [sflag:s14], $0x8  }
0x112: {  	[sflag:s14] =	ssyncset.done $0x0  }
0x113: {  	[sflag:s14] =	ssyncadd.s32 $0xFFFFFFF8  }
.Ltmp1:
0x114: {  	_ =	swait.ge [sflag:s14], $0x8;
	(pc) =	sbr.rel @p0 .LBB2_5-.Ltmp1, $4  }
0x115: {  	[sflag:s14] =	ssyncset.done $0x0  }
0x116: {  	[sflag:s14] =	ssyncadd.s32 $0xFFFFFFF8  }
0x117: {  	_ =	swait.ge [sflag:s14], $0x8  }
0x118: {  	[sflag:s14] =	ssyncset.done $0x0  }
0x119: {  	[sflag:s14] =	ssyncadd.s32 $0xFFFFFFF8  }
0x11a: {  	[tilespmem:s6], [sflag:$0x3] =	stream.linear.gather [spmem:s10], $0x2000, $0x38;
	[tilespmem:$0xCE00] =	vst v63  }
0x11b: {  	_ =	swait.ge [sflag:s7], $0x2000  }
0x11c: {  	[sflag:s7] =	ssyncset.done $0x0  }
0x11d: {  	[sflag:s7] =	ssyncadd.s32 $0xFFFFE000  }
0x11e: {  	[tilespmem:s8], [sflag:$0x3] =	stream.linear.gather [spmem:s11], $0x2000, $0x38;
	[tilespmem:$0xCE00] =	vst v63  }
0x11f: {  	_ =	swait.ge [sflag:s7], $0x2000  }
0x120: {  	[sflag:s7] =	ssyncset.done $0x0  }
0x121: {  	s19 =	simm.s32 $0x0;
	s13 =	smov.u32 s20;
	[sflag:s7] =	ssyncadd.s32 $0xFFFFE000  }
.LBB2_7:
0x122: {  	_ =	sdelay $0x1  }
0x123: {  	v0 =	vmov s19  }
0x124: {  	v0 =	vshll.u32 v0, $0x6  }
0x125: {  	v9 =	vor.u32 v2, v0  }
0x126: {  	v7 =	vor.u32 $0x1, v9;
	_ =	sdelay $0x1  }
0x127: {  	v14 =	vor.u32 $0x2, v9;
	_ =	sdelay $0x1  }
0x128: {  	v23 =	vor.u32 $0x3, v9;
	v0 =	vld.idx.msk [tilespmem:v9+s8+$0x0], $0xffff  }
0x129: {  	v2 =	vld.idx.msk [tilespmem:v7+s8+$0x0], $0xffff  }
0x12a: {  	v8 =	vor.u32 $0x4, v9  }
0x12b: {  	v3 =	vld.idx.msk [tilespmem:v14+s8+$0x0], $0xffff  }
0x12c: {  	v10 =	vor.u32 $0x5, v9  }
0x12d: {  	v4 =	vld.idx.msk [tilespmem:v23+s8+$0x0], $0xffff  }
0x12e: {  	v11 =	vor.u32 $0x6, v9;
	v5 =	vmul.f32 v0, v0;
	v2 =	vmul.f32 v2, v2  }
0x12f: {  	v6 =	vld.idx.msk [tilespmem:v8+s8+$0x0], $0xffff  }
0x130: {  	v13 =	vor.u32 $0x7, v9;
	v3 =	vmul.f32 v3, v3;
	v2 =	vadd.f32 v2, v5  }
0x131: {  	v59 =	vld.idx.msk [tilespmem:v10+s8+$0x0], $0xffff  }
0x132: {  	v41 =	vor.u32 $0x8, v9;
	v2 =	vadd.f32 v3, v2;
	v3 =	vmul.f32 v4, v4  }
0x133: {  	v60 =	vld.idx.msk [tilespmem:v11+s8+$0x0], $0xffff  }
0x134: {  	v16 =	vor.u32 $0x9, v9;
	v2 =	vadd.f32 v3, v2;
	v3 =	vmul.f32 v6, v6  }
0x135: {  	v61 =	vld.idx.msk [tilespmem:v13+s8+$0x0], $0xffff  }
0x136: {  	v17 =	vor.u32 $0xA, v9;
	v2 =	vadd.f32 v3, v2;
	v3 =	vmul.f32 v59, v59  }
0x137: {  	v62 =	vld.idx.msk [tilespmem:v41+s8+$0x0], $0xffff  }
0x138: {  	v19 =	vor.u32 $0xB, v9;
	v2 =	vadd.f32 v3, v2;
	v3 =	vmul.f32 v60, v60  }
0x139: {  	v63 =	vld.idx.msk [tilespmem:v16+s8+$0x0], $0xffff  }
0x13a: {  	v20 =	vor.u32 $0xC, v9;
	v2 =	vadd.f32 v3, v2;
	v3 =	vmul.f32 v61, v61  }
0x13b: {  	v12 =	vld.idx.msk [tilespmem:v17+s8+$0x0], $0xffff  }
0x13c: {  	v22 =	vor.u32 $0xD, v9;
	v2 =	vadd.f32 v3, v2;
	v3 =	vmul.f32 v62, v62  }
0x13d: {  	v15 =	vld.idx.msk [tilespmem:v19+s8+$0x0], $0xffff  }
0x13e: {  	v24 =	vor.u32 $0xE, v9;
	v2 =	vadd.f32 v3, v2;
	v3 =	vmul.f32 v63, v63  }
0x13f: {  	v18 =	vld.idx.msk [tilespmem:v20+s8+$0x0], $0xffff  }
0x140: {  	v26 =	vor.u32 $0xF, v9;
	v2 =	vadd.f32 v3, v2;
	v3 =	vmul.f32 v12, v12  }
0x141: {  	v21 =	vld.idx.msk [tilespmem:v22+s8+$0x0], $0xffff  }
0x142: {  	v27 =	vor.u32 $0x10, v9;
	v2 =	vadd.f32 v3, v2;
	v3 =	vmul.f32 v15, v15  }
0x143: {  	v25 =	vld.idx.msk [tilespmem:v24+s8+$0x0], $0xffff  }
0x144: {  	v30 =	vor.u32 $0x11, v9;
	v2 =	vadd.f32 v3, v2;
	v3 =	vmul.f32 v18, v18  }
0x145: {  	v28 =	vld.idx.msk [tilespmem:v26+s8+$0x0], $0xffff  }
0x146: {  	v32 =	vor.u32 $0x12, v9;
	v2 =	vadd.f32 v3, v2;
	v3 =	vmul.f32 v21, v21  }
0x147: {  	v29 =	vld.idx.msk [tilespmem:v27+s8+$0x0], $0xffff  }
0x148: {  	v35 =	vor.u32 $0x13, v9;
	v2 =	vadd.f32 v3, v2;
	v3 =	vmul.f32 v25, v25  }
0x149: {  	v31 =	vld.idx.msk [tilespmem:v30+s8+$0x0], $0xffff  }
0x14a: {  	v37 =	vor.u32 $0x14, v9;
	v2 =	vadd.f32 v3, v2;
	v3 =	vmul.f32 v28, v28  }
0x14b: {  	v33 =	vld.idx.msk [tilespmem:v32+s8+$0x0], $0xffff  }
0x14c: {  	v39 =	vor.u32 $0x15, v9;
	v2 =	vadd.f32 v3, v2;
	v3 =	vmul.f32 v29, v29  }
0x14d: {  	v34 =	vld.idx.msk [tilespmem:v35+s8+$0x0], $0xffff  }
0x14e: {  	v43 =	vor.u32 $0x16, v9;
	v2 =	vadd.f32 v3, v2;
	v3 =	vmul.f32 v31, v31  }
0x14f: {  	v36 =	vld.idx.msk [tilespmem:v37+s8+$0x0], $0xffff  }
0x150: {  	v45 =	vor.u32 $0x17, v9;
	v2 =	vadd.f32 v3, v2;
	v3 =	vmul.f32 v33, v33  }
0x151: {  	v38 =	vld.idx.msk [tilespmem:v39+s8+$0x0], $0xffff  }
0x152: {  	v48 =	vor.u32 $0x18, v9;
	v2 =	vadd.f32 v3, v2;
	v3 =	vmul.f32 v34, v34  }
0x153: {  	v40 =	vld.idx.msk [tilespmem:v43+s8+$0x0], $0xffff  }
0x154: {  	v53 =	vor.u32 $0x19, v9;
	v2 =	vadd.f32 v3, v2;
	v3 =	vmul.f32 v36, v36  }
0x155: {  	v42 =	vld.idx.msk [tilespmem:v45+s8+$0x0], $0xffff  }
0x156: {  	v56 =	vor.u32 $0x1A, v9;
	v2 =	vadd.f32 v3, v2;
	v3 =	vmul.f32 v38, v38  }
0x157: {  	v44 =	vld.idx.msk [tilespmem:v48+s8+$0x0], $0xffff  }
0x158: {  	v58 =	vor.u32 $0x1B, v9;
	v2 =	vadd.f32 v3, v2;
	v3 =	vmul.f32 v40, v40  }
0x159: {  	v46 =	vld.idx.msk [tilespmem:v53+s8+$0x0], $0xffff  }
0x15a: {  	v1 =	vor.u32 $0x1C, v9;
	v2 =	vadd.f32 v3, v2;
	v3 =	vmul.f32 v42, v42  }
0x15b: {  	v47 =	vld.idx.msk [tilespmem:v56+s8+$0x0], $0xffff  }
0x15c: {  	v50 =	vor.u32 $0x1D, v9;
	v2 =	vadd.f32 v3, v2;
	v3 =	vmul.f32 v44, v44  }
0x15d: {  	v51 =	vld.idx.msk [tilespmem:v58+s8+$0x0], $0xffff  }
0x15e: {  	v59 =	vor.u32 $0x1E, v9;
	v2 =	vadd.f32 v3, v2;
	v3 =	vmul.f32 v46, v46  }
0x15f: {  	v52 =	vld.idx.msk [tilespmem:v1+s8+$0x0], $0xffff  }
0x160: {  	v60 =	vor.u32 $0x1F, v9;
	v2 =	vadd.f32 v3, v2;
	v3 =	vmul.f32 v47, v47  }
0x161: {  	v54 =	vld.idx.msk [tilespmem:v50+s8+$0x0], $0xffff  }
0x162: {  	v18 =	vor.u32 $0x20, v9;
	v2 =	vadd.f32 v3, v2;
	v3 =	vmul.f32 v51, v51  }
0x163: {  	v55 =	vld.idx.msk [tilespmem:v59+s8+$0x0], $0xffff  }
0x164: {  	v12 =	vor.u32 $0x21, v9;
	v2 =	vadd.f32 v3, v2;
	v3 =	vmul.f32 v52, v52  }
0x165: {  	v57 =	vld.idx.msk [tilespmem:v60+s8+$0x0], $0xffff  }
0x166: {  	v15 =	vor.u32 $0x22, v9;
	v2 =	vadd.f32 v3, v2;
	v3 =	vmul.f32 v54, v54  }
0x167: {  	v61 =	vld.idx.msk [tilespmem:v18+s8+$0x0], $0xffff  }
0x168: {  	v62 =	vor.u32 $0x23, v9;
	v2 =	vadd.f32 v3, v2;
	v3 =	vmul.f32 v55, v55  }
0x169: {  	v63 =	vld.idx.msk [tilespmem:v12+s8+$0x0], $0xffff  }
0x16a: {  	v21 =	vor.u32 $0x24, v9;
	v2 =	vadd.f32 v3, v2;
	v3 =	vmul.f32 v57, v57  }
0x16b: {  	v25 =	vld.idx.msk [tilespmem:v15+s8+$0x0], $0xffff  }
0x16c: {  	v28 =	vor.u32 $0x25, v9;
	v2 =	vadd.f32 v3, v2;
	v3 =	vmul.f32 v61, v61  }
0x16d: {  	v29 =	vld.idx.msk [tilespmem:v62+s8+$0x0], $0xffff  }
0x16e: {  	v38 =	vor.u32 $0x26, v9;
	v2 =	vadd.f32 v3, v2;
	v3 =	vmul.f32 v63, v63  }
0x16f: {  	v31 =	vld.idx.msk [tilespmem:v21+s8+$0x0], $0xffff  }
0x170: {  	v33 =	vor.u32 $0x27, v9;
	v2 =	vadd.f32 v3, v2;
	v3 =	vmul.f32 v25, v25  }
0x171: {  	v34 =	vld.idx.msk [tilespmem:v28+s8+$0x0], $0xffff  }
0x172: {  	v36 =	vor.u32 $0x28, v9;
	v2 =	vadd.f32 v3, v2;
	v3 =	vmul.f32 v29, v29  }
0x173: {  	v40 =	vld.idx.msk [tilespmem:v38+s8+$0x0], $0xffff  }
0x174: {  	v42 =	vor.u32 $0x29, v9;
	v2 =	vadd.f32 v3, v2;
	v3 =	vmul.f32 v31, v31  }
0x175: {  	v44 =	vld.idx.msk [tilespmem:v33+s8+$0x0], $0xffff  }
0x176: {  	v46 =	vor.u32 $0x2A, v9;
	v2 =	vadd.f32 v3, v2;
	v3 =	vmul.f32 v34, v34  }
0x177: {  	v47 =	vld.idx.msk [tilespmem:v36+s8+$0x0], $0xffff  }
0x178: {  	v49 =	vor.u32 $0x2B, v9;
	v2 =	vadd.f32 v3, v2;
	v3 =	vmul.f32 v40, v40  }
0x179: {  	v51 =	vld.idx.msk [tilespmem:v42+s8+$0x0], $0xffff  }
0x17a: {  	v52 =	vor.u32 $0x2C, v9;
	v2 =	vadd.f32 v3, v2;
	v3 =	vmul.f32 v44, v44  }
0x17b: {  	v54 =	vld.idx.msk [tilespmem:v46+s8+$0x0], $0xffff  }
0x17c: {  	v55 =	vor.u32 $0x2D, v9;
	v2 =	vadd.f32 v3, v2;
	v3 =	vmul.f32 v47, v47  }
0x17d: {  	v57 =	vld.idx.msk [tilespmem:v49+s8+$0x0], $0xffff  }
0x17e: {  	v61 =	vor.u32 $0x2E, v9;
	v2 =	vadd.f32 v3, v2;
	v3 =	vmul.f32 v51, v51  }
0x17f: {  	[tilespmem:$0x1FE40] =	vst v62;
	v62 =	vld.idx.msk [tilespmem:v52+s8+$0x0], $0xffff  }
0x180: {  	v63 =	vor.u32 $0x2F, v9;
	v2 =	vadd.f32 v3, v2;
	v3 =	vmul.f32 v54, v54  }
0x181: {  	[tilespmem:$0x1FE60] =	vst v21;
	v21 =	vld.idx.msk [tilespmem:v55+s8+$0x0], $0xffff  }
0x182: {  	v25 =	vor.u32 $0x30, v9;
	v2 =	vadd.f32 v3, v2;
	v3 =	vmul.f32 v57, v57  }
0x183: {  	[tilespmem:$0x1FE70] =	vst v28;
	v28 =	vld.idx.msk [tilespmem:v61+s8+$0x0], $0xffff  }
0x184: {  	v29 =	vor.u32 $0x31, v9;
	v2 =	vadd.f32 v3, v2;
	v3 =	vmul.f32 v62, v62  }
0x185: {  	v31 =	vld.idx.msk [tilespmem:v63+s8+$0x0], $0xffff  }
0x186: {  	[tilespmem:$0x1FEB0] =	vst v33;
	v33 =	vor.u32 $0x32, v9;
	v2 =	vadd.f32 v3, v2;
	v3 =	vmul.f32 v21, v21  }
0x187: {  	v34 =	vld.idx.msk [tilespmem:v25+s8+$0x0], $0xffff  }
0x188: {  	[tilespmem:$0x1FEC0] =	vst v36;
	v36 =	vor.u32 $0x33, v9;
	v2 =	vadd.f32 v3, v2;
	v3 =	vmul.f32 v28, v28  }
0x189: {  	v40 =	vld.idx.msk [tilespmem:v29+s8+$0x0], $0xffff  }
0x18a: {  	[tilespmem:$0x1FEE0] =	vst v42;
	v42 =	vor.u32 $0x34, v9;
	v2 =	vadd.f32 v3, v2;
	v3 =	vmul.f32 v31, v31  }
0x18b: {  	v44 =	vld.idx.msk [tilespmem:v33+s8+$0x0], $0xffff  }
0x18c: {  	[tilespmem:$0x1FF00] =	vst v46;
	v46 =	vor.u32 $0x35, v9;
	v2 =	vadd.f32 v3, v2;
	v3 =	vmul.f32 v34, v34  }
0x18d: {  	v47 =	vld.idx.msk [tilespmem:v36+s8+$0x0], $0xffff  }
0x18e: {  	[tilespmem:$0x1FF20] =	vst v49;
	v49 =	vor.u32 $0x36, v9;
	v2 =	vadd.f32 v3, v2;
	v3 =	vmul.f32 v40, v40  }
0x18f: {  	v51 =	vld.idx.msk [tilespmem:v42+s8+$0x0], $0xffff  }
0x190: {  	[tilespmem:$0x1FF30] =	vst v52;
	v52 =	vor.u32 $0x37, v9;
	v2 =	vadd.f32 v3, v2;
	v3 =	vmul.f32 v44, v44  }
0x191: {  	v54 =	vld.idx.msk [tilespmem:v46+s8+$0x0], $0xffff  }
0x192: {  	[tilespmem:$0x1FF40] =	vst v55;
	v55 =	vor.u32 $0x38, v9;
	v2 =	vadd.f32 v3, v2;
	v3 =	vmul.f32 v47, v47  }
0x193: {  	v57 =	vld.idx.msk [tilespmem:v49+s8+$0x0], $0xffff  }
0x194: {  	[tilespmem:$0x1FF60] =	vst v61;
	v61 =	vor.u32 $0x39, v9;
	v2 =	vadd.f32 v3, v2;
	v3 =	vmul.f32 v51, v51  }
0x195: {  	v62 =	vld.idx.msk [tilespmem:v52+s8+$0x0], $0xffff  }
0x196: {  	[tilespmem:$0x1FF70] =	vst v63;
	v63 =	vor.u32 $0x3A, v9;
	v2 =	vadd.f32 v3, v2;
	v3 =	vmul.f32 v54, v54  }
0x197: {  	v21 =	vld.idx.msk [tilespmem:v55+s8+$0x0], $0xffff  }
0x198: {  	[tilespmem:$0x1FF80] =	vst v25;
	v25 =	vor.u32 $0x3B, v9;
	v2 =	vadd.f32 v3, v2;
	v3 =	vmul.f32 v57, v57  }
0x199: {  	v28 =	vld.idx.msk [tilespmem:v61+s8+$0x0], $0xffff  }
0x19a: {  	[tilespmem:$0x1FFA0] =	vst v29;
	v29 =	vor.u32 $0x3C, v9;
	v2 =	vadd.f32 v3, v2;
	v3 =	vmul.f32 v62, v62  }
0x19b: {  	v31 =	vld.idx.msk [tilespmem:v63+s8+$0x0], $0xffff  }
0x19c: {  	[tilespmem:$0x1FFB0] =	vst v33;
	v33 =	vor.u32 $0x3D, v9;
	v2 =	vadd.f32 v3, v2;
	v3 =	vmul.f32 v21, v21  }
0x19d: {  	v34 =	vld.idx.msk [tilespmem:v25+s8+$0x0], $0xffff  }
0x19e: {  	[tilespmem:$0x1FFC0] =	vst v36;
	v36 =	vor.u32 $0x3E, v9;
	v2 =	vadd.f32 v3, v2;
	v3 =	vmul.f32 v28, v28  }
0x19f: {  	v40 =	vld.idx.msk [tilespmem:v29+s8+$0x0], $0xffff  }
0x1a0: {  	[tilespmem:$0x1FFD0] =	vst v42;
	v42 =	vor.u32 $0x3F, v9;
	v2 =	vadd.f32 v3, v2;
	v3 =	vmul.f32 v31, v31  }
0x1a1: {  	v44 =	vld.idx.msk [tilespmem:v33+s8+$0x0], $0xffff  }
0x1a2: {  	v2 =	vadd.f32 v3, v2;
	v3 =	vmul.f32 v34, v34  }
0x1a3: {  	[tilespmem:$0x1FFE0] =	vst v46;
	v46 =	vld.idx.msk [tilespmem:v36+s8+$0x0], $0xffff  }
0x1a4: {  	v2 =	vadd.f32 v3, v2;
	v3 =	vmul.f32 v40, v40  }
0x1a5: {  	v47 =	vld.idx.msk [tilespmem:v42+s8+$0x0], $0xffff  }
0x1a6: {  	v2 =	vadd.f32 v3, v2;
	v3 =	vmul.f32 v44, v44;
	_ =	sdelay $0x1  }
0x1a7: {  	v2 =	vadd.f32 v3, v2;
	v3 =	vmul.f32 v46, v46;
	_ =	sdelay $0x1  }
0x1a8: {  	v2 =	vadd.f32 v3, v2;
	v3 =	vmul.f32 v47, v47;
	_ =	sdelay $0x1  }
0x1a9: {  	v2 =	vadd.f32 v3, v2;
	_ =	sdelay $0x1  }
0x1aa: {  	v2 =	vmax.f32 v2, $1.000000000e-30  }
0x1ab: {  	[tilespmem:$0x1F890] =	vst v49;
	v3 =	vshrl.u32 v2, $0x1;
	v49 =	vmul.f32 $5.000000000e-01, v2  }
0x1ac: {  	v3 =	vsub.s32 $0x5F3759DF, v3  }
0x1ad: {  	v51 =	vmul.f32 v3, v49;
	_ =	sdelay $0x1  }
0x1ae: {  	v5 =	vmul.f32 v3, v51;
	_ =	sdelay $0x1  }
0x1af: {  	v5 =	vsub.f32 $1.500000000e+00, v5;
	_ =	sdelay $0x1  }
0x1b0: {  	v3 =	vmul.f32 v3, v5;
	_ =	sdelay $0x1  }
0x1b1: {  	v5 =	vmul.f32 v3, v49;
	_ =	sdelay $0x1  }
0x1b2: {  	v5 =	vmul.f32 v5, v3;
	_ =	sdelay $0x1  }
0x1b3: {  	v5 =	vsub.f32 $1.500000000e+00, v5;
	_ =	sdelay $0x1  }
0x1b4: {  	v3 =	vmul.f32 v5, v3;
	_ =	sdelay $0x1  }
0x1b5: {  	v4 =	vmul.f32 v3, v49;
	_ =	sdelay $0x1  }
0x1b6: {  	v4 =	vmul.f32 v4, v3;
	_ =	sdelay $0x1  }
0x1b7: {  	v4 =	vsub.f32 $1.500000000e+00, v4;
	_ =	sdelay $0x1  }
0x1b8: {  	v3 =	vmul.f32 v4, v3;
	_ =	sdelay $0x1  }
0x1b9: {  	v2 =	vmul.f32 v3, v2;
	_ =	sdelay $0x1  }
0x1ba: {  	v2 =	vmax.f32 v2, $9.999999960e-13  }
0x1bb: {  	(erf) = vrcp.f32 v2;
	_ =	sdelay $0x8  }
0x1bc: {  	v3 =	vpop (erf)  }
0x1bd: {  	v5 =	vmul.f32 v3, v0;
	_ =	sdelay $0x1  }
0x1be: {  	[tilespmem:$0xC800] =	vst v5  }
0x1bf: {  	v2 =	vld.idx.msk [tilespmem:v7+s8+$0x0], $0xffff;
	_ =	sdelay $0x2  }
0x1c0: {  	[tilespmem:$0x1FA00] =	vst v7  }
0x1c1: {  	[tilespmem:$0x1FE00] =	vst v12  }
0x1c2: {  	[tilespmem:$0x1F8F0] =	vst v52;
	v52 =	vmov v7;
	v12 =	vld.idx.msk [tilespmem:v9+s17+$0x0], $0xffff;
	v7 =	vmul.f32 v3, v2  }
0x1c3: {  	[tilespmem:$0x1FE10] =	vst v15;
	v15 =	vld.idx.msk [tilespmem:v9+s18+$0x0], $0xffff  }
0x1c4: {  	v0 =	vld.idx.msk [tilespmem:v9+s6+$0x0], $0xffff;
	[tilespmem:$0xC810] =	vst v7  }
0x1c5: {  	v54 =	vld.idx.msk [tilespmem:v14+s8+$0x0], $0xffff;
	_ =	sdelay $0x2  }
0x1c6: {  	[tilespmem:$0x1FA20] =	vst v14  }
0x1c7: {  	[tilespmem:$0x1F3C0] =	vst v0;
	v0 =	vmov v14  }
0x1c8: {  	[tilespmem:$0x1FA40] =	vst v23;
	v2 =	vld.idx.msk [tilespmem:v52+s6+$0x0], $0xffff;
	v21 =	vmul.f32 v3, v54  }
0x1c9: {  	[tilespmem:$0x1FDE0] =	vst v18;
	v18 =	vld.idx.msk [tilespmem:v52+s17+$0x0], $0xffff  }
0x1ca: {  	v14 =	vld.idx.msk [tilespmem:v52+s18+$0x0], $0xffff;
	[tilespmem:$0xC820] =	vst v21  }
0x1cb: {  	[tilespmem:$0x1F920] =	vst v55;
	v55 =	vld.idx.msk [tilespmem:v23+s8+$0x0], $0xffff  }
0x1cc: {  	[tilespmem:$0x1F9A0] =	vst v25;
	v25 =	vld.idx.msk [tilespmem:v0+s17+$0x0], $0xffff  }
0x1cd: {  	[tilespmem:$0x1F3D0] =	vst v2;
	v2 =	vmov v23;
	v23 =	vld.idx.msk [tilespmem:v0+s18+$0x0], $0xffff  }
0x1ce: {  	v0 =	vld.idx.msk [tilespmem:v0+s6+$0x0], $0xffff;
	_ =	sdelay $0x1  }
0x1cf: {  	v28 =	vmul.f32 v3, v55  }
0x1d0: {  	[tilespmem:$0x1FA60] =	vst v8  }
0x1d1: {  	[tilespmem:$0xC830] =	vst v28  }
0x1d2: {  	[tilespmem:$0x1F3E0] =	vst v0;
	v0 =	vmov v8;
	v8 =	vld.idx.msk [tilespmem:v8+s8+$0x0], $0xffff;
	_ =	sdelay $0x3  }
0x1d3: {  	[tilespmem:$0x1F980] =	vst v63;
	v63 =	vld.idx.msk [tilespmem:v2+s17+$0x0], $0xffff  }
0x1d4: {  	v31 =	vmul.f32 v3, v8;
	v8 =	vld.idx.msk [tilespmem:v2+s18+$0x0], $0xffff  }
0x1d5: {  	v2 =	vld.idx.msk [tilespmem:v2+s6+$0x0], $0xffff;
	_ =	sdelay $0x2  }
0x1d6: {  	[tilespmem:$0x1FA80] =	vst v10  }
0x1d7: {  	[tilespmem:$0xC840] =	vst v31  }
0x1d8: {  	[tilespmem:$0x1F3F0] =	vst v2;
	v2 =	vmov v10;
	v10 =	vld.idx.msk [tilespmem:v10+s8+$0x0], $0xffff;
	_ =	sdelay $0x3  }
0x1d9: {  	[tilespmem:$0x1F9B0] =	vst v29;
	v29 =	vld.idx.msk [tilespmem:v0+s17+$0x0], $0xffff  }
0x1da: {  	[tilespmem:$0x1F9C0] =	vst v33;
	v33 =	vmul.f32 v10, v3;
	v10 =	vld.idx.msk [tilespmem:v0+s18+$0x0], $0xffff  }
0x1db: {  	v0 =	vld.idx.msk [tilespmem:v0+s6+$0x0], $0xffff;
	_ =	sdelay $0x2  }
0x1dc: {  	[tilespmem:$0x1FAA0] =	vst v11  }
0x1dd: {  	[tilespmem:$0xC850] =	vst v33  }
0x1de: {  	[tilespmem:$0x1F400] =	vst v0;
	v0 =	vmov v11;
	v11 =	vld.idx.msk [tilespmem:v11+s8+$0x0], $0xffff;
	_ =	sdelay $0x3  }
0x1df: {  	v34 =	vld.idx.msk [tilespmem:v2+s17+$0x0], $0xffff  }
0x1e0: {  	[tilespmem:$0x1F9D0] =	vst v36;
	v36 =	vmul.f32 v11, v3;
	v11 =	vld.idx.msk [tilespmem:v2+s18+$0x0], $0xffff  }
0x1e1: {  	v2 =	vld.idx.msk [tilespmem:v2+s6+$0x0], $0xffff;
	_ =	sdelay $0x2  }
0x1e2: {  	[tilespmem:$0x1FAC0] =	vst v13  }
0x1e3: {  	[tilespmem:$0xC860] =	vst v36  }
0x1e4: {  	[tilespmem:$0x1F410] =	vst v2;
	v2 =	vmov v13;
	v13 =	vld.idx.msk [tilespmem:v13+s8+$0x0], $0xffff;
	_ =	sdelay $0x1  }
0x1e5: {  	v49 =	vld.idx.msk [tilespmem:v0+s17+$0x0], $0xffff  }
0x1e6: {  	v52 =	vld.idx.msk [tilespmem:v0+s18+$0x0], $0xffff  }
0x1e7: {  	v0 =	vld.idx.msk [tilespmem:v0+s6+$0x0], $0xffff  }
0x1e8: {  	v40 =	vmul.f32 v13, v3;
	_ =	sdelay $0x1  }
0x1e9: {  	[tilespmem:$0xC870] =	vst v40  }
0x1ea: {  	[tilespmem:$0x1FAD0] =	vst v41;
	v57 =	vld.idx.msk [tilespmem:v41+s8+$0x0], $0xffff  }
0x1eb: {  	[tilespmem:$0x1F420] =	vst v0;
	v0 =	vmov v41;
	v41 =	vld.idx.msk [tilespmem:v2+s17+$0x0], $0xffff  }
0x1ec: {  	v13 =	vld.idx.msk [tilespmem:v2+s18+$0x0], $0xffff  }
0x1ed: {  	v2 =	vld.idx.msk [tilespmem:v2+s6+$0x0], $0xffff;
	_ =	sdelay $0x1  }
0x1ee: {  	[tilespmem:$0x1F9E0] =	vst v42;
	v42 =	vmul.f32 v57, v3  }
0x1ef: {  	[tilespmem:$0x1FB00] =	vst v16  }
0x1f0: {  	[tilespmem:$0xC880] =	vst v42  }
0x1f1: {  	[tilespmem:$0x1F430] =	vst v2;
	v2 =	vmov v16;
	v16 =	vld.idx.msk [tilespmem:v16+s8+$0x0], $0xffff;
	_ =	sdelay $0x3  }
0x1f2: {  	v44 =	vld.idx.msk [tilespmem:v0+s17+$0x0], $0xffff  }
0x1f3: {  	v46 =	vmul.f32 v16, v3;
	v16 =	vld.idx.msk [tilespmem:v0+s18+$0x0], $0xffff  }
0x1f4: {  	v0 =	vld.idx.msk [tilespmem:v0+s6+$0x0], $0xffff;
	_ =	sdelay $0x2  }
0x1f5: {  	[tilespmem:$0x1FB20] =	vst v17  }
0x1f6: {  	[tilespmem:$0xC890] =	vst v46  }
0x1f7: {  	[tilespmem:$0x1F440] =	vst v0;
	v0 =	vmov v17;
	v17 =	vld.idx.msk [tilespmem:v17+s8+$0x0], $0xffff;
	_ =	sdelay $0x3  }
0x1f8: {  	v47 =	vld.idx.msk [tilespmem:v2+s17+$0x0], $0xffff  }
0x1f9: {  	v51 =	vmul.f32 v17, v3;
	v17 =	vld.idx.msk [tilespmem:v2+s18+$0x0], $0xffff  }
0x1fa: {  	v2 =	vld.idx.msk [tilespmem:v2+s6+$0x0], $0xffff;
	_ =	sdelay $0x2  }
0x1fb: {  	[tilespmem:$0x1FB30] =	vst v19  }
0x1fc: {  	[tilespmem:$0xC8A0] =	vst v51  }
0x1fd: {  	[tilespmem:$0x1F450] =	vst v2;
	v2 =	vmov v19;
	v19 =	vld.idx.msk [tilespmem:v19+s8+$0x0], $0xffff;
	_ =	sdelay $0x3  }
0x1fe: {  	v54 =	vld.idx.msk [tilespmem:v0+s17+$0x0], $0xffff  }
0x1ff: {  	v55 =	vmul.f32 v19, v3;
	v19 =	vld.idx.msk [tilespmem:v0+s18+$0x0], $0xffff  }
0x200: {  	v0 =	vld.idx.msk [tilespmem:v0+s6+$0x0], $0xffff;
	_ =	sdelay $0x2  }
0x201: {  	[tilespmem:$0x1FB50] =	vst v20  }
0x202: {  	[tilespmem:$0xC8B0] =	vst v55  }
0x203: {  	[tilespmem:$0x1F460] =	vst v0;
	v0 =	vmov v20;
	v20 =	vld.idx.msk [tilespmem:v20+s8+$0x0], $0xffff;
	_ =	sdelay $0x3  }
0x204: {  	v57 =	vld.idx.msk [tilespmem:v2+s17+$0x0], $0xffff  }
0x205: {  	[tilespmem:$0x1F960] =	vst v61;
	v61 =	vmul.f32 v20, v3;
	v20 =	vld.idx.msk [tilespmem:v2+s18+$0x0], $0xffff  }
0x206: {  	v2 =	vld.idx.msk [tilespmem:v2+s6+$0x0], $0xffff;
	_ =	sdelay $0x2  }
0x207: {  	[tilespmem:$0x1FB80] =	vst v22  }
0x208: {  	[tilespmem:$0xC8C0] =	vst v61  }
0x209: {  	[tilespmem:$0x1F470] =	vst v2;
	v2 =	vmov v22;
	v22 =	vld.idx.msk [tilespmem:v22+s8+$0x0], $0xffff;
	_ =	sdelay $0x3  }
0x20a: {  	v62 =	vld.idx.msk [tilespmem:v0+s17+$0x0], $0xffff  }
0x20b: {  	v4 =	vmul.f32 v22, v3;
	v22 =	vld.idx.msk [tilespmem:v0+s18+$0x0], $0xffff  }
0x20c: {  	v0 =	vld.idx.msk [tilespmem:v0+s6+$0x0], $0xffff;
	_ =	sdelay $0x1  }
0x20d: {  	[tilespmem:$0x1FBA0] =	vst v24  }
0x20e: {  	[tilespmem:$0xC8D0] =	vst v4  }
0x20f: {  	[tilespmem:$0x1FB90] =	vst v4;
	v4 =	vld.idx.msk [tilespmem:v2+s17+$0x0], $0xffff  }
0x210: {  	[tilespmem:$0x1F480] =	vst v0;
	v0 =	vmov v24;
	v24 =	vld.idx.msk [tilespmem:v24+s8+$0x0], $0xffff;
	_ =	sdelay $0x4  }
0x211: {  	[tilespmem:$0x1F490] =	vst v4;
	v4 =	vmul.f32 v24, v3;
	v24 =	vld.idx.msk [tilespmem:v2+s18+$0x0], $0xffff  }
0x212: {  	v2 =	vld.idx.msk [tilespmem:v2+s6+$0x0], $0xffff;
	_ =	sdelay $0x1  }
0x213: {  	[tilespmem:$0x1FBC0] =	vst v26  }
0x214: {  	[tilespmem:$0xC8E0] =	vst v4  }
0x215: {  	[tilespmem:$0x1FBB0] =	vst v4;
	v4 =	vld.idx.msk [tilespmem:v0+s17+$0x0], $0xffff  }
0x216: {  	[tilespmem:$0x1F4A0] =	vst v2;
	v2 =	vmov v26;
	v26 =	vld.idx.msk [tilespmem:v26+s8+$0x0], $0xffff;
	_ =	sdelay $0x4  }
0x217: {  	[tilespmem:$0x1F4B0] =	vst v4;
	v4 =	vmul.f32 v26, v3;
	v26 =	vld.idx.msk [tilespmem:v0+s18+$0x0], $0xffff  }
0x218: {  	v0 =	vld.idx.msk [tilespmem:v0+s6+$0x0], $0xffff;
	_ =	sdelay $0x1  }
0x219: {  	[tilespmem:$0x1FBE0] =	vst v27  }
0x21a: {  	[tilespmem:$0xC8F0] =	vst v4  }
0x21b: {  	[tilespmem:$0x1FBD0] =	vst v4;
	v4 =	vld.idx.msk [tilespmem:v2+s17+$0x0], $0xffff  }
0x21c: {  	[tilespmem:$0x1F4C0] =	vst v0;
	v0 =	vmov v27;
	v27 =	vld.idx.msk [tilespmem:v27+s8+$0x0], $0xffff;
	_ =	sdelay $0x4  }
0x21d: {  	[tilespmem:$0x1F4D0] =	vst v4;
	v4 =	vmul.f32 v27, v3;
	v27 =	vld.idx.msk [tilespmem:v2+s18+$0x0], $0xffff  }
0x21e: {  	v2 =	vld.idx.msk [tilespmem:v2+s6+$0x0], $0xffff;
	_ =	sdelay $0x1  }
0x21f: {  	[tilespmem:$0x1FC00] =	vst v30  }
0x220: {  	[tilespmem:$0xC900] =	vst v4  }
0x221: {  	[tilespmem:$0x1FBF0] =	vst v4;
	v4 =	vld.idx.msk [tilespmem:v0+s17+$0x0], $0xffff  }
0x222: {  	[tilespmem:$0x1F4E0] =	vst v2;
	v2 =	vmov v30;
	v30 =	vld.idx.msk [tilespmem:v30+s8+$0x0], $0xffff;
	_ =	sdelay $0x4  }
0x223: {  	[tilespmem:$0x1F4F0] =	vst v4;
	v4 =	vmul.f32 v30, v3;
	v30 =	vld.idx.msk [tilespmem:v0+s18+$0x0], $0xffff  }
0x224: {  	v0 =	vld.idx.msk [tilespmem:v0+s6+$0x0], $0xffff;
	_ =	sdelay $0x1  }
0x225: {  	[tilespmem:$0x1FC20] =	vst v32  }
0x226: {  	[tilespmem:$0xC910] =	vst v4  }
0x227: {  	[tilespmem:$0x1FC10] =	vst v4;
	v4 =	vld.idx.msk [tilespmem:v2+s17+$0x0], $0xffff  }
0x228: {  	[tilespmem:$0x1F500] =	vst v0;
	v0 =	vmov v32;
	v32 =	vld.idx.msk [tilespmem:v32+s8+$0x0], $0xffff;
	_ =	sdelay $0x4  }
0x229: {  	[tilespmem:$0x1F510] =	vst v4;
	v4 =	vmul.f32 v32, v3;
	v32 =	vld.idx.msk [tilespmem:v2+s18+$0x0], $0xffff  }
0x22a: {  	v2 =	vld.idx.msk [tilespmem:v2+s6+$0x0], $0xffff;
	_ =	sdelay $0x1  }
0x22b: {  	[tilespmem:$0x1FC40] =	vst v35  }
0x22c: {  	[tilespmem:$0xC920] =	vst v4  }
0x22d: {  	[tilespmem:$0x1FC30] =	vst v4;
	v4 =	vld.idx.msk [tilespmem:v0+s17+$0x0], $0xffff  }
0x22e: {  	[tilespmem:$0x1F520] =	vst v2;
	v2 =	vmov v35;
	v35 =	vld.idx.msk [tilespmem:v35+s8+$0x0], $0xffff;
	_ =	sdelay $0x4  }
0x22f: {  	[tilespmem:$0x1F530] =	vst v4;
	v4 =	vmul.f32 v35, v3;
	v35 =	vld.idx.msk [tilespmem:v0+s18+$0x0], $0xffff  }
0x230: {  	v0 =	vld.idx.msk [tilespmem:v0+s6+$0x0], $0xffff;
	_ =	sdelay $0x1  }
0x231: {  	[tilespmem:$0x1FC60] =	vst v37  }
0x232: {  	[tilespmem:$0xC930] =	vst v4  }
0x233: {  	[tilespmem:$0x1FC50] =	vst v4;
	v4 =	vld.idx.msk [tilespmem:v2+s17+$0x0], $0xffff  }
0x234: {  	[tilespmem:$0x1F540] =	vst v0;
	v0 =	vmov v37;
	v37 =	vld.idx.msk [tilespmem:v37+s8+$0x0], $0xffff;
	_ =	sdelay $0x4  }
0x235: {  	[tilespmem:$0x1F550] =	vst v4;
	v4 =	vmul.f32 v37, v3;
	v37 =	vld.idx.msk [tilespmem:v2+s18+$0x0], $0xffff  }
0x236: {  	v2 =	vld.idx.msk [tilespmem:v2+s6+$0x0], $0xffff;
	_ =	sdelay $0x1  }
0x237: {  	[tilespmem:$0x1FC70] =	vst v39  }
0x238: {  	[tilespmem:$0xC940] =	vst v4  }
0x239: {  	[tilespmem:$0x1FC80] =	vst v4;
	v4 =	vld.idx.msk [tilespmem:v0+s17+$0x0], $0xffff  }
0x23a: {  	[tilespmem:$0x1F560] =	vst v2;
	v2 =	vmov v39;
	v39 =	vld.idx.msk [tilespmem:v39+s8+$0x0], $0xffff;
	_ =	sdelay $0x4  }
0x23b: {  	[tilespmem:$0x1F570] =	vst v4;
	v4 =	vmul.f32 v39, v3;
	v39 =	vld.idx.msk [tilespmem:v0+s18+$0x0], $0xffff  }
0x23c: {  	v0 =	vld.idx.msk [tilespmem:v0+s6+$0x0], $0xffff;
	_ =	sdelay $0x1  }
0x23d: {  	[tilespmem:$0x1FCA0] =	vst v43  }
0x23e: {  	[tilespmem:$0xC950] =	vst v4  }
0x23f: {  	[tilespmem:$0x1FC90] =	vst v4;
	v4 =	vld.idx.msk [tilespmem:v2+s17+$0x0], $0xffff  }
0x240: {  	[tilespmem:$0x1F580] =	vst v0;
	v0 =	vmov v43;
	v43 =	vld.idx.msk [tilespmem:v43+s8+$0x0], $0xffff;
	_ =	sdelay $0x4  }
0x241: {  	[tilespmem:$0x1F590] =	vst v4;
	v4 =	vmul.f32 v43, v3;
	v43 =	vld.idx.msk [tilespmem:v2+s18+$0x0], $0xffff  }
0x242: {  	v2 =	vld.idx.msk [tilespmem:v2+s6+$0x0], $0xffff;
	_ =	sdelay $0x1  }
0x243: {  	[tilespmem:$0x1FCC0] =	vst v45  }
0x244: {  	[tilespmem:$0xC960] =	vst v4  }
0x245: {  	[tilespmem:$0x1FCB0] =	vst v4;
	v4 =	vld.idx.msk [tilespmem:v0+s17+$0x0], $0xffff  }
0x246: {  	[tilespmem:$0x1F5A0] =	vst v2;
	v2 =	vmov v45;
	v45 =	vld.idx.msk [tilespmem:v45+s8+$0x0], $0xffff;
	_ =	sdelay $0x4  }
0x247: {  	[tilespmem:$0x1F5B0] =	vst v4;
	v4 =	vmul.f32 v45, v3;
	v45 =	vld.idx.msk [tilespmem:v0+s18+$0x0], $0xffff  }
0x248: {  	v0 =	vld.idx.msk [tilespmem:v0+s6+$0x0], $0xffff;
	_ =	sdelay $0x1  }
0x249: {  	[tilespmem:$0x1FCD0] =	vst v48  }
0x24a: {  	[tilespmem:$0xC970] =	vst v4  }
0x24b: {  	[tilespmem:$0x1FCE0] =	vst v4;
	v4 =	vld.idx.msk [tilespmem:v2+s17+$0x0], $0xffff  }
0x24c: {  	[tilespmem:$0x1F5C0] =	vst v0;
	v0 =	vmov v48;
	v48 =	vld.idx.msk [tilespmem:v48+s8+$0x0], $0xffff;
	_ =	sdelay $0x4  }
0x24d: {  	[tilespmem:$0x1F5D0] =	vst v4;
	v4 =	vmul.f32 v48, v3;
	v48 =	vld.idx.msk [tilespmem:v2+s18+$0x0], $0xffff  }
0x24e: {  	v2 =	vld.idx.msk [tilespmem:v2+s6+$0x0], $0xffff  }
0x24f: {  	[tilespmem:$0xC980] =	vst v4  }
0x250: {  	[tilespmem:$0x1FD00] =	vst v4;
	v4 =	vld.idx.msk [tilespmem:v0+s17+$0x0], $0xffff;
	_ =	sdelay $0x1  }
0x251: {  	[tilespmem:$0x1FCF0] =	vst v53  }
0x252: {  	[tilespmem:$0x1F5E0] =	vst v2;
	v2 =	vmov v53;
	v53 =	vld.idx.msk [tilespmem:v53+s8+$0x0], $0xffff;
	_ =	sdelay $0x1  }
0x253: {  	[tilespmem:$0x1F5F0] =	vst v4;
	v4 =	vld.idx.msk [tilespmem:v0+s18+$0x0], $0xffff  }
0x254: {  	v0 =	vld.idx.msk [tilespmem:v0+s6+$0x0], $0xffff;
	_ =	sdelay $0x1  }
0x255: {  	v53 =	vmul.f32 v53, v3  }
0x256: {  	[tilespmem:$0x1FD20] =	vst v56  }
0x257: {  	[tilespmem:$0xC990] =	vst v53  }
0x258: {  	[tilespmem:$0x1F610] =	vst v0;
	v0 =	vmov v56;
	v56 =	vld.idx.msk [tilespmem:v56+s8+$0x0], $0xffff  }
0x259: {  	[tilespmem:$0x1F600] =	vst v4;
	v4 =	vld.idx.msk [tilespmem:v2+s17+$0x0], $0xffff;
	_ =	sdelay $0x4  }
0x25a: {  	[tilespmem:$0x1F620] =	vst v4;
	v4 =	vmul.f32 v56, v3;
	v56 =	vld.idx.msk [tilespmem:v2+s18+$0x0], $0xffff  }
0x25b: {  	v2 =	vld.idx.msk [tilespmem:v2+s6+$0x0], $0xffff;
	_ =	sdelay $0x1  }
0x25c: {  	[tilespmem:$0x1FD40] =	vst v58  }
0x25d: {  	[tilespmem:$0xC9A0] =	vst v4  }
0x25e: {  	[tilespmem:$0x1FD30] =	vst v4;
	v4 =	vld.idx.msk [tilespmem:v0+s17+$0x0], $0xffff  }
0x25f: {  	[tilespmem:$0x1F630] =	vst v2;
	v2 =	vmov v58;
	v58 =	vld.idx.msk [tilespmem:v58+s8+$0x0], $0xffff;
	_ =	sdelay $0x4  }
0x260: {  	[tilespmem:$0x1F640] =	vst v4;
	v4 =	vmul.f32 v58, v3;
	v58 =	vld.idx.msk [tilespmem:v0+s18+$0x0], $0xffff  }
0x261: {  	v0 =	vld.idx.msk [tilespmem:v0+s6+$0x0], $0xffff;
	_ =	sdelay $0x3  }
0x262: {  	[tilespmem:$0xC9B0] =	vst v4  }
0x263: {  	[tilespmem:$0x1F660] =	vst v0;
	v0 =	vld.idx.msk [tilespmem:v1+s8+$0x0], $0xffff  }
0x264: {  	[tilespmem:$0x1FD50] =	vst v4;
	v4 =	vld.idx.msk [tilespmem:v2+s17+$0x0], $0xffff  }
0x265: {  	[tilespmem:$0x1F650] =	vst v58;
	v58 =	vld.idx.msk [tilespmem:v2+s18+$0x0], $0xffff  }
0x266: {  	v2 =	vld.idx.msk [tilespmem:v2+s6+$0x0], $0xffff;
	_ =	sdelay $0x1  }
0x267: {  	v0 =	vmul.f32 v0, v3;
	_ =	sdelay $0x1  }
0x268: {  	[tilespmem:$0xC9C0] =	vst v0  }
0x269: {  	[tilespmem:$0x1F690] =	vst v2;
	v2 =	vld.idx.msk [tilespmem:v1+s17+$0x0], $0xffff;
	_ =	sdelay $0x1  }
0x26a: {  	[tilespmem:$0x1FD70] =	vst v0;
	v0 =	vld.idx.msk [tilespmem:v50+s8+$0x0], $0xffff;
	_ =	sdelay $0x2  }
0x26b: {  	[tilespmem:$0x1F6A0] =	vst v2;
	v2 =	vld.idx.msk [tilespmem:v1+s18+$0x0], $0xffff;
	_ =	sdelay $0x1  }
0x26c: {  	v0 =	vmul.f32 v0, v3  }
0x26d: {  	[tilespmem:$0x1FD60] =	vst v1  }
0x26e: {  	v1 =	vld.idx.msk [tilespmem:v1+s6+$0x0], $0xffff;
	[tilespmem:$0xC9D0] =	vst v0  }
0x26f: {  	[tilespmem:$0x1F6B0] =	vst v2;
	v2 =	vld.idx.msk [tilespmem:v50+s17+$0x0], $0xffff;
	_ =	sdelay $0x3  }
0x270: {  	[tilespmem:$0x1FD90] =	vst v0;
	v0 =	vld.idx.msk [tilespmem:v59+s8+$0x0], $0xffff  }
0x271: {  	[tilespmem:$0x1F6D0] =	vst v2;
	v2 =	vld.idx.msk [tilespmem:v50+s18+$0x0], $0xffff;
	_ =	sdelay $0x3  }
0x272: {  	v0 =	vmul.f32 v0, v3  }
0x273: {  	[tilespmem:$0x1F6E0] =	vst v2  }
0x274: {  	v2 =	vld.idx.msk [tilespmem:v50+s6+$0x0], $0xffff;
	[tilespmem:$0xC9E0] =	vst v0  }
0x275: {  	[tilespmem:$0x1FDB0] =	vst v0;
	v0 =	vld.idx.msk [tilespmem:v60+s8+$0x0], $0xffff;
	_ =	sdelay $0x2  }
0x276: {  	[tilespmem:$0x1F6C0] =	vst v1;
	v1 =	vld.idx.msk [tilespmem:v59+s6+$0x0], $0xffff;
	_ =	sdelay $0x1  }
0x277: {  	[tilespmem:$0x1FD80] =	vst v50;
	v6 =	vld [tilespmem:$0x1FDE0];
	v0 =	vmul.f32 v0, v3  }
0x278: {  	[tilespmem:$0x1F680] =	vst v58;
	v50 =	vld.idx.msk [tilespmem:v59+s17+$0x0], $0xffff  }
0x279: {  	v58 =	vld.idx.msk [tilespmem:v59+s18+$0x0], $0xffff;
	[tilespmem:$0xC9F0] =	vst v0  }
0x27a: {  	[tilespmem:$0x1F720] =	vst v1;
	v1 =	vld.idx.msk [tilespmem:v60+s17+$0x0], $0xffff;
	_ =	sdelay $0x4  }
0x27b: {  	[tilespmem:$0x1F730] =	vst v1;
	v1 =	vld.idx.msk [tilespmem:v60+s18+$0x0], $0xffff;
	_ =	sdelay $0x1  }
0x27c: {  	[tilespmem:$0x1FDD0] =	vst v0;
	v0 =	vld.idx.msk [tilespmem:v6+s8+$0x0], $0xffff;
	_ =	sdelay $0x2  }
0x27d: {  	[tilespmem:$0x1F740] =	vst v1;
	v1 =	vld.idx.msk [tilespmem:v60+s6+$0x0], $0xffff  }
0x27e: {  	[tilespmem:$0x1F700] =	vst v50;
	v50 =	vld [tilespmem:$0x1FE00]  }
0x27f: {  	v0 =	vmul.f32 v0, v3;
	_ =	sdelay $0x1  }
0x280: {  	[tilespmem:$0xCA00] =	vst v0  }
0x281: {  	[tilespmem:$0x1F750] =	vst v1;
	v1 =	vld.idx.msk [tilespmem:v6+s17+$0x0], $0xffff;
	_ =	sdelay $0x3  }
0x282: {  	[tilespmem:$0x1FDF0] =	vst v0;
	v0 =	vld.idx.msk [tilespmem:v50+s8+$0x0], $0xffff  }
0x283: {  	[tilespmem:$0x1F760] =	vst v1;
	v1 =	vld.idx.msk [tilespmem:v6+s18+$0x0], $0xffff;
	_ =	sdelay $0x3  }
0x284: {  	v0 =	vmul.f32 v0, v3  }
0x285: {  	[tilespmem:$0x1F770] =	vst v1;
	v1 =	vld.idx.msk [tilespmem:v6+s6+$0x0], $0xffff  }
0x286: {  	[tilespmem:$0xCA10] =	vst v0  }
0x287: {  	[tilespmem:$0x1F6F0] =	vst v2;
	v2 =	vld.idx.msk [tilespmem:v50+s17+$0x0], $0xffff;
	_ =	sdelay $0x2  }
0x288: {  	[tilespmem:$0x1F780] =	vst v1;
	v1 =	vld [tilespmem:$0x1FE10];
	_ =	sdelay $0x1  }
0x289: {  	[tilespmem:$0x1F790] =	vst v2;
	v2 =	vld.idx.msk [tilespmem:v50+s18+$0x0], $0xffff;
	_ =	sdelay $0x4  }
0x28a: {  	[tilespmem:$0x1F7A0] =	vst v2;
	v2 =	vld.idx.msk [tilespmem:v50+s6+$0x0], $0xffff  }
0x28b: {  	[tilespmem:$0x1FE20] =	vst v0;
	v0 =	vld.idx.msk [tilespmem:v1+s8+$0x0], $0xffff;
	_ =	sdelay $0x3  }
0x28c: {  	[tilespmem:$0x1F7B0] =	vst v2;
	v2 =	vld [tilespmem:$0x1FE40]  }
0x28d: {  	v0 =	vmul.f32 v0, v3;
	_ =	sdelay $0x1  }
0x28e: {  	[tilespmem:$0xCA20] =	vst v0  }
0x28f: {  	[tilespmem:$0x1F710] =	vst v58;
	v58 =	vld.idx.msk [tilespmem:v1+s17+$0x0], $0xffff  }
0x290: {  	[tilespmem:$0x1FDA0] =	vst v59;
	v59 =	vld.idx.msk [tilespmem:v1+s18+$0x0], $0xffff  }
0x291: {  	v1 =	vld.idx.msk [tilespmem:v1+s6+$0x0], $0xffff;
	_ =	sdelay $0x1  }
0x292: {  	[tilespmem:$0x1FE30] =	vst v0;
	v0 =	vld.idx.msk [tilespmem:v2+s8+$0x0], $0xffff;
	_ =	sdelay $0x2  }
0x293: {  	[tilespmem:$0x1F7E0] =	vst v1;
	v1 =	vld [tilespmem:$0x1FE60];
	_ =	sdelay $0x1  }
0x294: {  	v0 =	vmul.f32 v0, v3;
	_ =	sdelay $0x1  }
0x295: {  	[tilespmem:$0xCA30] =	vst v0  }
0x296: {  	v50 =	vld.idx.msk [tilespmem:v2+s18+$0x0], $0xffff;
	_ =	sdelay $0x2  }
0x297: {  	[tilespmem:$0x1FE50] =	vst v0;
	v0 =	vld.idx.msk [tilespmem:v1+s8+$0x0], $0xffff  }
0x298: {  	[tilespmem:$0x1FDC0] =	vst v60;
	v60 =	vld.idx.msk [tilespmem:v2+s17+$0x0], $0xffff  }
0x299: {  	[tilespmem:$0x1F800] =	vst v50;
	v50 =	vld [tilespmem:$0x1FE70]  }
0x29a: {  	v2 =	vld.idx.msk [tilespmem:v2+s6+$0x0], $0xffff;
	_ =	sdelay $0x1  }
0x29b: {  	v0 =	vmul.f32 v0, v3;
	_ =	sdelay $0x1  }
0x29c: {  	[tilespmem:$0xCA40] =	vst v0  }
0x29d: {  	[tilespmem:$0x1F810] =	vst v2;
	v2 =	vld.idx.msk [tilespmem:v1+s17+$0x0], $0xffff;
	_ =	sdelay $0x1  }
0x29e: {  	[tilespmem:$0x1FE80] =	vst v0;
	v0 =	vld.idx.msk [tilespmem:v50+s8+$0x0], $0xffff  }
0x29f: {  	[tilespmem:$0x1F9F0] =	vst v5  }
0x2a0: {  	[tilespmem:$0x1FA10] =	vst v7  }
0x2a1: {  	[tilespmem:$0x1F820] =	vst v2;
	v2 =	vld.idx.msk [tilespmem:v1+s18+$0x0], $0xffff  }
0x2a2: {  	[tilespmem:$0x1F670] =	vst v4;
	v1 =	vld.idx.msk [tilespmem:v1+s6+$0x0], $0xffff  }
0x2a3: {  	[tilespmem:$0x1F7C0] =	vst v58;
	v0 =	vmul.f32 v0, v3  }
0x2a4: {  	[tilespmem:$0x1F7F0] =	vst v60  }
0x2a5: {  	[tilespmem:$0x1FE90] =	vst v0  }
0x2a6: {  	[tilespmem:$0xCA50] =	vst v0;
	v0 =	vmul.f32 v5, v12  }
0x2a7: {  	v60 =	vmul.f32 v18, v18;
	[tilespmem:$0x1F840] =	vst v1;
	v1 =	vmul.f32 v5, v15;
	v6 =	vld.idx.msk [tilespmem:v38+s8+$0x0], $0xffff  }
0x2a8: {  	v58 =	vmovc v7;
	[tilespmem:$0x1F830] =	vst v2;
	v5 =	vmul.f32 v12, v12;
	v2 =	vadd.f32 $0.0e+00, v0;
	v0 =	vmul.f32 v7, v18;
	v18 =	vld [tilespmem:$0x1F3D0]  }
0x2a9: {  	[tilespmem:$0x1F7D0] =	vst v59;
	v59 =	vadd.f32 $0.0e+00, v1;
	v1 =	vmul.f32 v58, v14;
	v58 =	vld.idx.msk [tilespmem:v50+s17+$0x0], $0xffff  }
0x2aa: {  	v4 =	vmul.f32 v14, v14;
	v7 =	vmul.f32 v15, v15;
	v5 =	vadd.f32 v60, v5;
	v60 =	vld.idx.msk [tilespmem:v50+s18+$0x0], $0xffff  }
0x2ab: {  	v0 =	vadd.f32 v2, v0;
	v2 =	vld [tilespmem:$0x1F3C0];
	v1 =	vadd.f32 v59, v1;
	v59 =	vmul.f32 v21, v25  }
0x2ac: {  	v4 =	vadd.f32 v4, v7;
	v15 =	vmul.f32 v6, v3  }
0x2ad: {  	[tilespmem:$0x1FA30] =	vst v21;
	v0 =	vadd.f32 v0, v59;
	v59 =	vld [tilespmem:$0x1F3E0];
	v14 =	vmul.f32 v18, v18;
	v18 =	vmul.f32 v21, v23  }
0x2ae: {  	[tilespmem:$0x1F850] =	vst v58;
	v21 =	vld.idx.msk [tilespmem:v50+s6+$0x0], $0xffff;
	v50 =	vmul.f32 v25, v25;
	v58 =	vmul.f32 v23, v23  }
0x2af: {  	[tilespmem:$0x1F860] =	vst v60;
	v60 =	vmul.f32 v28, v63;
	v23 =	vmul.f32 v63, v63;
	v1 =	vadd.f32 v1, v18;
	v18 =	vld [tilespmem:$0x1FEB0]  }
0x2b0: {  	[tilespmem:$0x1FEA0] =	vst v38;
	v25 =	vmul.f32 v8, v8;
	v2 =	vmul.f32 v2, v2  }
0x2b1: {  	[tilespmem:$0xCA60] =	vst v15;
	v5 =	vadd.f32 v50, v5;
	v4 =	vadd.f32 v58, v4;
	v50 =	vmul.f32 v31, v29  }
0x2b2: {  	v0 =	vadd.f32 v0, v60;
	v58 =	vmul.f32 v29, v29;
	v60 =	vld.idx.msk [tilespmem:v38+s18+$0x0], $0xffff;
	v29 =	vmul.f32 v11, v33  }
0x2b3: {  	[tilespmem:$0x1FA50] =	vst v28;
	v11 =	vmul.f32 v11, v11;
	v7 =	vmul.f32 v59, v59;
	v4 =	vadd.f32 v25, v4;
	v25 =	vld [tilespmem:$0x1F400]  }
0x2b4: {  	v5 =	vadd.f32 v23, v5;
	v23 =	vld.idx.msk [tilespmem:v38+s6+$0x0], $0xffff;
	[tilespmem:$0x1F870] =	vst v21;
	v21 =	vmul.f32 v28, v8  }
0x2b5: {  	v63 =	vld.idx.msk [tilespmem:v38+s17+$0x0], $0xffff;
	v2 =	vadd.f32 v14, v2;
	v59 =	vmul.f32 v31, v10;
	v38 =	vmul.f32 v49, v36  }
0x2b6: {  	[tilespmem:$0x1F880] =	vst v15;
	v28 =	vld [tilespmem:$0x1F3F0];
	v5 =	vadd.f32 v58, v5;
	v58 =	vmul.f32 v49, v49;
	v1 =	vadd.f32 v1, v21  }
0x2b7: {  	[tilespmem:$0x1F8A0] =	vst v60;
	v21 =	vmul.f32 v10, v10;
	v60 =	vmul.f32 v52, v52;
	v15 =	vld.idx.msk [tilespmem:v18+s8+$0x0], $0xffff  }
0x2b8: {  	v1 =	vadd.f32 v1, v59;
	v6 =	vmul.f32 v25, v25;
	v59 =	vmul.f32 v52, v36  }
0x2b9: {  	[tilespmem:$0x1F8B0] =	vst v23;
	v4 =	vadd.f32 v21, v4;
	v21 =	vmul.f32 v41, v40;
	v23 =	vmul.f32 v13, v40  }
0x2ba: {  	[tilespmem:$0x1FAB0] =	vst v36;
	v0 =	vadd.f32 v0, v50;
	v25 =	vmul.f32 v41, v41;
	v36 =	vmul.f32 v16, v42  }
0x2bb: {  	v14 =	vld [tilespmem:$0x1FEC0];
	v2 =	vadd.f32 v7, v2;
	v8 =	vmul.f32 v28, v28;
	v28 =	vmul.f32 v34, v33  }
0x2bc: {  	[tilespmem:$0x1FA90] =	vst v33;
	v33 =	vmul.f32 v34, v34;
	v34 =	vld [tilespmem:$0x1F410];
	v4 =	vadd.f32 v11, v4;
	v15 =	vmul.f32 v15, v3  }
0x2bd: {  	v52 =	vmul.f32 v17, v46;
	v1 =	vadd.f32 v29, v1;
	v0 =	vadd.f32 v0, v28  }
0x2be: {  	v5 =	vadd.f32 v33, v5;
	v4 =	vadd.f32 v60, v4;
	v60 =	vmul.f32 v17, v17;
	v17 =	vld [tilespmem:$0x1F450];
	[tilespmem:$0xCA70] =	vst v15  }
0x2bf: {  	v28 =	vmul.f32 v13, v13;
	v33 =	vmul.f32 v44, v42;
	v0 =	vadd.f32 v38, v0;
	v12 =	vld.idx.msk [tilespmem:v18+s18+$0x0], $0xffff  }
0x2c0: {  	v1 =	vadd.f32 v59, v1;
	v5 =	vadd.f32 v58, v5;
	v38 =	vmul.f32 v16, v16;
	v16 =	vld [tilespmem:$0x1FF20]  }
0x2c1: {  	v7 =	vmul.f32 v34, v34;
	v34 =	vmul.f32 v44, v44;
	v44 =	vld [tilespmem:$0x1F440];
	v0 =	vadd.f32 v21, v0  }
0x2c2: {  	v5 =	vadd.f32 v25, v5;
	v21 =	vmul.f32 v54, v51;
	v25 =	vmul.f32 v54, v54;
	v54 =	vld [tilespmem:$0x1F480]  }
0x2c3: {  	[tilespmem:$0x1FA70] =	vst v31;
	v31 =	vld.idx.msk [tilespmem:v14+s8+$0x0], $0xffff  }
0x2c4: {  	v1 =	vadd.f32 v23, v1;
	v4 =	vadd.f32 v28, v4;
	[tilespmem:$0x1F8D0] =	vst v12;
	v12 =	vld [tilespmem:$0x1FEE0]  }
0x2c5: {  	v50 =	vmul.f32 v47, v46;
	v2 =	vadd.f32 v8, v2;
	[tilespmem:$0x1F8C0] =	vst v15;
	v15 =	vld [tilespmem:$0x1F420]  }
0x2c6: {  	v59 =	vmul.f32 v47, v47;
	v1 =	vadd.f32 v36, v1;
	v4 =	vadd.f32 v38, v4;
	v49 =	vld.idx.msk [tilespmem:v18+s17+$0x0], $0xffff  }
0x2c7: {  	v47 =	vmul.f32 v22, v61;
	v28 =	vmul.f32 v19, v19;
	v18 =	vld.idx.msk [tilespmem:v18+s6+$0x0], $0xffff;
	v5 =	vadd.f32 v34, v5  }
0x2c8: {  	v1 =	vadd.f32 v52, v1;
	v4 =	vadd.f32 v60, v4;
	v52 =	vmul.f32 v22, v22;
	v22 =	vld [tilespmem:$0x1F4B0]  }
0x2c9: {  	v2 =	vadd.f32 v6, v2;
	v5 =	vadd.f32 v59, v5;
	v59 =	vld [tilespmem:$0x1F490];
	v10 =	vmul.f32 v31, v3  }
0x2ca: {  	v0 =	vadd.f32 v33, v0;
	v4 =	vadd.f32 v28, v4;
	v28 =	vld [tilespmem:$0x1F4C0]  }
0x2cb: {  	v2 =	vadd.f32 v7, v2;
	v7 =	vmul.f32 v15, v15;
	v15 =	vld [tilespmem:$0x1FF00];
	[tilespmem:$0xCA80] =	vst v10  }
0x2cc: {  	v0 =	vadd.f32 v50, v0;
	v29 =	vld.idx.msk [tilespmem:v12+s8+$0x0], $0xffff  }
0x2cd: {  	v31 =	vld [tilespmem:$0x1F430]  }
0x2ce: {  	v0 =	vadd.f32 v21, v0;
	v21 =	vld [tilespmem:$0x1FBB0]  }
0x2cf: {  	[tilespmem:$0x1FAE0] =	vst v40;
	v40 =	vld.idx.msk [tilespmem:v14+s17+$0x0], $0xffff  }
0x2d0: {  	v23 =	vmul.f32 v19, v51;
	v13 =	vld.idx.msk [tilespmem:v14+s18+$0x0], $0xffff  }
0x2d1: {  	[tilespmem:$0x1FB10] =	vst v46;
	v38 =	vmul.f32 v57, v57;
	v11 =	vmul.f32 v29, v3;
	v29 =	vld [tilespmem:$0x1F460]  }
0x2d2: {  	[tilespmem:$0x1FB40] =	vst v51;
	v6 =	vmul.f32 v31, v31;
	v31 =	vmul.f32 v57, v55;
	v57 =	vld [tilespmem:$0x1FB90]  }
0x2d3: {  	v36 =	vmul.f32 v20, v55;
	v1 =	vadd.f32 v23, v1;
	v58 =	vld.idx.msk [tilespmem:v14+s6+$0x0], $0xffff;
	[tilespmem:$0xCA90] =	vst v11  }
0x2d4: {  	v46 =	vmul.f32 v62, v61;
	[tilespmem:$0x1F8E0] =	vst v18;
	v2 =	vadd.f32 v7, v2;
	v18 =	vld.idx.msk [tilespmem:v15+s8+$0x0], $0xffff  }
0x2d5: {  	v51 =	vmul.f32 v62, v62;
	v1 =	vadd.f32 v36, v1;
	[tilespmem:$0x1FED0] =	vst v10;
	v10 =	vmul.f32 v44, v44;
	v44 =	vld [tilespmem:$0x1F470]  }
0x2d6: {  	v8 =	vmul.f32 v17, v17;
	v2 =	vadd.f32 v6, v2;
	v6 =	vmul.f32 v29, v29;
	v29 =	vld [tilespmem:$0x1FBD0]  }
0x2d7: {  	v17 =	vmul.f32 v24, v24;
	v1 =	vadd.f32 v47, v1;
	v47 =	vld [tilespmem:$0x1F4F0];
	v62 =	vmul.f32 v24, v57  }
0x2d8: {  	v5 =	vadd.f32 v25, v5;
	[tilespmem:$0x1F900] =	vst v58;
	v2 =	vadd.f32 v10, v2;
	v58 =	vld.idx.msk [tilespmem:v12+s17+$0x0], $0xffff  }
0x2d9: {  	v24 =	vmul.f32 v26, v21;
	v1 =	vadd.f32 v62, v1;
	v10 =	vmul.f32 v18, v3;
	v18 =	vld [tilespmem:$0x1F4A0]  }
0x2da: {  	[tilespmem:$0x1FAF0] =	vst v42;
	v42 =	vmul.f32 v20, v20;
	v5 =	vadd.f32 v38, v5;
	v33 =	vld.idx.msk [tilespmem:v12+s18+$0x0], $0xffff  }
0x2db: {  	v1 =	vadd.f32 v24, v1;
	v41 =	vld.idx.msk [tilespmem:v12+s6+$0x0], $0xffff;
	[tilespmem:$0xCAA0] =	vst v10;
	v36 =	vmul.f32 v27, v29  }
0x2dc: {  	v4 =	vadd.f32 v42, v4;
	v5 =	vadd.f32 v51, v5;
	v50 =	vld.idx.msk [tilespmem:v16+s8+$0x0], $0xffff  }
0x2dd: {  	[tilespmem:$0x1FB70] =	vst v61;
	v61 =	vmul.f32 v59, v59;
	v0 =	vadd.f32 v31, v0;
	v42 =	vadd.f32 v36, v1;
	v1 =	vld [tilespmem:$0x1F4E0]  }
0x2de: {  	[tilespmem:$0x1FF10] =	vst v10;
	v10 =	vmul.f32 v18, v18;
	v18 =	vld [tilespmem:$0x1FF30]  }
0x2df: {  	v5 =	vadd.f32 v61, v5;
	v61 =	vld [tilespmem:$0x1F510];
	v0 =	vadd.f32 v46, v0;
	v60 =	vmul.f32 v59, v57  }
0x2e0: {  	v31 =	vld [tilespmem:$0x1F4D0]  }
0x2e1: {  	v4 =	vadd.f32 v52, v4;
	v23 =	vmul.f32 v22, v21;
	v0 =	vadd.f32 v60, v0;
	v60 =	vld [tilespmem:$0x1FC10]  }
0x2e2: {  	[tilespmem:$0x1FB60] =	vst v55;
	v2 =	vadd.f32 v8, v2;
	v8 =	vmul.f32 v44, v44;
	v44 =	vmul.f32 v1, v1;
	v1 =	vld [tilespmem:$0x1FBF0]  }
0x2e3: {  	v4 =	vadd.f32 v17, v4;
	v26 =	vmul.f32 v26, v26;
	v7 =	vld.idx.msk [tilespmem:v15+s17+$0x0], $0xffff;
	v14 =	vmul.f32 v50, v3  }
0x2e4: {  	v55 =	vmul.f32 v54, v54;
	v0 =	vadd.f32 v23, v0;
	v2 =	vadd.f32 v6, v2;
	v20 =	vld.idx.msk [tilespmem:v15+s18+$0x0], $0xffff  }
0x2e5: {  	v6 =	vadd.f32 v26, v4;
	v34 =	vmul.f32 v31, v29;
	v19 =	vld.idx.msk [tilespmem:v15+s6+$0x0], $0xffff;
	[tilespmem:$0xCAB0] =	vst v14  }
0x2e6: {  	[tilespmem:$0x1F910] =	vst v41;
	v41 =	vmul.f32 v27, v27;
	v2 =	vadd.f32 v8, v2;
	v25 =	vld.idx.msk [tilespmem:v18+s8+$0x0], $0xffff  }
0x2e7: {  	v0 =	vadd.f32 v34, v0;
	v50 =	vmul.f32 v47, v1  }
0x2e8: {  	v57 =	vmul.f32 v30, v30;
	v59 =	vld [tilespmem:$0x1F500];
	v6 =	vadd.f32 v41, v6;
	v2 =	vadd.f32 v55, v2  }
0x2e9: {  	v23 =	vld [tilespmem:$0x1FF40];
	v62 =	vmul.f32 v61, v60;
	v0 =	vadd.f32 v50, v0  }
0x2ea: {  	v12 =	vmul.f32 v28, v28;
	v6 =	vadd.f32 v57, v6;
	v2 =	vadd.f32 v10, v2;
	v54 =	vld.idx.msk [tilespmem:v16+s6+$0x0], $0xffff  }
0x2eb: {  	v26 =	vld [tilespmem:$0x1F520];
	v46 =	vmul.f32 v25, v3;
	v25 =	vadd.f32 v62, v0;
	v0 =	vmul.f32 v32, v32  }
0x2ec: {  	v27 =	vld [tilespmem:$0x1F530]  }
0x2ed: {  	[tilespmem:$0x1FEF0] =	vst v11;
	v2 =	vadd.f32 v12, v2;
	v6 =	vadd.f32 v0, v6;
	v0 =	vld [tilespmem:$0x1FC30]  }
0x2ee: {  	v8 =	vmul.f32 v22, v22;
	[tilespmem:$0x1F930] =	vst v19  }
0x2ef: {  	v10 =	vmul.f32 v59, v59;
	v4 =	vld.idx.msk [tilespmem:v16+s17+$0x0], $0xffff;
	v2 =	vadd.f32 v44, v2;
	[tilespmem:$0x1F940] =	vst v54  }
0x2f0: {  	v11 =	vmul.f32 v26, v26;
	v51 =	vmul.f32 v30, v1;
	v1 =	vld.idx.msk [tilespmem:v16+s18+$0x0], $0xffff;
	[tilespmem:$0xCAC0] =	vst v46  }
0x2f1: {  	v2 =	vadd.f32 v10, v2;
	v16 =	vmul.f32 v32, v60;
	[tilespmem:$0x1FF50] =	vst v46;
	v22 =	vld.idx.msk [tilespmem:v23+s8+$0x0], $0xffff  }
0x2f2: {  	v55 =	vadd.f32 v51, v42;
	v28 =	vmul.f32 v27, v0;
	v29 =	vmul.f32 v35, v0;
	v0 =	vld.idx.msk [tilespmem:v18+s17+$0x0], $0xffff  }
0x2f3: {  	v11 =	vadd.f32 v11, v2;
	v2 =	vld.idx.msk [tilespmem:v18+s18+$0x0], $0xffff  }
0x2f4: {  	v5 =	vadd.f32 v8, v5;
	v8 =	vadd.f32 v16, v55;
	v16 =	vld.idx.msk [tilespmem:v18+s6+$0x0], $0xffff  }
0x2f5: {  	v32 =	vld [tilespmem:$0x1F540]  }
0x2f6: {  	v34 =	vld [tilespmem:$0x1FC50]  }
0x2f7: {  	v38 =	vmul.f32 v31, v31;
	v31 =	vmul.f32 v35, v35;
	v35 =	vld [tilespmem:$0x1F550]  }
0x2f8: {  	v44 =	vld [tilespmem:$0x1F560]  }
0x2f9: {  	v52 =	vmul.f32 v47, v47;
	v5 =	vadd.f32 v38, v5;
	v46 =	vld [tilespmem:$0x1FC80]  }
0x2fa: {  	v47 =	vld [tilespmem:$0x1F570]  }
0x2fb: {  	v5 =	vadd.f32 v52, v5;
	v52 =	vld [tilespmem:$0x1F580]  }
0x2fc: {  	v55 =	vld [tilespmem:$0x1FC90]  }
0x2fd: {  	v57 =	vld [tilespmem:$0x1F590];
	v30 =	vmul.f32 v22, v3  }
0x2fe: {  	v10 =	vadd.f32 v28, v25;
	v25 =	vld [tilespmem:$0x1FF60]  }
0x2ff: {  	v24 =	vmul.f32 v61, v61;
	v28 =	vld [tilespmem:$0x1FF70];
	[tilespmem:$0x1F950] =	vst v30  }
0x300: {  	[tilespmem:$0xCAD0] =	vst v30;
	v30 =	vld [tilespmem:$0x1FF80]  }
0x301: {  	v17 =	vmul.f32 v27, v27;
	v5 =	vadd.f32 v24, v5;
	v42 =	vmul.f32 v37, v37;
	v60 =	vld.idx.msk [tilespmem:v23+s6+$0x0], $0xffff  }
0x302: {  	v36 =	vmul.f32 v35, v34;
	v18 =	vmul.f32 v37, v34;
	v34 =	vld [tilespmem:$0x1F5A0]  }
0x303: {  	v5 =	vadd.f32 v17, v5;
	v15 =	vmul.f32 v32, v32;
	v38 =	vmul.f32 v35, v35;
	v35 =	vld [tilespmem:$0x1FCB0]  }
0x304: {  	v6 =	vadd.f32 v31, v6;
	v50 =	vmul.f32 v47, v46;
	v17 =	vmul.f32 v47, v47;
	v47 =	vld [tilespmem:$0x1F5D0]  }
0x305: {  	v8 =	vadd.f32 v29, v8;
	v59 =	vmul.f32 v57, v55;
	v19 =	vmul.f32 v43, v55;
	v55 =	vld [tilespmem:$0x1F5E0]  }
0x306: {  	v11 =	vadd.f32 v15, v11;
	v15 =	vadd.f32 v42, v6;
	v6 =	vld.idx.msk [tilespmem:v23+s18+$0x0], $0xffff  }
0x307: {  	v10 =	vadd.f32 v36, v10;
	v12 =	vadd.f32 v38, v5;
	v5 =	vmul.f32 v44, v44;
	v36 =	vld [tilespmem:$0x1F5B0]  }
0x308: {  	v8 =	vadd.f32 v18, v8;
	v18 =	vmul.f32 v39, v46;
	v46 =	vld [tilespmem:$0x1FCE0]  }
0x309: {  	v51 =	vmul.f32 v39, v39;
	v54 =	vmul.f32 v52, v52;
	v11 =	vadd.f32 v5, v11;
	v5 =	vld.idx.msk [tilespmem:v23+s17+$0x0], $0xffff  }
0x30a: {  	v61 =	vmul.f32 v57, v57;
	v18 =	vadd.f32 v18, v8;
	v8 =	vmul.f32 v43, v43;
	v43 =	vld [tilespmem:$0x1F5C0]  }
0x30b: {  	v42 =	vmul.f32 v45, v45;
	v12 =	vadd.f32 v17, v12;
	v15 =	vadd.f32 v51, v15;
	v41 =	vld.idx.msk [tilespmem:v25+s8+$0x0], $0xffff  }
0x30c: {  	v10 =	vadd.f32 v50, v10;
	[tilespmem:$0x1F970] =	vst v60;
	v60 =	vld [tilespmem:$0x1FD00];
	v38 =	vmul.f32 v45, v35;
	v18 =	vadd.f32 v19, v18  }
0x30d: {  	v52 =	vmul.f32 v47, v47;
	v12 =	vadd.f32 v61, v12;
	v15 =	vadd.f32 v8, v15;
	v61 =	vld [tilespmem:$0x1F5F0]  }
0x30e: {  	v10 =	vadd.f32 v59, v10;
	v37 =	vmul.f32 v36, v35;
	v50 =	vmul.f32 v47, v46;
	v47 =	vld [tilespmem:$0x1F630]  }
0x30f: {  	v51 =	vmul.f32 v48, v46;
	v17 =	vadd.f32 v38, v18;
	v18 =	vadd.f32 v42, v15;
	v42 =	vld [tilespmem:$0x1F620]  }
0x310: {  	v39 =	vadd.f32 v37, v10;
	v62 =	vmul.f32 v41, v3;
	v41 =	vmul.f32 v36, v36;
	v36 =	vld [tilespmem:$0x1F600]  }
0x311: {  	v17 =	vadd.f32 v51, v17;
	v51 =	vld [tilespmem:$0x1F640]  }
0x312: {  	v45 =	vmov v25;
	v21 =	vadd.f32 v50, v39;
	v39 =	vld [tilespmem:$0x1F610]  }
0x313: {  	v50 =	vld [tilespmem:$0x1FD30]  }
0x314: {  	v11 =	vadd.f32 v54, v11;
	v54 =	vmul.f32 v48, v48;
	[tilespmem:$0xCAE0] =	vst v62;
	v48 =	vmul.f32 v47, v47;
	v47 =	vld [tilespmem:$0x1FD70]  }
0x315: {  	v19 =	vmul.f32 v34, v34;
	v32 =	vld.idx.msk [tilespmem:v28+s8+$0x0], $0xffff  }
0x316: {  	v8 =	vld.idx.msk [tilespmem:v25+s17+$0x0], $0xffff  }
0x317: {  	v19 =	vadd.f32 v19, v11;
	v11 =	vld.idx.msk [tilespmem:v45+s18+$0x0], $0xffff  }
0x318: {  	v44 =	vmul.f32 v43, v43;
	v34 =	vmul.f32 v61, v60;
	v15 =	vld.idx.msk [tilespmem:v45+s6+$0x0], $0xffff  }
0x319: {  	[tilespmem:$0x1FD10] =	vst v53;
	v12 =	vadd.f32 v41, v12;
	v43 =	vmul.f32 v42, v53;
	v45 =	vmul.f32 v56, v53;
	v53 =	vld [tilespmem:$0x1F650]  }
0x31a: {  	v59 =	vmul.f32 v55, v55;
	v19 =	vadd.f32 v44, v19;
	v21 =	vadd.f32 v34, v21;
	v34 =	vld [tilespmem:$0x1F660]  }
0x31b: {  	v38 =	vmul.f32 v61, v61;
	v44 =	vmul.f32 v42, v42;
	v42 =	vld [tilespmem:$0x1F680];
	v12 =	vadd.f32 v52, v12  }
0x31c: {  	v18 =	vadd.f32 v54, v18;
	v37 =	vmul.f32 v36, v60;
	v24 =	vmul.f32 v36, v36;
	v36 =	vld [tilespmem:$0x1FFA0]  }
0x31d: {  	v19 =	vadd.f32 v59, v19;
	v41 =	vmul.f32 v39, v39;
	v12 =	vadd.f32 v38, v12;
	v38 =	vld [tilespmem:$0x1FD50]  }
0x31e: {  	v46 =	vmul.f32 v56, v56;
	v56 =	vmul.f32 v51, v51;
	v39 =	vld [tilespmem:$0x1F670];
	v24 =	vadd.f32 v24, v18  }
0x31f: {  	v52 =	vmul.f32 v51, v50;
	v51 =	vld [tilespmem:$0x1F6B0];
	v57 =	vmul.f32 v32, v3;
	v25 =	vadd.f32 v41, v19  }
0x320: {  	v23 =	vadd.f32 v46, v24;
	v46 =	vld [tilespmem:$0x1F690]  }
0x321: {  	v12 =	vadd.f32 v44, v12;
	[tilespmem:$0xCAF0] =	vst v57;
	v25 =	vadd.f32 v48, v25;
	v48 =	vld [tilespmem:$0x1F6A0]  }
0x322: {  	v35 =	vld.idx.msk [tilespmem:v30+s8+$0x0], $0xffff  }
0x323: {  	v12 =	vadd.f32 v56, v12;
	v56 =	vld [tilespmem:$0x1F6C0]  }
0x324: {  	v21 =	vadd.f32 v43, v21;
	v22 =	vadd.f32 v37, v17;
	v17 =	vld.idx.msk [tilespmem:v28+s17+$0x0], $0xffff  }
0x325: {  	v54 =	vmul.f32 v53, v50;
	v18 =	vld.idx.msk [tilespmem:v28+s18+$0x0], $0xffff  }
0x326: {  	v21 =	vadd.f32 v52, v21;
	v22 =	vadd.f32 v45, v22;
	v19 =	vld.idx.msk [tilespmem:v28+s6+$0x0], $0xffff;
	v41 =	vmul.f32 v39, v38  }
0x327: {  	v43 =	vmul.f32 v42, v38;
	v38 =	vld [tilespmem:$0x1FFB0];
	v60 =	vmul.f32 v35, v3  }
0x328: {  	v44 =	vmov v30;
	v61 =	vadd.f32 v54, v22;
	v45 =	vadd.f32 v41, v21;
	v41 =	vld [tilespmem:$0x1F6E0]  }
0x329: {  	v52 =	vmul.f32 v51, v47;
	v50 =	vmul.f32 v48, v47;
	v47 =	vld [tilespmem:$0x1FDB0];
	[tilespmem:$0xCB00] =	vst v60  }
0x32a: {  	v24 =	vadd.f32 v43, v61;
	v55 =	vld.idx.msk [tilespmem:v36+s8+$0x0], $0xffff  }
0x32b: {  	v59 =	vmul.f32 v53, v53;
	v53 =	vmul.f32 v48, v48;
	v48 =	vld [tilespmem:$0x1F700]  }
0x32c: {  	v24 =	vadd.f32 v52, v24;
	v52 =	vld [tilespmem:$0x1F710]  }
0x32d: {  	v37 =	vadd.f32 v59, v23;
	v23 =	vld.idx.msk [tilespmem:v44+s18+$0x0], $0xffff  }
0x32e: {  	v27 =	vmul.f32 v39, v39;
	v35 =	vmul.f32 v34, v34;
	v10 =	vld.idx.msk [tilespmem:v44+s6+$0x0], $0xffff  }
0x32f: {  	v44 =	vld [tilespmem:$0x1F6F0];
	v21 =	vmul.f32 v55, v3  }
0x330: {  	v12 =	vadd.f32 v27, v12;
	v27 =	vmul.f32 v46, v46;
	v25 =	vadd.f32 v35, v25;
	v35 =	vld [tilespmem:$0x1FD90]  }
0x331: {  	v31 =	vmul.f32 v42, v42;
	v22 =	vld.idx.msk [tilespmem:v30+s17+$0x0], $0xffff;
	[tilespmem:$0xCB10] =	vst v21  }
0x332: {  	v59 =	vmul.f32 v56, v56;
	v25 =	vadd.f32 v27, v25;
	v55 =	vld.idx.msk [tilespmem:v38+s8+$0x0], $0xffff  }
0x333: {  	v26 =	vadd.f32 v31, v37;
	v37 =	vld [tilespmem:$0x1F6D0];
	v28 =	vadd.f32 v50, v45;
	v50 =	vmul.f32 v48, v47  }
0x334: {  	v46 =	vmovc v36;
	v32 =	vmul.f32 v52, v47;
	v47 =	vld [tilespmem:$0x1F740];
	v29 =	vadd.f32 v59, v25;
	v45 =	vmul.f32 v44, v44  }
0x335: {  	v54 =	vmul.f32 v51, v51;
	v44 =	vld [tilespmem:$0x1FDD0]  }
0x336: {  	v42 =	vmul.f32 v41, v35;
	v29 =	vadd.f32 v45, v29;
	v45 =	vld [tilespmem:$0x1F730]  }
0x337: {  	v61 =	vadd.f32 v54, v26;
	v43 =	vmul.f32 v41, v41;
	v56 =	vmul.f32 v55, v3;
	v55 =	vld [tilespmem:$0x1F720]  }
0x338: {  	v12 =	vadd.f32 v53, v12;
	v30 =	vmul.f32 v37, v37;
	v24 =	vadd.f32 v42, v24;
	v42 =	vld [tilespmem:$0x1FDF0]  }
0x339: {  	v51 =	vadd.f32 v43, v61;
	v54 =	vmul.f32 v52, v52;
	v26 =	vld.idx.msk [tilespmem:v46+s18+$0x0], $0xffff  }
0x33a: {  	v53 =	vmul.f32 v48, v48;
	v12 =	vadd.f32 v30, v12;
	v39 =	vmul.f32 v37, v35;
	v59 =	vld.idx.msk [tilespmem:v46+s6+$0x0], $0xffff  }
0x33b: {  	v30 =	vadd.f32 v54, v51;
	v51 =	vmul.f32 v47, v47;
	v48 =	vmul.f32 v47, v44;
	v47 =	vld [tilespmem:$0x1F770]  }
0x33c: {  	v28 =	vadd.f32 v39, v28;
	v46 =	vmul.f32 v45, v44;
	v61 =	vmul.f32 v55, v55;
	v55 =	vld [tilespmem:$0x1F750]  }
0x33d: {  	v44 =	vld [tilespmem:$0x1F760]  }
0x33e: {  	v43 =	vld [tilespmem:$0x1FFC0];
	v28 =	vadd.f32 v50, v28;
	v24 =	vadd.f32 v32, v24  }
0x33f: {  	v52 =	vld [tilespmem:$0x1F780]  }
0x340: {  	v54 =	vld [tilespmem:$0x1FE20];
	v24 =	vadd.f32 v48, v24;
	v31 =	vadd.f32 v46, v28;
	v48 =	vmul.f32 v47, v42;
	v46 =	vmovc v38  }
0x341: {  	v25 =	vld.idx.msk [tilespmem:v36+s17+$0x0], $0xffff;
	v32 =	vadd.f32 v61, v29;
	v61 =	vmul.f32 v55, v55  }
0x342: {  	v50 =	vmul.f32 v45, v45;
	v45 =	vmul.f32 v44, v42;
	v24 =	vadd.f32 v48, v24;
	v48 =	vld [tilespmem:$0x1F7A0]  }
0x343: {  	v32 =	vadd.f32 v61, v32;
	v61 =	vld [tilespmem:$0x1F790]  }
0x344: {  	[tilespmem:$0xCB20] =	vst v56;
	v31 =	vadd.f32 v45, v31;
	v45 =	vld [tilespmem:$0x1FE30]  }
0x345: {  	v12 =	vadd.f32 v53, v12;
	v28 =	vld.idx.msk [tilespmem:v46+s18+$0x0], $0xffff  }
0x346: {  	v34 =	vadd.f32 v51, v30;
	v51 =	vmul.f32 v47, v47;
	v27 =	vld.idx.msk [tilespmem:v46+s6+$0x0], $0xffff  }
0x347: {  	v53 =	vmul.f32 v52, v52;
	v12 =	vadd.f32 v50, v12;
	v50 =	vmul.f32 v44, v44;
	v46 =	vld [tilespmem:$0x1F7C0]  }
0x348: {  	v34 =	vadd.f32 v51, v34;
	v29 =	vmul.f32 v61, v54;
	v51 =	vmul.f32 v61, v61;
	v61 =	vld [tilespmem:$0x1F7D0]  }
0x349: {  	v47 =	vld [tilespmem:$0x1FFD0]  }
0x34a: {  	v12 =	vadd.f32 v50, v12;
	v50 =	vmul.f32 v48, v54;
	v32 =	vadd.f32 v53, v32;
	v53 =	vld [tilespmem:$0x1F7B0]  }
0x34b: {  	v35 =	vld.idx.msk [tilespmem:v43+s8+$0x0], $0xffff;
	v52 =	vmul.f32 v48, v48  }
0x34c: {  	v55 =	vld.idx.msk [tilespmem:v38+s17+$0x0], $0xffff;
	v24 =	vadd.f32 v50, v24;
	v48 =	vmul.f32 v46, v45  }
0x34d: {  	v50 =	vadd.f32 v52, v34;
	v41 =	vmul.f32 v46, v46;
	v46 =	vld [tilespmem:$0x1F7E0];
	v42 =	vmul.f32 v61, v61  }
0x34e: {  	v12 =	vadd.f32 v51, v12;
	v51 =	vld [tilespmem:$0x1F7F0]  }
0x34f: {  	v54 =	vmul.f32 v53, v53;
	v38 =	vadd.f32 v42, v50;
	v50 =	vld [tilespmem:$0x1FE50]  }
0x350: {  	v36 =	vadd.f32 v29, v31  }
0x351: {  	v44 =	vld [tilespmem:$0x1F810];
	v30 =	vmul.f32 v35, v3;
	v35 =	vadd.f32 v54, v32  }
0x352: {  	v36 =	vadd.f32 v48, v36;
	v48 =	vmul.f32 v46, v46;
	v45 =	vmul.f32 v61, v45;
	v61 =	vld [tilespmem:$0x1F800]  }
0x353: {  	v46 =	vld [tilespmem:$0x1FE80]  }
0x354: {  	[tilespmem:$0xCB30] =	vst v30;
	v35 =	vadd.f32 v48, v35;
	v48 =	vld [tilespmem:$0x1F820];
	v53 =	vmul.f32 v51, v50  }
0x355: {  	v39 =	vld.idx.msk [tilespmem:v47+s8+$0x0], $0xffff  }
0x356: {  	v36 =	vadd.f32 v53, v36;
	v53 =	vld [tilespmem:$0x1F830]  }
0x357: {  	v12 =	vadd.f32 v41, v12;
	v41 =	vmul.f32 v61, v50;
	v50 =	vld [tilespmem:$0x1FFE0]  }
0x358: {  	v34 =	vld.idx.msk [tilespmem:v43+s6+$0x0], $0xffff;
	v54 =	vmul.f32 v51, v51  }
0x359: {  	v29 =	vld.idx.msk [tilespmem:v43+s17+$0x0], $0xffff;
	v24 =	vadd.f32 v45, v24;
	v51 =	vmul.f32 v48, v46  }
0x35a: {  	v12 =	vadd.f32 v54, v12;
	v31 =	vmul.f32 v61, v61;
	v61 =	vmul.f32 v48, v48;
	v48 =	vld [tilespmem:$0x1FE90]  }
0x35b: {  	v24 =	vadd.f32 v41, v24;
	v41 =	vadd.f32 v51, v36;
	v51 =	vld [tilespmem:$0x1F850];
	v54 =	vmul.f32 v53, v46  }
0x35c: {  	v52 =	vmul.f32 v39, v3;
	v32 =	vld.idx.msk [tilespmem:v43+s18+$0x0], $0xffff  }
0x35d: {  	v43 =	vadd.f32 v54, v24;
	v54 =	vld [tilespmem:$0x1F860]  }
0x35e: {  	[tilespmem:$0xCB40] =	vst v52;
	v46 =	vld [tilespmem:$0x1F840]  }
0x35f: {  	v45 =	vmul.f32 v44, v44;
	v37 =	vmul.f32 v53, v53;
	v42 =	vld.idx.msk [tilespmem:v50+s8+$0x0], $0xffff  }
0x360: {  	[tilespmem:$0x1F990] =	vst v10;
	v53 =	vmul.f32 v51, v48;
	v10 =	vmul.f32 v51, v51;
	v51 =	vld [tilespmem:$0x1F870]  }
0x361: {  	v38 =	vadd.f32 v31, v38  }
0x362: {  	v39 =	vadd.f32 v45, v35;
	v12 =	vadd.f32 v61, v12;
	v61 =	vmul.f32 v54, v48  }
0x363: {  	v38 =	vadd.f32 v37, v38;
	v44 =	vmul.f32 v46, v46;
	v37 =	vmul.f32 v54, v54;
	v54 =	vld [tilespmem:$0x1F8A0]  }
0x364: {  	v31 =	vmul.f32 v42, v3;
	v42 =	vadd.f32 v61, v43;
	v61 =	vld [tilespmem:$0x1F880]  }
0x365: {  	v39 =	vadd.f32 v44, v39;
	v44 =	vmul.f32 v51, v51;
	v51 =	vld [tilespmem:$0x1F890]  }
0x366: {  	v35 =	vld.idx.msk [tilespmem:v47+s17+$0x0], $0xffff  }
0x367: {  	v36 =	vld.idx.msk [tilespmem:v47+s18+$0x0], $0xffff  }
0x368: {  	v24 =	vld.idx.msk [tilespmem:v47+s6+$0x0], $0xffff;
	v41 =	vadd.f32 v53, v41;
	v12 =	vadd.f32 v10, v12;
	v53 =	vmul.f32 v63, v63  }
0x369: {  	v10 =	vld [tilespmem:$0x1F8D0];
	v45 =	vmul.f32 v63, v61;
	v63 =	vmul.f32 v54, v61  }
0x36a: {  	v43 =	vadd.f32 v53, v12;
	v53 =	vld [tilespmem:$0x1F8B0]  }
0x36b: {  	v42 =	vadd.f32 v63, v42;
	v63 =	vld [tilespmem:$0x1F8C0]  }
0x36c: {  	[tilespmem:$0xCB50] =	vst v31;
	v38 =	vadd.f32 v37, v38;
	v37 =	vld [tilespmem:$0x1FED0]  }
0x36d: {  	v46 =	vld.idx.msk [tilespmem:v51+s8+$0x0], $0xffff;
	_ =	sdelay $0x1  }
0x36e: {  	v39 =	vadd.f32 v44, v39;
	v48 =	vmul.f32 v54, v54;
	v54 =	vmul.f32 v53, v53  }
0x36f: {  	v41 =	vadd.f32 v45, v41;
	v45 =	vmul.f32 v49, v63;
	v49 =	vmul.f32 v49, v49  }
0x370: {  	v44 =	vadd.f32 v48, v38;
	v53 =	vmul.f32 v40, v37;
	v48 =	vadd.f32 v54, v39  }
0x371: {  	v54 =	vmul.f32 v46, v3;
	v46 =	vmul.f32 v10, v10;
	v43 =	vadd.f32 v49, v43;
	v49 =	vld [tilespmem:$0x1FEF0]  }
0x372: {  	v47 =	vmul.f32 v10, v63;
	v10 =	vmul.f32 v13, v37;
	v37 =	vld [tilespmem:$0x1F8F0]  }
0x373: {  	v12 =	vld [tilespmem:$0x1F8E0]  }
0x374: {  	v38 =	vld.idx.msk [tilespmem:v50+s17+$0x0], $0xffff;
	v45 =	vadd.f32 v45, v41  }
0x375: {  	v40 =	vmul.f32 v40, v40;
	v39 =	vld.idx.msk [tilespmem:v50+s18+$0x0], $0xffff;
	v13 =	vmul.f32 v13, v13  }
0x376: {  	v44 =	vadd.f32 v46, v44;
	v46 =	vld [tilespmem:$0x1F900];
	v45 =	vadd.f32 v53, v45;
	v53 =	vmul.f32 v58, v49  }
0x377: {  	v41 =	vld.idx.msk [tilespmem:v50+s6+$0x0], $0xffff;
	v43 =	vadd.f32 v40, v43;
	v58 =	vmul.f32 v58, v58  }
0x378: {  	v13 =	vadd.f32 v13, v44;
	v44 =	vadd.f32 v53, v45;
	v53 =	vld [tilespmem:$0x1F910]  }
0x379: {  	[tilespmem:$0xCB60] =	vst v54;
	v43 =	vadd.f32 v58, v43;
	v58 =	vld [tilespmem:$0x1FF10]  }
0x37a: {  	v50 =	vld.idx.msk [tilespmem:v37+s8+$0x0], $0xffff  }
0x37b: {  	v42 =	vadd.f32 v47, v42;
	v47 =	vmul.f32 v12, v12;
	_ =	sdelay $0x1  }
0x37c: {  	v47 =	vadd.f32 v47, v48;
	v48 =	vmul.f32 v46, v46  }
0x37d: {  	v42 =	vadd.f32 v10, v42;
	v45 =	vmul.f32 v53, v53;
	v10 =	vmul.f32 v7, v58  }
0x37e: {  	v53 =	vmul.f32 v50, v3;
	v50 =	vmul.f32 v20, v58;
	v58 =	vld [tilespmem:$0x1F930]  }
0x37f: {  	v12 =	vmul.f32 v33, v49;
	v49 =	vmul.f32 v33, v33;
	v44 =	vadd.f32 v10, v44;
	v10 =	vld [tilespmem:$0x1F920]  }
0x380: {  	v40 =	vld.idx.msk [tilespmem:v51+s18+$0x0], $0xffff;
	v47 =	vadd.f32 v48, v47  }
0x381: {  	v33 =	vld.idx.msk [tilespmem:v51+s17+$0x0], $0xffff;
	v48 =	vadd.f32 v12, v42;
	v13 =	vadd.f32 v49, v13;
	v20 =	vmul.f32 v20, v20  }
0x382: {  	v42 =	vld.idx.msk [tilespmem:v51+s6+$0x0], $0xffff;
	v7 =	vmul.f32 v7, v7;
	v45 =	vadd.f32 v45, v47  }
0x383: {  	v49 =	vld [tilespmem:$0x1FF50];
	[tilespmem:$0xCB70] =	vst v53;
	v47 =	vadd.f32 v50, v48;
	v50 =	vadd.f32 v20, v13;
	v20 =	vmul.f32 v1, v14  }
0x384: {  	v43 =	vadd.f32 v7, v43;
	v7 =	vld.idx.msk [tilespmem:v37+s17+$0x0], $0xffff;
	v48 =	vmul.f32 v58, v58  }
0x385: {  	v47 =	vadd.f32 v20, v47;
	v20 =	vld.idx.msk [tilespmem:v37+s18+$0x0], $0xffff  }
0x386: {  	v12 =	vmul.f32 v4, v14;
	v45 =	vadd.f32 v48, v45;
	v48 =	vld [tilespmem:$0x1F940]  }
0x387: {  	v46 =	vld.idx.msk [tilespmem:v10+s8+$0x0], $0xffff  }
0x388: {  	v1 =	vmul.f32 v1, v1;
	v44 =	vadd.f32 v12, v44;
	v12 =	vld.idx.msk [tilespmem:v37+s6+$0x0], $0xffff  }
0x389: {  	v58 =	vmov v14;
	v14 =	vmov v37;
	v37 =	vld [tilespmem:$0x1F960]  }
0x38a: {  	v16 =	vmul.f32 v16, v16;
	v1 =	vadd.f32 v1, v50;
	v50 =	vld [tilespmem:$0x1F950]  }
0x38b: {  	v4 =	vmul.f32 v4, v4;
	v48 =	vmul.f32 v48, v48  }
0x38c: {  	v13 =	vmul.f32 v46, v3;
	v46 =	vmul.f32 v0, v49  }
0x38d: {  	v43 =	vadd.f32 v4, v43;
	v4 =	vmul.f32 v2, v49;
	v0 =	vmul.f32 v0, v0  }
0x38e: {  	v2 =	vmul.f32 v2, v2;
	v45 =	vadd.f32 v48, v45;
	v44 =	vadd.f32 v46, v44  }
0x38f: {  	v48 =	vmul.f32 v5, v50;
	v46 =	vadd.f32 v4, v47;
	v0 =	vadd.f32 v0, v43;
	v47 =	vld [tilespmem:$0x1F970]  }
0x390: {  	v15 =	vmul.f32 v15, v15;
	v1 =	vadd.f32 v2, v1;
	v2 =	vmul.f32 v6, v50;
	[tilespmem:$0xCB80] =	vst v13;
	v4 =	vld [tilespmem:$0x1F980]  }
0x391: {  	v5 =	vmul.f32 v5, v5;
	v16 =	vadd.f32 v16, v45;
	v49 =	vld.idx.msk [tilespmem:v37+s8+$0x0], $0xffff;
	v43 =	vadd.f32 v48, v44  }
0x392: {  	v44 =	vadd.f32 v2, v46;
	v2 =	vmul.f32 v6, v6;
	v48 =	vmul.f32 v11, v62  }
0x393: {  	v5 =	vadd.f32 v5, v0;
	v11 =	vmul.f32 v11, v11;
	v0 =	vmovc v8;
	v8 =	vmul.f32 v8, v62  }
0x394: {  	v46 =	vmul.f32 v18, v18;
	v1 =	vadd.f32 v2, v1;
	v6 =	vmul.f32 v47, v47  }
0x395: {  	v2 =	vld.idx.msk [tilespmem:v10+s18+$0x0], $0xffff;
	v8 =	vadd.f32 v8, v43;
	v43 =	vadd.f32 v48, v44;
	v48 =	vmul.f32 v18, v57  }
0x396: {  	v45 =	vmul.f32 v0, v0;
	v0 =	vld.idx.msk [tilespmem:v10+s17+$0x0], $0xffff;
	v49 =	vmul.f32 v49, v3  }
0x397: {  	v6 =	vadd.f32 v6, v16;
	v18 =	vadd.f32 v48, v43;
	v48 =	vmul.f32 v19, v19;
	v19 =	vld [tilespmem:$0x1F990]  }
0x398: {  	v47 =	vmov v10;
	v1 =	vadd.f32 v11, v1;
	v11 =	vmul.f32 v17, v57;
	v16 =	vld.idx.msk [tilespmem:v10+s6+$0x0], $0xffff;
	[tilespmem:$0xCB90] =	vst v49  }
0x399: {  	v5 =	vadd.f32 v45, v5;
	v10 =	vmul.f32 v22, v60;
	v45 =	vld.idx.msk [tilespmem:v4+s8+$0x0], $0xffff;
	v6 =	vadd.f32 v15, v6  }
0x39a: {  	[tilespmem:$0x1FF90] =	vst v60;
	v15 =	vmul.f32 v17, v17;
	v17 =	vmul.f32 v22, v22;
	v22 =	vld.idx.msk [tilespmem:v37+s17+$0x0], $0xffff  }
0x39b: {  	v6 =	vadd.f32 v48, v6;
	v48 =	vmul.f32 v23, v60;
	v60 =	vmul.f32 v23, v23;
	v23 =	vld.idx.msk [tilespmem:v37+s18+$0x0], $0xffff  }
0x39c: {  	v43 =	vmul.f32 v19, v19;
	v19 =	vld.idx.msk [tilespmem:v37+s6+$0x0], $0xffff  }
0x39d: {  	v44 =	vmov v37;
	v37 =	vld [tilespmem:$0x1F9A0];
	_ =	sdelay $0x3  }
0x39e: {  	v8 =	vadd.f32 v11, v8  }
0x39f: {  	v1 =	vadd.f32 v46, v1;
	v5 =	vadd.f32 v15, v5;
	v11 =	vmul.f32 v45, v3  }
0x3a0: {  	v46 =	vmul.f32 v25, v21;
	v8 =	vadd.f32 v10, v8;
	v18 =	vadd.f32 v48, v18  }
0x3a1: {  	v5 =	vadd.f32 v17, v5;
	v1 =	vadd.f32 v60, v1;
	v48 =	vmul.f32 v25, v25;
	[tilespmem:$0xCBA0] =	vst v11  }
0x3a2: {  	v60 =	vmul.f32 v26, v26;
	v45 =	vmov v21;
	v21 =	vmul.f32 v26, v21;
	v26 =	vld.idx.msk [tilespmem:v37+s8+$0x0], $0xffff  }
0x3a3: {  	v8 =	vadd.f32 v46, v8;
	v46 =	vmul.f32 v55, v56;
	v6 =	vadd.f32 v43, v6  }
0x3a4: {  	v43 =	vmul.f32 v59, v59;
	v5 =	vadd.f32 v48, v5;
	v48 =	vmul.f32 v55, v55  }
0x3a5: {  	v1 =	vadd.f32 v60, v1;
	v55 =	vmul.f32 v28, v56;
	v60 =	vmul.f32 v28, v28;
	v28 =	vld.idx.msk [tilespmem:v4+s17+$0x0], $0xffff  }
0x3a6: {  	v25 =	vld.idx.msk [tilespmem:v4+s6+$0x0], $0xffff  }
0x3a7: {  	v17 =	vadd.f32 v46, v8;
	v8 =	vmul.f32 v26, v3;
	v26 =	vld.idx.msk [tilespmem:v4+s18+$0x0], $0xffff  }
0x3a8: {  	v6 =	vadd.f32 v43, v6;
	v43 =	vmov v4;
	v4 =	vld [tilespmem:$0x1F9B0];
	_ =	sdelay $0x4  }
0x3a9: {  	v46 =	vmul.f32 v29, v30  }
0x3aa: {  	v27 =	vmul.f32 v27, v27  }
0x3ab: {  	v34 =	vmul.f32 v34, v34;
	v10 =	vadd.f32 v21, v18;
	v17 =	vadd.f32 v46, v17;
	[tilespmem:$0xCBB0] =	vst v8  }
0x3ac: {  	v5 =	vadd.f32 v48, v5;
	v1 =	vadd.f32 v60, v1;
	v60 =	vmul.f32 v29, v29;
	v46 =	vld.idx.msk [tilespmem:v4+s8+$0x0], $0xffff  }
0x3ad: {  	v48 =	vmul.f32 v32, v30;
	v15 =	vadd.f32 v55, v10;
	v10 =	vmul.f32 v32, v32  }
0x3ae: {  	v55 =	vmul.f32 v36, v52;
	v6 =	vadd.f32 v27, v6;
	v5 =	vadd.f32 v60, v5  }
0x3af: {  	v60 =	vmul.f32 v35, v35;
	v15 =	vadd.f32 v48, v15;
	v48 =	vmul.f32 v35, v52  }
0x3b0: {  	v1 =	vadd.f32 v10, v1;
	v35 =	vmul.f32 v24, v24;
	v6 =	vadd.f32 v34, v6  }
0x3b1: {  	v10 =	vadd.f32 v55, v15;
	v15 =	vmul.f32 v46, v3;
	v46 =	vmul.f32 v39, v31  }
0x3b2: {  	v34 =	vmul.f32 v36, v36;
	v5 =	vadd.f32 v60, v5;
	v36 =	vmul.f32 v38, v31  }
0x3b3: {  	v17 =	vadd.f32 v48, v17;
	v48 =	vmul.f32 v38, v38;
	v21 =	vadd.f32 v46, v10;
	v10 =	vld [tilespmem:$0x1F9C0]  }
0x3b4: {  	v60 =	vmul.f32 v41, v41;
	v6 =	vadd.f32 v35, v6  }
0x3b5: {  	v59 =	vmovc v56;
	v56 =	vmov v30;
	v17 =	vadd.f32 v36, v17;
	v5 =	vadd.f32 v48, v5;
	v30 =	vld.idx.msk [tilespmem:v37+s17+$0x0], $0xffff  }
0x3b6: {  	v36 =	vmul.f32 v33, v54;
	v48 =	vmul.f32 v42, v42;
	v6 =	vadd.f32 v60, v6;
	v27 =	vld.idx.msk [tilespmem:v37+s6+$0x0], $0xffff  }
0x3b7: {  	v12 =	vmul.f32 v12, v12;
	v24 =	vmov v31;
	v31 =	vld.idx.msk [tilespmem:v37+s18+$0x0], $0xffff;
	[tilespmem:$0xCBC0] =	vst v15  }
0x3b8: {  	v55 =	vmul.f32 v39, v39;
	v29 =	vadd.f32 v48, v6;
	v39 =	vmul.f32 v33, v33;
	v33 =	vld.idx.msk [tilespmem:v4+s17+$0x0], $0xffff  }
0x3b9: {  	v1 =	vadd.f32 v34, v1;
	v34 =	vld.idx.msk [tilespmem:v4+s18+$0x0], $0xffff  }
0x3ba: {  	v17 =	vadd.f32 v36, v17;
	v36 =	vmov v4;
	v4 =	vadd.f32 v12, v29;
	v12 =	vld [tilespmem:$0x1F9D0]  }
0x3bb: {  	v35 =	vld.idx.msk [tilespmem:v10+s8+$0x0], $0xffff;
	_ =	sdelay $0x3  }
0x3bc: {  	v32 =	vmul.f32 v0, v13;
	v38 =	vmul.f32 v40, v54  }
0x3bd: {  	v1 =	vadd.f32 v55, v1;
	v46 =	vmul.f32 v40, v40;
	v6 =	vmul.f32 v35, v3  }
0x3be: {  	v60 =	vmul.f32 v20, v53;
	v20 =	vmul.f32 v20, v20  }
0x3bf: {  	v41 =	vadd.f32 v38, v21;
	v1 =	vadd.f32 v46, v1;
	v21 =	vld.idx.msk [tilespmem:v36+s6+$0x0], $0xffff;
	[tilespmem:$0xCBD0] =	vst v6  }
0x3c0: {  	v55 =	vmul.f32 v7, v53;
	v7 =	vmul.f32 v7, v7;
	v5 =	vadd.f32 v39, v5;
	v38 =	vld.idx.msk [tilespmem:v12+s8+$0x0], $0xffff  }
0x3c1: {  	v0 =	vmul.f32 v0, v0;
	v1 =	vadd.f32 v20, v1;
	v20 =	vld.idx.msk [tilespmem:v10+s17+$0x0], $0xffff  }
0x3c2: {  	v48 =	vmul.f32 v19, v19;
	v17 =	vadd.f32 v55, v17;
	v5 =	vadd.f32 v7, v5;
	v19 =	vld.idx.msk [tilespmem:v10+s18+$0x0], $0xffff  }
0x3c3: {  	v46 =	vmul.f32 v23, v23;
	v18 =	vadd.f32 v60, v41;
	v41 =	vmul.f32 v23, v49;
	v23 =	vld.idx.msk [tilespmem:v10+s6+$0x0], $0xffff  }
0x3c4: {  	v7 =	vadd.f32 v32, v17;
	v32 =	vmov v10;
	v10 =	vld [tilespmem:$0x1F9E0]  }
0x3c5: {  	v42 =	vmul.f32 v22, v22;
	v0 =	vadd.f32 v0, v5  }
0x3c6: {  	v40 =	vmul.f32 v22, v49  }
0x3c7: {  	v55 =	vmul.f32 v28, v11;
	v28 =	vmul.f32 v28, v28;
	v0 =	vadd.f32 v42, v0  }
0x3c8: {  	v16 =	vmul.f32 v16, v16;
	v29 =	vmul.f32 v26, v26;
	v7 =	vadd.f32 v40, v7  }
0x3c9: {  	v40 =	vmul.f32 v30, v30;
	v0 =	vadd.f32 v28, v0;
	v5 =	vmul.f32 v38, v3  }
0x3ca: {  	v7 =	vadd.f32 v55, v7;
	v35 =	vmul.f32 v2, v13;
	v2 =	vmul.f32 v2, v2  }
0x3cb: {  	v55 =	vmul.f32 v33, v15;
	v33 =	vmul.f32 v33, v33;
	v0 =	vadd.f32 v40, v0;
	[tilespmem:$0xCBE0] =	vst v5  }
0x3cc: {  	v60 =	vmul.f32 v26, v11;
	v39 =	vadd.f32 v35, v18;
	v1 =	vadd.f32 v2, v1;
	v35 =	vld.idx.msk [tilespmem:v10+s8+$0x0], $0xffff  }
0x3cd: {  	v42 =	vmul.f32 v31, v31;
	v0 =	vadd.f32 v33, v0;
	v2 =	vadd.f32 v16, v4  }
0x3ce: {  	v4 =	vadd.f32 v41, v39;
	v1 =	vadd.f32 v46, v1;
	v39 =	vmul.f32 v30, v8  }
0x3cf: {  	v2 =	vadd.f32 v48, v2;
	v41 =	vmul.f32 v31, v8;
	v38 =	vmul.f32 v25, v25  }
0x3d0: {  	v46 =	vmul.f32 v27, v27;
	v4 =	vadd.f32 v60, v4;
	v1 =	vadd.f32 v29, v1  }
0x3d1: {  	v7 =	vadd.f32 v39, v7;
	v2 =	vadd.f32 v38, v2;
	v48 =	vld.idx.msk [tilespmem:v12+s17+$0x0], $0xffff;
	v3 =	vmul.f32 v35, v3  }
0x3d2: {  	v21 =	vmul.f32 v21, v21;
	v4 =	vadd.f32 v41, v4;
	v1 =	vadd.f32 v42, v1;
	v60 =	vld.idx.msk [tilespmem:v12+s18+$0x0], $0xffff  }
0x3d3: {  	v26 =	vld.idx.msk [tilespmem:v12+s6+$0x0], $0xffff;
	v2 =	vadd.f32 v46, v2;
	v35 =	vmul.f32 v34, v15;
	[tilespmem:$0xCBF0] =	vst v3  }
0x3d4: {  	v7 =	vadd.f32 v55, v7;
	v39 =	vmul.f32 v20, v6;
	v41 =	vmul.f32 v20, v20;
	v31 =	vld.idx.msk [tilespmem:v10+s17+$0x0], $0xffff  }
0x3d5: {  	v40 =	vadd.f32 v21, v2;
	v2 =	vmul.f32 v19, v6;
	v4 =	vadd.f32 v35, v4  }
0x3d6: {  	v38 =	vmul.f32 v34, v34;
	v7 =	vadd.f32 v39, v7;
	v0 =	vadd.f32 v41, v0;
	v30 =	vld.idx.msk [tilespmem:v10+s18+$0x0], $0xffff  }
0x3d7: {  	v42 =	vmul.f32 v48, v5;
	v46 =	vmul.f32 v60, v5;
	v2 =	vadd.f32 v2, v4  }
0x3d8: {  	v1 =	vadd.f32 v38, v1;
	v19 =	vmul.f32 v19, v19;
	v48 =	vmul.f32 v48, v48  }
0x3d9: {  	v4 =	vadd.f32 v42, v7;
	v55 =	vadd.f32 v46, v2;
	v2 =	vmul.f32 v31, v3  }
0x3da: {  	v29 =	vmovc v12;
	v1 =	vadd.f32 v19, v1;
	v60 =	vmul.f32 v60, v60;
	v0 =	vadd.f32 v48, v0  }
0x3db: {  	v33 =	vld.idx.msk [tilespmem:v10+s6+$0x0], $0xffff;
	v12 =	vmul.f32 v30, v3;
	v22 =	vmul.f32 v31, v31;
	v2 =	vadd.f32 v2, v4  }
0x3dc: {  	v21 =	vmul.f32 v23, v23;
	v1 =	vadd.f32 v60, v1;
	v23 =	vmul.f32 v30, v30  }
0x3dd: {  	v7 =	vadd.f32 v12, v55;
	v0 =	vadd.f32 v22, v0;
	v25 =	vmul.f32 v2, v2  }
0x3de: {  	v27 =	vmul.f32 v26, v26;
	v4 =	vadd.f32 v21, v40  }
0x3df: {  	v1 =	vadd.f32 v23, v1;
	v18 =	vmul.f32 v7, v7;
	v0 =	vsub.f32 v0, v25  }
0x3e0: {  	v28 =	vmul.f32 v33, v33;
	v4 =	vadd.f32 v27, v4  }
0x3e1: {  	v1 =	vsub.f32 v1, v18;
	v0 =	vmax.f32 v0, $1.000000000e-30  }
0x3e2: {  	v4 =	vadd.f32 v28, v4;
	v34 =	vshrl.u32 v0, $0x1;
	v35 =	vmul.f32 $5.000000000e-01, v0  }
0x3e3: {  	v16 =	vsub.s32 $0x5F3759DF, v34  }
0x3e4: {  	v1 =	vmax.f32 v1, $1.000000000e-30;
	v4 =	vmax.f32 v4, $1.000000000e-30;
	v40 =	vmul.f32 v16, v35  }
0x3e5: {  	v38 =	vshrl.u32 v1, $0x1;
	v39 =	vmul.f32 $5.000000000e-01, v1;
	v41 =	vshrl.u32 v4, $0x1  }
0x3e6: {  	v42 =	vmul.f32 $5.000000000e-01, v4;
	v18 =	vsub.s32 $0x5F3759DF, v38;
	v20 =	vmul.f32 v16, v40  }
0x3e7: {  	v21 =	vsub.s32 $0x5F3759DF, v41;
	v46 =	vmul.f32 v18, v39  }
0x3e8: {  	v48 =	vmul.f32 v21, v42;
	v20 =	vsub.f32 $1.500000000e+00, v20  }
0x3e9: {  	v23 =	vmul.f32 v18, v46  }
0x3ea: {  	v25 =	vmul.f32 v21, v48;
	v16 =	vmul.f32 v16, v20  }
0x3eb: {  	v23 =	vsub.f32 $1.500000000e+00, v23  }
0x3ec: {  	v55 =	vsub.f32 $1.500000000e+00, v25;
	v60 =	vmul.f32 v16, v35  }
0x3ed: {  	v18 =	vmul.f32 v18, v23  }
0x3ee: {  	v20 =	vmul.f32 v21, v55;
	v21 =	vmul.f32 v60, v16;
	_ =	sdelay $0x1  }
0x3ef: {  	v23 =	vmul.f32 v18, v39;
	v21 =	vsub.f32 $1.500000000e+00, v21  }
0x3f0: {  	v10 =	vmul.f32 v20, v42  }
0x3f1: {  	v23 =	vmul.f32 v23, v18;
	v16 =	vmul.f32 v21, v16  }
0x3f2: {  	v25 =	vmul.f32 v10, v20  }
0x3f3: {  	v23 =	vsub.f32 $1.500000000e+00, v23;
	v17 =	vmul.f32 v16, v35  }
0x3f4: {  	v12 =	vsub.f32 $1.500000000e+00, v25  }
0x3f5: {  	v18 =	vmul.f32 v23, v18;
	v17 =	vmul.f32 v17, v16  }
0x3f6: {  	v20 =	vmul.f32 v12, v20  }
0x3f7: {  	v19 =	vmul.f32 v18, v39;
	v17 =	vsub.f32 $1.500000000e+00, v17  }
0x3f8: {  	v21 =	vmul.f32 v20, v42  }
0x3f9: {  	v19 =	vmul.f32 v19, v18;
	v16 =	vmul.f32 v17, v16  }
0x3fa: {  	v21 =	vmul.f32 v21, v20  }
0x3fb: {  	v34 =	vld [tilespmem:$0x1FA00];
	v19 =	vsub.f32 $1.500000000e+00, v19;
	v0 =	vmul.f32 v16, v0  }
0x3fc: {  	v23 =	vsub.f32 $1.500000000e+00, v21  }
0x3fd: {  	v18 =	vmul.f32 v19, v18;
	v0 =	vmax.f32 v0, $9.999999960e-13  }
0x3fe: {  	v26 =	vld.idx.msk [tilespmem:v9+s18+$0x0], $0xffff;
	v25 =	vmul.f32 v23, v20;
	(erf) = vrcp.f32 v0  }
0x3ff: {  	v27 =	vld [tilespmem:$0x1F9F0];
	v1 =	vmul.f32 v18, v1  }
0x400: {  	v46 =	vld [tilespmem:$0x1FA20];
	v4 =	vmul.f32 v25, v4  }
0x401: {  	v0 =	vmax.f32 v1, $9.999999960e-13;
	v1 =	vld.idx.msk [tilespmem:v9+s17+$0x0], $0xffff  }
0x402: {  	v41 =	vld [tilespmem:$0x1FA10];
	(erf) = vrcp.f32 v0;
	v0 =	vmax.f32 v4, $9.999999960e-13  }
0x403: {  	v40 =	vld.idx.msk [tilespmem:v34+s6+$0x0], $0xffff;
	(erf) = vrcp.f32 v0  }
0x404: {  	v28 =	vmul.f32 v2, v27;
	v35 =	vld.idx.msk [tilespmem:v34+s17+$0x0], $0xffff  }
0x405: {  	v18 =	vld.idx.msk [tilespmem:v34+s18+$0x0], $0xffff  }
0x406: {  	v34 =	vld [tilespmem:$0x1FA30];
	v38 =	vsub.f32 v1, v28  }
0x407: {  	v9 =	vld.idx.msk [tilespmem:v9+s6+$0x0], $0xffff;
	v0 =	vpop (erf)  }
0x408: {  	v19 =	vmul.f32 v0, v38;
	v38 =	vld [tilespmem:$0x1FA40]  }
0x409: {  	v55 =	vld.idx.msk [tilespmem:v46+s18+$0x0], $0xffff  }
0x40a: {  	v28 =	vld.idx.msk [tilespmem:v46+s6+$0x0], $0xffff  }
0x40b: {  	v1 =	vpop (erf)  }
0x40c: {  	v60 =	vmul.f32 v7, v41;
	v42 =	vmul.f32 v2, v41;
	v4 =	vpop (erf)  }
0x40d: {  	v48 =	vld.idx.msk [tilespmem:v46+s17+$0x0], $0xffff;
	v41 =	vmul.f32 v7, v34;
	v9 =	vmul.f32 v4, v9  }
0x40e: {  	v39 =	vmul.f32 v7, v27;
	v46 =	vld [tilespmem:$0x1FA50]  }
0x40f: {  	v9 =	vadd.f32 v9, v19;
	v19 =	vsub.f32 v55, v41;
	v55 =	vmul.f32 v4, v28;
	v28 =	vld [tilespmem:$0x1FA60]  }
0x410: {  	v16 =	vsub.f32 v26, v39;
	v39 =	vld.idx.msk [tilespmem:v38+s17+$0x0], $0xffff  }
0x411: {  	v17 =	vsub.f32 v35, v42;
	v35 =	vmul.f32 v2, v34;
	v42 =	vld.idx.msk [tilespmem:v38+s6+$0x0], $0xffff;
	_ =	sdelay $0x1  }
0x412: {  	v16 =	vmul.f32 v1, v16;
	v21 =	vmul.f32 v4, v40;
	v40 =	vsub.f32 v48, v35  }
0x413: {  	v48 =	vmul.f32 v2, v46  }
0x414: {  	v9 =	vsub.f32 v9, v16;
	v16 =	vmul.f32 v0, v40;
	v40 =	vld [tilespmem:$0x1FA70]  }
0x415: {  	v27 =	vsub.f32 v39, v48;
	v39 =	vmul.f32 v4, v42;
	v42 =	vld [tilespmem:$0x1FA80]  }
0x416: {  	v18 =	vsub.f32 v18, v60;
	v34 =	vld.idx.msk [tilespmem:v28+s18+$0x0], $0xffff  }
0x417: {  	v17 =	vmul.f32 v0, v17;
	v22 =	vld.idx.msk [tilespmem:v28+s17+$0x0], $0xffff  }
0x418: {  	v18 =	vmul.f32 v1, v18;
	v60 =	vld.idx.msk [tilespmem:v38+s18+$0x0], $0xffff  }
0x419: {  	v17 =	vadd.f32 v21, v17;
	v16 =	vadd.f32 v55, v16;
	v55 =	vmul.f32 v7, v40  }
0x41a: {  	v41 =	vmul.f32 v2, v40;
	v38 =	vld.idx.msk [tilespmem:v28+s6+$0x0], $0xffff  }
0x41b: {  	v35 =	vmul.f32 v7, v46;
	v17 =	vsub.f32 v17, v18;
	v20 =	vsub.f32 v34, v55;
	v34 =	vld [tilespmem:$0x1FA90]  }
0x41c: {  	v9 =	vand.u32 $0x7FFFFFFF, v9;
	v12 =	vsub.f32 v22, v41;
	v41 =	vld [tilespmem:$0x1FAA0]  }
0x41d: {  	v17 =	vand.u32 $0x7FFFFFFF, v17;
	v48 =	vsub.f32 v60, v35;
	v18 =	vmul.f32 v0, v27;
	v60 =	vld.idx.msk [tilespmem:v42+s18+$0x0], $0xffff  }
0x41e: {  	v9 =	vadd.f32 v17, v9  }
0x41f: {  	v17 =	vadd.f32 v39, v18;
	v38 =	vmul.f32 v4, v38;
	v18 =	vmul.f32 v0, v12  }
0x420: {  	v46 =	vld.idx.msk [tilespmem:v42+s17+$0x0], $0xffff;
	v40 =	vmul.f32 v7, v34  }
0x421: {  	v18 =	vadd.f32 v38, v18;
	v38 =	vld [tilespmem:$0x1FAB0]  }
0x422: {  	v19 =	vmul.f32 v1, v19;
	v22 =	vsub.f32 v60, v40;
	v40 =	vld [tilespmem:$0x1FAC0]  }
0x423: {  	v28 =	vld.idx.msk [tilespmem:v42+s6+$0x0], $0xffff;
	v35 =	vmul.f32 v2, v34  }
0x424: {  	v16 =	vsub.f32 v16, v19;
	v42 =	vld.idx.msk [tilespmem:v41+s17+$0x0], $0xffff  }
0x425: {  	v39 =	vsub.f32 v46, v35  }
0x426: {  	v16 =	vand.u32 $0x7FFFFFFF, v16;
	v19 =	vmul.f32 v1, v48;
	v48 =	vld.idx.msk [tilespmem:v41+s18+$0x0], $0xffff  }
0x427: {  	v9 =	vadd.f32 v9, v16;
	v35 =	vld [tilespmem:$0x1FAD0];
	v16 =	vmul.f32 v0, v39;
	v39 =	vmul.f32 v2, v38  }
0x428: {  	v55 =	vld.idx.msk [tilespmem:v41+s6+$0x0], $0xffff  }
0x429: {  	v17 =	vsub.f32 v17, v19;
	v21 =	vmul.f32 v4, v28;
	v19 =	vsub.f32 v42, v39;
	v42 =	vld [tilespmem:$0x1FAE0]  }
0x42a: {  	v41 =	vld.idx.msk [tilespmem:v40+s17+$0x0], $0xffff  }
0x42b: {  	v28 =	vmul.f32 v7, v38;
	v16 =	vadd.f32 v21, v16;
	v21 =	vld.idx.msk [tilespmem:v40+s18+$0x0], $0xffff  }
0x42c: {  	v46 =	vmul.f32 v1, v20;
	v34 =	vld.idx.msk [tilespmem:v40+s6+$0x0], $0xffff  }
0x42d: {  	v39 =	vsub.f32 v48, v28;
	v48 =	vmul.f32 v4, v55;
	v40 =	vld [tilespmem:$0x1FAF0]  }
0x42e: {  	v18 =	vsub.f32 v18, v46;
	v46 =	vmul.f32 v2, v42;
	v55 =	vmul.f32 v7, v42;
	v42 =	vld [tilespmem:$0x1FB00]  }
0x42f: {  	v38 =	vld.idx.msk [tilespmem:v35+s17+$0x0], $0xffff  }
0x430: {  	v60 =	vmul.f32 v1, v22;
	_ =	sdelay $0x1  }
0x431: {  	v16 =	vsub.f32 v16, v60;
	v60 =	vsub.f32 v41, v46;
	v41 =	vmul.f32 v2, v40  }
0x432: {  	v17 =	vand.u32 $0x7FFFFFFF, v17  }
0x433: {  	v9 =	vadd.f32 v9, v17;
	v17 =	vsub.f32 v38, v41;
	v38 =	vld [tilespmem:$0x1FB10];
	_ =	sdelay $0x1  }
0x434: {  	v46 =	vld.idx.msk [tilespmem:v42+s17+$0x0], $0xffff;
	_ =	sdelay $0x1  }
0x435: {  	v18 =	vand.u32 $0x7FFFFFFF, v18;
	v19 =	vmul.f32 v0, v19;
	v27 =	vld.idx.msk [tilespmem:v35+s18+$0x0], $0xffff  }
0x436: {  	v9 =	vadd.f32 v9, v18;
	v18 =	vmul.f32 v1, v39;
	v39 =	vmul.f32 v2, v38  }
0x437: {  	v16 =	vand.u32 $0x7FFFFFFF, v16;
	v28 =	vld.idx.msk [tilespmem:v35+s6+$0x0], $0xffff;
	v19 =	vadd.f32 v48, v19;
	v21 =	vsub.f32 v21, v55  }
0x438: {  	v48 =	vmul.f32 v34, v4;
	v34 =	vmul.f32 v7, v40;
	v41 =	vsub.f32 v46, v39;
	v46 =	vld [tilespmem:$0x1FB20]  }
0x439: {  	v9 =	vadd.f32 v9, v16  }
0x43a: {  	v16 =	vmul.f32 v60, v0;
	v60 =	vmul.f32 v21, v1;
	v21 =	vsub.f32 v27, v34;
	v27 =	vld [tilespmem:$0x1FB30]  }
0x43b: {  	v39 =	vld [tilespmem:$0x1FB50]  }
0x43c: {  	v55 =	vld.idx.msk [tilespmem:v42+s18+$0x0], $0xffff  }
0x43d: {  	v20 =	vmul.f32 v28, v4;
	v35 =	vld.idx.msk [tilespmem:v42+s6+$0x0], $0xffff;
	v17 =	vmul.f32 v17, v0  }
0x43e: {  	v18 =	vsub.f32 v19, v18;
	v34 =	vld [tilespmem:$0x1FB40];
	v16 =	vadd.f32 v48, v16  }
0x43f: {  	v21 =	vmul.f32 v21, v1;
	v17 =	vadd.f32 v20, v17;
	v19 =	vmul.f32 v41, v0;
	v41 =	vld [tilespmem:$0x1FB60]  }
0x440: {  	v18 =	vand.u32 $0x7FFFFFFF, v18;
	v16 =	vsub.f32 v16, v60;
	v40 =	vmul.f32 v7, v38;
	v60 =	vld.idx.msk [tilespmem:v46+s18+$0x0], $0xffff  }
0x441: {  	v9 =	vadd.f32 v9, v18;
	v17 =	vsub.f32 v17, v21;
	v48 =	vld.idx.msk [tilespmem:v46+s17+$0x0], $0xffff  }
0x442: {  	v16 =	vand.u32 $0x7FFFFFFF, v16;
	v42 =	vsub.f32 v55, v40;
	v55 =	vmul.f32 v35, v4;
	v18 =	vld.idx.msk [tilespmem:v46+s6+$0x0], $0xffff  }
0x443: {  	v38 =	vmul.f32 v7, v34;
	v9 =	vadd.f32 v9, v16;
	v40 =	vld.idx.msk [tilespmem:v39+s17+$0x0], $0xffff  }
0x444: {  	v35 =	vmul.f32 v2, v34;
	v17 =	vand.u32 $0x7FFFFFFF, v17;
	v19 =	vadd.f32 v55, v19;
	v55 =	vld.idx.msk [tilespmem:v39+s18+$0x0], $0xffff  }
0x445: {  	v9 =	vadd.f32 v9, v17;
	v17 =	vsub.f32 v60, v38;
	v60 =	vld [tilespmem:$0x1FB70]  }
0x446: {  	v22 =	vsub.f32 v48, v35;
	v48 =	vld.idx.msk [tilespmem:v39+s6+$0x0], $0xffff  }
0x447: {  	v39 =	vld [tilespmem:$0x1FB80]  }
0x448: {  	v20 =	vmul.f32 v42, v1  }
0x449: {  	v28 =	vld.idx.msk [tilespmem:v27+s17+$0x0], $0xffff;
	v42 =	vmul.f32 v2, v41;
	v18 =	vmul.f32 v18, v4  }
0x44a: {  	v16 =	vld.idx.msk [tilespmem:v27+s18+$0x0], $0xffff;
	v22 =	vmul.f32 v22, v0;
	v35 =	vmul.f32 v7, v60  }
0x44b: {  	v19 =	vsub.f32 v19, v20;
	v46 =	vmul.f32 v7, v41;
	v12 =	vmul.f32 v2, v60;
	v60 =	vld [tilespmem:$0x1FBA0]  }
0x44c: {  	v20 =	vld.idx.msk [tilespmem:v27+s6+$0x0], $0xffff;
	v17 =	vmul.f32 v17, v1;
	v18 =	vadd.f32 v18, v22;
	v41 =	vsub.f32 v55, v35  }
0x44d: {  	v38 =	vmul.f32 v48, v4;
	v48 =	vld [tilespmem:$0x1FB90]  }
0x44e: {  	v17 =	vsub.f32 v18, v17;
	v18 =	vmul.f32 v41, v1;
	v41 =	vld [tilespmem:$0x1FBC0]  }
0x44f: {  	v34 =	vsub.f32 v40, v12;
	v40 =	vld.idx.msk [tilespmem:v39+s17+$0x0], $0xffff  }
0x450: {  	v21 =	vsub.f32 v28, v42;
	v42 =	vld.idx.msk [tilespmem:v39+s18+$0x0], $0xffff  }
0x451: {  	v16 =	vsub.f32 v16, v46;
	v46 =	vld.idx.msk [tilespmem:v39+s6+$0x0], $0xffff  }
0x452: {  	v19 =	vand.u32 $0x7FFFFFFF, v19;
	v39 =	vld [tilespmem:$0x1FBB0]  }
0x453: {  	v9 =	vadd.f32 v19, v9;
	v19 =	vmul.f32 v34, v0;
	v34 =	vmul.f32 v7, v48;
	v28 =	vld.idx.msk [tilespmem:v60+s17+$0x0], $0xffff  }
0x454: {  	v21 =	vmul.f32 v21, v0;
	v26 =	vld.idx.msk [tilespmem:v60+s18+$0x0], $0xffff  }
0x455: {  	v20 =	vmul.f32 v20, v4;
	v19 =	vadd.f32 v38, v19;
	v38 =	vsub.f32 v42, v34;
	v34 =	vld [tilespmem:$0x1FBE0]  }
0x456: {  	v55 =	vmul.f32 v2, v48;
	v48 =	vld.idx.msk [tilespmem:v41+s6+$0x0], $0xffff  }
0x457: {  	v20 =	vadd.f32 v20, v21;
	v21 =	vld.idx.msk [tilespmem:v60+s6+$0x0], $0xffff  }
0x458: {  	v16 =	vmul.f32 v16, v1;
	v35 =	vsub.f32 v40, v55;
	v55 =	vld [tilespmem:$0x1FBD0]  }
0x459: {  	v42 =	vld.idx.msk [tilespmem:v41+s17+$0x0], $0xffff  }
0x45a: {  	v16 =	vsub.f32 v20, v16;
	v17 =	vand.u32 $0x7FFFFFFF, v17;
	v25 =	vld.idx.msk [tilespmem:v41+s18+$0x0], $0xffff  }
0x45b: {  	v9 =	vadd.f32 v17, v9;
	v40 =	vmul.f32 v2, v39;
	v23 =	vmul.f32 v48, v4;
	v48 =	vld [tilespmem:$0x1FC00]  }
0x45c: {  	v18 =	vsub.f32 v19, v18;
	v20 =	vmul.f32 v46, v4;
	v46 =	vmul.f32 v7, v39;
	v41 =	vld [tilespmem:$0x1FBF0]  }
0x45d: {  	v16 =	vand.u32 $0x7FFFFFFF, v16;
	v19 =	vmul.f32 v35, v0;
	v39 =	vmul.f32 v7, v55;
	v35 =	vld.idx.msk [tilespmem:v34+s17+$0x0], $0xffff  }
0x45e: {  	v9 =	vadd.f32 v16, v9;
	v18 =	vand.u32 $0x7FFFFFFF, v18;
	v17 =	vsub.f32 v28, v40;
	v40 =	vld.idx.msk [tilespmem:v34+s6+$0x0], $0xffff  }
0x45f: {  	v19 =	vadd.f32 v20, v19;
	v60 =	vmul.f32 v2, v55;
	v20 =	vsub.f32 v25, v39;
	v25 =	vld.idx.msk [tilespmem:v34+s18+$0x0], $0xffff  }
0x460: {  	v16 =	vmul.f32 v38, v1;
	v9 =	vadd.f32 v18, v9;
	v39 =	vld [tilespmem:$0x1FC10]  }
0x461: {  	v38 =	vsub.f32 v42, v60;
	v42 =	vmul.f32 v2, v41;
	v34 =	vmul.f32 v7, v41;
	v41 =	vld [tilespmem:$0x1FC20]  }
0x462: {  	v18 =	vsub.f32 v26, v46;
	v16 =	vsub.f32 v19, v16  }
0x463: {  	v21 =	vmul.f32 v21, v4;
	v17 =	vmul.f32 v17, v0;
	v22 =	vld.idx.msk [tilespmem:v48+s17+$0x0], $0xffff  }
0x464: {  	v18 =	vmul.f32 v18, v1;
	v16 =	vand.u32 $0x7FFFFFFF, v16;
	v19 =	vmul.f32 v38, v0  }
0x465: {  	v28 =	vld [tilespmem:$0x1FC30];
	v17 =	vadd.f32 v21, v17;
	v9 =	vadd.f32 v16, v9;
	v60 =	vmul.f32 v20, v1  }
0x466: {  	v55 =	vadd.f32 v23, v19;
	v38 =	vmul.f32 v40, v4;
	v40 =	vmul.f32 v2, v39;
	v20 =	vld.idx.msk [tilespmem:v48+s18+$0x0], $0xffff  }
0x467: {  	v17 =	vsub.f32 v17, v18;
	v46 =	vsub.f32 v35, v42;
	v35 =	vld.idx.msk [tilespmem:v48+s6+$0x0], $0xffff  }
0x468: {  	v16 =	vsub.f32 v55, v60;
	v60 =	vsub.f32 v22, v40;
	v40 =	vld [tilespmem:$0x1FC40]  }
0x469: {  	v55 =	vld.idx.msk [tilespmem:v41+s18+$0x0], $0xffff  }
0x46a: {  	v17 =	vand.u32 $0x7FFFFFFF, v17  }
0x46b: {  	v9 =	vadd.f32 v17, v9;
	v18 =	vmul.f32 v46, v0;
	v42 =	vld.idx.msk [tilespmem:v41+s17+$0x0], $0xffff;
	v48 =	vmul.f32 v7, v39  }
0x46c: {  	v46 =	vsub.f32 v25, v34;
	v34 =	vmul.f32 v2, v28;
	v39 =	vmul.f32 v7, v28;
	v28 =	vld [tilespmem:$0x1FC60]  }
0x46d: {  	v17 =	vadd.f32 v38, v18;
	v12 =	vld.idx.msk [tilespmem:v41+s6+$0x0], $0xffff;
	v20 =	vsub.f32 v20, v48  }
0x46e: {  	v35 =	vmul.f32 v35, v4;
	v22 =	vsub.f32 v55, v39;
	v55 =	vld [tilespmem:$0x1FC50];
	v18 =	vmul.f32 v60, v0  }
0x46f: {  	v39 =	vld [tilespmem:$0x1FC70]  }
0x470: {  	v38 =	vsub.f32 v42, v34;
	v42 =	vmul.f32 v20, v1;
	v18 =	vadd.f32 v35, v18;
	v41 =	vld.idx.msk [tilespmem:v40+s17+$0x0], $0xffff  }
0x471: {  	v19 =	vmul.f32 v46, v1;
	v46 =	vld.idx.msk [tilespmem:v40+s18+$0x0], $0xffff  }
0x472: {  	v16 =	vand.u32 $0x7FFFFFFF, v16;
	v18 =	vsub.f32 v18, v42;
	v42 =	vld [tilespmem:$0x1FC80]  }
0x473: {  	v9 =	vadd.f32 v16, v9;
	v16 =	vmul.f32 v38, v0  }
0x474: {  	v34 =	vld.idx.msk [tilespmem:v28+s17+$0x0], $0xffff;
	v60 =	vmul.f32 v2, v55;
	v38 =	vmul.f32 v7, v55  }
0x475: {  	v17 =	vsub.f32 v17, v19;
	v21 =	vmul.f32 v12, v4;
	v26 =	vld.idx.msk [tilespmem:v28+s6+$0x0], $0xffff  }
0x476: {  	v19 =	vsub.f32 v41, v60;
	v41 =	vsub.f32 v46, v38;
	v38 =	vld [tilespmem:$0x1FCA0]  }
0x477: {  	v16 =	vadd.f32 v21, v16;
	v21 =	vld.idx.msk [tilespmem:v28+s18+$0x0], $0xffff;
	v46 =	vmul.f32 v2, v42  }
0x478: {  	v48 =	vld.idx.msk [tilespmem:v40+s6+$0x0], $0xffff  }
0x479: {  	v17 =	vand.u32 $0x7FFFFFFF, v17;
	v60 =	vsub.f32 v34, v46;
	v34 =	vld [tilespmem:$0x1FC90]  }
0x47a: {  	v9 =	vadd.f32 v17, v9;
	v35 =	vmul.f32 v22, v1;
	v40 =	vld.idx.msk [tilespmem:v39+s17+$0x0], $0xffff  }
0x47b: {  	v18 =	vand.u32 $0x7FFFFFFF, v18;
	v27 =	vld.idx.msk [tilespmem:v39+s18+$0x0], $0xffff;
	v55 =	vmul.f32 v7, v42  }
0x47c: {  	v16 =	vsub.f32 v16, v35;
	v28 =	vld.idx.msk [tilespmem:v39+s6+$0x0], $0xffff;
	v9 =	vadd.f32 v18, v9  }
0x47d: {  	v48 =	vmul.f32 v48, v4;
	v21 =	vsub.f32 v21, v55;
	v55 =	vld [tilespmem:$0x1FCB0];
	v19 =	vmul.f32 v19, v0  }
0x47e: {  	v16 =	vand.u32 $0x7FFFFFFF, v16;
	v35 =	vmul.f32 v2, v34;
	v39 =	vld.idx.msk [tilespmem:v38+s17+$0x0], $0xffff  }
0x47f: {  	v9 =	vadd.f32 v16, v9;
	v18 =	vmul.f32 v41, v1;
	v19 =	vadd.f32 v48, v19;
	v41 =	vld.idx.msk [tilespmem:v38+s18+$0x0], $0xffff  }
0x480: {  	v16 =	vmul.f32 v60, v0;
	v48 =	vld.idx.msk [tilespmem:v38+s6+$0x0], $0xffff;
	v17 =	vsub.f32 v40, v35;
	v40 =	vmul.f32 v26, v4  }
0x481: {  	v38 =	vld [tilespmem:$0x1FCC0]  }
0x482: {  	v42 =	vmul.f32 v21, v1;
	v16 =	vadd.f32 v40, v16;
	_ =	sdelay $0x1  }
0x483: {  	v12 =	vmul.f32 v7, v55;
	v16 =	vsub.f32 v16, v42;
	v42 =	vld [tilespmem:$0x1FCD0]  }
0x484: {  	v10 =	vld [tilespmem:$0x1FD20];
	v20 =	vmul.f32 v28, v4;
	v60 =	vmul.f32 v2, v55  }
0x485: {  	v17 =	vmul.f32 v17, v0;
	v35 =	vsub.f32 v41, v12;
	v40 =	vmul.f32 v48, v4;
	v48 =	vld [tilespmem:$0x1FCE0]  }
0x486: {  	v18 =	vsub.f32 v19, v18;
	v46 =	vmul.f32 v7, v34;
	v12 =	vld [tilespmem:$0x1FCF0]  }
0x487: {  	v34 =	vsub.f32 v39, v60;
	v17 =	vadd.f32 v20, v17;
	v20 =	vmul.f32 v35, v1;
	v35 =	vld [tilespmem:$0x1FD00]  }
0x488: {  	v39 =	vld.idx.msk [tilespmem:v38+s17+$0x0], $0xffff  }
0x489: {  	v18 =	vand.u32 $0x7FFFFFFF, v18;
	v21 =	vsub.f32 v27, v46;
	v19 =	vmul.f32 v34, v0;
	v41 =	vld.idx.msk [tilespmem:v38+s18+$0x0], $0xffff  }
0x48a: {  	v9 =	vadd.f32 v18, v9;
	v18 =	vld.idx.msk [tilespmem:v38+s6+$0x0], $0xffff  }
0x48b: {  	v21 =	vmul.f32 v21, v1;
	v16 =	vand.u32 $0x7FFFFFFF, v16;
	v19 =	vadd.f32 v40, v19;
	v46 =	vld.idx.msk [tilespmem:v42+s17+$0x0], $0xffff  }
0x48c: {  	v9 =	vadd.f32 v16, v9;
	v16 =	vld.idx.msk [tilespmem:v42+s18+$0x0], $0xffff  }
0x48d: {  	v17 =	vsub.f32 v17, v21;
	v19 =	vsub.f32 v19, v20;
	v20 =	vld.idx.msk [tilespmem:v42+s6+$0x0], $0xffff  }
0x48e: {  	v60 =	vmul.f32 v7, v48;
	v42 =	vld [tilespmem:$0x1FD10]  }
0x48f: {  	v17 =	vand.u32 $0x7FFFFFFF, v17;
	v34 =	vld.idx.msk [tilespmem:v12+s17+$0x0], $0xffff  }
0x490: {  	v55 =	vmul.f32 v2, v48;
	v9 =	vadd.f32 v17, v9;
	v17 =	vsub.f32 v41, v60;
	v41 =	vld.idx.msk [tilespmem:v12+s18+$0x0], $0xffff  }
0x491: {  	v38 =	vmul.f32 v2, v35  }
0x492: {  	v22 =	vsub.f32 v39, v55;
	v39 =	vmul.f32 v7, v35  }
0x493: {  	v40 =	vld.idx.msk [tilespmem:v12+s6+$0x0], $0xffff;
	v21 =	vsub.f32 v46, v38;
	v46 =	vmul.f32 v2, v42;
	v55 =	vmul.f32 v7, v42  }
0x494: {  	v18 =	vmul.f32 v18, v4;
	v16 =	vsub.f32 v16, v39;
	v39 =	vld [tilespmem:$0x1FD30]  }
0x495: {  	v22 =	vmul.f32 v22, v0;
	v48 =	vsub.f32 v34, v46;
	v34 =	vsub.f32 v41, v55;
	v41 =	vld [tilespmem:$0x1FD40];
	_ =	sdelay $0x1  }
0x496: {  	v19 =	vand.u32 $0x7FFFFFFF, v19;
	v35 =	vld.idx.msk [tilespmem:v10+s18+$0x0], $0xffff;
	v17 =	vmul.f32 v17, v1;
	v18 =	vadd.f32 v18, v22  }
0x497: {  	v12 =	vld.idx.msk [tilespmem:v10+s17+$0x0], $0xffff;
	v9 =	vadd.f32 v19, v9;
	v60 =	vmul.f32 v40, v4  }
0x498: {  	v17 =	vsub.f32 v18, v17;
	v19 =	vmul.f32 v48, v0;
	v18 =	vmul.f32 v34, v1;
	v34 =	vld [tilespmem:$0x1FD60]  }
0x499: {  	v38 =	vld.idx.msk [tilespmem:v10+s6+$0x0], $0xffff;
	v46 =	vmul.f32 v7, v39  }
0x49a: {  	v19 =	vadd.f32 v60, v19;
	v60 =	vld [tilespmem:$0x1FD50]  }
0x49b: {  	v55 =	vsub.f32 v35, v46;
	v46 =	vld [tilespmem:$0x1FD80]  }
0x49c: {  	v20 =	vmul.f32 v20, v4;
	v21 =	vmul.f32 v21, v0;
	v42 =	vld.idx.msk [tilespmem:v41+s17+$0x0], $0xffff  }
0x49d: {  	v26 =	vld.idx.msk [tilespmem:v41+s18+$0x0], $0xffff  }
0x49e: {  	v20 =	vadd.f32 v20, v21;
	v21 =	vld.idx.msk [tilespmem:v41+s6+$0x0], $0xffff  }
0x49f: {  	v40 =	vmul.f32 v2, v39;
	v41 =	vld [tilespmem:$0x1FD70]  }
0x4a0: {  	v16 =	vmul.f32 v16, v1;
	v35 =	vld.idx.msk [tilespmem:v34+s17+$0x0], $0xffff  }
0x4a1: {  	v48 =	vsub.f32 v12, v40;
	v40 =	vld.idx.msk [tilespmem:v34+s6+$0x0], $0xffff  }
0x4a2: {  	v16 =	vsub.f32 v20, v16;
	v20 =	vmul.f32 v38, v4;
	v38 =	vld.idx.msk [tilespmem:v34+s18+$0x0], $0xffff  }
0x4a3: {  	v17 =	vand.u32 $0x7FFFFFFF, v17;
	v34 =	vld [tilespmem:$0x1FD90]  }
0x4a4: {  	v9 =	vadd.f32 v17, v9;
	v12 =	vmul.f32 v2, v60  }
0x4a5: {  	v18 =	vsub.f32 v19, v18;
	v16 =	vand.u32 $0x7FFFFFFF, v16;
	v19 =	vmul.f32 v48, v0;
	v48 =	vld.idx.msk [tilespmem:v46+s17+$0x0], $0xffff  }
0x4a6: {  	v17 =	vsub.f32 v42, v12;
	v42 =	vmul.f32 v2, v41;
	v23 =	vmul.f32 v40, v4;
	v40 =	vld [tilespmem:$0x1FDA0]  }
0x4a7: {  	v9 =	vadd.f32 v16, v9;
	v16 =	vmul.f32 v55, v1;
	v39 =	vmul.f32 v7, v60  }
0x4a8: {  	v18 =	vand.u32 $0x7FFFFFFF, v18;
	v55 =	vsub.f32 v35, v42;
	v35 =	vmul.f32 v2, v34  }
0x4a9: {  	v9 =	vadd.f32 v18, v9;
	v18 =	vsub.f32 v26, v39  }
0x4aa: {  	v60 =	vmul.f32 v7, v41;
	v39 =	vsub.f32 v48, v35;
	v48 =	vmul.f32 v7, v34;
	v34 =	vld [tilespmem:$0x1FDC0]  }
0x4ab: {  	v19 =	vadd.f32 v20, v19;
	v12 =	vld.idx.msk [tilespmem:v46+s6+$0x0], $0xffff  }
0x4ac: {  	v20 =	vsub.f32 v38, v60;
	v60 =	vld [tilespmem:$0x1FDB0]  }
0x4ad: {  	v16 =	vsub.f32 v19, v16;
	v21 =	vmul.f32 v21, v4;
	v17 =	vmul.f32 v17, v0;
	v38 =	vld.idx.msk [tilespmem:v46+s18+$0x0], $0xffff  }
0x4ae: {  	v19 =	vmul.f32 v55, v0;
	v46 =	vld.idx.msk [tilespmem:v40+s18+$0x0], $0xffff  }
0x4af: {  	v16 =	vand.u32 $0x7FFFFFFF, v16;
	v18 =	vmul.f32 v18, v1;
	v17 =	vadd.f32 v21, v17;
	v22 =	vld.idx.msk [tilespmem:v40+s17+$0x0], $0xffff  }
0x4b0: {  	v9 =	vadd.f32 v16, v9;
	v42 =	vmul.f32 v20, v1;
	v41 =	vadd.f32 v23, v19  }
0x4b1: {  	v17 =	vsub.f32 v17, v18;
	v18 =	vmul.f32 v39, v0;
	v39 =	vmul.f32 v7, v60;
	v26 =	vld.idx.msk [tilespmem:v40+s6+$0x0], $0xffff  }
0x4b2: {  	v55 =	vmul.f32 v12, v4;
	v12 =	vmul.f32 v2, v60;
	v16 =	vsub.f32 v41, v42;
	v42 =	vld.idx.msk [tilespmem:v34+s6+$0x0], $0xffff  }
0x4b3: {  	v20 =	vsub.f32 v46, v39;
	v46 =	vld [tilespmem:$0x1FDD0]  }
0x4b4: {  	v41 =	vsub.f32 v22, v12;
	v12 =	vld [tilespmem:$0x1FDE0];
	_ =	sdelay $0x1  }
0x4b5: {  	v40 =	vld.idx.msk [tilespmem:v34+s18+$0x0], $0xffff  }
0x4b6: {  	v17 =	vand.u32 $0x7FFFFFFF, v17;
	v35 =	vld.idx.msk [tilespmem:v34+s17+$0x0], $0xffff  }
0x4b7: {  	v9 =	vadd.f32 v17, v9;
	v21 =	vmul.f32 v42, v4;
	v42 =	vld [tilespmem:$0x1FE00]  }
0x4b8: {  	v17 =	vadd.f32 v55, v18;
	v55 =	vmul.f32 v26, v4;
	v10 =	vmul.f32 v7, v46  }
0x4b9: {  	v28 =	vld [tilespmem:$0x1FE70];
	v38 =	vsub.f32 v38, v48;
	v18 =	vmul.f32 v41, v0;
	v48 =	vmul.f32 v2, v46  }
0x4ba: {  	v22 =	vsub.f32 v40, v10;
	v40 =	vld [tilespmem:$0x1FDF0]  }
0x4bb: {  	v18 =	vadd.f32 v55, v18;
	v60 =	vsub.f32 v35, v48;
	v35 =	vmul.f32 v20, v1;
	v34 =	vld.idx.msk [tilespmem:v12+s17+$0x0], $0xffff  }
0x4bc: {  	v19 =	vmul.f32 v38, v1;
	v38 =	vld.idx.msk [tilespmem:v12+s18+$0x0], $0xffff  }
0x4bd: {  	v16 =	vand.u32 $0x7FFFFFFF, v16;
	v18 =	vsub.f32 v18, v35;
	v35 =	vld [tilespmem:$0x1FE20]  }
0x4be: {  	v9 =	vadd.f32 v16, v9;
	v16 =	vmul.f32 v60, v0;
	v60 =	vld [tilespmem:$0x1FE10]  }
0x4bf: {  	v46 =	vld.idx.msk [tilespmem:v42+s17+$0x0], $0xffff;
	v41 =	vmul.f32 v2, v40;
	v55 =	vmul.f32 v7, v40  }
0x4c0: {  	v17 =	vsub.f32 v17, v19;
	v16 =	vadd.f32 v21, v16;
	v21 =	vld.idx.msk [tilespmem:v42+s18+$0x0], $0xffff  }
0x4c1: {  	v19 =	vsub.f32 v34, v41;
	v34 =	vsub.f32 v38, v55;
	v55 =	vld [tilespmem:$0x1FE40]  }
0x4c2: {  	v39 =	vld.idx.msk [tilespmem:v12+s6+$0x0], $0xffff;
	v38 =	vmul.f32 v2, v35  }
0x4c3: {  	v26 =	vld.idx.msk [tilespmem:v42+s6+$0x0], $0xffff;
	v40 =	vmul.f32 v7, v35  }
0x4c4: {  	v41 =	vsub.f32 v46, v38;
	v46 =	vld [tilespmem:$0x1FE30]  }
0x4c5: {  	v21 =	vsub.f32 v21, v40;
	v40 =	vld [tilespmem:$0x1FE50]  }
0x4c6: {  	v12 =	vld.idx.msk [tilespmem:v60+s17+$0x0], $0xffff  }
0x4c7: {  	v17 =	vand.u32 $0x7FFFFFFF, v17;
	v27 =	vld.idx.msk [tilespmem:v60+s18+$0x0], $0xffff  }
0x4c8: {  	v9 =	vadd.f32 v17, v9;
	v48 =	vmul.f32 v22, v1;
	v42 =	vld.idx.msk [tilespmem:v60+s6+$0x0], $0xffff  }
0x4c9: {  	v18 =	vand.u32 $0x7FFFFFFF, v18;
	v39 =	vmul.f32 v39, v4;
	v19 =	vmul.f32 v19, v0;
	v60 =	vld.idx.msk [tilespmem:v55+s17+$0x0], $0xffff  }
0x4ca: {  	v9 =	vadd.f32 v18, v9;
	v18 =	vmul.f32 v34, v1;
	v34 =	vld.idx.msk [tilespmem:v55+s18+$0x0], $0xffff  }
0x4cb: {  	v16 =	vsub.f32 v16, v48;
	v19 =	vadd.f32 v39, v19;
	v39 =	vld.idx.msk [tilespmem:v55+s6+$0x0], $0xffff  }
0x4cc: {  	v55 =	vld [tilespmem:$0x1FE60]  }
0x4cd: {  	v16 =	vand.u32 $0x7FFFFFFF, v16;
	v48 =	vmul.f32 v2, v46  }
0x4ce: {  	v9 =	vadd.f32 v16, v9;
	v16 =	vmul.f32 v41, v0;
	v38 =	vmul.f32 v7, v46  }
0x4cf: {  	v10 =	vld [tilespmem:$0x1FEB0];
	v41 =	vmul.f32 v2, v40;
	v17 =	vsub.f32 v12, v48;
	v12 =	vmul.f32 v26, v4  }
0x4d0: {  	v35 =	vmul.f32 v21, v1;
	v21 =	vsub.f32 v27, v38;
	v38 =	vld.idx.msk [tilespmem:v28+s6+$0x0], $0xffff  }
0x4d1: {  	v16 =	vadd.f32 v12, v16;
	v46 =	vsub.f32 v60, v41;
	v12 =	vmul.f32 v39, v4;
	v39 =	vld [tilespmem:$0x1FE80]  }
0x4d2: {  	v18 =	vsub.f32 v19, v18;
	v20 =	vmul.f32 v42, v4;
	v41 =	vld [tilespmem:$0x1FE90]  }
0x4d3: {  	v17 =	vmul.f32 v17, v0;
	v19 =	vmul.f32 v46, v0;
	v46 =	vld [tilespmem:$0x1FEA0]  }
0x4d4: {  	v42 =	vmul.f32 v7, v40;
	v18 =	vand.u32 $0x7FFFFFFF, v18;
	v60 =	vld.idx.msk [tilespmem:v55+s17+$0x0], $0xffff  }
0x4d5: {  	v21 =	vmul.f32 v21, v1;
	v16 =	vsub.f32 v16, v35;
	v17 =	vadd.f32 v20, v17;
	v25 =	vld.idx.msk [tilespmem:v55+s18+$0x0], $0xffff  }
0x4d6: {  	v9 =	vadd.f32 v18, v9;
	v48 =	vsub.f32 v34, v42;
	v34 =	vld.idx.msk [tilespmem:v28+s17+$0x0], $0xffff  }
0x4d7: {  	v17 =	vsub.f32 v17, v21;
	v16 =	vand.u32 $0x7FFFFFFF, v16;
	v18 =	vld.idx.msk [tilespmem:v55+s6+$0x0], $0xffff;
	v40 =	vmul.f32 v2, v39  }
0x4d8: {  	v35 =	vld.idx.msk [tilespmem:v28+s18+$0x0], $0xffff;
	v9 =	vadd.f32 v16, v9;
	v19 =	vadd.f32 v12, v19;
	v55 =	vmul.f32 v7, v39  }
0x4d9: {  	v12 =	vld.idx.msk [tilespmem:v10+s17+$0x0], $0xffff;
	v42 =	vmul.f32 v2, v41;
	v22 =	vsub.f32 v60, v40;
	v60 =	vmul.f32 v7, v41  }
0x4da: {  	v23 =	vsub.f32 v25, v55;
	v41 =	vmul.f32 v2, v63;
	v55 =	vmul.f32 v7, v63;
	v63 =	vld [tilespmem:$0x1FEC0]  }
0x4db: {  	v20 =	vmul.f32 v48, v1;
	v17 =	vand.u32 $0x7FFFFFFF, v17;
	v39 =	vld.idx.msk [tilespmem:v10+s6+$0x0], $0xffff  }
0x4dc: {  	v9 =	vadd.f32 v17, v9;
	v18 =	vmul.f32 v18, v4;
	v48 =	vld.idx.msk [tilespmem:v46+s17+$0x0], $0xffff;
	v22 =	vmul.f32 v22, v0  }
0x4dd: {  	v19 =	vsub.f32 v19, v20;
	v17 =	vsub.f32 v34, v42;
	v27 =	vld.idx.msk [tilespmem:v46+s18+$0x0], $0xffff  }
0x4de: {  	v34 =	vmul.f32 v38, v4;
	v21 =	vld.idx.msk [tilespmem:v46+s6+$0x0], $0xffff;
	v38 =	vmul.f32 v23, v1;
	v18 =	vadd.f32 v18, v22  }
0x4df: {  	v40 =	vmul.f32 v2, v61;
	v17 =	vmul.f32 v17, v0;
	v16 =	vsub.f32 v35, v60;
	v35 =	vld.idx.msk [tilespmem:v10+s18+$0x0], $0xffff  }
0x4e0: {  	v19 =	vand.u32 $0x7FFFFFFF, v19;
	v18 =	vsub.f32 v18, v38;
	v38 =	vld [tilespmem:$0x1FED0]  }
0x4e1: {  	v17 =	vadd.f32 v34, v17;
	v16 =	vmul.f32 v16, v1;
	v42 =	vsub.f32 v48, v40;
	v40 =	vld [tilespmem:$0x1FEE0]  }
0x4e2: {  	v9 =	vadd.f32 v19, v9;
	v46 =	vmul.f32 v7, v61;
	v48 =	vsub.f32 v12, v41;
	v12 =	vld.idx.msk [tilespmem:v63+s17+$0x0], $0xffff  }
0x4e3: {  	v61 =	vmul.f32 v39, v4;
	v16 =	vsub.f32 v17, v16;
	v21 =	vmul.f32 v21, v4  }
0x4e4: {  	v60 =	vsub.f32 v27, v46;
	v22 =	vmul.f32 v42, v0;
	v17 =	vmul.f32 v48, v0  }
0x4e5: {  	v19 =	vsub.f32 v35, v55;
	v18 =	vand.u32 $0x7FFFFFFF, v18;
	v25 =	vld.idx.msk [tilespmem:v63+s18+$0x0], $0xffff;
	v39 =	vmul.f32 v2, v38  }
0x4e6: {  	v28 =	vmul.f32 v60, v1;
	v21 =	vadd.f32 v21, v22;
	v17 =	vadd.f32 v61, v17;
	v61 =	vld [tilespmem:$0x1FEF0]  }
0x4e7: {  	v9 =	vadd.f32 v18, v9;
	v48 =	vsub.f32 v12, v39;
	v12 =	vld [tilespmem:$0x1FF00]  }
0x4e8: {  	v16 =	vand.u32 $0x7FFFFFFF, v16;
	v34 =	vmul.f32 v19, v1;
	v19 =	vld.idx.msk [tilespmem:v63+s6+$0x0], $0xffff;
	v35 =	vsub.f32 v21, v28  }
0x4e9: {  	v9 =	vadd.f32 v16, v9;
	v41 =	vld.idx.msk [tilespmem:v40+s17+$0x0], $0xffff  }
0x4ea: {  	v28 =	vld [tilespmem:$0x1FF30];
	v46 =	vand.u32 $0x7FFFFFFF, v35  }
0x4eb: {  	v9 =	vadd.f32 v46, v9;
	v46 =	vld [tilespmem:$0x1FF20]  }
0x4ec: {  	v42 =	vsub.f32 v17, v34;
	v17 =	vld.idx.msk [tilespmem:v40+s18+$0x0], $0xffff;
	v63 =	vmul.f32 v2, v61  }
0x4ed: {  	v60 =	vld.idx.msk [tilespmem:v40+s6+$0x0], $0xffff  }
0x4ee: {  	v55 =	vmul.f32 v7, v38;
	v38 =	vsub.f32 v41, v63;
	v41 =	vld [tilespmem:$0x1FF10]  }
0x4ef: {  	v34 =	vld.idx.msk [tilespmem:v12+s17+$0x0], $0xffff  }
0x4f0: {  	v35 =	vld.idx.msk [tilespmem:v12+s18+$0x0], $0xffff  }
0x4f1: {  	v40 =	vld.idx.msk [tilespmem:v12+s6+$0x0], $0xffff  }
0x4f2: {  	v27 =	vmul.f32 v7, v58;
	v12 =	vmul.f32 v2, v58;
	v58 =	vld [tilespmem:$0x1FF60]  }
0x4f3: {  	v21 =	vsub.f32 v25, v55;
	v20 =	vmul.f32 v48, v0;
	v39 =	vmul.f32 v7, v61;
	v48 =	vld.idx.msk [tilespmem:v46+s17+$0x0], $0xffff  }
0x4f4: {  	v19 =	vmul.f32 v19, v4;
	v16 =	vand.u32 $0x7FFFFFFF, v42;
	v55 =	vmul.f32 v60, v4;
	v60 =	vld.idx.msk [tilespmem:v46+s18+$0x0], $0xffff  }
0x4f5: {  	v9 =	vadd.f32 v16, v9;
	v17 =	vsub.f32 v17, v39;
	v16 =	vmul.f32 v38, v0;
	v63 =	vld.idx.msk [tilespmem:v46+s6+$0x0], $0xffff  }
0x4f6: {  	v21 =	vmul.f32 v21, v1;
	v19 =	vadd.f32 v19, v20;
	v22 =	vmul.f32 v40, v4;
	v40 =	vld [tilespmem:$0x1FF40]  }
0x4f7: {  	v39 =	vld.idx.msk [tilespmem:v28+s6+$0x0], $0xffff;
	v17 =	vmul.f32 v17, v1;
	v16 =	vadd.f32 v55, v16;
	v42 =	vmul.f32 v2, v41  }
0x4f8: {  	v19 =	vsub.f32 v19, v21;
	v38 =	vld.idx.msk [tilespmem:v28+s18+$0x0], $0xffff;
	v61 =	vmul.f32 v7, v41;
	v25 =	vsub.f32 v48, v12  }
0x4f9: {  	v46 =	vld [tilespmem:$0x1FF50];
	v16 =	vsub.f32 v16, v17;
	v20 =	vsub.f32 v34, v42  }
0x4fa: {  	v21 =	vsub.f32 v35, v61;
	v34 =	vld.idx.msk [tilespmem:v28+s17+$0x0], $0xffff;
	v35 =	vmul.f32 v63, v4;
	v17 =	vmul.f32 v25, v0  }
0x4fb: {  	v18 =	vsub.f32 v60, v27;
	v60 =	vld.idx.msk [tilespmem:v58+s17+$0x0], $0xffff  }
0x4fc: {  	v17 =	vadd.f32 v35, v17;
	v35 =	vld [tilespmem:$0x1FF70]  }
0x4fd: {  	v20 =	vmul.f32 v20, v0;
	v63 =	vld.idx.msk [tilespmem:v58+s18+$0x0], $0xffff  }
0x4fe: {  	v19 =	vand.u32 $0x7FFFFFFF, v19;
	v48 =	vmul.f32 v2, v46;
	v18 =	vmul.f32 v18, v1;
	v41 =	vld.idx.msk [tilespmem:v40+s17+$0x0], $0xffff  }
0x4ff: {  	v9 =	vadd.f32 v19, v9;
	v21 =	vmul.f32 v21, v1;
	v20 =	vadd.f32 v22, v20;
	v42 =	vld.idx.msk [tilespmem:v40+s18+$0x0], $0xffff  }
0x500: {  	v61 =	vmul.f32 v7, v46;
	v17 =	vsub.f32 v17, v18;
	v18 =	vsub.f32 v34, v48;
	v34 =	vld.idx.msk [tilespmem:v58+s6+$0x0], $0xffff  }
0x501: {  	v55 =	vmul.f32 v2, v50;
	v16 =	vand.u32 $0x7FFFFFFF, v16;
	v20 =	vsub.f32 v20, v21;
	v58 =	vld [tilespmem:$0x1FF80]  }
0x502: {  	v19 =	vmul.f32 v39, v4;
	v9 =	vadd.f32 v16, v9;
	v22 =	vsub.f32 v38, v61;
	v23 =	vld.idx.msk [tilespmem:v40+s6+$0x0], $0xffff  }
0x503: {  	v28 =	vmul.f32 v7, v50;
	v46 =	vmul.f32 v2, v57;
	v20 =	vand.u32 $0x7FFFFFFF, v20  }
0x504: {  	v22 =	vmul.f32 v22, v1;
	v9 =	vadd.f32 v20, v9;
	v18 =	vmul.f32 v18, v0;
	v38 =	vld.idx.msk [tilespmem:v35+s17+$0x0], $0xffff  }
0x505: {  	v17 =	vand.u32 $0x7FFFFFFF, v17;
	v12 =	vsub.f32 v41, v55;
	v21 =	vmul.f32 v34, v4;
	v34 =	vld [tilespmem:$0x1FFA0]  }
0x506: {  	v48 =	vmul.f32 v7, v62;
	v9 =	vadd.f32 v17, v9;
	v18 =	vadd.f32 v19, v18;
	v40 =	vld.idx.msk [tilespmem:v35+s18+$0x0], $0xffff  }
0x507: {  	v16 =	vsub.f32 v42, v28;
	v39 =	vmul.f32 v23, v4;
	v17 =	vmul.f32 v12, v0;
	v42 =	vld.idx.msk [tilespmem:v35+s6+$0x0], $0xffff  }
0x508: {  	v41 =	vmul.f32 v2, v62;
	v18 =	vsub.f32 v18, v22;
	v22 =	vsub.f32 v63, v48;
	v12 =	vld [tilespmem:$0x1FF90]  }
0x509: {  	v16 =	vmul.f32 v16, v1;
	v17 =	vadd.f32 v39, v17;
	v63 =	vld.idx.msk [tilespmem:v58+s6+$0x0], $0xffff;
	v50 =	vsub.f32 v38, v46  }
0x50a: {  	v55 =	vmul.f32 v7, v57;
	v19 =	vsub.f32 v60, v41;
	v60 =	vld.idx.msk [tilespmem:v58+s17+$0x0], $0xffff  }
0x50b: {  	v16 =	vsub.f32 v17, v16;
	v17 =	vmul.f32 v50, v0;
	v50 =	vld [tilespmem:$0x1FFB0]  }
0x50c: {  	v48 =	vmul.f32 v2, v45;
	v19 =	vmul.f32 v19, v0;
	v61 =	vld.idx.msk [tilespmem:v58+s18+$0x0], $0xffff;
	v20 =	vsub.f32 v40, v55  }
0x50d: {  	v57 =	vmul.f32 v42, v4;
	v28 =	vmul.f32 v2, v12;
	v39 =	vld.idx.msk [tilespmem:v34+s18+$0x0], $0xffff  }
0x50e: {  	v62 =	vmul.f32 v20, v1;
	v20 =	vmul.f32 v63, v4;
	v63 =	vld [tilespmem:$0x1FFC0]  }
0x50f: {  	v18 =	vand.u32 $0x7FFFFFFF, v18;
	v22 =	vmul.f32 v22, v1;
	v42 =	vmul.f32 v7, v12;
	v35 =	vld.idx.msk [tilespmem:v34+s17+$0x0], $0xffff  }
0x510: {  	v41 =	vsub.f32 v60, v28;
	v46 =	vld.idx.msk [tilespmem:v34+s6+$0x0], $0xffff;
	v60 =	vmul.f32 v7, v45;
	v17 =	vadd.f32 v57, v17  }
0x511: {  	v19 =	vadd.f32 v21, v19;
	v21 =	vsub.f32 v61, v42;
	v42 =	vmul.f32 v7, v56;
	v45 =	vld [tilespmem:$0x1FFD0]  }
0x512: {  	v38 =	vsub.f32 v17, v62;
	v17 =	vsub.f32 v39, v60;
	v39 =	vmul.f32 v2, v56;
	v56 =	vld [tilespmem:$0x1FFE0]  }
0x513: {  	v9 =	vadd.f32 v18, v9;
	v55 =	vld.idx.msk [tilespmem:v50+s17+$0x0], $0xffff  }
0x514: {  	v16 =	vand.u32 $0x7FFFFFFF, v16;
	v19 =	vsub.f32 v19, v22;
	v57 =	vld.idx.msk [tilespmem:v50+s18+$0x0], $0xffff  }
0x515: {  	v9 =	vadd.f32 v16, v9;
	v61 =	vld.idx.msk [tilespmem:v50+s6+$0x0], $0xffff  }
0x516: {  	v27 =	vmul.f32 v7, v49;
	v40 =	vand.u32 $0x7FFFFFFF, v19;
	v19 =	vmul.f32 v41, v0;
	v12 =	vld.idx.msk [tilespmem:v63+s17+$0x0], $0xffff  }
0x517: {  	v9 =	vadd.f32 v40, v9;
	v21 =	vmul.f32 v21, v1;
	v58 =	vsub.f32 v35, v48;
	v34 =	vld.idx.msk [tilespmem:v63+s18+$0x0], $0xffff  }
0x518: {  	v19 =	vadd.f32 v20, v19;
	v62 =	vmul.f32 v2, v59;
	v16 =	vand.u32 $0x7FFFFFFF, v38;
	v38 =	vld.idx.msk [tilespmem:v63+s6+$0x0], $0xffff  }
0x519: {  	v28 =	vmul.f32 v46, v4;
	v9 =	vadd.f32 v16, v9;
	v16 =	vmul.f32 v58, v0;
	v50 =	vld.idx.msk [tilespmem:v45+s18+$0x0], $0xffff  }
0x51a: {  	v35 =	vmul.f32 v7, v59;
	v59 =	vmul.f32 v2, v52;
	v19 =	vsub.f32 v19, v21;
	v63 =	vld.idx.msk [tilespmem:v51+s18+$0x0], $0xffff  }
0x51b: {  	v17 =	vmul.f32 v17, v1;
	v16 =	vadd.f32 v28, v16;
	v20 =	vsub.f32 v55, v62;
	v55 =	vld.idx.msk [tilespmem:v45+s6+$0x0], $0xffff  }
0x51c: {  	v60 =	vmul.f32 v2, v24;
	v19 =	vand.u32 $0x7FFFFFFF, v19;
	v21 =	vsub.f32 v57, v35;
	v57 =	vld.idx.msk [tilespmem:v56+s17+$0x0], $0xffff  }
0x51d: {  	v9 =	vadd.f32 v19, v9;
	v16 =	vsub.f32 v16, v17;
	v40 =	vmul.f32 v61, v4;
	v58 =	vld.idx.msk [tilespmem:v56+s18+$0x0], $0xffff  }
0x51e: {  	v41 =	vsub.f32 v12, v39;
	v48 =	vmul.f32 v38, v4;
	v23 =	vld.idx.msk [tilespmem:v56+s6+$0x0], $0xffff;
	v62 =	vmul.f32 v7, v52  }
0x51f: {  	v18 =	vsub.f32 v34, v42;
	v61 =	vld.idx.msk [tilespmem:v51+s17+$0x0], $0xffff;
	v35 =	vmul.f32 v7, v24;
	v42 =	vmul.f32 v2, v54  }
0x520: {  	v16 =	vand.u32 $0x7FFFFFFF, v16;
	v38 =	vld.idx.msk [tilespmem:v51+s6+$0x0], $0xffff;
	v51 =	vmul.f32 v7, v53;
	v20 =	vmul.f32 v20, v0  }
0x521: {  	v46 =	vld.idx.msk [tilespmem:v45+s17+$0x0], $0xffff;
	v9 =	vadd.f32 v16, v9;
	v17 =	vmul.f32 v41, v0;
	v22 =	vsub.f32 v50, v62  }
0x522: {  	v45 =	vld.idx.msk [tilespmem:v14+s6+$0x0], $0xffff;
	v21 =	vmul.f32 v21, v1;
	v18 =	vmul.f32 v18, v1;
	v20 =	vadd.f32 v40, v20  }
0x523: {  	v17 =	vadd.f32 v48, v17;
	v22 =	vmul.f32 v22, v1;
	v48 =	vmul.f32 v7, v54  }
0x524: {  	v41 =	vld.idx.msk [tilespmem:v14+s18+$0x0], $0xffff;
	v34 =	vsub.f32 v57, v60;
	v19 =	vmul.f32 v55, v4;
	v40 =	vmul.f32 v23, v4  }
0x525: {  	v39 =	vld.idx.msk [tilespmem:v14+s17+$0x0], $0xffff;
	v16 =	vsub.f32 v58, v35;
	v52 =	vmul.f32 v38, v4;
	v57 =	vmul.f32 v2, v13  }
0x526: {  	v54 =	vld.idx.msk [tilespmem:v47+s17+$0x0], $0xffff;
	v13 =	vmul.f32 v7, v13;
	v20 =	vsub.f32 v20, v21;
	v17 =	vsub.f32 v17, v18  }
0x527: {  	v55 =	vld.idx.msk [tilespmem:v47+s18+$0x0], $0xffff;
	v18 =	vsub.f32 v46, v59;
	v46 =	vmul.f32 v2, v53;
	v53 =	vmul.f32 v45, v4  }
0x528: {  	v58 =	vld.idx.msk [tilespmem:v44+s17+$0x0], $0xffff;
	v12 =	vsub.f32 v63, v48;
	v63 =	vmul.f32 v2, v49;
	v48 =	vmul.f32 v2, v15  }
0x529: {  	v25 =	vld.idx.msk [tilespmem:v43+s18+$0x0], $0xffff;
	v15 =	vmul.f32 v7, v15;
	v16 =	vmul.f32 v16, v1;
	v14 =	vsub.f32 v41, v51  }
0x52a: {  	v59 =	vld.idx.msk [tilespmem:v44+s18+$0x0], $0xffff;
	v20 =	vand.u32 $0x7FFFFFFF, v20;
	v18 =	vmul.f32 v18, v0;
	v50 =	vsub.f32 v39, v46  }
0x52b: {  	v49 =	vld.idx.msk [tilespmem:v36+s18+$0x0], $0xffff;
	v17 =	vand.u32 $0x7FFFFFFF, v17;
	v9 =	vadd.f32 v20, v9;
	v60 =	vsub.f32 v54, v57  }
0x52c: {  	v35 =	vld.idx.msk [tilespmem:v37+s17+$0x0], $0xffff;
	v12 =	vmul.f32 v12, v1;
	v18 =	vadd.f32 v19, v18;
	v19 =	vsub.f32 v61, v42  }
0x52d: {  	v41 =	vld.idx.msk [tilespmem:v37+s6+$0x0], $0xffff;
	v14 =	vmul.f32 v14, v1;
	v13 =	vsub.f32 v55, v13;
	v26 =	vsub.f32 v58, v63  }
0x52e: {  	v24 =	vld.idx.msk [tilespmem:v43+s17+$0x0], $0xffff;
	v42 =	vmul.f32 v2, v8;
	v8 =	vmul.f32 v7, v8;
	v9 =	vadd.f32 v17, v9  }
0x52f: {  	v39 =	vld.idx.msk [tilespmem:v37+s18+$0x0], $0xffff;
	v17 =	vmul.f32 v34, v0;
	v34 =	vmul.f32 v2, v11;
	v10 =	vsub.f32 v59, v27  }
0x530: {  	v11 =	vmul.f32 v7, v11;
	v15 =	vsub.f32 v49, v15;
	v59 =	vmul.f32 v2, v5  }
0x531: {  	v28 =	vld.idx.msk [tilespmem:v43+s6+$0x0], $0xffff;
	v5 =	vmul.f32 v7, v5;
	v18 =	vsub.f32 v18, v22;
	v19 =	vmul.f32 v19, v0  }
0x532: {  	v56 =	vld.idx.msk [tilespmem:v47+s6+$0x0], $0xffff;
	v13 =	vmul.f32 v13, v1;
	v43 =	vsub.f32 v35, v42;
	v45 =	vmul.f32 v41, v4  }
0x533: {  	v17 =	vadd.f32 v40, v17;
	v40 =	vsub.f32 v24, v34;
	v10 =	vmul.f32 v10, v1  }
0x534: {  	v61 =	vld.idx.msk [tilespmem:v44+s6+$0x0], $0xffff;
	v11 =	vsub.f32 v25, v11;
	v8 =	vsub.f32 v39, v8;
	v18 =	vand.u32 $0x7FFFFFFF, v18  }
0x535: {  	v19 =	vadd.f32 v52, v19;
	v52 =	vmul.f32 v2, v6;
	v6 =	vmul.f32 v7, v6  }
0x536: {  	v44 =	vld.idx.msk [tilespmem:v36+s17+$0x0], $0xffff;
	v2 =	vmul.f32 v2, v3;
	v16 =	vsub.f32 v17, v16;
	v17 =	vmul.f32 v50, v0  }
0x537: {  	v46 =	vld.idx.msk [tilespmem:v32+s17+$0x0], $0xffff;
	v3 =	vmul.f32 v7, v3;
	v9 =	vadd.f32 v18, v9;
	v18 =	vmul.f32 v56, v4  }
0x538: {  	v12 =	vsub.f32 v19, v12;
	v17 =	vadd.f32 v53, v17;
	v16 =	vand.u32 $0x7FFFFFFF, v16  }
0x539: {  	v38 =	vmul.f32 v61, v4;
	v11 =	vmul.f32 v11, v1;
	v9 =	vadd.f32 v16, v9  }
0x53a: {  	v12 =	vand.u32 $0x7FFFFFFF, v12;
	v14 =	vsub.f32 v17, v14;
	v17 =	vmul.f32 v60, v0  }
0x53b: {  	v50 =	vsub.f32 v44, v48;
	v9 =	vadd.f32 v12, v9;
	v12 =	vmul.f32 v26, v0  }
0x53c: {  	v55 =	vld.idx.msk [tilespmem:v29+s17+$0x0], $0xffff;
	v8 =	vmul.f32 v8, v1;
	v54 =	vsub.f32 v46, v52;
	v17 =	vadd.f32 v18, v17  }
0x53d: {  	v47 =	vld.idx.msk [tilespmem:v36+s6+$0x0], $0xffff;
	v2 =	vsub.f32 v31, v2;
	v62 =	vand.u32 $0x7FFFFFFF, v14;
	v12 =	vadd.f32 v38, v12  }
0x53e: {  	v53 =	vld.idx.msk [tilespmem:v32+s18+$0x0], $0xffff;
	v14 =	vmul.f32 v28, v4;
	v13 =	vsub.f32 v17, v13;
	v17 =	vmul.f32 v40, v0  }
0x53f: {  	v61 =	vmul.f32 v15, v1;
	v9 =	vadd.f32 v62, v9;
	v10 =	vsub.f32 v12, v10  }
0x540: {  	v56 =	vld.idx.msk [tilespmem:v29+s18+$0x0], $0xffff;
	v12 =	vmul.f32 v43, v0;
	v14 =	vadd.f32 v14, v17;
	v13 =	vand.u32 $0x7FFFFFFF, v13  }
0x541: {  	v51 =	vld.idx.msk [tilespmem:v32+s6+$0x0], $0xffff;
	v57 =	vmul.f32 v54, v0;
	v60 =	vsub.f32 v55, v59;
	v9 =	vadd.f32 v13, v9  }
0x542: {  	v12 =	vadd.f32 v45, v12;
	v10 =	vand.u32 $0x7FFFFFFF, v10;
	v11 =	vsub.f32 v14, v11  }
0x543: {  	v58 =	vld.idx.msk [tilespmem:v29+s6+$0x0], $0xffff;
	v6 =	vsub.f32 v53, v6;
	v13 =	vmul.f32 v47, v4;
	v9 =	vadd.f32 v10, v9  }
0x544: {  	v8 =	vsub.f32 v12, v8;
	v10 =	vmul.f32 v50, v0;
	v11 =	vand.u32 $0x7FFFFFFF, v11  }
0x545: {  	v5 =	vsub.f32 v56, v5;
	v6 =	vmul.f32 v6, v1;
	v9 =	vadd.f32 v11, v9  }
0x546: {  	v14 =	vmul.f32 v51, v4;
	v8 =	vand.u32 $0x7FFFFFFF, v8;
	v10 =	vadd.f32 v13, v10  }
0x547: {  	v12 =	vmul.f32 v60, v0;
	v0 =	vmul.f32 v0, v2;
	v8 =	vadd.f32 v8, v9  }
0x548: {  	v11 =	vmul.f32 v58, v4;
	v9 =	vadd.f32 v14, v57;
	v10 =	vsub.f32 v10, v61  }
0x549: {  	v3 =	vsub.f32 v30, v3;
	v2 =	vmul.f32 v5, v1;
	v4 =	vmul.f32 v4, v33  }
0x54a: {  	v62 =	vadd.f32 v11, v12;
	v6 =	vsub.f32 v9, v6;
	v63 =	vand.u32 $0x7FFFFFFF, v10  }
0x54b: {  	v1 =	vmul.f32 v1, v3;
	v5 =	vadd.f32 v63, v8  }
0x54c: {  	v0 =	vadd.f32 v4, v0;
	v2 =	vsub.f32 v62, v2;
	v3 =	vand.u32 $0x7FFFFFFF, v6  }
0x54d: {  	v3 =	vadd.f32 v3, v5  }
0x54e: {  	p0 =	sne.s32 s19, $0x70;
	v0 =	vsub.f32 v0, v1;
	v1 =	vand.u32 $0x7FFFFFFF, v2  }
.Ltmp2:
0x54f: {  	v1 =	vadd.f32 v1, v3;
	(pc) =	sbr.rel @p0 .LBB2_7-.Ltmp2, $3  }
0x550: {  	v0 =	vand.u32 $0x7FFFFFFF, v0  }
0x551: {  	v0 =	vadd.f32 v1, v0;
	_ =	sdelay $0x1  }
0x552: {  	s19 =	sadd.s32 $0x10, s19;
	v2 =	vld [tilespmem:$0x1FFF0];
	[tilespmem:s13+$0x0] =	vst v0;
	s13 =	sadd.s32 $0x10, s13  }
0x553: {  	s12 =	sadd.s32 $0x1, s12  }
0x554: {  	p0 =	sne.s32 s12, $0x4  }
.Ltmp3:
0x555: {  	_ = 	snop;
	(pc) =	sbr.rel @p0 .LBB2_2-.Ltmp3, $2  }
0x556: {  	_ =	sdelay $0x2  }
0x557: {  	s21 =	sadd.s32 $0x80, s21;
	s20 =	sadd.s32 $0x80, s20  }
0x558: {  	s0 =	rddreg [dreg:$0x9];
	s1 =	simm.s32 $0xCC00  }
0x559: {  	[hbm4b:s0+s2] =	stream.linear.scatter [tilespmem:s1], [sflag:$0x3], $0x200, $0x38;
	[tilespmem:$0xCE00] =	vst v63  }
0x55a: {  	_ =	swait.ge [sflag:s7], $0x200  }
0x55b: {  	s30 =	rddreg [dreg:$0xb]  }
0x55c: {  	s31 =	rddreg [dreg:$0xa];
	s1 =	sadd.s32 $0x1, s30  }
0x55d: {  	p0 =	sne.s32 s1, s31  }
.Ltmp4:
0x55e: {  	_ = 	snop;
	(pc) =	sbr.rel @p0 .LBB2_1-.Ltmp4, $3  }
0x55f: {  	_ =	sdelay $0x1  }
0x560: {  	[sflag:s7] =	ssyncset.done $0x0  }
0x561: {  	[sflag:s7] =	ssyncadd.s32 $0xFFFFFE00  }
0x562: {  	_ =	sfence.sel $0x180000  }
0x563: {  	[bflag:$0x0] =	sbarrier.arrive $0xFFFF  }
0x564: {  	_ =	strace $0x90000047  }
0x565: {  	s0 =	stileid.u32;
	[bflag:$0x2] =	sbarrier.arrive $0xFFFF  }
0x566: {  	p0 =	sne.s32 s0, $0x0;
	s0 =	rddreg [dreg:$0x4]  }
0x567: {  	s0 =	sadd.s32 @!p0 $0x100000, s0  }
0x568: {  	[sflag:s0] =	ssyncadd.tile.s32 @!p0 $0x1;
	_ =	shalt  }
.Lfunc_end2:
_tile_overlayer_lowered:
.L_overlay_start_2:
0x569: {  	(tag) =	ssettag $0x2  }
0x56a: {  	s0 =	rddreg [dreg:$0x0];
	s2 =	stileid.u32  }
0x56b: {  	s1 =	rddreg [dreg:$0x1];
	p0 =	sne.s32 s2, $0x0  }
0x56c: {  	s3 =	rddreg [dreg:$0x2];
	[bflag:$0x3] =	sbarrier.arrive $0xFFFF;
	s2 =	simm.s32 @!p0 $0x1C03  }
0x56d: {  	[timem:s3], [sflag:s2] =	dma.local @!p0 [hbm:s0], s1  }
0x56e: {  	s0 =	simm.s32 @!p0 $0x3  }
0x56f: {  	_ =	swait.ge @!p0 [sflag:s0], s1  }
0x570: {  	s1 =	ssub.s32 @!p0 $0x0, s1;
	[sflag:s0] =	ssyncset.done @!p0 $0x0  }
0x571: {  	[sflag:s0] =	ssyncadd.s32 @!p0 s1  }
0x572: {  	[bflag:$0x3] =	sbarrier.arrive $0xFFFF  }
0x573: {  	_ =	shalt  }

</sc_bundles>
